<compile_context>
chip_gen: v7x
topology: tpu7x:2x2x1
jax: 0.10.2.dev20260603
libtpu: 0.0.44.dev20260713+nightly
codegen_flags: <defaults>
</compile_context>

<pallas_src>
import functools

import jax
import jax.numpy as jnp
from jax import lax
from jax.experimental import pallas as pl
from jax.experimental.pallas import tpu as pltpu
from jax.experimental.pallas import tpu_sc as plsc

N_U = 10000
N_I = 10000
E = 320000
D = 128
R = 5
L = 16
NW = 32
EPW = E // NW
C = 80
NCH = EPW // C
NJ = D // L


def _matmul_body(x_ref, p_ref, o_ref):
    o_ref[...] = jnp.dot(x_ref[...], p_ref[...],
                         preferred_element_type=jnp.float32)


def _dense_transform(ufeat, Pall):
    BLK = 1000
    return pl.pallas_call(
        _matmul_body,
        grid=(N_U // BLK,),
        in_specs=[
            pl.BlockSpec((BLK, D), lambda i: (i, 0)),
            pl.BlockSpec((D, R * D), lambda i: (0, 0)),
        ],
        out_specs=pl.BlockSpec((BLK, R * D), lambda i: (i, 0)),
        out_shape=jax.ShapeDtypeStruct((N_U, R * D), jnp.float32),
    )(ufeat, Pall)


_MESH = plsc.VectorSubcoreMesh(core_axis_name="c", subcore_axis_name="s")


@functools.partial(
    pl.kernel,
    out_type=jax.ShapeDtypeStruct((E,), jnp.float32),
    mesh=_MESH,
    compiler_params=pltpu.CompilerParams(needs_layout_passes=False),
    scratch_types=[
        pltpu.VMEM((C,), jnp.int32),
        pltpu.VMEM((C,), jnp.int32),
        pltpu.VMEM((C,), jnp.int32),
        pltpu.VMEM((C,), jnp.int32),
        pltpu.VMEM((C, R * D), jnp.float32),
        pltpu.VMEM((C, R * D), jnp.float32),
        pltpu.VMEM((C, D), jnp.float32),
        pltpu.VMEM((C, D), jnp.float32),
        pltpu.VMEM((R * C,), jnp.float32),
        pltpu.VMEM((C,), jnp.float32),
        pltpu.VMEM((C,), jnp.float32),
        pltpu.SemaphoreType.DMA,
        pltpu.SemaphoreType.DMA,
        pltpu.SemaphoreType.DMA,
        pltpu.SemaphoreType.DMA,
        pltpu.SemaphoreType.DMA,
        pltpu.SemaphoreType.DMA,
    ],
)
def _sc_edges(hu_hbm, if_hbm, src_hbm, dst_hbm, out_hbm,
              sidxA, didxA, sidxB, didxB, huA, huB, vA, vB,
              scores, outcA, outcB, gsemA, gsemB,
              isemA, isemB, osemA, osemB):
    wid = lax.axis_index("s") * 2 + lax.axis_index("c")
    base = wid * EPW
    iota = lax.iota(jnp.int32, L)
    lane15 = iota == (L - 1)
    cbase = [iota + (r * C - (L - 1)) for r in range(R)]

    bufA = (sidxA, didxA, huA, vA, gsemA, isemA, outcA, osemA)
    bufB = (sidxB, didxB, huB, vB, gsemB, isemB, outcB, osemB)

    def copy_idx(k, buf):
        off = base + k * C
        pltpu.async_copy(src_hbm.at[pl.ds(off, C)], buf[0], buf[5])
        pltpu.async_copy(dst_hbm.at[pl.ds(off, C)], buf[1], buf[5])

    def wait_idx(buf):
        pltpu.make_async_copy(src_hbm.at[pl.ds(0, C)], buf[0], buf[5]).wait()
        pltpu.make_async_copy(dst_hbm.at[pl.ds(0, C)], buf[1], buf[5]).wait()

    def issue_gather(buf):
        pltpu.async_copy(hu_hbm.at[buf[0]], buf[2], buf[4])
        pltpu.async_copy(if_hbm.at[buf[1]], buf[3], buf[4])

    def wait_gather(buf):
        pltpu.make_async_copy(hu_hbm.at[buf[0]], buf[2], buf[4]).wait()
        pltpu.make_async_copy(if_hbm.at[buf[1]], buf[3], buf[4]).wait()

    def wait_out(buf):
        pltpu.make_async_copy(buf[6], out_hbm.at[pl.ds(0, C)], buf[7]).wait()

    def compute(k, buf):
        hurows, vrows = buf[2], buf[3]
        outc = buf[6]

        @plsc.parallel_loop(0, C, 1, unroll=1)
        def edge_body(i):
            v = [vrows[i, pl.ds(L * j, L)] for j in range(NJ)]
            for r in range(R):
                acc = hurows[i, pl.ds(r * D, L)] * v[0]
                for j in range(1, NJ):
                    acc = acc + hurows[i, pl.ds(r * D + L * j, L)] * v[j]
                s = plsc.cumsum(acc)
                plsc.store_scatter(scores, [cbase[r] + i], s, mask=lane15)

        for g in range(C // L):
            s = [scores[pl.ds(r * C + g * L, L)] for r in range(R)]
            m = s[0]
            for r in range(1, R):
                m = jnp.maximum(m, s[r])
            e = [jnp.exp(sr - m) for sr in s]
            den = e[0]
            num = e[0]
            for r in range(1, R):
                den = den + e[r]
                num = num + e[r] * float(r + 1)
            outc[pl.ds(g * L, L)] = num / den

        pltpu.async_copy(outc, out_hbm.at[pl.ds(base + k * C, C)], buf[7])

    copy_idx(0, bufA)
    pltpu.async_copy(out_hbm.at[pl.ds(0, C)], outcA, osemA)
    pltpu.async_copy(out_hbm.at[pl.ds(0, C)], outcB, osemB)
    wait_idx(bufA)
    issue_gather(bufA)
    copy_idx(1, bufB)

    def pair_body(m, carry):
        k0 = 2 * m
        wait_idx(bufB)
        issue_gather(bufB)
        wait_gather(bufA)
        copy_idx(k0 + 2, bufA)
        wait_out(bufA)
        compute(k0, bufA)

        wait_idx(bufA)
        issue_gather(bufA)
        wait_gather(bufB)

        @pl.when(k0 + 3 < NCH)
        def _():
            copy_idx(k0 + 3, bufB)

        wait_out(bufB)
        compute(k0 + 1, bufB)
        return carry

    lax.fori_loop(0, NCH // 2, pair_body, 0)

    wait_gather(bufA)
    wait_out(bufA)
    compute(NCH - 1, bufA)
    wait_out(bufB)
    wait_out(bufA)


def kernel(ufeat, ifeat, edge_index, Ps):
    src = edge_index[0].astype(jnp.int32)
    dst = edge_index[1].astype(jnp.int32)
    Pall = jnp.transpose(Ps, (1, 0, 2)).reshape(D, R * D)
    hu = _dense_transform(ufeat, Pall)
    return _sc_edges(hu, ifeat, src, dst)

# --- scband reference (transcript-rebuilt; emitter-appended) ---
"""Pipeline reference for scband-bi-decoder-82403242541306 (READ-ONLY COPY).

The authoritative reference and input builder live on the scoring server;
editing this copy changes nothing except your own understanding.
"""

import jax, jax.numpy as jnp
import numpy as np

N_U = 10000
N_I = 10000
E = 320000
D = 128
RATING_VALS = [1.0, 2.0, 3.0, 4.0, 5.0]
R = len(RATING_VALS)


def setup_inputs(seed: int = 0) -> dict:
    key = jax.random.key(seed)
    k0, k1, k2, k3 = jax.random.split(key, 4)
    ufeat = jax.random.normal(k0, (N_U, D), dtype=jnp.float32)
    ifeat = jax.random.normal(k1, (N_I, D), dtype=jnp.float32)
    edge_index = jax.random.randint(k2, (2, E), 0, N_U, dtype=jnp.int64) if jax.config.jax_enable_x64 else jax.random.randint(k2, (2, E), 0, N_U, dtype=jnp.int32)
    # Per-rating basis matrices (xavier_uniform), stacked: (R, D, D)
    a = float(np.sqrt(6.0 / (D + D)))
    Ps = jax.random.uniform(k3, (R, D, D), dtype=jnp.float32, minval=-a, maxval=a)
    return {"ufeat": ufeat, "ifeat": ifeat, "edge_index": edge_index, "Ps": Ps}


def reference(ufeat, ifeat, edge_index, Ps):
    # dropout_rate = 0.0 -> dropout is identity
    src = edge_index[0]
    dst = edge_index[1]
    iv = jnp.take(ifeat, dst, axis=0)  # (E, D) gather of item embeddings
    basis_out = []
    for r in range(R):
        hu = ufeat @ Ps[r]                     # (N_u, D)  user transform for rating r
        hu_e = jnp.take(hu, src, axis=0)       # (E, D)   gather by src user
        sr = jnp.sum(hu_e * iv, axis=-1)       # (E,)     u_dot_v per edge
        basis_out.append(sr[:, None])
    out = jnp.concatenate(basis_out, axis=1)   # (E, R)
    out = jax.nn.softmax(out, axis=1)
    possible_ratings = jnp.asarray(RATING_VALS, dtype=out.dtype)
    ratings = jnp.sum(out * possible_ratings, axis=1)  # (E,)
    return ratings

if __name__ == "__main__":
    import jax
    _d = setup_inputs()
    print(jax.jit(kernel)(*tuple(_d.values())))

</pallas_src>

<mosaic_0001>
#map = affine_map<(d0, d1) -> (0, 0)>
#map1 = affine_map<(d0, d1) -> (0)>
module attributes {stable_mosaic.version = 14 : i64} {
  func.func @_sc_edges(%arg0: i32, %arg1: i32, %arg2: memref<10000x640xf32, #tpu.memory_space<hbm>>, %arg3: memref<10000x128xf32, #tpu.memory_space<hbm>>, %arg4: memref<320000xi32, #tpu.memory_space<hbm>>, %arg5: memref<320000xi32, #tpu.memory_space<hbm>>, %arg6: memref<320000xf32, #tpu.memory_space<hbm>>, %arg7: memref<80xi32, #tpu.memory_space<vmem>>, %arg8: memref<80xi32, #tpu.memory_space<vmem>>, %arg9: memref<80xi32, #tpu.memory_space<vmem>>, %arg10: memref<80xi32, #tpu.memory_space<vmem>>, %arg11: memref<80x640xf32, #tpu.memory_space<vmem>>, %arg12: memref<80x640xf32, #tpu.memory_space<vmem>>, %arg13: memref<80x128xf32, #tpu.memory_space<vmem>>, %arg14: memref<80x128xf32, #tpu.memory_space<vmem>>, %arg15: memref<400xf32, #tpu.memory_space<vmem>>, %arg16: memref<80xf32, #tpu.memory_space<vmem>>, %arg17: memref<80xf32, #tpu.memory_space<vmem>>, %arg18: memref<!tpu.dma_semaphore, #tpu.memory_space<semaphore_mem>>, %arg19: memref<!tpu.dma_semaphore, #tpu.memory_space<semaphore_mem>>, %arg20: memref<!tpu.dma_semaphore, #tpu.memory_space<semaphore_mem>>, %arg21: memref<!tpu.dma_semaphore, #tpu.memory_space<semaphore_mem>>, %arg22: memref<!tpu.dma_semaphore, #tpu.memory_space<semaphore_mem>>, %arg23: memref<!tpu.dma_semaphore, #tpu.memory_space<semaphore_mem>>) attributes {dimension_semantics = [#tpu.dimension_semantics<core_parallel>, #tpu.dimension_semantics<subcore_parallel>], iteration_bounds = array<i64: 2, 16>, scalar_prefetch = 0 : i64, scratch_operands = 17 : i64, tpu.core_type = #tpu.core_type<sc_vector_subcore>, window_params = [{transform_indices = #map}, {transform_indices = #map}, {transform_indices = #map1}, {transform_indices = #map1}, {transform_indices = #map1}]} {
    %mul3A = arith.constant 2 : i32
    %mul3A_0 = arith.muli %arg1, %mul3A : i32
    %add3A = arith.addi %mul3A_0, %arg0 : i32
    %mul3A_1 = arith.constant 10000 : i32
    %mul3A_2 = arith.muli %add3A, %mul3A_1 : i32
    %iota3A = tpu.iota {dimensions = array<i32: 0>} : vector<16xi32>
    %eq3A = arith.constant 15 : i32
    %eq3A_3 = vector.broadcast %eq3A : i32 to vector<16xi32>
    %eq3A_4 = arith.cmpi eq, %iota3A, %eq3A_3 : vector<16xi32>
    %add3A_5 = arith.constant -15 : i32
    %add3A_6 = vector.broadcast %add3A_5 : i32 to vector<16xi32>
    %add3A_7 = arith.addi %iota3A, %add3A_6 : vector<16xi32>
    %add3A_8 = arith.constant 65 : i32
    %add3A_9 = vector.broadcast %add3A_8 : i32 to vector<16xi32>
    %add3A_10 = arith.addi %iota3A, %add3A_9 : vector<16xi32>
    %add3A_11 = arith.constant 145 : i32
    %add3A_12 = vector.broadcast %add3A_11 : i32 to vector<16xi32>
    %add3A_13 = arith.addi %iota3A, %add3A_12 : vector<16xi32>
    %add3A_14 = arith.constant 225 : i32
    %add3A_15 = vector.broadcast %add3A_14 : i32 to vector<16xi32>
    %add3A_16 = arith.addi %iota3A, %add3A_15 : vector<16xi32>
    %add3A_17 = arith.constant 305 : i32
    %add3A_18 = vector.broadcast %add3A_17 : i32 to vector<16xi32>
    %add3A_19 = arith.addi %iota3A, %add3A_18 : vector<16xi32>
    %add3A_20 = arith.constant 0 : i32
    %add3A_21 = arith.addi %mul3A_2, %add3A_20 : i32
    %dma_start3A = tpu.memref_slice %arg4[%add3A_21] : memref<320000xi32, #tpu.memory_space<hbm>> -> memref<80xi32, #tpu.memory_space<hbm>>
    %dma_start3A_22 = tpu.memref_slice %arg4[%add3A_21] : memref<320000xi32, #tpu.memory_space<hbm>> -> memref<80xi32, #tpu.memory_space<hbm>>
    tpu.enqueue_dma source(%dma_start3A_22 : memref<80xi32, #tpu.memory_space<hbm>>) target(%arg7 : memref<80xi32, #tpu.memory_space<vmem>>) target_semaphore(%arg20 : memref<!tpu.dma_semaphore, #tpu.memory_space<semaphore_mem>>)
    %dma_start3A_23 = tpu.memref_slice %arg5[%add3A_21] : memref<320000xi32, #tpu.memory_space<hbm>> -> memref<80xi32, #tpu.memory_space<hbm>>
    %dma_start3A_24 = tpu.memref_slice %arg5[%add3A_21] : memref<320000xi32, #tpu.memory_space<hbm>> -> memref<80xi32, #tpu.memory_space<hbm>>
    tpu.enqueue_dma source(%dma_start3A_24 : memref<80xi32, #tpu.memory_space<hbm>>) target(%arg8 : memref<80xi32, #tpu.memory_space<vmem>>) target_semaphore(%arg20 : memref<!tpu.dma_semaphore, #tpu.memory_space<semaphore_mem>>)
    %dma_start3A_25 = arith.constant 0 : i32
    %dma_start3A_26 = tpu.memref_slice %arg6[%dma_start3A_25] : memref<320000xf32, #tpu.memory_space<hbm>> -> memref<80xf32, #tpu.memory_space<hbm>>
    %dma_start3A_27 = arith.constant 0 : i32
    %dma_start3A_28 = tpu.memref_slice %arg6[%dma_start3A_27] : memref<320000xf32, #tpu.memory_space<hbm>> -> memref<80xf32, #tpu.memory_space<hbm>>
    tpu.enqueue_dma source(%dma_start3A_28 : memref<80xf32, #tpu.memory_space<hbm>>) target(%arg16 : memref<80xf32, #tpu.memory_space<vmem>>) target_semaphore(%arg22 : memref<!tpu.dma_semaphore, #tpu.memory_space<semaphore_mem>>)
    %dma_start3A_29 = arith.constant 0 : i32
    %dma_start3A_30 = tpu.memref_slice %arg6[%dma_start3A_29] : memref<320000xf32, #tpu.memory_space<hbm>> -> memref<80xf32, #tpu.memory_space<hbm>>
    %dma_start3A_31 = arith.constant 0 : i32
    %dma_start3A_32 = tpu.memref_slice %arg6[%dma_start3A_31] : memref<320000xf32, #tpu.memory_space<hbm>> -> memref<80xf32, #tpu.memory_space<hbm>>
    tpu.enqueue_dma source(%dma_start3A_32 : memref<80xf32, #tpu.memory_space<hbm>>) target(%arg17 : memref<80xf32, #tpu.memory_space<vmem>>) target_semaphore(%arg23 : memref<!tpu.dma_semaphore, #tpu.memory_space<semaphore_mem>>)
    %dma_wait3A = arith.constant 0 : i32
    %dma_wait3A_33 = tpu.memref_slice %arg4[%dma_wait3A] : memref<320000xi32, #tpu.memory_space<hbm>> -> memref<80xi32, #tpu.memory_space<hbm>>
    %dma_wait3A_34 = arith.constant 0 : i32
    %dma_wait3A_35 = tpu.memref_slice %arg4[%dma_wait3A_34] : memref<320000xi32, #tpu.memory_space<hbm>> -> memref<80xi32, #tpu.memory_space<hbm>>
    tpu.wait_dma2 semaphore(%arg20 : memref<!tpu.dma_semaphore, #tpu.memory_space<semaphore_mem>>) src(%dma_wait3A_35 : memref<80xi32, #tpu.memory_space<hbm>>) dst(%arg7 : memref<80xi32, #tpu.memory_space<vmem>>)
    %dma_wait3A_36 = arith.constant 0 : i32
    %dma_wait3A_37 = tpu.memref_slice %arg5[%dma_wait3A_36] : memref<320000xi32, #tpu.memory_space<hbm>> -> memref<80xi32, #tpu.memory_space<hbm>>
    %dma_wait3A_38 = arith.constant 0 : i32
    %dma_wait3A_39 = tpu.memref_slice %arg5[%dma_wait3A_38] : memref<320000xi32, #tpu.memory_space<hbm>> -> memref<80xi32, #tpu.memory_space<hbm>>
    tpu.wait_dma2 semaphore(%arg20 : memref<!tpu.dma_semaphore, #tpu.memory_space<semaphore_mem>>) src(%dma_wait3A_39 : memref<80xi32, #tpu.memory_space<hbm>>) dst(%arg8 : memref<80xi32, #tpu.memory_space<vmem>>)
    %dma_start3A_40 = arith.constant 0 : i32
    %dma_start3A_41 = arith.constant 0 : i32
    %dma_start3A_42 = tpu.memref_slice %arg2[%dma_start3A_40, %dma_start3A_41] : memref<10000x640xf32, #tpu.memory_space<hbm>> -> memref<10000x640xf32, #tpu.memory_space<hbm>>
    tpu.enqueue_indirect_dma source(%dma_start3A_42 : memref<10000x640xf32, #tpu.memory_space<hbm>>) target(%arg11 : memref<80x640xf32, #tpu.memory_space<vmem>>) offsets(%arg7 : memref<80xi32, #tpu.memory_space<vmem>>) semaphore(%arg18 : memref<!tpu.dma_semaphore, #tpu.memory_space<semaphore_mem>>)
    %dma_start3A_43 = arith.constant 0 : i32
    %dma_start3A_44 = arith.constant 0 : i32
    %dma_start3A_45 = tpu.memref_slice %arg3[%dma_start3A_43, %dma_start3A_44] : memref<10000x128xf32, #tpu.memory_space<hbm>> -> memref<10000x128xf32, #tpu.memory_space<hbm>>
    tpu.enqueue_indirect_dma source(%dma_start3A_45 : memref<10000x128xf32, #tpu.memory_space<hbm>>) target(%arg13 : memref<80x128xf32, #tpu.memory_space<vmem>>) offsets(%arg8 : memref<80xi32, #tpu.memory_space<vmem>>) semaphore(%arg18 : memref<!tpu.dma_semaphore, #tpu.memory_space<semaphore_mem>>)
    %add3A_46 = arith.constant 80 : i32
    %add3A_47 = arith.addi %mul3A_2, %add3A_46 : i32
    %dma_start3A_48 = tpu.memref_slice %arg4[%add3A_47] : memref<320000xi32, #tpu.memory_space<hbm>> -> memref<80xi32, #tpu.memory_space<hbm>>
    %dma_start3A_49 = tpu.memref_slice %arg4[%add3A_47] : memref<320000xi32, #tpu.memory_space<hbm>> -> memref<80xi32, #tpu.memory_space<hbm>>
    tpu.enqueue_dma source(%dma_start3A_49 : memref<80xi32, #tpu.memory_space<hbm>>) target(%arg9 : memref<80xi32, #tpu.memory_space<vmem>>) target_semaphore(%arg21 : memref<!tpu.dma_semaphore, #tpu.memory_space<semaphore_mem>>)
    %dma_start3A_50 = tpu.memref_slice %arg5[%add3A_47] : memref<320000xi32, #tpu.memory_space<hbm>> -> memref<80xi32, #tpu.memory_space<hbm>>
    %dma_start3A_51 = tpu.memref_slice %arg5[%add3A_47] : memref<320000xi32, #tpu.memory_space<hbm>> -> memref<80xi32, #tpu.memory_space<hbm>>
    tpu.enqueue_dma source(%dma_start3A_51 : memref<80xi32, #tpu.memory_space<hbm>>) target(%arg10 : memref<80xi32, #tpu.memory_space<vmem>>) target_semaphore(%arg21 : memref<!tpu.dma_semaphore, #tpu.memory_space<semaphore_mem>>)
    %scan3A = arith.constant 0 : i32
    %scan3A_52 = arith.constant 0 : i32
    %scan3A_53 = arith.constant 62 : i32
    %scan3A_54 = arith.addi %scan3A_52, %scan3A_53 : i32
    %scan3A_55 = arith.constant 1 : i32
    scf.for %scan3A_310 = %scan3A_52 to %scan3A_54 step %scan3A_55  : i32 {
      %mul3A_311 = arith.constant 2 : i32
      %mul3A_312 = arith.muli %mul3A_311, %scan3A_310 : i32
      %dma_wait3A_313 = arith.constant 0 : i32
      %dma_wait3A_314 = tpu.memref_slice %arg4[%dma_wait3A_313] : memref<320000xi32, #tpu.memory_space<hbm>> -> memref<80xi32, #tpu.memory_space<hbm>>
      %dma_wait3A_315 = arith.constant 0 : i32
      %dma_wait3A_316 = tpu.memref_slice %arg4[%dma_wait3A_315] : memref<320000xi32, #tpu.memory_space<hbm>> -> memref<80xi32, #tpu.memory_space<hbm>>
      tpu.wait_dma2 semaphore(%arg21 : memref<!tpu.dma_semaphore, #tpu.memory_space<semaphore_mem>>) src(%dma_wait3A_316 : memref<80xi32, #tpu.memory_space<hbm>>) dst(%arg9 : memref<80xi32, #tpu.memory_space<vmem>>)
      %dma_wait3A_317 = arith.constant 0 : i32
      %dma_wait3A_318 = tpu.memref_slice %arg5[%dma_wait3A_317] : memref<320000xi32, #tpu.memory_space<hbm>> -> memref<80xi32, #tpu.memory_space<hbm>>
      %dma_wait3A_319 = arith.constant 0 : i32
      %dma_wait3A_320 = tpu.memref_slice %arg5[%dma_wait3A_319] : memref<320000xi32, #tpu.memory_space<hbm>> -> memref<80xi32, #tpu.memory_space<hbm>>
      tpu.wait_dma2 semaphore(%arg21 : memref<!tpu.dma_semaphore, #tpu.memory_space<semaphore_mem>>) src(%dma_wait3A_320 : memref<80xi32, #tpu.memory_space<hbm>>) dst(%arg10 : memref<80xi32, #tpu.memory_space<vmem>>)
      %dma_start3A_321 = arith.constant 0 : i32
      %dma_start3A_322 = arith.constant 0 : i32
      %dma_start3A_323 = tpu.memref_slice %arg2[%dma_start3A_321, %dma_start3A_322] : memref<10000x640xf32, #tpu.memory_space<hbm>> -> memref<10000x640xf32, #tpu.memory_space<hbm>>
      tpu.enqueue_indirect_dma source(%dma_start3A_323 : memref<10000x640xf32, #tpu.memory_space<hbm>>) target(%arg12 : memref<80x640xf32, #tpu.memory_space<vmem>>) offsets(%arg9 : memref<80xi32, #tpu.memory_space<vmem>>) semaphore(%arg19 : memref<!tpu.dma_semaphore, #tpu.memory_space<semaphore_mem>>)
      %dma_start3A_324 = arith.constant 0 : i32
      %dma_start3A_325 = arith.constant 0 : i32
      %dma_start3A_326 = tpu.memref_slice %arg3[%dma_start3A_324, %dma_start3A_325] : memref<10000x128xf32, #tpu.memory_space<hbm>> -> memref<10000x128xf32, #tpu.memory_space<hbm>>
      tpu.enqueue_indirect_dma source(%dma_start3A_326 : memref<10000x128xf32, #tpu.memory_space<hbm>>) target(%arg14 : memref<80x128xf32, #tpu.memory_space<vmem>>) offsets(%arg10 : memref<80xi32, #tpu.memory_space<vmem>>) semaphore(%arg19 : memref<!tpu.dma_semaphore, #tpu.memory_space<semaphore_mem>>)
      %dma_wait3A_327 = arith.constant 0 : i32
      %dma_wait3A_328 = arith.constant 0 : i32
      %dma_wait3A_329 = tpu.memref_slice %arg2[%dma_wait3A_327, %dma_wait3A_328] : memref<10000x640xf32, #tpu.memory_space<hbm>> -> memref<10000x640xf32, #tpu.memory_space<hbm>>
      tpu.wait_indirect_dma semaphore(%arg18 : memref<!tpu.dma_semaphore, #tpu.memory_space<semaphore_mem>>) src(%dma_wait3A_329 : memref<10000x640xf32, #tpu.memory_space<hbm>>) dst(%arg11 : memref<80x640xf32, #tpu.memory_space<vmem>>)
      %dma_wait3A_330 = arith.constant 0 : i32
      %dma_wait3A_331 = arith.constant 0 : i32
      %dma_wait3A_332 = tpu.memref_slice %arg3[%dma_wait3A_330, %dma_wait3A_331] : memref<10000x128xf32, #tpu.memory_space<hbm>> -> memref<10000x128xf32, #tpu.memory_space<hbm>>
      tpu.wait_indirect_dma semaphore(%arg18 : memref<!tpu.dma_semaphore, #tpu.memory_space<semaphore_mem>>) src(%dma_wait3A_332 : memref<10000x128xf32, #tpu.memory_space<hbm>>) dst(%arg13 : memref<80x128xf32, #tpu.memory_space<vmem>>)
      %add3A_333 = arith.constant 2 : i32
      %add3A_334 = arith.addi %mul3A_312, %add3A_333 : i32
      %mul3A_335 = arith.constant 80 : i32
      %mul3A_336 = arith.muli %add3A_334, %mul3A_335 : i32
      %add3A_337 = arith.addi %mul3A_2, %mul3A_336 : i32
      %dma_start3A_338 = tpu.memref_slice %arg4[%add3A_337] : memref<320000xi32, #tpu.memory_space<hbm>> -> memref<80xi32, #tpu.memory_space<hbm>>
      %dma_start3A_339 = tpu.memref_slice %arg4[%add3A_337] : memref<320000xi32, #tpu.memory_space<hbm>> -> memref<80xi32, #tpu.memory_space<hbm>>
      tpu.enqueue_dma source(%dma_start3A_339 : memref<80xi32, #tpu.memory_space<hbm>>) target(%arg7 : memref<80xi32, #tpu.memory_space<vmem>>) target_semaphore(%arg20 : memref<!tpu.dma_semaphore, #tpu.memory_space<semaphore_mem>>)
      %dma_start3A_340 = tpu.memref_slice %arg5[%add3A_337] : memref<320000xi32, #tpu.memory_space<hbm>> -> memref<80xi32, #tpu.memory_space<hbm>>
      %dma_start3A_341 = tpu.memref_slice %arg5[%add3A_337] : memref<320000xi32, #tpu.memory_space<hbm>> -> memref<80xi32, #tpu.memory_space<hbm>>
      tpu.enqueue_dma source(%dma_start3A_341 : memref<80xi32, #tpu.memory_space<hbm>>) target(%arg8 : memref<80xi32, #tpu.memory_space<vmem>>) target_semaphore(%arg20 : memref<!tpu.dma_semaphore, #tpu.memory_space<semaphore_mem>>)
      %dma_wait3A_342 = arith.constant 0 : i32
      %dma_wait3A_343 = tpu.memref_slice %arg6[%dma_wait3A_342] : memref<320000xf32, #tpu.memory_space<hbm>> -> memref<80xf32, #tpu.memory_space<hbm>>
      %dma_wait3A_344 = arith.constant 0 : i32
      %dma_wait3A_345 = tpu.memref_slice %arg6[%dma_wait3A_344] : memref<320000xf32, #tpu.memory_space<hbm>> -> memref<80xf32, #tpu.memory_space<hbm>>
      tpu.wait_dma2 semaphore(%arg22 : memref<!tpu.dma_semaphore, #tpu.memory_space<semaphore_mem>>) src(%arg16 : memref<80xf32, #tpu.memory_space<vmem>>) dst(%dma_wait3A_345 : memref<80xf32, #tpu.memory_space<hbm>>)
      %parallel_loop3A_346 = arith.constant 0 : i32
      %parallel_loop3A_347 = arith.constant 80 : i32
      %parallel_loop3A_348 = arith.constant 1 : i32
      scf.for %parallel_loop3A_862 = %parallel_loop3A_346 to %parallel_loop3A_347 step %parallel_loop3A_348  : i32 {
        %parallel_loop3A_863 = arith.index_cast %parallel_loop3A_862 : i32 to index
        %parallel_loop3A_864 = arith.constant 0 : index
        %parallel_loop3A_865 = tpu.vector_load %arg13[%parallel_loop3A_863, %parallel_loop3A_864] {strides = array<i32>} : memref<80x128xf32, #tpu.memory_space<vmem>>, vector<16xf32>,
        %parallel_loop3A_866 = arith.index_cast %parallel_loop3A_862 : i32 to index
        %parallel_loop3A_867 = arith.constant 16 : index
        %parallel_loop3A_868 = tpu.vector_load %arg13[%parallel_loop3A_866, %parallel_loop3A_867] {strides = array<i32>} : memref<80x128xf32, #tpu.memory_space<vmem>>, vector<16xf32>,
        %parallel_loop3A_869 = arith.index_cast %parallel_loop3A_862 : i32 to index
        %parallel_loop3A_870 = arith.constant 32 : index
        %parallel_loop3A_871 = tpu.vector_load %arg13[%parallel_loop3A_869, %parallel_loop3A_870] {strides = array<i32>} : memref<80x128xf32, #tpu.memory_space<vmem>>, vector<16xf32>,
        %parallel_loop3A_872 = arith.index_cast %parallel_loop3A_862 : i32 to index
        %parallel_loop3A_873 = arith.constant 48 : index
        %parallel_loop3A_874 = tpu.vector_load %arg13[%parallel_loop3A_872, %parallel_loop3A_873] {strides = array<i32>} : memref<80x128xf32, #tpu.memory_space<vmem>>, vector<16xf32>,
        %parallel_loop3A_875 = arith.index_cast %parallel_loop3A_862 : i32 to index
        %parallel_loop3A_876 = arith.constant 64 : index
        %parallel_loop3A_877 = tpu.vector_load %arg13[%parallel_loop3A_875, %parallel_loop3A_876] {strides = array<i32>} : memref<80x128xf32, #tpu.memory_space<vmem>>, vector<16xf32>,
        %parallel_loop3A_878 = arith.index_cast %parallel_loop3A_862 : i32 to index
        %parallel_loop3A_879 = arith.constant 80 : index
        %parallel_loop3A_880 = tpu.vector_load %arg13[%parallel_loop3A_878, %parallel_loop3A_879] {strides = array<i32>} : memref<80x128xf32, #tpu.memory_space<vmem>>, vector<16xf32>,
        %parallel_loop3A_881 = arith.index_cast %parallel_loop3A_862 : i32 to index
        %parallel_loop3A_882 = arith.constant 96 : index
        %parallel_loop3A_883 = tpu.vector_load %arg13[%parallel_loop3A_881, %parallel_loop3A_882] {strides = array<i32>} : memref<80x128xf32, #tpu.memory_space<vmem>>, vector<16xf32>,
        %parallel_loop3A_884 = arith.index_cast %parallel_loop3A_862 : i32 to index
        %parallel_loop3A_885 = arith.constant 112 : index
        %parallel_loop3A_886 = tpu.vector_load %arg13[%parallel_loop3A_884, %parallel_loop3A_885] {strides = array<i32>} : memref<80x128xf32, #tpu.memory_space<vmem>>, vector<16xf32>,
        %parallel_loop3A_887 = arith.index_cast %parallel_loop3A_862 : i32 to index
        %parallel_loop3A_888 = arith.constant 0 : index
        %parallel_loop3A_889 = tpu.vector_load %arg11[%parallel_loop3A_887, %parallel_loop3A_888] {strides = array<i32>} : memref<80x640xf32, #tpu.memory_space<vmem>>, vector<16xf32>,
        %parallel_loop3A_890 = arith.mulf %parallel_loop3A_889, %parallel_loop3A_865 : vector<16xf32>
        %parallel_loop3A_891 = arith.index_cast %parallel_loop3A_862 : i32 to index
        %parallel_loop3A_892 = arith.constant 16 : index
        %parallel_loop3A_893 = tpu.vector_load %arg11[%parallel_loop3A_891, %parallel_loop3A_892] {strides = array<i32>} : memref<80x640xf32, #tpu.memory_space<vmem>>, vector<16xf32>,
        %parallel_loop3A_894 = arith.mulf %parallel_loop3A_893, %parallel_loop3A_868 : vector<16xf32>
        %parallel_loop3A_895 = arith.addf %parallel_loop3A_890, %parallel_loop3A_894 : vector<16xf32>
        %parallel_loop3A_896 = arith.index_cast %parallel_loop3A_862 : i32 to index
        %parallel_loop3A_897 = arith.constant 32 : index
        %parallel_loop3A_898 = tpu.vector_load %arg11[%parallel_loop3A_896, %parallel_loop3A_897] {strides = array<i32>} : memref<80x640xf32, #tpu.memory_space<vmem>>, vector<16xf32>,
        %parallel_loop3A_899 = arith.mulf %parallel_loop3A_898, %parallel_loop3A_871 : vector<16xf32>
        %parallel_loop3A_900 = arith.addf %parallel_loop3A_895, %parallel_loop3A_899 : vector<16xf32>
        %parallel_loop3A_901 = arith.index_cast %parallel_loop3A_862 : i32 to index
        %parallel_loop3A_902 = arith.constant 48 : index
        %parallel_loop3A_903 = tpu.vector_load %arg11[%parallel_loop3A_901, %parallel_loop3A_902] {strides = array<i32>} : memref<80x640xf32, #tpu.memory_space<vmem>>, vector<16xf32>,
        %parallel_loop3A_904 = arith.mulf %parallel_loop3A_903, %parallel_loop3A_874 : vector<16xf32>
        %parallel_loop3A_905 = arith.addf %parallel_loop3A_900, %parallel_loop3A_904 : vector<16xf32>
        %parallel_loop3A_906 = arith.index_cast %parallel_loop3A_862 : i32 to index
        %parallel_loop3A_907 = arith.constant 64 : index
        %parallel_loop3A_908 = tpu.vector_load %arg11[%parallel_loop3A_906, %parallel_loop3A_907] {strides = array<i32>} : memref<80x640xf32, #tpu.memory_space<vmem>>, vector<16xf32>,
        %parallel_loop3A_909 = arith.mulf %parallel_loop3A_908, %parallel_loop3A_877 : vector<16xf32>
        %parallel_loop3A_910 = arith.addf %parallel_loop3A_905, %parallel_loop3A_909 : vector<16xf32>
        %parallel_loop3A_911 = arith.index_cast %parallel_loop3A_862 : i32 to index
        %parallel_loop3A_912 = arith.constant 80 : index
        %parallel_loop3A_913 = tpu.vector_load %arg11[%parallel_loop3A_911, %parallel_loop3A_912] {strides = array<i32>} : memref<80x640xf32, #tpu.memory_space<vmem>>, vector<16xf32>,
        %parallel_loop3A_914 = arith.mulf %parallel_loop3A_913, %parallel_loop3A_880 : vector<16xf32>
        %parallel_loop3A_915 = arith.addf %parallel_loop3A_910, %parallel_loop3A_914 : vector<16xf32>
        %parallel_loop3A_916 = arith.index_cast %parallel_loop3A_862 : i32 to index
        %parallel_loop3A_917 = arith.constant 96 : index
        %parallel_loop3A_918 = tpu.vector_load %arg11[%parallel_loop3A_916, %parallel_loop3A_917] {strides = array<i32>} : memref<80x640xf32, #tpu.memory_space<vmem>>, vector<16xf32>,
        %parallel_loop3A_919 = arith.mulf %parallel_loop3A_918, %parallel_loop3A_883 : vector<16xf32>
        %parallel_loop3A_920 = arith.addf %parallel_loop3A_915, %parallel_loop3A_919 : vector<16xf32>
        %parallel_loop3A_921 = arith.index_cast %parallel_loop3A_862 : i32 to index
        %parallel_loop3A_922 = arith.constant 112 : index
        %parallel_loop3A_923 = tpu.vector_load %arg11[%parallel_loop3A_921, %parallel_loop3A_922] {strides = array<i32>} : memref<80x640xf32, #tpu.memory_space<vmem>>, vector<16xf32>,
        %parallel_loop3A_924 = arith.mulf %parallel_loop3A_923, %parallel_loop3A_886 : vector<16xf32>
        %parallel_loop3A_925 = arith.addf %parallel_loop3A_920, %parallel_loop3A_924 : vector<16xf32>
        %parallel_loop3A_926 = arith.constant true
        %parallel_loop3A_927 = vector.broadcast %parallel_loop3A_926 : i1 to vector<16xi1>
        %parallel_loop3A_928 = tpu.scan <sum>, %parallel_loop3A_925 masked %parallel_loop3A_927 : vector<16xf32>, vector<16xi1> -> vector<16xf32>
        %parallel_loop3A_929 = vector.broadcast %parallel_loop3A_862 : i32 to vector<16xi32>
        %parallel_loop3A_930 = arith.addi %add3A_7, %parallel_loop3A_929 : vector<16xi32>
        tpu.vector_store_idx %arg15[%parallel_loop3A_930], %parallel_loop3A_928 masked %eq3A_4 : memref<400xf32, #tpu.memory_space<vmem>>[vector<16xi32>], vector<16xf32>, vector<16xi1>
        %parallel_loop3A_931 = arith.index_cast %parallel_loop3A_862 : i32 to index
        %parallel_loop3A_932 = arith.constant 128 : index
        %parallel_loop3A_933 = tpu.vector_load %arg11[%parallel_loop3A_931, %parallel_loop3A_932] {strides = array<i32>} : memref<80x640xf32, #tpu.memory_space<vmem>>, vector<16xf32>,
        %parallel_loop3A_934 = arith.mulf %parallel_loop3A_933, %parallel_loop3A_865 : vector<16xf32>
        %parallel_loop3A_935 = arith.index_cast %parallel_loop3A_862 : i32 to index
        %parallel_loop3A_936 = arith.constant 144 : index
        %parallel_loop3A_937 = tpu.vector_load %arg11[%parallel_loop3A_935, %parallel_loop3A_936] {strides = array<i32>} : memref<80x640xf32, #tpu.memory_space<vmem>>, vector<16xf32>,
        %parallel_loop3A_938 = arith.mulf %parallel_loop3A_937, %parallel_loop3A_868 : vector<16xf32>
        %parallel_loop3A_939 = arith.addf %parallel_loop3A_934, %parallel_loop3A_938 : vector<16xf32>
        %parallel_loop3A_940 = arith.index_cast %parallel_loop3A_862 : i32 to index
        %parallel_loop3A_941 = arith.constant 160 : index
        %parallel_loop3A_942 = tpu.vector_load %arg11[%parallel_loop3A_940, %parallel_loop3A_941] {strides = array<i32>} : memref<80x640xf32, #tpu.memory_space<vmem>>, vector<16xf32>,
        %parallel_loop3A_943 = arith.mulf %parallel_loop3A_942, %parallel_loop3A_871 : vector<16xf32>
        %parallel_loop3A_944 = arith.addf %parallel_loop3A_939, %parallel_loop3A_943 : vector<16xf32>
        %parallel_loop3A_945 = arith.index_cast %parallel_loop3A_862 : i32 to index
        %parallel_loop3A_946 = arith.constant 176 : index
        %parallel_loop3A_947 = tpu.vector_load %arg11[%parallel_loop3A_945, %parallel_loop3A_946] {strides = array<i32>} : memref<80x640xf32, #tpu.memory_space<vmem>>, vector<16xf32>,
        %parallel_loop3A_948 = arith.mulf %parallel_loop3A_947, %parallel_loop3A_874 : vector<16xf32>
        %parallel_loop3A_949 = arith.addf %parallel_loop3A_944, %parallel_loop3A_948 : vector<16xf32>
        %parallel_loop3A_950 = arith.index_cast %parallel_loop3A_862 : i32 to index
        %parallel_loop3A_951 = arith.constant 192 : index
        %parallel_loop3A_952 = tpu.vector_load %arg11[%parallel_loop3A_950, %parallel_loop3A_951] {strides = array<i32>} : memref<80x640xf32, #tpu.memory_space<vmem>>, vector<16xf32>,
        %parallel_loop3A_953 = arith.mulf %parallel_loop3A_952, %parallel_loop3A_877 : vector<16xf32>
        %parallel_loop3A_954 = arith.addf %parallel_loop3A_949, %parallel_loop3A_953 : vector<16xf32>
        %parallel_loop3A_955 = arith.index_cast %parallel_loop3A_862 : i32 to index
        %parallel_loop3A_956 = arith.constant 208 : index
        %parallel_loop3A_957 = tpu.vector_load %arg11[%parallel_loop3A_955, %parallel_loop3A_956] {strides = array<i32>} : memref<80x640xf32, #tpu.memory_space<vmem>>, vector<16xf32>,
        %parallel_loop3A_958 = arith.mulf %parallel_loop3A_957, %parallel_loop3A_880 : vector<16xf32>
        %parallel_loop3A_959 = arith.addf %parallel_loop3A_954, %parallel_loop3A_958 : vector<16xf32>
        %parallel_loop3A_960 = arith.index_cast %parallel_loop3A_862 : i32 to index
        %parallel_loop3A_961 = arith.constant 224 : index
        %parallel_loop3A_962 = tpu.vector_load %arg11[%parallel_loop3A_960, %parallel_loop3A_961] {strides = array<i32>} : memref<80x640xf32, #tpu.memory_space<vmem>>, vector<16xf32>,
        %parallel_loop3A_963 = arith.mulf %parallel_loop3A_962, %parallel_loop3A_883 : vector<16xf32>
        %parallel_loop3A_964 = arith.addf %parallel_loop3A_959, %parallel_loop3A_963 : vector<16xf32>
        %parallel_loop3A_965 = arith.index_cast %parallel_loop3A_862 : i32 to index
        %parallel_loop3A_966 = arith.constant 240 : index
        %parallel_loop3A_967 = tpu.vector_load %arg11[%parallel_loop3A_965, %parallel_loop3A_966] {strides = array<i32>} : memref<80x640xf32, #tpu.memory_space<vmem>>, vector<16xf32>,
        %parallel_loop3A_968 = arith.mulf %parallel_loop3A_967, %parallel_loop3A_886 : vector<16xf32>
        %parallel_loop3A_969 = arith.addf %parallel_loop3A_964, %parallel_loop3A_968 : vector<16xf32>
        %parallel_loop3A_970 = arith.constant true
        %parallel_loop3A_971 = vector.broadcast %parallel_loop3A_970 : i1 to vector<16xi1>
        %parallel_loop3A_972 = tpu.scan <sum>, %parallel_loop3A_969 masked %parallel_loop3A_971 : vector<16xf32>, vector<16xi1> -> vector<16xf32>
        %parallel_loop3A_973 = vector.broadcast %parallel_loop3A_862 : i32 to vector<16xi32>
        %parallel_loop3A_974 = arith.addi %add3A_10, %parallel_loop3A_973 : vector<16xi32>
        tpu.vector_store_idx %arg15[%parallel_loop3A_974], %parallel_loop3A_972 masked %eq3A_4 : memref<400xf32, #tpu.memory_space<vmem>>[vector<16xi32>], vector<16xf32>, vector<16xi1>
        %parallel_loop3A_975 = arith.index_cast %parallel_loop3A_862 : i32 to index
        %parallel_loop3A_976 = arith.constant 256 : index
        %parallel_loop3A_977 = tpu.vector_load %arg11[%parallel_loop3A_975, %parallel_loop3A_976] {strides = array<i32>} : memref<80x640xf32, #tpu.memory_space<vmem>>, vector<16xf32>,
        %parallel_loop3A_978 = arith.mulf %parallel_loop3A_977, %parallel_loop3A_865 : vector<16xf32>
        %parallel_loop3A_979 = arith.index_cast %parallel_loop3A_862 : i32 to index
        %parallel_loop3A_980 = arith.constant 272 : index
        %parallel_loop3A_981 = tpu.vector_load %arg11[%parallel_loop3A_979, %parallel_loop3A_980] {strides = array<i32>} : memref<80x640xf32, #tpu.memory_space<vmem>>, vector<16xf32>,
        %parallel_loop3A_982 = arith.mulf %parallel_loop3A_981, %parallel_loop3A_868 : vector<16xf32>
        %parallel_loop3A_983 = arith.addf %parallel_loop3A_978, %parallel_loop3A_982 : vector<16xf32>
        %parallel_loop3A_984 = arith.index_cast %parallel_loop3A_862 : i32 to index
        %parallel_loop3A_985 = arith.constant 288 : index
        %parallel_loop3A_986 = tpu.vector_load %arg11[%parallel_loop3A_984, %parallel_loop3A_985] {strides = array<i32>} : memref<80x640xf32, #tpu.memory_space<vmem>>, vector<16xf32>,
        %parallel_loop3A_987 = arith.mulf %parallel_loop3A_986, %parallel_loop3A_871 : vector<16xf32>
        %parallel_loop3A_988 = arith.addf %parallel_loop3A_983, %parallel_loop3A_987 : vector<16xf32>
        %parallel_loop3A_989 = arith.index_cast %parallel_loop3A_862 : i32 to index
        %parallel_loop3A_990 = arith.constant 304 : index
        %parallel_loop3A_991 = tpu.vector_load %arg11[%parallel_loop3A_989, %parallel_loop3A_990] {strides = array<i32>} : memref<80x640xf32, #tpu.memory_space<vmem>>, vector<16xf32>,
        %parallel_loop3A_992 = arith.mulf %parallel_loop3A_991, %parallel_loop3A_874 : vector<16xf32>
        %parallel_loop3A_993 = arith.addf %parallel_loop3A_988, %parallel_loop3A_992 : vector<16xf32>
        %parallel_loop3A_994 = arith.index_cast %parallel_loop3A_862 : i32 to index
        %parallel_loop3A_995 = arith.constant 320 : index
        %parallel_loop3A_996 = tpu.vector_load %arg11[%parallel_loop3A_994, %parallel_loop3A_995] {strides = array<i32>} : memref<80x640xf32, #tpu.memory_space<vmem>>, vector<16xf32>,
        %parallel_loop3A_997 = arith.mulf %parallel_loop3A_996, %parallel_loop3A_877 : vector<16xf32>
        %parallel_loop3A_998 = arith.addf %parallel_loop3A_993, %parallel_loop3A_997 : vector<16xf32>
        %parallel_loop3A_999 = arith.index_cast %parallel_loop3A_862 : i32 to index
        %parallel_loop3A_1000 = arith.constant 336 : index
        %parallel_loop3A_1001 = tpu.vector_load %arg11[%parallel_loop3A_999, %parallel_loop3A_1000] {strides = array<i32>} : memref<80x640xf32, #tpu.memory_space<vmem>>, vector<16xf32>,
        %parallel_loop3A_1002 = arith.mulf %parallel_loop3A_1001, %parallel_loop3A_880 : vector<16xf32>
        %parallel_loop3A_1003 = arith.addf %parallel_loop3A_998, %parallel_loop3A_1002 : vector<16xf32>
        %parallel_loop3A_1004 = arith.index_cast %parallel_loop3A_862 : i32 to index
        %parallel_loop3A_1005 = arith.constant 352 : index
        %parallel_loop3A_1006 = tpu.vector_load %arg11[%parallel_loop3A_1004, %parallel_loop3A_1005] {strides = array<i32>} : memref<80x640xf32, #tpu.memory_space<vmem>>, vector<16xf32>,
        %parallel_loop3A_1007 = arith.mulf %parallel_loop3A_1006, %parallel_loop3A_883 : vector<16xf32>
        %parallel_loop3A_1008 = arith.addf %parallel_loop3A_1003, %parallel_loop3A_1007 : vector<16xf32>
        %parallel_loop3A_1009 = arith.index_cast %parallel_loop3A_862 : i32 to index
        %parallel_loop3A_1010 = arith.constant 368 : index
        %parallel_loop3A_1011 = tpu.vector_load %arg11[%parallel_loop3A_1009, %parallel_loop3A_1010] {strides = array<i32>} : memref<80x640xf32, #tpu.memory_space<vmem>>, vector<16xf32>,
        %parallel_loop3A_1012 = arith.mulf %parallel_loop3A_1011, %parallel_loop3A_886 : vector<16xf32>
        %parallel_loop3A_1013 = arith.addf %parallel_loop3A_1008, %parallel_loop3A_1012 : vector<16xf32>
        %parallel_loop3A_1014 = arith.constant true
        %parallel_loop3A_1015 = vector.broadcast %parallel_loop3A_1014 : i1 to vector<16xi1>
        %parallel_loop3A_1016 = tpu.scan <sum>, %parallel_loop3A_1013 masked %parallel_loop3A_1015 : vector<16xf32>, vector<16xi1> -> vector<16xf32>
        %parallel_loop3A_1017 = vector.broadcast %parallel_loop3A_862 : i32 to vector<16xi32>
        %parallel_loop3A_1018 = arith.addi %add3A_13, %parallel_loop3A_1017 : vector<16xi32>
        tpu.vector_store_idx %arg15[%parallel_loop3A_1018], %parallel_loop3A_1016 masked %eq3A_4 : memref<400xf32, #tpu.memory_space<vmem>>[vector<16xi32>], vector<16xf32>, vector<16xi1>
        %parallel_loop3A_1019 = arith.index_cast %parallel_loop3A_862 : i32 to index
        %parallel_loop3A_1020 = arith.constant 384 : index
        %parallel_loop3A_1021 = tpu.vector_load %arg11[%parallel_loop3A_1019, %parallel_loop3A_1020] {strides = array<i32>} : memref<80x640xf32, #tpu.memory_space<vmem>>, vector<16xf32>,
        %parallel_loop3A_1022 = arith.mulf %parallel_loop3A_1021, %parallel_loop3A_865 : vector<16xf32>
        %parallel_loop3A_1023 = arith.index_cast %parallel_loop3A_862 : i32 to index
        %parallel_loop3A_1024 = arith.constant 400 : index
        %parallel_loop3A_1025 = tpu.vector_load %arg11[%parallel_loop3A_1023, %parallel_loop3A_1024] {strides = array<i32>} : memref<80x640xf32, #tpu.memory_space<vmem>>, vector<16xf32>,
        %parallel_loop3A_1026 = arith.mulf %parallel_loop3A_1025, %parallel_loop3A_868 : vector<16xf32>
        %parallel_loop3A_1027 = arith.addf %parallel_loop3A_1022, %parallel_loop3A_1026 : vector<16xf32>
        %parallel_loop3A_1028 = arith.index_cast %parallel_loop3A_862 : i32 to index
        %parallel_loop3A_1029 = arith.constant 416 : index
        %parallel_loop3A_1030 = tpu.vector_load %arg11[%parallel_loop3A_1028, %parallel_loop3A_1029] {strides = array<i32>} : memref<80x640xf32, #tpu.memory_space<vmem>>, vector<16xf32>,
        %parallel_loop3A_1031 = arith.mulf %parallel_loop3A_1030, %parallel_loop3A_871 : vector<16xf32>
        %parallel_loop3A_1032 = arith.addf %parallel_loop3A_1027, %parallel_loop3A_1031 : vector<16xf32>
        %parallel_loop3A_1033 = arith.index_cast %parallel_loop3A_862 : i32 to index
        %parallel_loop3A_1034 = arith.constant 432 : index
        %parallel_loop3A_1035 = tpu.vector_load %arg11[%parallel_loop3A_1033, %parallel_loop3A_1034] {strides = array<i32>} : memref<80x640xf32, #tpu.memory_space<vmem>>, vector<16xf32>,
        %parallel_loop3A_1036 = arith.mulf %parallel_loop3A_1035, %parallel_loop3A_874 : vector<16xf32>
        %parallel_loop3A_1037 = arith.addf %parallel_loop3A_1032, %parallel_loop3A_1036 : vector<16xf32>
        %parallel_loop3A_1038 = arith.index_cast %parallel_loop3A_862 : i32 to index
        %parallel_loop3A_1039 = arith.constant 448 : index
        %parallel_loop3A_1040 = tpu.vector_load %arg11[%parallel_loop3A_1038, %parallel_loop3A_1039] {strides = array<i32>} : memref<80x640xf32, #tpu.memory_space<vmem>>, vector<16xf32>,
        %parallel_loop3A_1041 = arith.mulf %parallel_loop3A_1040, %parallel_loop3A_877 : vector<16xf32>
        %parallel_loop3A_1042 = arith.addf %parallel_loop3A_1037, %parallel_loop3A_1041 : vector<16xf32>
        %parallel_loop3A_1043 = arith.index_cast %parallel_loop3A_862 : i32 to index
        %parallel_loop3A_1044 = arith.constant 464 : index
        %parallel_loop3A_1045 = tpu.vector_load %arg11[%parallel_loop3A_1043, %parallel_loop3A_1044] {strides = array<i32>} : memref<80x640xf32, #tpu.memory_space<vmem>>, vector<16xf32>,
        %parallel_loop3A_1046 = arith.mulf %parallel_loop3A_1045, %parallel_loop3A_880 : vector<16xf32>
        %parallel_loop3A_1047 = arith.addf %parallel_loop3A_1042, %parallel_loop3A_1046 : vector<16xf32>
        %parallel_loop3A_1048 = arith.index_cast %parallel_loop3A_862 : i32 to index
        %parallel_loop3A_1049 = arith.constant 480 : index
        %parallel_loop3A_1050 = tpu.vector_load %arg11[%parallel_loop3A_1048, %parallel_loop3A_1049] {strides = array<i32>} : memref<80x640xf32, #tpu.memory_space<vmem>>, vector<16xf32>,
        %parallel_loop3A_1051 = arith.mulf %parallel_loop3A_1050, %parallel_loop3A_883 : vector<16xf32>
        %parallel_loop3A_1052 = arith.addf %parallel_loop3A_1047, %parallel_loop3A_1051 : vector<16xf32>
        %parallel_loop3A_1053 = arith.index_cast %parallel_loop3A_862 : i32 to index
        %parallel_loop3A_1054 = arith.constant 496 : index
        %parallel_loop3A_1055 = tpu.vector_load %arg11[%parallel_loop3A_1053, %parallel_loop3A_1054] {strides = array<i32>} : memref<80x640xf32, #tpu.memory_space<vmem>>, vector<16xf32>,
        %parallel_loop3A_1056 = arith.mulf %parallel_loop3A_1055, %parallel_loop3A_886 : vector<16xf32>
        %parallel_loop3A_1057 = arith.addf %parallel_loop3A_1052, %parallel_loop3A_1056 : vector<16xf32>
        %parallel_loop3A_1058 = arith.constant true
        %parallel_loop3A_1059 = vector.broadcast %parallel_loop3A_1058 : i1 to vector<16xi1>
        %parallel_loop3A_1060 = tpu.scan <sum>, %parallel_loop3A_1057 masked %parallel_loop3A_1059 : vector<16xf32>, vector<16xi1> -> vector<16xf32>
        %parallel_loop3A_1061 = vector.broadcast %parallel_loop3A_862 : i32 to vector<16xi32>
        %parallel_loop3A_1062 = arith.addi %add3A_16, %parallel_loop3A_1061 : vector<16xi32>
        tpu.vector_store_idx %arg15[%parallel_loop3A_1062], %parallel_loop3A_1060 masked %eq3A_4 : memref<400xf32, #tpu.memory_space<vmem>>[vector<16xi32>], vector<16xf32>, vector<16xi1>
        %parallel_loop3A_1063 = arith.index_cast %parallel_loop3A_862 : i32 to index
        %parallel_loop3A_1064 = arith.constant 512 : index
        %parallel_loop3A_1065 = tpu.vector_load %arg11[%parallel_loop3A_1063, %parallel_loop3A_1064] {strides = array<i32>} : memref<80x640xf32, #tpu.memory_space<vmem>>, vector<16xf32>,
        %parallel_loop3A_1066 = arith.mulf %parallel_loop3A_1065, %parallel_loop3A_865 : vector<16xf32>
        %parallel_loop3A_1067 = arith.index_cast %parallel_loop3A_862 : i32 to index
        %parallel_loop3A_1068 = arith.constant 528 : index
        %parallel_loop3A_1069 = tpu.vector_load %arg11[%parallel_loop3A_1067, %parallel_loop3A_1068] {strides = array<i32>} : memref<80x640xf32, #tpu.memory_space<vmem>>, vector<16xf32>,
        %parallel_loop3A_1070 = arith.mulf %parallel_loop3A_1069, %parallel_loop3A_868 : vector<16xf32>
        %parallel_loop3A_1071 = arith.addf %parallel_loop3A_1066, %parallel_loop3A_1070 : vector<16xf32>
        %parallel_loop3A_1072 = arith.index_cast %parallel_loop3A_862 : i32 to index
        %parallel_loop3A_1073 = arith.constant 544 : index
        %parallel_loop3A_1074 = tpu.vector_load %arg11[%parallel_loop3A_1072, %parallel_loop3A_1073] {strides = array<i32>} : memref<80x640xf32, #tpu.memory_space<vmem>>, vector<16xf32>,
        %parallel_loop3A_1075 = arith.mulf %parallel_loop3A_1074, %parallel_loop3A_871 : vector<16xf32>
        %parallel_loop3A_1076 = arith.addf %parallel_loop3A_1071, %parallel_loop3A_1075 : vector<16xf32>
        %parallel_loop3A_1077 = arith.index_cast %parallel_loop3A_862 : i32 to index
        %parallel_loop3A_1078 = arith.constant 560 : index
        %parallel_loop3A_1079 = tpu.vector_load %arg11[%parallel_loop3A_1077, %parallel_loop3A_1078] {strides = array<i32>} : memref<80x640xf32, #tpu.memory_space<vmem>>, vector<16xf32>,
        %parallel_loop3A_1080 = arith.mulf %parallel_loop3A_1079, %parallel_loop3A_874 : vector<16xf32>
        %parallel_loop3A_1081 = arith.addf %parallel_loop3A_1076, %parallel_loop3A_1080 : vector<16xf32>
        %parallel_loop3A_1082 = arith.index_cast %parallel_loop3A_862 : i32 to index
        %parallel_loop3A_1083 = arith.constant 576 : index
        %parallel_loop3A_1084 = tpu.vector_load %arg11[%parallel_loop3A_1082, %parallel_loop3A_1083] {strides = array<i32>} : memref<80x640xf32, #tpu.memory_space<vmem>>, vector<16xf32>,
        %parallel_loop3A_1085 = arith.mulf %parallel_loop3A_1084, %parallel_loop3A_877 : vector<16xf32>
        %parallel_loop3A_1086 = arith.addf %parallel_loop3A_1081, %parallel_loop3A_1085 : vector<16xf32>
        %parallel_loop3A_1087 = arith.index_cast %parallel_loop3A_862 : i32 to index
        %parallel_loop3A_1088 = arith.constant 592 : index
        %parallel_loop3A_1089 = tpu.vector_load %arg11[%parallel_loop3A_1087, %parallel_loop3A_1088] {strides = array<i32>} : memref<80x640xf32, #tpu.memory_space<vmem>>, vector<16xf32>,
        %parallel_loop3A_1090 = arith.mulf %parallel_loop3A_1089, %parallel_loop3A_880 : vector<16xf32>
        %parallel_loop3A_1091 = arith.addf %parallel_loop3A_1086, %parallel_loop3A_1090 : vector<16xf32>
        %parallel_loop3A_1092 = arith.index_cast %parallel_loop3A_862 : i32 to index
        %parallel_loop3A_1093 = arith.constant 608 : index
        %parallel_loop3A_1094 = tpu.vector_load %arg11[%parallel_loop3A_1092, %parallel_loop3A_1093] {strides = array<i32>} : memref<80x640xf32, #tpu.memory_space<vmem>>, vector<16xf32>,
        %parallel_loop3A_1095 = arith.mulf %parallel_loop3A_1094, %parallel_loop3A_883 : vector<16xf32>
        %parallel_loop3A_1096 = arith.addf %parallel_loop3A_1091, %parallel_loop3A_1095 : vector<16xf32>
        %parallel_loop3A_1097 = arith.index_cast %parallel_loop3A_862 : i32 to index
        %parallel_loop3A_1098 = arith.constant 624 : index
        %parallel_loop3A_1099 = tpu.vector_load %arg11[%parallel_loop3A_1097, %parallel_loop3A_1098] {strides = array<i32>} : memref<80x640xf32, #tpu.memory_space<vmem>>, vector<16xf32>,
        %parallel_loop3A_1100 = arith.mulf %parallel_loop3A_1099, %parallel_loop3A_886 : vector<16xf32>
        %parallel_loop3A_1101 = arith.addf %parallel_loop3A_1096, %parallel_loop3A_1100 : vector<16xf32>
        %parallel_loop3A_1102 = arith.constant true
        %parallel_loop3A_1103 = vector.broadcast %parallel_loop3A_1102 : i1 to vector<16xi1>
        %parallel_loop3A_1104 = tpu.scan <sum>, %parallel_loop3A_1101 masked %parallel_loop3A_1103 : vector<16xf32>, vector<16xi1> -> vector<16xf32>
        %parallel_loop3A_1105 = vector.broadcast %parallel_loop3A_862 : i32 to vector<16xi32>
        %parallel_loop3A_1106 = arith.addi %add3A_19, %parallel_loop3A_1105 : vector<16xi32>
        tpu.vector_store_idx %arg15[%parallel_loop3A_1106], %parallel_loop3A_1104 masked %eq3A_4 : memref<400xf32, #tpu.memory_space<vmem>>[vector<16xi32>], vector<16xf32>, vector<16xi1>
      } {sc.loop_unroll_factor = 1 : i64, sc.parallel_access}
      %get3A_349 = arith.constant 0 : index
      %get3A_350 = tpu.vector_load %arg15[%get3A_349] {strides = array<i32>} : memref<400xf32, #tpu.memory_space<vmem>>, vector<16xf32>,
      %get3A_351 = arith.constant 80 : index
      %get3A_352 = tpu.vector_load %arg15[%get3A_351] {strides = array<i32>} : memref<400xf32, #tpu.memory_space<vmem>>, vector<16xf32>,
      %get3A_353 = arith.constant 160 : index
      %get3A_354 = tpu.vector_load %arg15[%get3A_353] {strides = array<i32>} : memref<400xf32, #tpu.memory_space<vmem>>, vector<16xf32>,
      %get3A_355 = arith.constant 240 : index
      %get3A_356 = tpu.vector_load %arg15[%get3A_355] {strides = array<i32>} : memref<400xf32, #tpu.memory_space<vmem>>, vector<16xf32>,
      %get3A_357 = arith.constant 320 : index
      %get3A_358 = tpu.vector_load %arg15[%get3A_357] {strides = array<i32>} : memref<400xf32, #tpu.memory_space<vmem>>, vector<16xf32>,
      %max3A_359 = arith.maximumf %get3A_350, %get3A_352 : vector<16xf32>
      %max3A_360 = arith.maximumf %max3A_359, %get3A_354 : vector<16xf32>
      %max3A_361 = arith.maximumf %max3A_360, %get3A_356 : vector<16xf32>
      %max3A_362 = arith.maximumf %max3A_361, %get3A_358 : vector<16xf32>
      %sub3A_363 = arith.subf %get3A_350, %max3A_362 : vector<16xf32>
      %exp3A_364 = math.exp %sub3A_363 : vector<16xf32>
      %sub3A_365 = arith.subf %get3A_352, %max3A_362 : vector<16xf32>
      %exp3A_366 = math.exp %sub3A_365 : vector<16xf32>
      %sub3A_367 = arith.subf %get3A_354, %max3A_362 : vector<16xf32>
      %exp3A_368 = math.exp %sub3A_367 : vector<16xf32>
      %sub3A_369 = arith.subf %get3A_356, %max3A_362 : vector<16xf32>
      %exp3A_370 = math.exp %sub3A_369 : vector<16xf32>
      %sub3A_371 = arith.subf %get3A_358, %max3A_362 : vector<16xf32>
      %exp3A_372 = math.exp %sub3A_371 : vector<16xf32>
      %add3A_373 = arith.addf %exp3A_364, %exp3A_366 : vector<16xf32>
      %mul3A_374 = arith.constant 2.000000e+00 : f32
      %mul3A_375 = vector.broadcast %mul3A_374 : f32 to vector<16xf32>
      %mul3A_376 = arith.mulf %exp3A_366, %mul3A_375 : vector<16xf32>
      %add3A_377 = arith.addf %exp3A_364, %mul3A_376 : vector<16xf32>
      %add3A_378 = arith.addf %add3A_373, %exp3A_368 : vector<16xf32>
      %mul3A_379 = arith.constant 3.000000e+00 : f32
      %mul3A_380 = vector.broadcast %mul3A_379 : f32 to vector<16xf32>
      %mul3A_381 = arith.mulf %exp3A_368, %mul3A_380 : vector<16xf32>
      %add3A_382 = arith.addf %add3A_377, %mul3A_381 : vector<16xf32>
      %add3A_383 = arith.addf %add3A_378, %exp3A_370 : vector<16xf32>
      %mul3A_384 = arith.constant 4.000000e+00 : f32
      %mul3A_385 = vector.broadcast %mul3A_384 : f32 to vector<16xf32>
      %mul3A_386 = arith.mulf %exp3A_370, %mul3A_385 : vector<16xf32>
      %add3A_387 = arith.addf %add3A_382, %mul3A_386 : vector<16xf32>
      %add3A_388 = arith.addf %add3A_383, %exp3A_372 : vector<16xf32>
      %mul3A_389 = arith.constant 5.000000e+00 : f32
      %mul3A_390 = vector.broadcast %mul3A_389 : f32 to vector<16xf32>
      %mul3A_391 = arith.mulf %exp3A_372, %mul3A_390 : vector<16xf32>
      %add3A_392 = arith.addf %add3A_387, %mul3A_391 : vector<16xf32>
      %div3A_393 = arith.divf %add3A_392, %add3A_388 : vector<16xf32>
      %swap3A_394 = arith.constant 0 : index
      %swap3A_395 = tpu.vector_load %arg16[%swap3A_394] {strides = array<i32>} : memref<80xf32, #tpu.memory_space<vmem>>, vector<16xf32>,
      tpu.vector_store %arg16[%swap3A_394], %div3A_393 {strides = array<i32>} : memref<80xf32, #tpu.memory_space<vmem>>, vector<16xf32>,
      %get3A_396 = arith.constant 16 : index
      %get3A_397 = tpu.vector_load %arg15[%get3A_396] {strides = array<i32>} : memref<400xf32, #tpu.memory_space<vmem>>, vector<16xf32>,
      %get3A_398 = arith.constant 96 : index
      %get3A_399 = tpu.vector_load %arg15[%get3A_398] {strides = array<i32>} : memref<400xf32, #tpu.memory_space<vmem>>, vector<16xf32>,
      %get3A_400 = arith.constant 176 : index
      %get3A_401 = tpu.vector_load %arg15[%get3A_400] {strides = array<i32>} : memref<400xf32, #tpu.memory_space<vmem>>, vector<16xf32>,
      %get3A_402 = arith.constant 256 : index
      %get3A_403 = tpu.vector_load %arg15[%get3A_402] {strides = array<i32>} : memref<400xf32, #tpu.memory_space<vmem>>, vector<16xf32>,
      %get3A_404 = arith.constant 336 : index
      %get3A_405 = tpu.vector_load %arg15[%get3A_404] {strides = array<i32>} : memref<400xf32, #tpu.memory_space<vmem>>, vector<16xf32>,
      %max3A_406 = arith.maximumf %get3A_397, %get3A_399 : vector<16xf32>
      %max3A_407 = arith.maximumf %max3A_406, %get3A_401 : vector<16xf32>
      %max3A_408 = arith.maximumf %max3A_407, %get3A_403 : vector<16xf32>
      %max3A_409 = arith.maximumf %max3A_408, %get3A_405 : vector<16xf32>
      %sub3A_410 = arith.subf %get3A_397, %max3A_409 : vector<16xf32>
      %exp3A_411 = math.exp %sub3A_410 : vector<16xf32>
      %sub3A_412 = arith.subf %get3A_399, %max3A_409 : vector<16xf32>
      %exp3A_413 = math.exp %sub3A_412 : vector<16xf32>
      %sub3A_414 = arith.subf %get3A_401, %max3A_409 : vector<16xf32>
      %exp3A_415 = math.exp %sub3A_414 : vector<16xf32>
      %sub3A_416 = arith.subf %get3A_403, %max3A_409 : vector<16xf32>
      %exp3A_417 = math.exp %sub3A_416 : vector<16xf32>
      %sub3A_418 = arith.subf %get3A_405, %max3A_409 : vector<16xf32>
      %exp3A_419 = math.exp %sub3A_418 : vector<16xf32>
      %add3A_420 = arith.addf %exp3A_411, %exp3A_413 : vector<16xf32>
      %mul3A_421 = arith.constant 2.000000e+00 : f32
      %mul3A_422 = vector.broadcast %mul3A_421 : f32 to vector<16xf32>
      %mul3A_423 = arith.mulf %exp3A_413, %mul3A_422 : vector<16xf32>
      %add3A_424 = arith.addf %exp3A_411, %mul3A_423 : vector<16xf32>
      %add3A_425 = arith.addf %add3A_420, %exp3A_415 : vector<16xf32>
      %mul3A_426 = arith.constant 3.000000e+00 : f32
      %mul3A_427 = vector.broadcast %mul3A_426 : f32 to vector<16xf32>
      %mul3A_428 = arith.mulf %exp3A_415, %mul3A_427 : vector<16xf32>
      %add3A_429 = arith.addf %add3A_424, %mul3A_428 : vector<16xf32>
      %add3A_430 = arith.addf %add3A_425, %exp3A_417 : vector<16xf32>
      %mul3A_431 = arith.constant 4.000000e+00 : f32
      %mul3A_432 = vector.broadcast %mul3A_431 : f32 to vector<16xf32>
      %mul3A_433 = arith.mulf %exp3A_417, %mul3A_432 : vector<16xf32>
      %add3A_434 = arith.addf %add3A_429, %mul3A_433 : vector<16xf32>
      %add3A_435 = arith.addf %add3A_430, %exp3A_419 : vector<16xf32>
      %mul3A_436 = arith.constant 5.000000e+00 : f32
      %mul3A_437 = vector.broadcast %mul3A_436 : f32 to vector<16xf32>
      %mul3A_438 = arith.mulf %exp3A_419, %mul3A_437 : vector<16xf32>
      %add3A_439 = arith.addf %add3A_434, %mul3A_438 : vector<16xf32>
      %div3A_440 = arith.divf %add3A_439, %add3A_435 : vector<16xf32>
      %swap3A_441 = arith.constant 16 : index
      %swap3A_442 = tpu.vector_load %arg16[%swap3A_441] {strides = array<i32>} : memref<80xf32, #tpu.memory_space<vmem>>, vector<16xf32>,
      tpu.vector_store %arg16[%swap3A_441], %div3A_440 {strides = array<i32>} : memref<80xf32, #tpu.memory_space<vmem>>, vector<16xf32>,
      %get3A_443 = arith.constant 32 : index
      %get3A_444 = tpu.vector_load %arg15[%get3A_443] {strides = array<i32>} : memref<400xf32, #tpu.memory_space<vmem>>, vector<16xf32>,
      %get3A_445 = arith.constant 112 : index
      %get3A_446 = tpu.vector_load %arg15[%get3A_445] {strides = array<i32>} : memref<400xf32, #tpu.memory_space<vmem>>, vector<16xf32>,
      %get3A_447 = arith.constant 192 : index
      %get3A_448 = tpu.vector_load %arg15[%get3A_447] {strides = array<i32>} : memref<400xf32, #tpu.memory_space<vmem>>, vector<16xf32>,
      %get3A_449 = arith.constant 272 : index
      %get3A_450 = tpu.vector_load %arg15[%get3A_449] {strides = array<i32>} : memref<400xf32, #tpu.memory_space<vmem>>, vector<16xf32>,
      %get3A_451 = arith.constant 352 : index
      %get3A_452 = tpu.vector_load %arg15[%get3A_451] {strides = array<i32>} : memref<400xf32, #tpu.memory_space<vmem>>, vector<16xf32>,
      %max3A_453 = arith.maximumf %get3A_444, %get3A_446 : vector<16xf32>
      %max3A_454 = arith.maximumf %max3A_453, %get3A_448 : vector<16xf32>
      %max3A_455 = arith.maximumf %max3A_454, %get3A_450 : vector<16xf32>
      %max3A_456 = arith.maximumf %max3A_455, %get3A_452 : vector<16xf32>
      %sub3A_457 = arith.subf %get3A_444, %max3A_456 : vector<16xf32>
      %exp3A_458 = math.exp %sub3A_457 : vector<16xf32>
      %sub3A_459 = arith.subf %get3A_446, %max3A_456 : vector<16xf32>
      %exp3A_460 = math.exp %sub3A_459 : vector<16xf32>
      %sub3A_461 = arith.subf %get3A_448, %max3A_456 : vector<16xf32>
      %exp3A_462 = math.exp %sub3A_461 : vector<16xf32>
      %sub3A_463 = arith.subf %get3A_450, %max3A_456 : vector<16xf32>
      %exp3A_464 = math.exp %sub3A_463 : vector<16xf32>
      %sub3A_465 = arith.subf %get3A_452, %max3A_456 : vector<16xf32>
      %exp3A_466 = math.exp %sub3A_465 : vector<16xf32>
      %add3A_467 = arith.addf %exp3A_458, %exp3A_460 : vector<16xf32>
      %mul3A_468 = arith.constant 2.000000e+00 : f32
      %mul3A_469 = vector.broadcast %mul3A_468 : f32 to vector<16xf32>
      %mul3A_470 = arith.mulf %exp3A_460, %mul3A_469 : vector<16xf32>
      %add3A_471 = arith.addf %exp3A_458, %mul3A_470 : vector<16xf32>
      %add3A_472 = arith.addf %add3A_467, %exp3A_462 : vector<16xf32>
      %mul3A_473 = arith.constant 3.000000e+00 : f32
      %mul3A_474 = vector.broadcast %mul3A_473 : f32 to vector<16xf32>
      %mul3A_475 = arith.mulf %exp3A_462, %mul3A_474 : vector<16xf32>
      %add3A_476 = arith.addf %add3A_471, %mul3A_475 : vector<16xf32>
      %add3A_477 = arith.addf %add3A_472, %exp3A_464 : vector<16xf32>
      %mul3A_478 = arith.constant 4.000000e+00 : f32
      %mul3A_479 = vector.broadcast %mul3A_478 : f32 to vector<16xf32>
      %mul3A_480 = arith.mulf %exp3A_464, %mul3A_479 : vector<16xf32>
      %add3A_481 = arith.addf %add3A_476, %mul3A_480 : vector<16xf32>
      %add3A_482 = arith.addf %add3A_477, %exp3A_466 : vector<16xf32>
      %mul3A_483 = arith.constant 5.000000e+00 : f32
      %mul3A_484 = vector.broadcast %mul3A_483 : f32 to vector<16xf32>
      %mul3A_485 = arith.mulf %exp3A_466, %mul3A_484 : vector<16xf32>
      %add3A_486 = arith.addf %add3A_481, %mul3A_485 : vector<16xf32>
      %div3A_487 = arith.divf %add3A_486, %add3A_482 : vector<16xf32>
      %swap3A_488 = arith.constant 32 : index
      %swap3A_489 = tpu.vector_load %arg16[%swap3A_488] {strides = array<i32>} : memref<80xf32, #tpu.memory_space<vmem>>, vector<16xf32>,
      tpu.vector_store %arg16[%swap3A_488], %div3A_487 {strides = array<i32>} : memref<80xf32, #tpu.memory_space<vmem>>, vector<16xf32>,
      %get3A_490 = arith.constant 48 : index
      %get3A_491 = tpu.vector_load %arg15[%get3A_490] {strides = array<i32>} : memref<400xf32, #tpu.memory_space<vmem>>, vector<16xf32>,
      %get3A_492 = arith.constant 128 : index
      %get3A_493 = tpu.vector_load %arg15[%get3A_492] {strides = array<i32>} : memref<400xf32, #tpu.memory_space<vmem>>, vector<16xf32>,
      %get3A_494 = arith.constant 208 : index
      %get3A_495 = tpu.vector_load %arg15[%get3A_494] {strides = array<i32>} : memref<400xf32, #tpu.memory_space<vmem>>, vector<16xf32>,
      %get3A_496 = arith.constant 288 : index
      %get3A_497 = tpu.vector_load %arg15[%get3A_496] {strides = array<i32>} : memref<400xf32, #tpu.memory_space<vmem>>, vector<16xf32>,
      %get3A_498 = arith.constant 368 : index
      %get3A_499 = tpu.vector_load %arg15[%get3A_498] {strides = array<i32>} : memref<400xf32, #tpu.memory_space<vmem>>, vector<16xf32>,
      %max3A_500 = arith.maximumf %get3A_491, %get3A_493 : vector<16xf32>
      %max3A_501 = arith.maximumf %max3A_500, %get3A_495 : vector<16xf32>
      %max3A_502 = arith.maximumf %max3A_501, %get3A_497 : vector<16xf32>
      %max3A_503 = arith.maximumf %max3A_502, %get3A_499 : vector<16xf32>
      %sub3A_504 = arith.subf %get3A_491, %max3A_503 : vector<16xf32>
      %exp3A_505 = math.exp %sub3A_504 : vector<16xf32>
      %sub3A_506 = arith.subf %get3A_493, %max3A_503 : vector<16xf32>
      %exp3A_507 = math.exp %sub3A_506 : vector<16xf32>
      %sub3A_508 = arith.subf %get3A_495, %max3A_503 : vector<16xf32>
      %exp3A_509 = math.exp %sub3A_508 : vector<16xf32>
      %sub3A_510 = arith.subf %get3A_497, %max3A_503 : vector<16xf32>
      %exp3A_511 = math.exp %sub3A_510 : vector<16xf32>
      %sub3A_512 = arith.subf %get3A_499, %max3A_503 : vector<16xf32>
      %exp3A_513 = math.exp %sub3A_512 : vector<16xf32>
      %add3A_514 = arith.addf %exp3A_505, %exp3A_507 : vector<16xf32>
      %mul3A_515 = arith.constant 2.000000e+00 : f32
      %mul3A_516 = vector.broadcast %mul3A_515 : f32 to vector<16xf32>
      %mul3A_517 = arith.mulf %exp3A_507, %mul3A_516 : vector<16xf32>
      %add3A_518 = arith.addf %exp3A_505, %mul3A_517 : vector<16xf32>
      %add3A_519 = arith.addf %add3A_514, %exp3A_509 : vector<16xf32>
      %mul3A_520 = arith.constant 3.000000e+00 : f32
      %mul3A_521 = vector.broadcast %mul3A_520 : f32 to vector<16xf32>
      %mul3A_522 = arith.mulf %exp3A_509, %mul3A_521 : vector<16xf32>
      %add3A_523 = arith.addf %add3A_518, %mul3A_522 : vector<16xf32>
      %add3A_524 = arith.addf %add3A_519, %exp3A_511 : vector<16xf32>
      %mul3A_525 = arith.constant 4.000000e+00 : f32
      %mul3A_526 = vector.broadcast %mul3A_525 : f32 to vector<16xf32>
      %mul3A_527 = arith.mulf %exp3A_511, %mul3A_526 : vector<16xf32>
      %add3A_528 = arith.addf %add3A_523, %mul3A_527 : vector<16xf32>
      %add3A_529 = arith.addf %add3A_524, %exp3A_513 : vector<16xf32>
      %mul3A_530 = arith.constant 5.000000e+00 : f32
      %mul3A_531 = vector.broadcast %mul3A_530 : f32 to vector<16xf32>
      %mul3A_532 = arith.mulf %exp3A_513, %mul3A_531 : vector<16xf32>
      %add3A_533 = arith.addf %add3A_528, %mul3A_532 : vector<16xf32>
      %div3A_534 = arith.divf %add3A_533, %add3A_529 : vector<16xf32>
      %swap3A_535 = arith.constant 48 : index
      %swap3A_536 = tpu.vector_load %arg16[%swap3A_535] {strides = array<i32>} : memref<80xf32, #tpu.memory_space<vmem>>, vector<16xf32>,
      tpu.vector_store %arg16[%swap3A_535], %div3A_534 {strides = array<i32>} : memref<80xf32, #tpu.memory_space<vmem>>, vector<16xf32>,
      %get3A_537 = arith.constant 64 : index
      %get3A_538 = tpu.vector_load %arg15[%get3A_537] {strides = array<i32>} : memref<400xf32, #tpu.memory_space<vmem>>, vector<16xf32>,
      %get3A_539 = arith.constant 144 : index
      %get3A_540 = tpu.vector_load %arg15[%get3A_539] {strides = array<i32>} : memref<400xf32, #tpu.memory_space<vmem>>, vector<16xf32>,
      %get3A_541 = arith.constant 224 : index
      %get3A_542 = tpu.vector_load %arg15[%get3A_541] {strides = array<i32>} : memref<400xf32, #tpu.memory_space<vmem>>, vector<16xf32>,
      %get3A_543 = arith.constant 304 : index
      %get3A_544 = tpu.vector_load %arg15[%get3A_543] {strides = array<i32>} : memref<400xf32, #tpu.memory_space<vmem>>, vector<16xf32>,
      %get3A_545 = arith.constant 384 : index
      %get3A_546 = tpu.vector_load %arg15[%get3A_545] {strides = array<i32>} : memref<400xf32, #tpu.memory_space<vmem>>, vector<16xf32>,
      %max3A_547 = arith.maximumf %get3A_538, %get3A_540 : vector<16xf32>
      %max3A_548 = arith.maximumf %max3A_547, %get3A_542 : vector<16xf32>
      %max3A_549 = arith.maximumf %max3A_548, %get3A_544 : vector<16xf32>
      %max3A_550 = arith.maximumf %max3A_549, %get3A_546 : vector<16xf32>
      %sub3A_551 = arith.subf %get3A_538, %max3A_550 : vector<16xf32>
      %exp3A_552 = math.exp %sub3A_551 : vector<16xf32>
      %sub3A_553 = arith.subf %get3A_540, %max3A_550 : vector<16xf32>
      %exp3A_554 = math.exp %sub3A_553 : vector<16xf32>
      %sub3A_555 = arith.subf %get3A_542, %max3A_550 : vector<16xf32>
      %exp3A_556 = math.exp %sub3A_555 : vector<16xf32>
      %sub3A_557 = arith.subf %get3A_544, %max3A_550 : vector<16xf32>
      %exp3A_558 = math.exp %sub3A_557 : vector<16xf32>
      %sub3A_559 = arith.subf %get3A_546, %max3A_550 : vector<16xf32>
      %exp3A_560 = math.exp %sub3A_559 : vector<16xf32>
      %add3A_561 = arith.addf %exp3A_552, %exp3A_554 : vector<16xf32>
      %mul3A_562 = arith.constant 2.000000e+00 : f32
      %mul3A_563 = vector.broadcast %mul3A_562 : f32 to vector<16xf32>
      %mul3A_564 = arith.mulf %exp3A_554, %mul3A_563 : vector<16xf32>
      %add3A_565 = arith.addf %exp3A_552, %mul3A_564 : vector<16xf32>
      %add3A_566 = arith.addf %add3A_561, %exp3A_556 : vector<16xf32>
      %mul3A_567 = arith.constant 3.000000e+00 : f32
      %mul3A_568 = vector.broadcast %mul3A_567 : f32 to vector<16xf32>
      %mul3A_569 = arith.mulf %exp3A_556, %mul3A_568 : vector<16xf32>
      %add3A_570 = arith.addf %add3A_565, %mul3A_569 : vector<16xf32>
      %add3A_571 = arith.addf %add3A_566, %exp3A_558 : vector<16xf32>
      %mul3A_572 = arith.constant 4.000000e+00 : f32
      %mul3A_573 = vector.broadcast %mul3A_572 : f32 to vector<16xf32>
      %mul3A_574 = arith.mulf %exp3A_558, %mul3A_573 : vector<16xf32>
      %add3A_575 = arith.addf %add3A_570, %mul3A_574 : vector<16xf32>
      %add3A_576 = arith.addf %add3A_571, %exp3A_560 : vector<16xf32>
      %mul3A_577 = arith.constant 5.000000e+00 : f32
      %mul3A_578 = vector.broadcast %mul3A_577 : f32 to vector<16xf32>
      %mul3A_579 = arith.mulf %exp3A_560, %mul3A_578 : vector<16xf32>
      %add3A_580 = arith.addf %add3A_575, %mul3A_579 : vector<16xf32>
      %div3A_581 = arith.divf %add3A_580, %add3A_576 : vector<16xf32>
      %swap3A_582 = arith.constant 64 : index
      %swap3A_583 = tpu.vector_load %arg16[%swap3A_582] {strides = array<i32>} : memref<80xf32, #tpu.memory_space<vmem>>, vector<16xf32>,
      tpu.vector_store %arg16[%swap3A_582], %div3A_581 {strides = array<i32>} : memref<80xf32, #tpu.memory_space<vmem>>, vector<16xf32>,
      %mul3A_584 = arith.constant 80 : i32
      %mul3A_585 = arith.muli %mul3A_312, %mul3A_584 : i32
      %add3A_586 = arith.addi %mul3A_2, %mul3A_585 : i32
      %dma_start3A_587 = tpu.memref_slice %arg6[%add3A_586] : memref<320000xf32, #tpu.memory_space<hbm>> -> memref<80xf32, #tpu.memory_space<hbm>>
      %dma_start3A_588 = tpu.memref_slice %arg6[%add3A_586] : memref<320000xf32, #tpu.memory_space<hbm>> -> memref<80xf32, #tpu.memory_space<hbm>>
      tpu.enqueue_dma source(%arg16 : memref<80xf32, #tpu.memory_space<vmem>>) target(%dma_start3A_588 : memref<80xf32, #tpu.memory_space<hbm>>) target_semaphore(%arg22 : memref<!tpu.dma_semaphore, #tpu.memory_space<semaphore_mem>>)
      %dma_wait3A_589 = arith.constant 0 : i32
      %dma_wait3A_590 = tpu.memref_slice %arg4[%dma_wait3A_589] : memref<320000xi32, #tpu.memory_space<hbm>> -> memref<80xi32, #tpu.memory_space<hbm>>
      %dma_wait3A_591 = arith.constant 0 : i32
      %dma_wait3A_592 = tpu.memref_slice %arg4[%dma_wait3A_591] : memref<320000xi32, #tpu.memory_space<hbm>> -> memref<80xi32, #tpu.memory_space<hbm>>
      tpu.wait_dma2 semaphore(%arg20 : memref<!tpu.dma_semaphore, #tpu.memory_space<semaphore_mem>>) src(%dma_wait3A_592 : memref<80xi32, #tpu.memory_space<hbm>>) dst(%arg7 : memref<80xi32, #tpu.memory_space<vmem>>)
      %dma_wait3A_593 = arith.constant 0 : i32
      %dma_wait3A_594 = tpu.memref_slice %arg5[%dma_wait3A_593] : memref<320000xi32, #tpu.memory_space<hbm>> -> memref<80xi32, #tpu.memory_space<hbm>>
      %dma_wait3A_595 = arith.constant 0 : i32
      %dma_wait3A_596 = tpu.memref_slice %arg5[%dma_wait3A_595] : memref<320000xi32, #tpu.memory_space<hbm>> -> memref<80xi32, #tpu.memory_space<hbm>>
      tpu.wait_dma2 semaphore(%arg20 : memref<!tpu.dma_semaphore, #tpu.memory_space<semaphore_mem>>) src(%dma_wait3A_596 : memref<80xi32, #tpu.memory_space<hbm>>) dst(%arg8 : memref<80xi32, #tpu.memory_space<vmem>>)
      %dma_start3A_597 = arith.constant 0 : i32
      %dma_start3A_598 = arith.constant 0 : i32
      %dma_start3A_599 = tpu.memref_slice %arg2[%dma_start3A_597, %dma_start3A_598] : memref<10000x640xf32, #tpu.memory_space<hbm>> -> memref<10000x640xf32, #tpu.memory_space<hbm>>
      tpu.enqueue_indirect_dma source(%dma_start3A_599 : memref<10000x640xf32, #tpu.memory_space<hbm>>) target(%arg11 : memref<80x640xf32, #tpu.memory_space<vmem>>) offsets(%arg7 : memref<80xi32, #tpu.memory_space<vmem>>) semaphore(%arg18 : memref<!tpu.dma_semaphore, #tpu.memory_space<semaphore_mem>>)
      %dma_start3A_600 = arith.constant 0 : i32
      %dma_start3A_601 = arith.constant 0 : i32
      %dma_start3A_602 = tpu.memref_slice %arg3[%dma_start3A_600, %dma_start3A_601] : memref<10000x128xf32, #tpu.memory_space<hbm>> -> memref<10000x128xf32, #tpu.memory_space<hbm>>
      tpu.enqueue_indirect_dma source(%dma_start3A_602 : memref<10000x128xf32, #tpu.memory_space<hbm>>) target(%arg13 : memref<80x128xf32, #tpu.memory_space<vmem>>) offsets(%arg8 : memref<80xi32, #tpu.memory_space<vmem>>) semaphore(%arg18 : memref<!tpu.dma_semaphore, #tpu.memory_space<semaphore_mem>>)
      %dma_wait3A_603 = arith.constant 0 : i32
      %dma_wait3A_604 = arith.constant 0 : i32
      %dma_wait3A_605 = tpu.memref_slice %arg2[%dma_wait3A_603, %dma_wait3A_604] : memref<10000x640xf32, #tpu.memory_space<hbm>> -> memref<10000x640xf32, #tpu.memory_space<hbm>>
      tpu.wait_indirect_dma semaphore(%arg19 : memref<!tpu.dma_semaphore, #tpu.memory_space<semaphore_mem>>) src(%dma_wait3A_605 : memref<10000x640xf32, #tpu.memory_space<hbm>>) dst(%arg12 : memref<80x640xf32, #tpu.memory_space<vmem>>)
      %dma_wait3A_606 = arith.constant 0 : i32
      %dma_wait3A_607 = arith.constant 0 : i32
      %dma_wait3A_608 = tpu.memref_slice %arg3[%dma_wait3A_606, %dma_wait3A_607] : memref<10000x128xf32, #tpu.memory_space<hbm>> -> memref<10000x128xf32, #tpu.memory_space<hbm>>
      tpu.wait_indirect_dma semaphore(%arg19 : memref<!tpu.dma_semaphore, #tpu.memory_space<semaphore_mem>>) src(%dma_wait3A_608 : memref<10000x128xf32, #tpu.memory_space<hbm>>) dst(%arg14 : memref<80x128xf32, #tpu.memory_space<vmem>>)
      %add3A_609 = arith.constant 3 : i32
      %add3A_610 = arith.addi %mul3A_312, %add3A_609 : i32
      %lt3A = arith.constant 125 : i32
      %lt3A_611 = arith.cmpi slt, %add3A_610, %lt3A : i32
      %convert_element_type3A = arith.extui %lt3A_611 : i1 to i32
      %cond3A = arith.constant 0 : i32
      %cond3A_612 = arith.cmpi ne, %convert_element_type3A, %cond3A : i32
      scf.if %cond3A_612 {
        %add3A_862 = arith.constant 3 : i32
        %add3A_863 = arith.addi %mul3A_312, %add3A_862 : i32
        %mul3A_864 = arith.constant 80 : i32
        %mul3A_865 = arith.muli %add3A_863, %mul3A_864 : i32
        %add3A_866 = arith.addi %mul3A_2, %mul3A_865 : i32
        %dma_start3A_867 = tpu.memref_slice %arg4[%add3A_866] : memref<320000xi32, #tpu.memory_space<hbm>> -> memref<80xi32, #tpu.memory_space<hbm>>
        %dma_start3A_868 = tpu.memref_slice %arg4[%add3A_866] : memref<320000xi32, #tpu.memory_space<hbm>> -> memref<80xi32, #tpu.memory_space<hbm>>
        tpu.enqueue_dma source(%dma_start3A_868 : memref<80xi32, #tpu.memory_space<hbm>>) target(%arg9 : memref<80xi32, #tpu.memory_space<vmem>>) target_semaphore(%arg21 : memref<!tpu.dma_semaphore, #tpu.memory_space<semaphore_mem>>)
        %dma_start3A_869 = tpu.memref_slice %arg5[%add3A_866] : memref<320000xi32, #tpu.memory_space<hbm>> -> memref<80xi32, #tpu.memory_space<hbm>>
        %dma_start3A_870 = tpu.memref_slice %arg5[%add3A_866] : memref<320000xi32, #tpu.memory_space<hbm>> -> memref<80xi32, #tpu.memory_space<hbm>>
        tpu.enqueue_dma source(%dma_start3A_870 : memref<80xi32, #tpu.memory_space<hbm>>) target(%arg10 : memref<80xi32, #tpu.memory_space<vmem>>) target_semaphore(%arg21 : memref<!tpu.dma_semaphore, #tpu.memory_space<semaphore_mem>>)
      } else {
      }
      %dma_wait3A_613 = arith.constant 0 : i32
      %dma_wait3A_614 = tpu.memref_slice %arg6[%dma_wait3A_613] : memref<320000xf32, #tpu.memory_space<hbm>> -> memref<80xf32, #tpu.memory_space<hbm>>
      %dma_wait3A_615 = arith.constant 0 : i32
      %dma_wait3A_616 = tpu.memref_slice %arg6[%dma_wait3A_615] : memref<320000xf32, #tpu.memory_space<hbm>> -> memref<80xf32, #tpu.memory_space<hbm>>
      tpu.wait_dma2 semaphore(%arg23 : memref<!tpu.dma_semaphore, #tpu.memory_space<semaphore_mem>>) src(%arg17 : memref<80xf32, #tpu.memory_space<vmem>>) dst(%dma_wait3A_616 : memref<80xf32, #tpu.memory_space<hbm>>)
      %add3A_617 = arith.constant 1 : i32
      %add3A_618 = arith.addi %mul3A_312, %add3A_617 : i32
      %parallel_loop3A_619 = arith.constant 0 : i32
      %parallel_loop3A_620 = arith.constant 80 : i32
      %parallel_loop3A_621 = arith.constant 1 : i32
      scf.for %parallel_loop3A_862 = %parallel_loop3A_619 to %parallel_loop3A_620 step %parallel_loop3A_621  : i32 {
        %parallel_loop3A_863 = arith.index_cast %parallel_loop3A_862 : i32 to index
        %parallel_loop3A_864 = arith.constant 0 : index
        %parallel_loop3A_865 = tpu.vector_load %arg14[%parallel_loop3A_863, %parallel_loop3A_864] {strides = array<i32>} : memref<80x128xf32, #tpu.memory_space<vmem>>, vector<16xf32>,
        %parallel_loop3A_866 = arith.index_cast %parallel_loop3A_862 : i32 to index
        %parallel_loop3A_867 = arith.constant 16 : index
        %parallel_loop3A_868 = tpu.vector_load %arg14[%parallel_loop3A_866, %parallel_loop3A_867] {strides = array<i32>} : memref<80x128xf32, #tpu.memory_space<vmem>>, vector<16xf32>,
        %parallel_loop3A_869 = arith.index_cast %parallel_loop3A_862 : i32 to index
        %parallel_loop3A_870 = arith.constant 32 : index
        %parallel_loop3A_871 = tpu.vector_load %arg14[%parallel_loop3A_869, %parallel_loop3A_870] {strides = array<i32>} : memref<80x128xf32, #tpu.memory_space<vmem>>, vector<16xf32>,
        %parallel_loop3A_872 = arith.index_cast %parallel_loop3A_862 : i32 to index
        %parallel_loop3A_873 = arith.constant 48 : index
        %parallel_loop3A_874 = tpu.vector_load %arg14[%parallel_loop3A_872, %parallel_loop3A_873] {strides = array<i32>} : memref<80x128xf32, #tpu.memory_space<vmem>>, vector<16xf32>,
        %parallel_loop3A_875 = arith.index_cast %parallel_loop3A_862 : i32 to index
        %parallel_loop3A_876 = arith.constant 64 : index
        %parallel_loop3A_877 = tpu.vector_load %arg14[%parallel_loop3A_875, %parallel_loop3A_876] {strides = array<i32>} : memref<80x128xf32, #tpu.memory_space<vmem>>, vector<16xf32>,
        %parallel_loop3A_878 = arith.index_cast %parallel_loop3A_862 : i32 to index
        %parallel_loop3A_879 = arith.constant 80 : index
        %parallel_loop3A_880 = tpu.vector_load %arg14[%parallel_loop3A_878, %parallel_loop3A_879] {strides = array<i32>} : memref<80x128xf32, #tpu.memory_space<vmem>>, vector<16xf32>,
        %parallel_loop3A_881 = arith.index_cast %parallel_loop3A_862 : i32 to index
        %parallel_loop3A_882 = arith.constant 96 : index
        %parallel_loop3A_883 = tpu.vector_load %arg14[%parallel_loop3A_881, %parallel_loop3A_882] {strides = array<i32>} : memref<80x128xf32, #tpu.memory_space<vmem>>, vector<16xf32>,
        %parallel_loop3A_884 = arith.index_cast %parallel_loop3A_862 : i32 to index
        %parallel_loop3A_885 = arith.constant 112 : index
        %parallel_loop3A_886 = tpu.vector_load %arg14[%parallel_loop3A_884, %parallel_loop3A_885] {strides = array<i32>} : memref<80x128xf32, #tpu.memory_space<vmem>>, vector<16xf32>,
        %parallel_loop3A_887 = arith.index_cast %parallel_loop3A_862 : i32 to index
        %parallel_loop3A_888 = arith.constant 0 : index
        %parallel_loop3A_889 = tpu.vector_load %arg12[%parallel_loop3A_887, %parallel_loop3A_888] {strides = array<i32>} : memref<80x640xf32, #tpu.memory_space<vmem>>, vector<16xf32>,
        %parallel_loop3A_890 = arith.mulf %parallel_loop3A_889, %parallel_loop3A_865 : vector<16xf32>
        %parallel_loop3A_891 = arith.index_cast %parallel_loop3A_862 : i32 to index
        %parallel_loop3A_892 = arith.constant 16 : index
        %parallel_loop3A_893 = tpu.vector_load %arg12[%parallel_loop3A_891, %parallel_loop3A_892] {strides = array<i32>} : memref<80x640xf32, #tpu.memory_space<vmem>>, vector<16xf32>,
        %parallel_loop3A_894 = arith.mulf %parallel_loop3A_893, %parallel_loop3A_868 : vector<16xf32>
        %parallel_loop3A_895 = arith.addf %parallel_loop3A_890, %parallel_loop3A_894 : vector<16xf32>
        %parallel_loop3A_896 = arith.index_cast %parallel_loop3A_862 : i32 to index
        %parallel_loop3A_897 = arith.constant 32 : index
        %parallel_loop3A_898 = tpu.vector_load %arg12[%parallel_loop3A_896, %parallel_loop3A_897] {strides = array<i32>} : memref<80x640xf32, #tpu.memory_space<vmem>>, vector<16xf32>,
        %parallel_loop3A_899 = arith.mulf %parallel_loop3A_898, %parallel_loop3A_871 : vector<16xf32>
        %parallel_loop3A_900 = arith.addf %parallel_loop3A_895, %parallel_loop3A_899 : vector<16xf32>
        %parallel_loop3A_901 = arith.index_cast %parallel_loop3A_862 : i32 to index
        %parallel_loop3A_902 = arith.constant 48 : index
        %parallel_loop3A_903 = tpu.vector_load %arg12[%parallel_loop3A_901, %parallel_loop3A_902] {strides = array<i32>} : memref<80x640xf32, #tpu.memory_space<vmem>>, vector<16xf32>,
        %parallel_loop3A_904 = arith.mulf %parallel_loop3A_903, %parallel_loop3A_874 : vector<16xf32>
        %parallel_loop3A_905 = arith.addf %parallel_loop3A_900, %parallel_loop3A_904 : vector<16xf32>
        %parallel_loop3A_906 = arith.index_cast %parallel_loop3A_862 : i32 to index
        %parallel_loop3A_907 = arith.constant 64 : index
        %parallel_loop3A_908 = tpu.vector_load %arg12[%parallel_loop3A_906, %parallel_loop3A_907] {strides = array<i32>} : memref<80x640xf32, #tpu.memory_space<vmem>>, vector<16xf32>,
        %parallel_loop3A_909 = arith.mulf %parallel_loop3A_908, %parallel_loop3A_877 : vector<16xf32>
        %parallel_loop3A_910 = arith.addf %parallel_loop3A_905, %parallel_loop3A_909 : vector<16xf32>
        %parallel_loop3A_911 = arith.index_cast %parallel_loop3A_862 : i32 to index
        %parallel_loop3A_912 = arith.constant 80 : index
        %parallel_loop3A_913 = tpu.vector_load %arg12[%parallel_loop3A_911, %parallel_loop3A_912] {strides = array<i32>} : memref<80x640xf32, #tpu.memory_space<vmem>>, vector<16xf32>,
        %parallel_loop3A_914 = arith.mulf %parallel_loop3A_913, %parallel_loop3A_880 : vector<16xf32>
        %parallel_loop3A_915 = arith.addf %parallel_loop3A_910, %parallel_loop3A_914 : vector<16xf32>
        %parallel_loop3A_916 = arith.index_cast %parallel_loop3A_862 : i32 to index
        %parallel_loop3A_917 = arith.constant 96 : index
        %parallel_loop3A_918 = tpu.vector_load %arg12[%parallel_loop3A_916, %parallel_loop3A_917] {strides = array<i32>} : memref<80x640xf32, #tpu.memory_space<vmem>>, vector<16xf32>,
        %parallel_loop3A_919 = arith.mulf %parallel_loop3A_918, %parallel_loop3A_883 : vector<16xf32>
        %parallel_loop3A_920 = arith.addf %parallel_loop3A_915, %parallel_loop3A_919 : vector<16xf32>
        %parallel_loop3A_921 = arith.index_cast %parallel_loop3A_862 : i32 to index
        %parallel_loop3A_922 = arith.constant 112 : index
        %parallel_loop3A_923 = tpu.vector_load %arg12[%parallel_loop3A_921, %parallel_loop3A_922] {strides = array<i32>} : memref<80x640xf32, #tpu.memory_space<vmem>>, vector<16xf32>,
        %parallel_loop3A_924 = arith.mulf %parallel_loop3A_923, %parallel_loop3A_886 : vector<16xf32>
        %parallel_loop3A_925 = arith.addf %parallel_loop3A_920, %parallel_loop3A_924 : vector<16xf32>
        %parallel_loop3A_926 = arith.constant true
        %parallel_loop3A_927 = vector.broadcast %parallel_loop3A_926 : i1 to vector<16xi1>
        %parallel_loop3A_928 = tpu.scan <sum>, %parallel_loop3A_925 masked %parallel_loop3A_927 : vector<16xf32>, vector<16xi1> -> vector<16xf32>
        %parallel_loop3A_929 = vector.broadcast %parallel_loop3A_862 : i32 to vector<16xi32>
        %parallel_loop3A_930 = arith.addi %add3A_7, %parallel_loop3A_929 : vector<16xi32>
        tpu.vector_store_idx %arg15[%parallel_loop3A_930], %parallel_loop3A_928 masked %eq3A_4 : memref<400xf32, #tpu.memory_space<vmem>>[vector<16xi32>], vector<16xf32>, vector<16xi1>
        %parallel_loop3A_931 = arith.index_cast %parallel_loop3A_862 : i32 to index
        %parallel_loop3A_932 = arith.constant 128 : index
        %parallel_loop3A_933 = tpu.vector_load %arg12[%parallel_loop3A_931, %parallel_loop3A_932] {strides = array<i32>} : memref<80x640xf32, #tpu.memory_space<vmem>>, vector<16xf32>,
        %parallel_loop3A_934 = arith.mulf %parallel_loop3A_933, %parallel_loop3A_865 : vector<16xf32>
        %parallel_loop3A_935 = arith.index_cast %parallel_loop3A_862 : i32 to index
        %parallel_loop3A_936 = arith.constant 144 : index
        %parallel_loop3A_937 = tpu.vector_load %arg12[%parallel_loop3A_935, %parallel_loop3A_936] {strides = array<i32>} : memref<80x640xf32, #tpu.memory_space<vmem>>, vector<16xf32>,
        %parallel_loop3A_938 = arith.mulf %parallel_loop3A_937, %parallel_loop3A_868 : vector<16xf32>
        %parallel_loop3A_939 = arith.addf %parallel_loop3A_934, %parallel_loop3A_938 : vector<16xf32>
        %parallel_loop3A_940 = arith.index_cast %parallel_loop3A_862 : i32 to index
        %parallel_loop3A_941 = arith.constant 160 : index
        %parallel_loop3A_942 = tpu.vector_load %arg12[%parallel_loop3A_940, %parallel_loop3A_941] {strides = array<i32>} : memref<80x640xf32, #tpu.memory_space<vmem>>, vector<16xf32>,
        %parallel_loop3A_943 = arith.mulf %parallel_loop3A_942, %parallel_loop3A_871 : vector<16xf32>
        %parallel_loop3A_944 = arith.addf %parallel_loop3A_939, %parallel_loop3A_943 : vector<16xf32>
        %parallel_loop3A_945 = arith.index_cast %parallel_loop3A_862 : i32 to index
        %parallel_loop3A_946 = arith.constant 176 : index
        %parallel_loop3A_947 = tpu.vector_load %arg12[%parallel_loop3A_945, %parallel_loop3A_946] {strides = array<i32>} : memref<80x640xf32, #tpu.memory_space<vmem>>, vector<16xf32>,
        %parallel_loop3A_948 = arith.mulf %parallel_loop3A_947, %parallel_loop3A_874 : vector<16xf32>
        %parallel_loop3A_949 = arith.addf %parallel_loop3A_944, %parallel_loop3A_948 : vector<16xf32>
        %parallel_loop3A_950 = arith.index_cast %parallel_loop3A_862 : i32 to index
        %parallel_loop3A_951 = arith.constant 192 : index
        %parallel_loop3A_952 = tpu.vector_load %arg12[%parallel_loop3A_950, %parallel_loop3A_951] {strides = array<i32>} : memref<80x640xf32, #tpu.memory_space<vmem>>, vector<16xf32>,
        %parallel_loop3A_953 = arith.mulf %parallel_loop3A_952, %parallel_loop3A_877 : vector<16xf32>
        %parallel_loop3A_954 = arith.addf %parallel_loop3A_949, %parallel_loop3A_953 : vector<16xf32>
        %parallel_loop3A_955 = arith.index_cast %parallel_loop3A_862 : i32 to index
        %parallel_loop3A_956 = arith.constant 208 : index
        %parallel_loop3A_957 = tpu.vector_load %arg12[%parallel_loop3A_955, %parallel_loop3A_956] {strides = array<i32>} : memref<80x640xf32, #tpu.memory_space<vmem>>, vector<16xf32>,
        %parallel_loop3A_958 = arith.mulf %parallel_loop3A_957, %parallel_loop3A_880 : vector<16xf32>
        %parallel_loop3A_959 = arith.addf %parallel_loop3A_954, %parallel_loop3A_958 : vector<16xf32>
        %parallel_loop3A_960 = arith.index_cast %parallel_loop3A_862 : i32 to index
        %parallel_loop3A_961 = arith.constant 224 : index
        %parallel_loop3A_962 = tpu.vector_load %arg12[%parallel_loop3A_960, %parallel_loop3A_961] {strides = array<i32>} : memref<80x640xf32, #tpu.memory_space<vmem>>, vector<16xf32>,
        %parallel_loop3A_963 = arith.mulf %parallel_loop3A_962, %parallel_loop3A_883 : vector<16xf32>
        %parallel_loop3A_964 = arith.addf %parallel_loop3A_959, %parallel_loop3A_963 : vector<16xf32>
        %parallel_loop3A_965 = arith.index_cast %parallel_loop3A_862 : i32 to index
        %parallel_loop3A_966 = arith.constant 240 : index
        %parallel_loop3A_967 = tpu.vector_load %arg12[%parallel_loop3A_965, %parallel_loop3A_966] {strides = array<i32>} : memref<80x640xf32, #tpu.memory_space<vmem>>, vector<16xf32>,
        %parallel_loop3A_968 = arith.mulf %parallel_loop3A_967, %parallel_loop3A_886 : vector<16xf32>
        %parallel_loop3A_969 = arith.addf %parallel_loop3A_964, %parallel_loop3A_968 : vector<16xf32>
        %parallel_loop3A_970 = arith.constant true
        %parallel_loop3A_971 = vector.broadcast %parallel_loop3A_970 : i1 to vector<16xi1>
        %parallel_loop3A_972 = tpu.scan <sum>, %parallel_loop3A_969 masked %parallel_loop3A_971 : vector<16xf32>, vector<16xi1> -> vector<16xf32>
        %parallel_loop3A_973 = vector.broadcast %parallel_loop3A_862 : i32 to vector<16xi32>
        %parallel_loop3A_974 = arith.addi %add3A_10, %parallel_loop3A_973 : vector<16xi32>
        tpu.vector_store_idx %arg15[%parallel_loop3A_974], %parallel_loop3A_972 masked %eq3A_4 : memref<400xf32, #tpu.memory_space<vmem>>[vector<16xi32>], vector<16xf32>, vector<16xi1>
        %parallel_loop3A_975 = arith.index_cast %parallel_loop3A_862 : i32 to index
        %parallel_loop3A_976 = arith.constant 256 : index
        %parallel_loop3A_977 = tpu.vector_load %arg12[%parallel_loop3A_975, %parallel_loop3A_976] {strides = array<i32>} : memref<80x640xf32, #tpu.memory_space<vmem>>, vector<16xf32>,
        %parallel_loop3A_978 = arith.mulf %parallel_loop3A_977, %parallel_loop3A_865 : vector<16xf32>
        %parallel_loop3A_979 = arith.index_cast %parallel_loop3A_862 : i32 to index
        %parallel_loop3A_980 = arith.constant 272 : index
        %parallel_loop3A_981 = tpu.vector_load %arg12[%parallel_loop3A_979, %parallel_loop3A_980] {strides = array<i32>} : memref<80x640xf32, #tpu.memory_space<vmem>>, vector<16xf32>,
        %parallel_loop3A_982 = arith.mulf %parallel_loop3A_981, %parallel_loop3A_868 : vector<16xf32>
        %parallel_loop3A_983 = arith.addf %parallel_loop3A_978, %parallel_loop3A_982 : vector<16xf32>
        %parallel_loop3A_984 = arith.index_cast %parallel_loop3A_862 : i32 to index
        %parallel_loop3A_985 = arith.constant 288 : index
        %parallel_loop3A_986 = tpu.vector_load %arg12[%parallel_loop3A_984, %parallel_loop3A_985] {strides = array<i32>} : memref<80x640xf32, #tpu.memory_space<vmem>>, vector<16xf32>,
        %parallel_loop3A_987 = arith.mulf %parallel_loop3A_986, %parallel_loop3A_871 : vector<16xf32>
        %parallel_loop3A_988 = arith.addf %parallel_loop3A_983, %parallel_loop3A_987 : vector<16xf32>
        %parallel_loop3A_989 = arith.index_cast %parallel_loop3A_862 : i32 to index
        %parallel_loop3A_990 = arith.constant 304 : index
        %parallel_loop3A_991 = tpu.vector_load %arg12[%parallel_loop3A_989, %parallel_loop3A_990] {strides = array<i32>} : memref<80x640xf32, #tpu.memory_space<vmem>>, vector<16xf32>,
        %parallel_loop3A_992 = arith.mulf %parallel_loop3A_991, %parallel_loop3A_874 : vector<16xf32>
        %parallel_loop3A_993 = arith.addf %parallel_loop3A_988, %parallel_loop3A_992 : vector<16xf32>
        %parallel_loop3A_994 = arith.index_cast %parallel_loop3A_862 : i32 to index
        %parallel_loop3A_995 = arith.constant 320 : index
        %parallel_loop3A_996 = tpu.vector_load %arg12[%parallel_loop3A_994, %parallel_loop3A_995] {strides = array<i32>} : memref<80x640xf32, #tpu.memory_space<vmem>>, vector<16xf32>,
        %parallel_loop3A_997 = arith.mulf %parallel_loop3A_996, %parallel_loop3A_877 : vector<16xf32>
        %parallel_loop3A_998 = arith.addf %parallel_loop3A_993, %parallel_loop3A_997 : vector<16xf32>
        %parallel_loop3A_999 = arith.index_cast %parallel_loop3A_862 : i32 to index
        %parallel_loop3A_1000 = arith.constant 336 : index
        %parallel_loop3A_1001 = tpu.vector_load %arg12[%parallel_loop3A_999, %parallel_loop3A_1000] {strides = array<i32>} : memref<80x640xf32, #tpu.memory_space<vmem>>, vector<16xf32>,
        %parallel_loop3A_1002 = arith.mulf %parallel_loop3A_1001, %parallel_loop3A_880 : vector<16xf32>
        %parallel_loop3A_1003 = arith.addf %parallel_loop3A_998, %parallel_loop3A_1002 : vector<16xf32>
        %parallel_loop3A_1004 = arith.index_cast %parallel_loop3A_862 : i32 to index
        %parallel_loop3A_1005 = arith.constant 352 : index
        %parallel_loop3A_1006 = tpu.vector_load %arg12[%parallel_loop3A_1004, %parallel_loop3A_1005] {strides = array<i32>} : memref<80x640xf32, #tpu.memory_space<vmem>>, vector<16xf32>,
        %parallel_loop3A_1007 = arith.mulf %parallel_loop3A_1006, %parallel_loop3A_883 : vector<16xf32>
        %parallel_loop3A_1008 = arith.addf %parallel_loop3A_1003, %parallel_loop3A_1007 : vector<16xf32>
        %parallel_loop3A_1009 = arith.index_cast %parallel_loop3A_862 : i32 to index
        %parallel_loop3A_1010 = arith.constant 368 : index
        %parallel_loop3A_1011 = tpu.vector_load %arg12[%parallel_loop3A_1009, %parallel_loop3A_1010] {strides = array<i32>} : memref<80x640xf32, #tpu.memory_space<vmem>>, vector<16xf32>,
        %parallel_loop3A_1012 = arith.mulf %parallel_loop3A_1011, %parallel_loop3A_886 : vector<16xf32>
        %parallel_loop3A_1013 = arith.addf %parallel_loop3A_1008, %parallel_loop3A_1012 : vector<16xf32>
        %parallel_loop3A_1014 = arith.constant true
        %parallel_loop3A_1015 = vector.broadcast %parallel_loop3A_1014 : i1 to vector<16xi1>
        %parallel_loop3A_1016 = tpu.scan <sum>, %parallel_loop3A_1013 masked %parallel_loop3A_1015 : vector<16xf32>, vector<16xi1> -> vector<16xf32>
        %parallel_loop3A_1017 = vector.broadcast %parallel_loop3A_862 : i32 to vector<16xi32>
        %parallel_loop3A_1018 = arith.addi %add3A_13, %parallel_loop3A_1017 : vector<16xi32>
        tpu.vector_store_idx %arg15[%parallel_loop3A_1018], %parallel_loop3A_1016 masked %eq3A_4 : memref<400xf32, #tpu.memory_space<vmem>>[vector<16xi32>], vector<16xf32>, vector<16xi1>
        %parallel_loop3A_1019 = arith.index_cast %parallel_loop3A_862 : i32 to index
        %parallel_loop3A_1020 = arith.constant 384 : index
        %parallel_loop3A_1021 = tpu.vector_load %arg12[%parallel_loop3A_1019, %parallel_loop3A_1020] {strides = array<i32>} : memref<80x640xf32, #tpu.memory_space<vmem>>, vector<16xf32>,
        %parallel_loop3A_1022 = arith.mulf %parallel_loop3A_1021, %parallel_loop3A_865 : vector<16xf32>
        %parallel_loop3A_1023 = arith.index_cast %parallel_loop3A_862 : i32 to index
        %parallel_loop3A_1024 = arith.constant 400 : index
        %parallel_loop3A_1025 = tpu.vector_load %arg12[%parallel_loop3A_1023, %parallel_loop3A_1024] {strides = array<i32>} : memref<80x640xf32, #tpu.memory_space<vmem>>, vector<16xf32>,
        %parallel_loop3A_1026 = arith.mulf %parallel_loop3A_1025, %parallel_loop3A_868 : vector<16xf32>
        %parallel_loop3A_1027 = arith.addf %parallel_loop3A_1022, %parallel_loop3A_1026 : vector<16xf32>
        %parallel_loop3A_1028 = arith.index_cast %parallel_loop3A_862 : i32 to index
        %parallel_loop3A_1029 = arith.constant 416 : index
        %parallel_loop3A_1030 = tpu.vector_load %arg12[%parallel_loop3A_1028, %parallel_loop3A_1029] {strides = array<i32>} : memref<80x640xf32, #tpu.memory_space<vmem>>, vector<16xf32>,
        %parallel_loop3A_1031 = arith.mulf %parallel_loop3A_1030, %parallel_loop3A_871 : vector<16xf32>
        %parallel_loop3A_1032 = arith.addf %parallel_loop3A_1027, %parallel_loop3A_1031 : vector<16xf32>
        %parallel_loop3A_1033 = arith.index_cast %parallel_loop3A_862 : i32 to index
        %parallel_loop3A_1034 = arith.constant 432 : index
        %parallel_loop3A_1035 = tpu.vector_load %arg12[%parallel_loop3A_1033, %parallel_loop3A_1034] {strides = array<i32>} : memref<80x640xf32, #tpu.memory_space<vmem>>, vector<16xf32>,
        %parallel_loop3A_1036 = arith.mulf %parallel_loop3A_1035, %parallel_loop3A_874 : vector<16xf32>
        %parallel_loop3A_1037 = arith.addf %parallel_loop3A_1032, %parallel_loop3A_1036 : vector<16xf32>
        %parallel_loop3A_1038 = arith.index_cast %parallel_loop3A_862 : i32 to index
        %parallel_loop3A_1039 = arith.constant 448 : index
        %parallel_loop3A_1040 = tpu.vector_load %arg12[%parallel_loop3A_1038, %parallel_loop3A_1039] {strides = array<i32>} : memref<80x640xf32, #tpu.memory_space<vmem>>, vector<16xf32>,
        %parallel_loop3A_1041 = arith.mulf %parallel_loop3A_1040, %parallel_loop3A_877 : vector<16xf32>
        %parallel_loop3A_1042 = arith.addf %parallel_loop3A_1037, %parallel_loop3A_1041 : vector<16xf32>
        %parallel_loop3A_1043 = arith.index_cast %parallel_loop3A_862 : i32 to index
        %parallel_loop3A_1044 = arith.constant 464 : index
        %parallel_loop3A_1045 = tpu.vector_load %arg12[%parallel_loop3A_1043, %parallel_loop3A_1044] {strides = array<i32>} : memref<80x640xf32, #tpu.memory_space<vmem>>, vector<16xf32>,
        %parallel_loop3A_1046 = arith.mulf %parallel_loop3A_1045, %parallel_loop3A_880 : vector<16xf32>
        %parallel_loop3A_1047 = arith.addf %parallel_loop3A_1042, %parallel_loop3A_1046 : vector<16xf32>
        %parallel_loop3A_1048 = arith.index_cast %parallel_loop3A_862 : i32 to index
        %parallel_loop3A_1049 = arith.constant 480 : index
        %parallel_loop3A_1050 = tpu.vector_load %arg12[%parallel_loop3A_1048, %parallel_loop3A_1049] {strides = array<i32>} : memref<80x640xf32, #tpu.memory_space<vmem>>, vector<16xf32>,
        %parallel_loop3A_1051 = arith.mulf %parallel_loop3A_1050, %parallel_loop3A_883 : vector<16xf32>
        %parallel_loop3A_1052 = arith.addf %parallel_loop3A_1047, %parallel_loop3A_1051 : vector<16xf32>
        %parallel_loop3A_1053 = arith.index_cast %parallel_loop3A_862 : i32 to index
        %parallel_loop3A_1054 = arith.constant 496 : index
        %parallel_loop3A_1055 = tpu.vector_load %arg12[%parallel_loop3A_1053, %parallel_loop3A_1054] {strides = array<i32>} : memref<80x640xf32, #tpu.memory_space<vmem>>, vector<16xf32>,
        %parallel_loop3A_1056 = arith.mulf %parallel_loop3A_1055, %parallel_loop3A_886 : vector<16xf32>
        %parallel_loop3A_1057 = arith.addf %parallel_loop3A_1052, %parallel_loop3A_1056 : vector<16xf32>
        %parallel_loop3A_1058 = arith.constant true
        %parallel_loop3A_1059 = vector.broadcast %parallel_loop3A_1058 : i1 to vector<16xi1>
        %parallel_loop3A_1060 = tpu.scan <sum>, %parallel_loop3A_1057 masked %parallel_loop3A_1059 : vector<16xf32>, vector<16xi1> -> vector<16xf32>
        %parallel_loop3A_1061 = vector.broadcast %parallel_loop3A_862 : i32 to vector<16xi32>
        %parallel_loop3A_1062 = arith.addi %add3A_16, %parallel_loop3A_1061 : vector<16xi32>
        tpu.vector_store_idx %arg15[%parallel_loop3A_1062], %parallel_loop3A_1060 masked %eq3A_4 : memref<400xf32, #tpu.memory_space<vmem>>[vector<16xi32>], vector<16xf32>, vector<16xi1>
        %parallel_loop3A_1063 = arith.index_cast %parallel_loop3A_862 : i32 to index
        %parallel_loop3A_1064 = arith.constant 512 : index
        %parallel_loop3A_1065 = tpu.vector_load %arg12[%parallel_loop3A_1063, %parallel_loop3A_1064] {strides = array<i32>} : memref<80x640xf32, #tpu.memory_space<vmem>>, vector<16xf32>,
        %parallel_loop3A_1066 = arith.mulf %parallel_loop3A_1065, %parallel_loop3A_865 : vector<16xf32>
        %parallel_loop3A_1067 = arith.index_cast %parallel_loop3A_862 : i32 to index
        %parallel_loop3A_1068 = arith.constant 528 : index
        %parallel_loop3A_1069 = tpu.vector_load %arg12[%parallel_loop3A_1067, %parallel_loop3A_1068] {strides = array<i32>} : memref<80x640xf32, #tpu.memory_space<vmem>>, vector<16xf32>,
        %parallel_loop3A_1070 = arith.mulf %parallel_loop3A_1069, %parallel_loop3A_868 : vector<16xf32>
        %parallel_loop3A_1071 = arith.addf %parallel_loop3A_1066, %parallel_loop3A_1070 : vector<16xf32>
        %parallel_loop3A_1072 = arith.index_cast %parallel_loop3A_862 : i32 to index
        %parallel_loop3A_1073 = arith.constant 544 : index
        %parallel_loop3A_1074 = tpu.vector_load %arg12[%parallel_loop3A_1072, %parallel_loop3A_1073] {strides = array<i32>} : memref<80x640xf32, #tpu.memory_space<vmem>>, vector<16xf32>,
        %parallel_loop3A_1075 = arith.mulf %parallel_loop3A_1074, %parallel_loop3A_871 : vector<16xf32>
        %parallel_loop3A_1076 = arith.addf %parallel_loop3A_1071, %parallel_loop3A_1075 : vector<16xf32>
        %parallel_loop3A_1077 = arith.index_cast %parallel_loop3A_862 : i32 to index
        %parallel_loop3A_1078 = arith.constant 560 : index
        %parallel_loop3A_1079 = tpu.vector_load %arg12[%parallel_loop3A_1077, %parallel_loop3A_1078] {strides = array<i32>} : memref<80x640xf32, #tpu.memory_space<vmem>>, vector<16xf32>,
        %parallel_loop3A_1080 = arith.mulf %parallel_loop3A_1079, %parallel_loop3A_874 : vector<16xf32>
        %parallel_loop3A_1081 = arith.addf %parallel_loop3A_1076, %parallel_loop3A_1080 : vector<16xf32>
        %parallel_loop3A_1082 = arith.index_cast %parallel_loop3A_862 : i32 to index
        %parallel_loop3A_1083 = arith.constant 576 : index
        %parallel_loop3A_1084 = tpu.vector_load %arg12[%parallel_loop3A_1082, %parallel_loop3A_1083] {strides = array<i32>} : memref<80x640xf32, #tpu.memory_space<vmem>>, vector<16xf32>,
        %parallel_loop3A_1085 = arith.mulf %parallel_loop3A_1084, %parallel_loop3A_877 : vector<16xf32>
        %parallel_loop3A_1086 = arith.addf %parallel_loop3A_1081, %parallel_loop3A_1085 : vector<16xf32>
        %parallel_loop3A_1087 = arith.index_cast %parallel_loop3A_862 : i32 to index
        %parallel_loop3A_1088 = arith.constant 592 : index
        %parallel_loop3A_1089 = tpu.vector_load %arg12[%parallel_loop3A_1087, %parallel_loop3A_1088] {strides = array<i32>} : memref<80x640xf32, #tpu.memory_space<vmem>>, vector<16xf32>,
        %parallel_loop3A_1090 = arith.mulf %parallel_loop3A_1089, %parallel_loop3A_880 : vector<16xf32>
        %parallel_loop3A_1091 = arith.addf %parallel_loop3A_1086, %parallel_loop3A_1090 : vector<16xf32>
        %parallel_loop3A_1092 = arith.index_cast %parallel_loop3A_862 : i32 to index
        %parallel_loop3A_1093 = arith.constant 608 : index
        %parallel_loop3A_1094 = tpu.vector_load %arg12[%parallel_loop3A_1092, %parallel_loop3A_1093] {strides = array<i32>} : memref<80x640xf32, #tpu.memory_space<vmem>>, vector<16xf32>,
        %parallel_loop3A_1095 = arith.mulf %parallel_loop3A_1094, %parallel_loop3A_883 : vector<16xf32>
        %parallel_loop3A_1096 = arith.addf %parallel_loop3A_1091, %parallel_loop3A_1095 : vector<16xf32>
        %parallel_loop3A_1097 = arith.index_cast %parallel_loop3A_862 : i32 to index
        %parallel_loop3A_1098 = arith.constant 624 : index
        %parallel_loop3A_1099 = tpu.vector_load %arg12[%parallel_loop3A_1097, %parallel_loop3A_1098] {strides = array<i32>} : memref<80x640xf32, #tpu.memory_space<vmem>>, vector<16xf32>,
        %parallel_loop3A_1100 = arith.mulf %parallel_loop3A_1099, %parallel_loop3A_886 : vector<16xf32>
        %parallel_loop3A_1101 = arith.addf %parallel_loop3A_1096, %parallel_loop3A_1100 : vector<16xf32>
        %parallel_loop3A_1102 = arith.constant true
        %parallel_loop3A_1103 = vector.broadcast %parallel_loop3A_1102 : i1 to vector<16xi1>
        %parallel_loop3A_1104 = tpu.scan <sum>, %parallel_loop3A_1101 masked %parallel_loop3A_1103 : vector<16xf32>, vector<16xi1> -> vector<16xf32>
        %parallel_loop3A_1105 = vector.broadcast %parallel_loop3A_862 : i32 to vector<16xi32>
        %parallel_loop3A_1106 = arith.addi %add3A_19, %parallel_loop3A_1105 : vector<16xi32>
        tpu.vector_store_idx %arg15[%parallel_loop3A_1106], %parallel_loop3A_1104 masked %eq3A_4 : memref<400xf32, #tpu.memory_space<vmem>>[vector<16xi32>], vector<16xf32>, vector<16xi1>
      } {sc.loop_unroll_factor = 1 : i64, sc.parallel_access}
      %get3A_622 = arith.constant 0 : index
      %get3A_623 = tpu.vector_load %arg15[%get3A_622] {strides = array<i32>} : memref<400xf32, #tpu.memory_space<vmem>>, vector<16xf32>,
      %get3A_624 = arith.constant 80 : index
      %get3A_625 = tpu.vector_load %arg15[%get3A_624] {strides = array<i32>} : memref<400xf32, #tpu.memory_space<vmem>>, vector<16xf32>,
      %get3A_626 = arith.constant 160 : index
      %get3A_627 = tpu.vector_load %arg15[%get3A_626] {strides = array<i32>} : memref<400xf32, #tpu.memory_space<vmem>>, vector<16xf32>,
      %get3A_628 = arith.constant 240 : index
      %get3A_629 = tpu.vector_load %arg15[%get3A_628] {strides = array<i32>} : memref<400xf32, #tpu.memory_space<vmem>>, vector<16xf32>,
      %get3A_630 = arith.constant 320 : index
      %get3A_631 = tpu.vector_load %arg15[%get3A_630] {strides = array<i32>} : memref<400xf32, #tpu.memory_space<vmem>>, vector<16xf32>,
      %max3A_632 = arith.maximumf %get3A_623, %get3A_625 : vector<16xf32>
      %max3A_633 = arith.maximumf %max3A_632, %get3A_627 : vector<16xf32>
      %max3A_634 = arith.maximumf %max3A_633, %get3A_629 : vector<16xf32>
      %max3A_635 = arith.maximumf %max3A_634, %get3A_631 : vector<16xf32>
      %sub3A_636 = arith.subf %get3A_623, %max3A_635 : vector<16xf32>
      %exp3A_637 = math.exp %sub3A_636 : vector<16xf32>
      %sub3A_638 = arith.subf %get3A_625, %max3A_635 : vector<16xf32>
      %exp3A_639 = math.exp %sub3A_638 : vector<16xf32>
      %sub3A_640 = arith.subf %get3A_627, %max3A_635 : vector<16xf32>
      %exp3A_641 = math.exp %sub3A_640 : vector<16xf32>
      %sub3A_642 = arith.subf %get3A_629, %max3A_635 : vector<16xf32>
      %exp3A_643 = math.exp %sub3A_642 : vector<16xf32>
      %sub3A_644 = arith.subf %get3A_631, %max3A_635 : vector<16xf32>
      %exp3A_645 = math.exp %sub3A_644 : vector<16xf32>
      %add3A_646 = arith.addf %exp3A_637, %exp3A_639 : vector<16xf32>
      %mul3A_647 = arith.constant 2.000000e+00 : f32
      %mul3A_648 = vector.broadcast %mul3A_647 : f32 to vector<16xf32>
      %mul3A_649 = arith.mulf %exp3A_639, %mul3A_648 : vector<16xf32>
      %add3A_650 = arith.addf %exp3A_637, %mul3A_649 : vector<16xf32>
      %add3A_651 = arith.addf %add3A_646, %exp3A_641 : vector<16xf32>
      %mul3A_652 = arith.constant 3.000000e+00 : f32
      %mul3A_653 = vector.broadcast %mul3A_652 : f32 to vector<16xf32>
      %mul3A_654 = arith.mulf %exp3A_641, %mul3A_653 : vector<16xf32>
      %add3A_655 = arith.addf %add3A_650, %mul3A_654 : vector<16xf32>
      %add3A_656 = arith.addf %add3A_651, %exp3A_643 : vector<16xf32>
      %mul3A_657 = arith.constant 4.000000e+00 : f32
      %mul3A_658 = vector.broadcast %mul3A_657 : f32 to vector<16xf32>
      %mul3A_659 = arith.mulf %exp3A_643, %mul3A_658 : vector<16xf32>
      %add3A_660 = arith.addf %add3A_655, %mul3A_659 : vector<16xf32>
      %add3A_661 = arith.addf %add3A_656, %exp3A_645 : vector<16xf32>
      %mul3A_662 = arith.constant 5.000000e+00 : f32
      %mul3A_663 = vector.broadcast %mul3A_662 : f32 to vector<16xf32>
      %mul3A_664 = arith.mulf %exp3A_645, %mul3A_663 : vector<16xf32>
      %add3A_665 = arith.addf %add3A_660, %mul3A_664 : vector<16xf32>
      %div3A_666 = arith.divf %add3A_665, %add3A_661 : vector<16xf32>
      %swap3A_667 = arith.constant 0 : index
      %swap3A_668 = tpu.vector_load %arg17[%swap3A_667] {strides = array<i32>} : memref<80xf32, #tpu.memory_space<vmem>>, vector<16xf32>,
      tpu.vector_store %arg17[%swap3A_667], %div3A_666 {strides = array<i32>} : memref<80xf32, #tpu.memory_space<vmem>>, vector<16xf32>,
      %get3A_669 = arith.constant 16 : index
      %get3A_670 = tpu.vector_load %arg15[%get3A_669] {strides = array<i32>} : memref<400xf32, #tpu.memory_space<vmem>>, vector<16xf32>,
      %get3A_671 = arith.constant 96 : index
      %get3A_672 = tpu.vector_load %arg15[%get3A_671] {strides = array<i32>} : memref<400xf32, #tpu.memory_space<vmem>>, vector<16xf32>,
      %get3A_673 = arith.constant 176 : index
      %get3A_674 = tpu.vector_load %arg15[%get3A_673] {strides = array<i32>} : memref<400xf32, #tpu.memory_space<vmem>>, vector<16xf32>,
      %get3A_675 = arith.constant 256 : index
      %get3A_676 = tpu.vector_load %arg15[%get3A_675] {strides = array<i32>} : memref<400xf32, #tpu.memory_space<vmem>>, vector<16xf32>,
      %get3A_677 = arith.constant 336 : index
      %get3A_678 = tpu.vector_load %arg15[%get3A_677] {strides = array<i32>} : memref<400xf32, #tpu.memory_space<vmem>>, vector<16xf32>,
      %max3A_679 = arith.maximumf %get3A_670, %get3A_672 : vector<16xf32>
      %max3A_680 = arith.maximumf %max3A_679, %get3A_674 : vector<16xf32>
      %max3A_681 = arith.maximumf %max3A_680, %get3A_676 : vector<16xf32>
      %max3A_682 = arith.maximumf %max3A_681, %get3A_678 : vector<16xf32>
      %sub3A_683 = arith.subf %get3A_670, %max3A_682 : vector<16xf32>
      %exp3A_684 = math.exp %sub3A_683 : vector<16xf32>
      %sub3A_685 = arith.subf %get3A_672, %max3A_682 : vector<16xf32>
      %exp3A_686 = math.exp %sub3A_685 : vector<16xf32>
      %sub3A_687 = arith.subf %get3A_674, %max3A_682 : vector<16xf32>
      %exp3A_688 = math.exp %sub3A_687 : vector<16xf32>
      %sub3A_689 = arith.subf %get3A_676, %max3A_682 : vector<16xf32>
      %exp3A_690 = math.exp %sub3A_689 : vector<16xf32>
      %sub3A_691 = arith.subf %get3A_678, %max3A_682 : vector<16xf32>
      %exp3A_692 = math.exp %sub3A_691 : vector<16xf32>
      %add3A_693 = arith.addf %exp3A_684, %exp3A_686 : vector<16xf32>
      %mul3A_694 = arith.constant 2.000000e+00 : f32
      %mul3A_695 = vector.broadcast %mul3A_694 : f32 to vector<16xf32>
      %mul3A_696 = arith.mulf %exp3A_686, %mul3A_695 : vector<16xf32>
      %add3A_697 = arith.addf %exp3A_684, %mul3A_696 : vector<16xf32>
      %add3A_698 = arith.addf %add3A_693, %exp3A_688 : vector<16xf32>
      %mul3A_699 = arith.constant 3.000000e+00 : f32
      %mul3A_700 = vector.broadcast %mul3A_699 : f32 to vector<16xf32>
      %mul3A_701 = arith.mulf %exp3A_688, %mul3A_700 : vector<16xf32>
      %add3A_702 = arith.addf %add3A_697, %mul3A_701 : vector<16xf32>
      %add3A_703 = arith.addf %add3A_698, %exp3A_690 : vector<16xf32>
      %mul3A_704 = arith.constant 4.000000e+00 : f32
      %mul3A_705 = vector.broadcast %mul3A_704 : f32 to vector<16xf32>
      %mul3A_706 = arith.mulf %exp3A_690, %mul3A_705 : vector<16xf32>
      %add3A_707 = arith.addf %add3A_702, %mul3A_706 : vector<16xf32>
      %add3A_708 = arith.addf %add3A_703, %exp3A_692 : vector<16xf32>
      %mul3A_709 = arith.constant 5.000000e+00 : f32
      %mul3A_710 = vector.broadcast %mul3A_709 : f32 to vector<16xf32>
      %mul3A_711 = arith.mulf %exp3A_692, %mul3A_710 : vector<16xf32>
      %add3A_712 = arith.addf %add3A_707, %mul3A_711 : vector<16xf32>
      %div3A_713 = arith.divf %add3A_712, %add3A_708 : vector<16xf32>
      %swap3A_714 = arith.constant 16 : index
      %swap3A_715 = tpu.vector_load %arg17[%swap3A_714] {strides = array<i32>} : memref<80xf32, #tpu.memory_space<vmem>>, vector<16xf32>,
      tpu.vector_store %arg17[%swap3A_714], %div3A_713 {strides = array<i32>} : memref<80xf32, #tpu.memory_space<vmem>>, vector<16xf32>,
      %get3A_716 = arith.constant 32 : index
      %get3A_717 = tpu.vector_load %arg15[%get3A_716] {strides = array<i32>} : memref<400xf32, #tpu.memory_space<vmem>>, vector<16xf32>,
      %get3A_718 = arith.constant 112 : index
      %get3A_719 = tpu.vector_load %arg15[%get3A_718] {strides = array<i32>} : memref<400xf32, #tpu.memory_space<vmem>>, vector<16xf32>,
      %get3A_720 = arith.constant 192 : index
      %get3A_721 = tpu.vector_load %arg15[%get3A_720] {strides = array<i32>} : memref<400xf32, #tpu.memory_space<vmem>>, vector<16xf32>,
      %get3A_722 = arith.constant 272 : index
      %get3A_723 = tpu.vector_load %arg15[%get3A_722] {strides = array<i32>} : memref<400xf32, #tpu.memory_space<vmem>>, vector<16xf32>,
      %get3A_724 = arith.constant 352 : index
      %get3A_725 = tpu.vector_load %arg15[%get3A_724] {strides = array<i32>} : memref<400xf32, #tpu.memory_space<vmem>>, vector<16xf32>,
      %max3A_726 = arith.maximumf %get3A_717, %get3A_719 : vector<16xf32>
      %max3A_727 = arith.maximumf %max3A_726, %get3A_721 : vector<16xf32>
      %max3A_728 = arith.maximumf %max3A_727, %get3A_723 : vector<16xf32>
      %max3A_729 = arith.maximumf %max3A_728, %get3A_725 : vector<16xf32>
      %sub3A_730 = arith.subf %get3A_717, %max3A_729 : vector<16xf32>
      %exp3A_731 = math.exp %sub3A_730 : vector<16xf32>
      %sub3A_732 = arith.subf %get3A_719, %max3A_729 : vector<16xf32>
      %exp3A_733 = math.exp %sub3A_732 : vector<16xf32>
      %sub3A_734 = arith.subf %get3A_721, %max3A_729 : vector<16xf32>
      %exp3A_735 = math.exp %sub3A_734 : vector<16xf32>
      %sub3A_736 = arith.subf %get3A_723, %max3A_729 : vector<16xf32>
      %exp3A_737 = math.exp %sub3A_736 : vector<16xf32>
      %sub3A_738 = arith.subf %get3A_725, %max3A_729 : vector<16xf32>
      %exp3A_739 = math.exp %sub3A_738 : vector<16xf32>
      %add3A_740 = arith.addf %exp3A_731, %exp3A_733 : vector<16xf32>
      %mul3A_741 = arith.constant 2.000000e+00 : f32
      %mul3A_742 = vector.broadcast %mul3A_741 : f32 to vector<16xf32>
      %mul3A_743 = arith.mulf %exp3A_733, %mul3A_742 : vector<16xf32>
      %add3A_744 = arith.addf %exp3A_731, %mul3A_743 : vector<16xf32>
      %add3A_745 = arith.addf %add3A_740, %exp3A_735 : vector<16xf32>
      %mul3A_746 = arith.constant 3.000000e+00 : f32
      %mul3A_747 = vector.broadcast %mul3A_746 : f32 to vector<16xf32>
      %mul3A_748 = arith.mulf %exp3A_735, %mul3A_747 : vector<16xf32>
      %add3A_749 = arith.addf %add3A_744, %mul3A_748 : vector<16xf32>
      %add3A_750 = arith.addf %add3A_745, %exp3A_737 : vector<16xf32>
      %mul3A_751 = arith.constant 4.000000e+00 : f32
      %mul3A_752 = vector.broadcast %mul3A_751 : f32 to vector<16xf32>
      %mul3A_753 = arith.mulf %exp3A_737, %mul3A_752 : vector<16xf32>
      %add3A_754 = arith.addf %add3A_749, %mul3A_753 : vector<16xf32>
      %add3A_755 = arith.addf %add3A_750, %exp3A_739 : vector<16xf32>
      %mul3A_756 = arith.constant 5.000000e+00 : f32
      %mul3A_757 = vector.broadcast %mul3A_756 : f32 to vector<16xf32>
      %mul3A_758 = arith.mulf %exp3A_739, %mul3A_757 : vector<16xf32>
      %add3A_759 = arith.addf %add3A_754, %mul3A_758 : vector<16xf32>
      %div3A_760 = arith.divf %add3A_759, %add3A_755 : vector<16xf32>
      %swap3A_761 = arith.constant 32 : index
      %swap3A_762 = tpu.vector_load %arg17[%swap3A_761] {strides = array<i32>} : memref<80xf32, #tpu.memory_space<vmem>>, vector<16xf32>,
      tpu.vector_store %arg17[%swap3A_761], %div3A_760 {strides = array<i32>} : memref<80xf32, #tpu.memory_space<vmem>>, vector<16xf32>,
      %get3A_763 = arith.constant 48 : index
      %get3A_764 = tpu.vector_load %arg15[%get3A_763] {strides = array<i32>} : memref<400xf32, #tpu.memory_space<vmem>>, vector<16xf32>,
      %get3A_765 = arith.constant 128 : index
      %get3A_766 = tpu.vector_load %arg15[%get3A_765] {strides = array<i32>} : memref<400xf32, #tpu.memory_space<vmem>>, vector<16xf32>,
      %get3A_767 = arith.constant 208 : index
      %get3A_768 = tpu.vector_load %arg15[%get3A_767] {strides = array<i32>} : memref<400xf32, #tpu.memory_space<vmem>>, vector<16xf32>,
      %get3A_769 = arith.constant 288 : index
      %get3A_770 = tpu.vector_load %arg15[%get3A_769] {strides = array<i32>} : memref<400xf32, #tpu.memory_space<vmem>>, vector<16xf32>,
      %get3A_771 = arith.constant 368 : index
      %get3A_772 = tpu.vector_load %arg15[%get3A_771] {strides = array<i32>} : memref<400xf32, #tpu.memory_space<vmem>>, vector<16xf32>,
      %max3A_773 = arith.maximumf %get3A_764, %get3A_766 : vector<16xf32>
      %max3A_774 = arith.maximumf %max3A_773, %get3A_768 : vector<16xf32>
      %max3A_775 = arith.maximumf %max3A_774, %get3A_770 : vector<16xf32>
      %max3A_776 = arith.maximumf %max3A_775, %get3A_772 : vector<16xf32>
      %sub3A_777 = arith.subf %get3A_764, %max3A_776 : vector<16xf32>
      %exp3A_778 = math.exp %sub3A_777 : vector<16xf32>
      %sub3A_779 = arith.subf %get3A_766, %max3A_776 : vector<16xf32>
      %exp3A_780 = math.exp %sub3A_779 : vector<16xf32>
      %sub3A_781 = arith.subf %get3A_768, %max3A_776 : vector<16xf32>
      %exp3A_782 = math.exp %sub3A_781 : vector<16xf32>
      %sub3A_783 = arith.subf %get3A_770, %max3A_776 : vector<16xf32>
      %exp3A_784 = math.exp %sub3A_783 : vector<16xf32>
      %sub3A_785 = arith.subf %get3A_772, %max3A_776 : vector<16xf32>
      %exp3A_786 = math.exp %sub3A_785 : vector<16xf32>
      %add3A_787 = arith.addf %exp3A_778, %exp3A_780 : vector<16xf32>
      %mul3A_788 = arith.constant 2.000000e+00 : f32
      %mul3A_789 = vector.broadcast %mul3A_788 : f32 to vector<16xf32>
      %mul3A_790 = arith.mulf %exp3A_780, %mul3A_789 : vector<16xf32>
      %add3A_791 = arith.addf %exp3A_778, %mul3A_790 : vector<16xf32>
      %add3A_792 = arith.addf %add3A_787, %exp3A_782 : vector<16xf32>
      %mul3A_793 = arith.constant 3.000000e+00 : f32
      %mul3A_794 = vector.broadcast %mul3A_793 : f32 to vector<16xf32>
      %mul3A_795 = arith.mulf %exp3A_782, %mul3A_794 : vector<16xf32>
      %add3A_796 = arith.addf %add3A_791, %mul3A_795 : vector<16xf32>
      %add3A_797 = arith.addf %add3A_792, %exp3A_784 : vector<16xf32>
      %mul3A_798 = arith.constant 4.000000e+00 : f32
      %mul3A_799 = vector.broadcast %mul3A_798 : f32 to vector<16xf32>
      %mul3A_800 = arith.mulf %exp3A_784, %mul3A_799 : vector<16xf32>
      %add3A_801 = arith.addf %add3A_796, %mul3A_800 : vector<16xf32>
      %add3A_802 = arith.addf %add3A_797, %exp3A_786 : vector<16xf32>
      %mul3A_803 = arith.constant 5.000000e+00 : f32
      %mul3A_804 = vector.broadcast %mul3A_803 : f32 to vector<16xf32>
      %mul3A_805 = arith.mulf %exp3A_786, %mul3A_804 : vector<16xf32>
      %add3A_806 = arith.addf %add3A_801, %mul3A_805 : vector<16xf32>
      %div3A_807 = arith.divf %add3A_806, %add3A_802 : vector<16xf32>
      %swap3A_808 = arith.constant 48 : index
      %swap3A_809 = tpu.vector_load %arg17[%swap3A_808] {strides = array<i32>} : memref<80xf32, #tpu.memory_space<vmem>>, vector<16xf32>,
      tpu.vector_store %arg17[%swap3A_808], %div3A_807 {strides = array<i32>} : memref<80xf32, #tpu.memory_space<vmem>>, vector<16xf32>,
      %get3A_810 = arith.constant 64 : index
      %get3A_811 = tpu.vector_load %arg15[%get3A_810] {strides = array<i32>} : memref<400xf32, #tpu.memory_space<vmem>>, vector<16xf32>,
      %get3A_812 = arith.constant 144 : index
      %get3A_813 = tpu.vector_load %arg15[%get3A_812] {strides = array<i32>} : memref<400xf32, #tpu.memory_space<vmem>>, vector<16xf32>,
      %get3A_814 = arith.constant 224 : index
      %get3A_815 = tpu.vector_load %arg15[%get3A_814] {strides = array<i32>} : memref<400xf32, #tpu.memory_space<vmem>>, vector<16xf32>,
      %get3A_816 = arith.constant 304 : index
      %get3A_817 = tpu.vector_load %arg15[%get3A_816] {strides = array<i32>} : memref<400xf32, #tpu.memory_space<vmem>>, vector<16xf32>,
      %get3A_818 = arith.constant 384 : index
      %get3A_819 = tpu.vector_load %arg15[%get3A_818] {strides = array<i32>} : memref<400xf32, #tpu.memory_space<vmem>>, vector<16xf32>,
      %max3A_820 = arith.maximumf %get3A_811, %get3A_813 : vector<16xf32>
      %max3A_821 = arith.maximumf %max3A_820, %get3A_815 : vector<16xf32>
      %max3A_822 = arith.maximumf %max3A_821, %get3A_817 : vector<16xf32>
      %max3A_823 = arith.maximumf %max3A_822, %get3A_819 : vector<16xf32>
      %sub3A_824 = arith.subf %get3A_811, %max3A_823 : vector<16xf32>
      %exp3A_825 = math.exp %sub3A_824 : vector<16xf32>
      %sub3A_826 = arith.subf %get3A_813, %max3A_823 : vector<16xf32>
      %exp3A_827 = math.exp %sub3A_826 : vector<16xf32>
      %sub3A_828 = arith.subf %get3A_815, %max3A_823 : vector<16xf32>
      %exp3A_829 = math.exp %sub3A_828 : vector<16xf32>
      %sub3A_830 = arith.subf %get3A_817, %max3A_823 : vector<16xf32>
      %exp3A_831 = math.exp %sub3A_830 : vector<16xf32>
      %sub3A_832 = arith.subf %get3A_819, %max3A_823 : vector<16xf32>
      %exp3A_833 = math.exp %sub3A_832 : vector<16xf32>
      %add3A_834 = arith.addf %exp3A_825, %exp3A_827 : vector<16xf32>
      %mul3A_835 = arith.constant 2.000000e+00 : f32
      %mul3A_836 = vector.broadcast %mul3A_835 : f32 to vector<16xf32>
      %mul3A_837 = arith.mulf %exp3A_827, %mul3A_836 : vector<16xf32>
      %add3A_838 = arith.addf %exp3A_825, %mul3A_837 : vector<16xf32>
      %add3A_839 = arith.addf %add3A_834, %exp3A_829 : vector<16xf32>
      %mul3A_840 = arith.constant 3.000000e+00 : f32
      %mul3A_841 = vector.broadcast %mul3A_840 : f32 to vector<16xf32>
      %mul3A_842 = arith.mulf %exp3A_829, %mul3A_841 : vector<16xf32>
      %add3A_843 = arith.addf %add3A_838, %mul3A_842 : vector<16xf32>
      %add3A_844 = arith.addf %add3A_839, %exp3A_831 : vector<16xf32>
      %mul3A_845 = arith.constant 4.000000e+00 : f32
      %mul3A_846 = vector.broadcast %mul3A_845 : f32 to vector<16xf32>
      %mul3A_847 = arith.mulf %exp3A_831, %mul3A_846 : vector<16xf32>
      %add3A_848 = arith.addf %add3A_843, %mul3A_847 : vector<16xf32>
      %add3A_849 = arith.addf %add3A_844, %exp3A_833 : vector<16xf32>
      %mul3A_850 = arith.constant 5.000000e+00 : f32
      %mul3A_851 = vector.broadcast %mul3A_850 : f32 to vector<16xf32>
      %mul3A_852 = arith.mulf %exp3A_833, %mul3A_851 : vector<16xf32>
      %add3A_853 = arith.addf %add3A_848, %mul3A_852 : vector<16xf32>
      %div3A_854 = arith.divf %add3A_853, %add3A_849 : vector<16xf32>
      %swap3A_855 = arith.constant 64 : index
      %swap3A_856 = tpu.vector_load %arg17[%swap3A_855] {strides = array<i32>} : memref<80xf32, #tpu.memory_space<vmem>>, vector<16xf32>,
      tpu.vector_store %arg17[%swap3A_855], %div3A_854 {strides = array<i32>} : memref<80xf32, #tpu.memory_space<vmem>>, vector<16xf32>,
      %mul3A_857 = arith.constant 80 : i32
      %mul3A_858 = arith.muli %add3A_618, %mul3A_857 : i32
      %add3A_859 = arith.addi %mul3A_2, %mul3A_858 : i32
      %dma_start3A_860 = tpu.memref_slice %arg6[%add3A_859] : memref<320000xf32, #tpu.memory_space<hbm>> -> memref<80xf32, #tpu.memory_space<hbm>>
      %dma_start3A_861 = tpu.memref_slice %arg6[%add3A_859] : memref<320000xf32, #tpu.memory_space<hbm>> -> memref<80xf32, #tpu.memory_space<hbm>>
      tpu.enqueue_dma source(%arg17 : memref<80xf32, #tpu.memory_space<vmem>>) target(%dma_start3A_861 : memref<80xf32, #tpu.memory_space<hbm>>) target_semaphore(%arg23 : memref<!tpu.dma_semaphore, #tpu.memory_space<semaphore_mem>>)
    }
    %scan3A_56 = arith.constant 62 : i32
    %dma_wait3A_57 = arith.constant 0 : i32
    %dma_wait3A_58 = arith.constant 0 : i32
    %dma_wait3A_59 = tpu.memref_slice %arg2[%dma_wait3A_57, %dma_wait3A_58] : memref<10000x640xf32, #tpu.memory_space<hbm>> -> memref<10000x640xf32, #tpu.memory_space<hbm>>
    tpu.wait_indirect_dma semaphore(%arg18 : memref<!tpu.dma_semaphore, #tpu.memory_space<semaphore_mem>>) src(%dma_wait3A_59 : memref<10000x640xf32, #tpu.memory_space<hbm>>) dst(%arg11 : memref<80x640xf32, #tpu.memory_space<vmem>>)
    %dma_wait3A_60 = arith.constant 0 : i32
    %dma_wait3A_61 = arith.constant 0 : i32
    %dma_wait3A_62 = tpu.memref_slice %arg3[%dma_wait3A_60, %dma_wait3A_61] : memref<10000x128xf32, #tpu.memory_space<hbm>> -> memref<10000x128xf32, #tpu.memory_space<hbm>>
    tpu.wait_indirect_dma semaphore(%arg18 : memref<!tpu.dma_semaphore, #tpu.memory_space<semaphore_mem>>) src(%dma_wait3A_62 : memref<10000x128xf32, #tpu.memory_space<hbm>>) dst(%arg13 : memref<80x128xf32, #tpu.memory_space<vmem>>)
    %dma_wait3A_63 = arith.constant 0 : i32
    %dma_wait3A_64 = tpu.memref_slice %arg6[%dma_wait3A_63] : memref<320000xf32, #tpu.memory_space<hbm>> -> memref<80xf32, #tpu.memory_space<hbm>>
    %dma_wait3A_65 = arith.constant 0 : i32
    %dma_wait3A_66 = tpu.memref_slice %arg6[%dma_wait3A_65] : memref<320000xf32, #tpu.memory_space<hbm>> -> memref<80xf32, #tpu.memory_space<hbm>>
    tpu.wait_dma2 semaphore(%arg22 : memref<!tpu.dma_semaphore, #tpu.memory_space<semaphore_mem>>) src(%arg16 : memref<80xf32, #tpu.memory_space<vmem>>) dst(%dma_wait3A_66 : memref<80xf32, #tpu.memory_space<hbm>>)
    %parallel_loop3A = arith.constant 0 : i32
    %parallel_loop3A_67 = arith.constant 80 : i32
    %parallel_loop3A_68 = arith.constant 1 : i32
    scf.for %parallel_loop3A_310 = %parallel_loop3A to %parallel_loop3A_67 step %parallel_loop3A_68  : i32 {
      %parallel_loop3A_311 = arith.index_cast %parallel_loop3A_310 : i32 to index
      %parallel_loop3A_312 = arith.constant 0 : index
      %parallel_loop3A_313 = tpu.vector_load %arg13[%parallel_loop3A_311, %parallel_loop3A_312] {strides = array<i32>} : memref<80x128xf32, #tpu.memory_space<vmem>>, vector<16xf32>,
      %parallel_loop3A_314 = arith.index_cast %parallel_loop3A_310 : i32 to index
      %parallel_loop3A_315 = arith.constant 16 : index
      %parallel_loop3A_316 = tpu.vector_load %arg13[%parallel_loop3A_314, %parallel_loop3A_315] {strides = array<i32>} : memref<80x128xf32, #tpu.memory_space<vmem>>, vector<16xf32>,
      %parallel_loop3A_317 = arith.index_cast %parallel_loop3A_310 : i32 to index
      %parallel_loop3A_318 = arith.constant 32 : index
      %parallel_loop3A_319 = tpu.vector_load %arg13[%parallel_loop3A_317, %parallel_loop3A_318] {strides = array<i32>} : memref<80x128xf32, #tpu.memory_space<vmem>>, vector<16xf32>,
      %parallel_loop3A_320 = arith.index_cast %parallel_loop3A_310 : i32 to index
      %parallel_loop3A_321 = arith.constant 48 : index
      %parallel_loop3A_322 = tpu.vector_load %arg13[%parallel_loop3A_320, %parallel_loop3A_321] {strides = array<i32>} : memref<80x128xf32, #tpu.memory_space<vmem>>, vector<16xf32>,
      %parallel_loop3A_323 = arith.index_cast %parallel_loop3A_310 : i32 to index
      %parallel_loop3A_324 = arith.constant 64 : index
      %parallel_loop3A_325 = tpu.vector_load %arg13[%parallel_loop3A_323, %parallel_loop3A_324] {strides = array<i32>} : memref<80x128xf32, #tpu.memory_space<vmem>>, vector<16xf32>,
      %parallel_loop3A_326 = arith.index_cast %parallel_loop3A_310 : i32 to index
      %parallel_loop3A_327 = arith.constant 80 : index
      %parallel_loop3A_328 = tpu.vector_load %arg13[%parallel_loop3A_326, %parallel_loop3A_327] {strides = array<i32>} : memref<80x128xf32, #tpu.memory_space<vmem>>, vector<16xf32>,
      %parallel_loop3A_329 = arith.index_cast %parallel_loop3A_310 : i32 to index
      %parallel_loop3A_330 = arith.constant 96 : index
      %parallel_loop3A_331 = tpu.vector_load %arg13[%parallel_loop3A_329, %parallel_loop3A_330] {strides = array<i32>} : memref<80x128xf32, #tpu.memory_space<vmem>>, vector<16xf32>,
      %parallel_loop3A_332 = arith.index_cast %parallel_loop3A_310 : i32 to index
      %parallel_loop3A_333 = arith.constant 112 : index
      %parallel_loop3A_334 = tpu.vector_load %arg13[%parallel_loop3A_332, %parallel_loop3A_333] {strides = array<i32>} : memref<80x128xf32, #tpu.memory_space<vmem>>, vector<16xf32>,
      %parallel_loop3A_335 = arith.index_cast %parallel_loop3A_310 : i32 to index
      %parallel_loop3A_336 = arith.constant 0 : index
      %parallel_loop3A_337 = tpu.vector_load %arg11[%parallel_loop3A_335, %parallel_loop3A_336] {strides = array<i32>} : memref<80x640xf32, #tpu.memory_space<vmem>>, vector<16xf32>,
      %parallel_loop3A_338 = arith.mulf %parallel_loop3A_337, %parallel_loop3A_313 : vector<16xf32>
      %parallel_loop3A_339 = arith.index_cast %parallel_loop3A_310 : i32 to index
      %parallel_loop3A_340 = arith.constant 16 : index
      %parallel_loop3A_341 = tpu.vector_load %arg11[%parallel_loop3A_339, %parallel_loop3A_340] {strides = array<i32>} : memref<80x640xf32, #tpu.memory_space<vmem>>, vector<16xf32>,
      %parallel_loop3A_342 = arith.mulf %parallel_loop3A_341, %parallel_loop3A_316 : vector<16xf32>
      %parallel_loop3A_343 = arith.addf %parallel_loop3A_338, %parallel_loop3A_342 : vector<16xf32>
      %parallel_loop3A_344 = arith.index_cast %parallel_loop3A_310 : i32 to index
      %parallel_loop3A_345 = arith.constant 32 : index
      %parallel_loop3A_346 = tpu.vector_load %arg11[%parallel_loop3A_344, %parallel_loop3A_345] {strides = array<i32>} : memref<80x640xf32, #tpu.memory_space<vmem>>, vector<16xf32>,
      %parallel_loop3A_347 = arith.mulf %parallel_loop3A_346, %parallel_loop3A_319 : vector<16xf32>
      %parallel_loop3A_348 = arith.addf %parallel_loop3A_343, %parallel_loop3A_347 : vector<16xf32>
      %parallel_loop3A_349 = arith.index_cast %parallel_loop3A_310 : i32 to index
      %parallel_loop3A_350 = arith.constant 48 : index
      %parallel_loop3A_351 = tpu.vector_load %arg11[%parallel_loop3A_349, %parallel_loop3A_350] {strides = array<i32>} : memref<80x640xf32, #tpu.memory_space<vmem>>, vector<16xf32>,
      %parallel_loop3A_352 = arith.mulf %parallel_loop3A_351, %parallel_loop3A_322 : vector<16xf32>
      %parallel_loop3A_353 = arith.addf %parallel_loop3A_348, %parallel_loop3A_352 : vector<16xf32>
      %parallel_loop3A_354 = arith.index_cast %parallel_loop3A_310 : i32 to index
      %parallel_loop3A_355 = arith.constant 64 : index
      %parallel_loop3A_356 = tpu.vector_load %arg11[%parallel_loop3A_354, %parallel_loop3A_355] {strides = array<i32>} : memref<80x640xf32, #tpu.memory_space<vmem>>, vector<16xf32>,
      %parallel_loop3A_357 = arith.mulf %parallel_loop3A_356, %parallel_loop3A_325 : vector<16xf32>
      %parallel_loop3A_358 = arith.addf %parallel_loop3A_353, %parallel_loop3A_357 : vector<16xf32>
      %parallel_loop3A_359 = arith.index_cast %parallel_loop3A_310 : i32 to index
      %parallel_loop3A_360 = arith.constant 80 : index
      %parallel_loop3A_361 = tpu.vector_load %arg11[%parallel_loop3A_359, %parallel_loop3A_360] {strides = array<i32>} : memref<80x640xf32, #tpu.memory_space<vmem>>, vector<16xf32>,
      %parallel_loop3A_362 = arith.mulf %parallel_loop3A_361, %parallel_loop3A_328 : vector<16xf32>
      %parallel_loop3A_363 = arith.addf %parallel_loop3A_358, %parallel_loop3A_362 : vector<16xf32>
      %parallel_loop3A_364 = arith.index_cast %parallel_loop3A_310 : i32 to index
      %parallel_loop3A_365 = arith.constant 96 : index
      %parallel_loop3A_366 = tpu.vector_load %arg11[%parallel_loop3A_364, %parallel_loop3A_365] {strides = array<i32>} : memref<80x640xf32, #tpu.memory_space<vmem>>, vector<16xf32>,
      %parallel_loop3A_367 = arith.mulf %parallel_loop3A_366, %parallel_loop3A_331 : vector<16xf32>
      %parallel_loop3A_368 = arith.addf %parallel_loop3A_363, %parallel_loop3A_367 : vector<16xf32>
      %parallel_loop3A_369 = arith.index_cast %parallel_loop3A_310 : i32 to index
      %parallel_loop3A_370 = arith.constant 112 : index
      %parallel_loop3A_371 = tpu.vector_load %arg11[%parallel_loop3A_369, %parallel_loop3A_370] {strides = array<i32>} : memref<80x640xf32, #tpu.memory_space<vmem>>, vector<16xf32>,
      %parallel_loop3A_372 = arith.mulf %parallel_loop3A_371, %parallel_loop3A_334 : vector<16xf32>
      %parallel_loop3A_373 = arith.addf %parallel_loop3A_368, %parallel_loop3A_372 : vector<16xf32>
      %parallel_loop3A_374 = arith.constant true
      %parallel_loop3A_375 = vector.broadcast %parallel_loop3A_374 : i1 to vector<16xi1>
      %parallel_loop3A_376 = tpu.scan <sum>, %parallel_loop3A_373 masked %parallel_loop3A_375 : vector<16xf32>, vector<16xi1> -> vector<16xf32>
      %parallel_loop3A_377 = vector.broadcast %parallel_loop3A_310 : i32 to vector<16xi32>
      %parallel_loop3A_378 = arith.addi %add3A_7, %parallel_loop3A_377 : vector<16xi32>
      tpu.vector_store_idx %arg15[%parallel_loop3A_378], %parallel_loop3A_376 masked %eq3A_4 : memref<400xf32, #tpu.memory_space<vmem>>[vector<16xi32>], vector<16xf32>, vector<16xi1>
      %parallel_loop3A_379 = arith.index_cast %parallel_loop3A_310 : i32 to index
      %parallel_loop3A_380 = arith.constant 128 : index
      %parallel_loop3A_381 = tpu.vector_load %arg11[%parallel_loop3A_379, %parallel_loop3A_380] {strides = array<i32>} : memref<80x640xf32, #tpu.memory_space<vmem>>, vector<16xf32>,
      %parallel_loop3A_382 = arith.mulf %parallel_loop3A_381, %parallel_loop3A_313 : vector<16xf32>
      %parallel_loop3A_383 = arith.index_cast %parallel_loop3A_310 : i32 to index
      %parallel_loop3A_384 = arith.constant 144 : index
      %parallel_loop3A_385 = tpu.vector_load %arg11[%parallel_loop3A_383, %parallel_loop3A_384] {strides = array<i32>} : memref<80x640xf32, #tpu.memory_space<vmem>>, vector<16xf32>,
      %parallel_loop3A_386 = arith.mulf %parallel_loop3A_385, %parallel_loop3A_316 : vector<16xf32>
      %parallel_loop3A_387 = arith.addf %parallel_loop3A_382, %parallel_loop3A_386 : vector<16xf32>
      %parallel_loop3A_388 = arith.index_cast %parallel_loop3A_310 : i32 to index
      %parallel_loop3A_389 = arith.constant 160 : index
      %parallel_loop3A_390 = tpu.vector_load %arg11[%parallel_loop3A_388, %parallel_loop3A_389] {strides = array<i32>} : memref<80x640xf32, #tpu.memory_space<vmem>>, vector<16xf32>,
      %parallel_loop3A_391 = arith.mulf %parallel_loop3A_390, %parallel_loop3A_319 : vector<16xf32>
      %parallel_loop3A_392 = arith.addf %parallel_loop3A_387, %parallel_loop3A_391 : vector<16xf32>
      %parallel_loop3A_393 = arith.index_cast %parallel_loop3A_310 : i32 to index
      %parallel_loop3A_394 = arith.constant 176 : index
      %parallel_loop3A_395 = tpu.vector_load %arg11[%parallel_loop3A_393, %parallel_loop3A_394] {strides = array<i32>} : memref<80x640xf32, #tpu.memory_space<vmem>>, vector<16xf32>,
      %parallel_loop3A_396 = arith.mulf %parallel_loop3A_395, %parallel_loop3A_322 : vector<16xf32>
      %parallel_loop3A_397 = arith.addf %parallel_loop3A_392, %parallel_loop3A_396 : vector<16xf32>
      %parallel_loop3A_398 = arith.index_cast %parallel_loop3A_310 : i32 to index
      %parallel_loop3A_399 = arith.constant 192 : index
      %parallel_loop3A_400 = tpu.vector_load %arg11[%parallel_loop3A_398, %parallel_loop3A_399] {strides = array<i32>} : memref<80x640xf32, #tpu.memory_space<vmem>>, vector<16xf32>,
      %parallel_loop3A_401 = arith.mulf %parallel_loop3A_400, %parallel_loop3A_325 : vector<16xf32>
      %parallel_loop3A_402 = arith.addf %parallel_loop3A_397, %parallel_loop3A_401 : vector<16xf32>
      %parallel_loop3A_403 = arith.index_cast %parallel_loop3A_310 : i32 to index
      %parallel_loop3A_404 = arith.constant 208 : index
      %parallel_loop3A_405 = tpu.vector_load %arg11[%parallel_loop3A_403, %parallel_loop3A_404] {strides = array<i32>} : memref<80x640xf32, #tpu.memory_space<vmem>>, vector<16xf32>,
      %parallel_loop3A_406 = arith.mulf %parallel_loop3A_405, %parallel_loop3A_328 : vector<16xf32>
      %parallel_loop3A_407 = arith.addf %parallel_loop3A_402, %parallel_loop3A_406 : vector<16xf32>
      %parallel_loop3A_408 = arith.index_cast %parallel_loop3A_310 : i32 to index
      %parallel_loop3A_409 = arith.constant 224 : index
      %parallel_loop3A_410 = tpu.vector_load %arg11[%parallel_loop3A_408, %parallel_loop3A_409] {strides = array<i32>} : memref<80x640xf32, #tpu.memory_space<vmem>>, vector<16xf32>,
      %parallel_loop3A_411 = arith.mulf %parallel_loop3A_410, %parallel_loop3A_331 : vector<16xf32>
      %parallel_loop3A_412 = arith.addf %parallel_loop3A_407, %parallel_loop3A_411 : vector<16xf32>
      %parallel_loop3A_413 = arith.index_cast %parallel_loop3A_310 : i32 to index
      %parallel_loop3A_414 = arith.constant 240 : index
      %parallel_loop3A_415 = tpu.vector_load %arg11[%parallel_loop3A_413, %parallel_loop3A_414] {strides = array<i32>} : memref<80x640xf32, #tpu.memory_space<vmem>>, vector<16xf32>,
      %parallel_loop3A_416 = arith.mulf %parallel_loop3A_415, %parallel_loop3A_334 : vector<16xf32>
      %parallel_loop3A_417 = arith.addf %parallel_loop3A_412, %parallel_loop3A_416 : vector<16xf32>
      %parallel_loop3A_418 = arith.constant true
      %parallel_loop3A_419 = vector.broadcast %parallel_loop3A_418 : i1 to vector<16xi1>
      %parallel_loop3A_420 = tpu.scan <sum>, %parallel_loop3A_417 masked %parallel_loop3A_419 : vector<16xf32>, vector<16xi1> -> vector<16xf32>
      %parallel_loop3A_421 = vector.broadcast %parallel_loop3A_310 : i32 to vector<16xi32>
      %parallel_loop3A_422 = arith.addi %add3A_10, %parallel_loop3A_421 : vector<16xi32>
      tpu.vector_store_idx %arg15[%parallel_loop3A_422], %parallel_loop3A_420 masked %eq3A_4 : memref<400xf32, #tpu.memory_space<vmem>>[vector<16xi32>], vector<16xf32>, vector<16xi1>
      %parallel_loop3A_423 = arith.index_cast %parallel_loop3A_310 : i32 to index
      %parallel_loop3A_424 = arith.constant 256 : index
      %parallel_loop3A_425 = tpu.vector_load %arg11[%parallel_loop3A_423, %parallel_loop3A_424] {strides = array<i32>} : memref<80x640xf32, #tpu.memory_space<vmem>>, vector<16xf32>,
      %parallel_loop3A_426 = arith.mulf %parallel_loop3A_425, %parallel_loop3A_313 : vector<16xf32>
      %parallel_loop3A_427 = arith.index_cast %parallel_loop3A_310 : i32 to index
      %parallel_loop3A_428 = arith.constant 272 : index
      %parallel_loop3A_429 = tpu.vector_load %arg11[%parallel_loop3A_427, %parallel_loop3A_428] {strides = array<i32>} : memref<80x640xf32, #tpu.memory_space<vmem>>, vector<16xf32>,
      %parallel_loop3A_430 = arith.mulf %parallel_loop3A_429, %parallel_loop3A_316 : vector<16xf32>
      %parallel_loop3A_431 = arith.addf %parallel_loop3A_426, %parallel_loop3A_430 : vector<16xf32>
      %parallel_loop3A_432 = arith.index_cast %parallel_loop3A_310 : i32 to index
      %parallel_loop3A_433 = arith.constant 288 : index
      %parallel_loop3A_434 = tpu.vector_load %arg11[%parallel_loop3A_432, %parallel_loop3A_433] {strides = array<i32>} : memref<80x640xf32, #tpu.memory_space<vmem>>, vector<16xf32>,
      %parallel_loop3A_435 = arith.mulf %parallel_loop3A_434, %parallel_loop3A_319 : vector<16xf32>
      %parallel_loop3A_436 = arith.addf %parallel_loop3A_431, %parallel_loop3A_435 : vector<16xf32>
      %parallel_loop3A_437 = arith.index_cast %parallel_loop3A_310 : i32 to index
      %parallel_loop3A_438 = arith.constant 304 : index
      %parallel_loop3A_439 = tpu.vector_load %arg11[%parallel_loop3A_437, %parallel_loop3A_438] {strides = array<i32>} : memref<80x640xf32, #tpu.memory_space<vmem>>, vector<16xf32>,
      %parallel_loop3A_440 = arith.mulf %parallel_loop3A_439, %parallel_loop3A_322 : vector<16xf32>
      %parallel_loop3A_441 = arith.addf %parallel_loop3A_436, %parallel_loop3A_440 : vector<16xf32>
      %parallel_loop3A_442 = arith.index_cast %parallel_loop3A_310 : i32 to index
      %parallel_loop3A_443 = arith.constant 320 : index
      %parallel_loop3A_444 = tpu.vector_load %arg11[%parallel_loop3A_442, %parallel_loop3A_443] {strides = array<i32>} : memref<80x640xf32, #tpu.memory_space<vmem>>, vector<16xf32>,
      %parallel_loop3A_445 = arith.mulf %parallel_loop3A_444, %parallel_loop3A_325 : vector<16xf32>
      %parallel_loop3A_446 = arith.addf %parallel_loop3A_441, %parallel_loop3A_445 : vector<16xf32>
      %parallel_loop3A_447 = arith.index_cast %parallel_loop3A_310 : i32 to index
      %parallel_loop3A_448 = arith.constant 336 : index
      %parallel_loop3A_449 = tpu.vector_load %arg11[%parallel_loop3A_447, %parallel_loop3A_448] {strides = array<i32>} : memref<80x640xf32, #tpu.memory_space<vmem>>, vector<16xf32>,
      %parallel_loop3A_450 = arith.mulf %parallel_loop3A_449, %parallel_loop3A_328 : vector<16xf32>
      %parallel_loop3A_451 = arith.addf %parallel_loop3A_446, %parallel_loop3A_450 : vector<16xf32>
      %parallel_loop3A_452 = arith.index_cast %parallel_loop3A_310 : i32 to index
      %parallel_loop3A_453 = arith.constant 352 : index
      %parallel_loop3A_454 = tpu.vector_load %arg11[%parallel_loop3A_452, %parallel_loop3A_453] {strides = array<i32>} : memref<80x640xf32, #tpu.memory_space<vmem>>, vector<16xf32>,
      %parallel_loop3A_455 = arith.mulf %parallel_loop3A_454, %parallel_loop3A_331 : vector<16xf32>
      %parallel_loop3A_456 = arith.addf %parallel_loop3A_451, %parallel_loop3A_455 : vector<16xf32>
      %parallel_loop3A_457 = arith.index_cast %parallel_loop3A_310 : i32 to index
      %parallel_loop3A_458 = arith.constant 368 : index
      %parallel_loop3A_459 = tpu.vector_load %arg11[%parallel_loop3A_457, %parallel_loop3A_458] {strides = array<i32>} : memref<80x640xf32, #tpu.memory_space<vmem>>, vector<16xf32>,
      %parallel_loop3A_460 = arith.mulf %parallel_loop3A_459, %parallel_loop3A_334 : vector<16xf32>
      %parallel_loop3A_461 = arith.addf %parallel_loop3A_456, %parallel_loop3A_460 : vector<16xf32>
      %parallel_loop3A_462 = arith.constant true
      %parallel_loop3A_463 = vector.broadcast %parallel_loop3A_462 : i1 to vector<16xi1>
      %parallel_loop3A_464 = tpu.scan <sum>, %parallel_loop3A_461 masked %parallel_loop3A_463 : vector<16xf32>, vector<16xi1> -> vector<16xf32>
      %parallel_loop3A_465 = vector.broadcast %parallel_loop3A_310 : i32 to vector<16xi32>
      %parallel_loop3A_466 = arith.addi %add3A_13, %parallel_loop3A_465 : vector<16xi32>
      tpu.vector_store_idx %arg15[%parallel_loop3A_466], %parallel_loop3A_464 masked %eq3A_4 : memref<400xf32, #tpu.memory_space<vmem>>[vector<16xi32>], vector<16xf32>, vector<16xi1>
      %parallel_loop3A_467 = arith.index_cast %parallel_loop3A_310 : i32 to index
      %parallel_loop3A_468 = arith.constant 384 : index
      %parallel_loop3A_469 = tpu.vector_load %arg11[%parallel_loop3A_467, %parallel_loop3A_468] {strides = array<i32>} : memref<80x640xf32, #tpu.memory_space<vmem>>, vector<16xf32>,
      %parallel_loop3A_470 = arith.mulf %parallel_loop3A_469, %parallel_loop3A_313 : vector<16xf32>
      %parallel_loop3A_471 = arith.index_cast %parallel_loop3A_310 : i32 to index
      %parallel_loop3A_472 = arith.constant 400 : index
      %parallel_loop3A_473 = tpu.vector_load %arg11[%parallel_loop3A_471, %parallel_loop3A_472] {strides = array<i32>} : memref<80x640xf32, #tpu.memory_space<vmem>>, vector<16xf32>,
      %parallel_loop3A_474 = arith.mulf %parallel_loop3A_473, %parallel_loop3A_316 : vector<16xf32>
      %parallel_loop3A_475 = arith.addf %parallel_loop3A_470, %parallel_loop3A_474 : vector<16xf32>
      %parallel_loop3A_476 = arith.index_cast %parallel_loop3A_310 : i32 to index
      %parallel_loop3A_477 = arith.constant 416 : index
      %parallel_loop3A_478 = tpu.vector_load %arg11[%parallel_loop3A_476, %parallel_loop3A_477] {strides = array<i32>} : memref<80x640xf32, #tpu.memory_space<vmem>>, vector<16xf32>,
      %parallel_loop3A_479 = arith.mulf %parallel_loop3A_478, %parallel_loop3A_319 : vector<16xf32>
      %parallel_loop3A_480 = arith.addf %parallel_loop3A_475, %parallel_loop3A_479 : vector<16xf32>
      %parallel_loop3A_481 = arith.index_cast %parallel_loop3A_310 : i32 to index
      %parallel_loop3A_482 = arith.constant 432 : index
      %parallel_loop3A_483 = tpu.vector_load %arg11[%parallel_loop3A_481, %parallel_loop3A_482] {strides = array<i32>} : memref<80x640xf32, #tpu.memory_space<vmem>>, vector<16xf32>,
      %parallel_loop3A_484 = arith.mulf %parallel_loop3A_483, %parallel_loop3A_322 : vector<16xf32>
      %parallel_loop3A_485 = arith.addf %parallel_loop3A_480, %parallel_loop3A_484 : vector<16xf32>
      %parallel_loop3A_486 = arith.index_cast %parallel_loop3A_310 : i32 to index
      %parallel_loop3A_487 = arith.constant 448 : index
      %parallel_loop3A_488 = tpu.vector_load %arg11[%parallel_loop3A_486, %parallel_loop3A_487] {strides = array<i32>} : memref<80x640xf32, #tpu.memory_space<vmem>>, vector<16xf32>,
      %parallel_loop3A_489 = arith.mulf %parallel_loop3A_488, %parallel_loop3A_325 : vector<16xf32>
      %parallel_loop3A_490 = arith.addf %parallel_loop3A_485, %parallel_loop3A_489 : vector<16xf32>
      %parallel_loop3A_491 = arith.index_cast %parallel_loop3A_310 : i32 to index
      %parallel_loop3A_492 = arith.constant 464 : index
      %parallel_loop3A_493 = tpu.vector_load %arg11[%parallel_loop3A_491, %parallel_loop3A_492] {strides = array<i32>} : memref<80x640xf32, #tpu.memory_space<vmem>>, vector<16xf32>,
      %parallel_loop3A_494 = arith.mulf %parallel_loop3A_493, %parallel_loop3A_328 : vector<16xf32>
      %parallel_loop3A_495 = arith.addf %parallel_loop3A_490, %parallel_loop3A_494 : vector<16xf32>
      %parallel_loop3A_496 = arith.index_cast %parallel_loop3A_310 : i32 to index
      %parallel_loop3A_497 = arith.constant 480 : index
      %parallel_loop3A_498 = tpu.vector_load %arg11[%parallel_loop3A_496, %parallel_loop3A_497] {strides = array<i32>} : memref<80x640xf32, #tpu.memory_space<vmem>>, vector<16xf32>,
      %parallel_loop3A_499 = arith.mulf %parallel_loop3A_498, %parallel_loop3A_331 : vector<16xf32>
      %parallel_loop3A_500 = arith.addf %parallel_loop3A_495, %parallel_loop3A_499 : vector<16xf32>
      %parallel_loop3A_501 = arith.index_cast %parallel_loop3A_310 : i32 to index
      %parallel_loop3A_502 = arith.constant 496 : index
      %parallel_loop3A_503 = tpu.vector_load %arg11[%parallel_loop3A_501, %parallel_loop3A_502] {strides = array<i32>} : memref<80x640xf32, #tpu.memory_space<vmem>>, vector<16xf32>,
      %parallel_loop3A_504 = arith.mulf %parallel_loop3A_503, %parallel_loop3A_334 : vector<16xf32>
      %parallel_loop3A_505 = arith.addf %parallel_loop3A_500, %parallel_loop3A_504 : vector<16xf32>
      %parallel_loop3A_506 = arith.constant true
      %parallel_loop3A_507 = vector.broadcast %parallel_loop3A_506 : i1 to vector<16xi1>
      %parallel_loop3A_508 = tpu.scan <sum>, %parallel_loop3A_505 masked %parallel_loop3A_507 : vector<16xf32>, vector<16xi1> -> vector<16xf32>
      %parallel_loop3A_509 = vector.broadcast %parallel_loop3A_310 : i32 to vector<16xi32>
      %parallel_loop3A_510 = arith.addi %add3A_16, %parallel_loop3A_509 : vector<16xi32>
      tpu.vector_store_idx %arg15[%parallel_loop3A_510], %parallel_loop3A_508 masked %eq3A_4 : memref<400xf32, #tpu.memory_space<vmem>>[vector<16xi32>], vector<16xf32>, vector<16xi1>
      %parallel_loop3A_511 = arith.index_cast %parallel_loop3A_310 : i32 to index
      %parallel_loop3A_512 = arith.constant 512 : index
      %parallel_loop3A_513 = tpu.vector_load %arg11[%parallel_loop3A_511, %parallel_loop3A_512] {strides = array<i32>} : memref<80x640xf32, #tpu.memory_space<vmem>>, vector<16xf32>,
      %parallel_loop3A_514 = arith.mulf %parallel_loop3A_513, %parallel_loop3A_313 : vector<16xf32>
      %parallel_loop3A_515 = arith.index_cast %parallel_loop3A_310 : i32 to index
      %parallel_loop3A_516 = arith.constant 528 : index
      %parallel_loop3A_517 = tpu.vector_load %arg11[%parallel_loop3A_515, %parallel_loop3A_516] {strides = array<i32>} : memref<80x640xf32, #tpu.memory_space<vmem>>, vector<16xf32>,
      %parallel_loop3A_518 = arith.mulf %parallel_loop3A_517, %parallel_loop3A_316 : vector<16xf32>
      %parallel_loop3A_519 = arith.addf %parallel_loop3A_514, %parallel_loop3A_518 : vector<16xf32>
      %parallel_loop3A_520 = arith.index_cast %parallel_loop3A_310 : i32 to index
      %parallel_loop3A_521 = arith.constant 544 : index
      %parallel_loop3A_522 = tpu.vector_load %arg11[%parallel_loop3A_520, %parallel_loop3A_521] {strides = array<i32>} : memref<80x640xf32, #tpu.memory_space<vmem>>, vector<16xf32>,
      %parallel_loop3A_523 = arith.mulf %parallel_loop3A_522, %parallel_loop3A_319 : vector<16xf32>
      %parallel_loop3A_524 = arith.addf %parallel_loop3A_519, %parallel_loop3A_523 : vector<16xf32>
      %parallel_loop3A_525 = arith.index_cast %parallel_loop3A_310 : i32 to index
      %parallel_loop3A_526 = arith.constant 560 : index
      %parallel_loop3A_527 = tpu.vector_load %arg11[%parallel_loop3A_525, %parallel_loop3A_526] {strides = array<i32>} : memref<80x640xf32, #tpu.memory_space<vmem>>, vector<16xf32>,
      %parallel_loop3A_528 = arith.mulf %parallel_loop3A_527, %parallel_loop3A_322 : vector<16xf32>
      %parallel_loop3A_529 = arith.addf %parallel_loop3A_524, %parallel_loop3A_528 : vector<16xf32>
      %parallel_loop3A_530 = arith.index_cast %parallel_loop3A_310 : i32 to index
      %parallel_loop3A_531 = arith.constant 576 : index
      %parallel_loop3A_532 = tpu.vector_load %arg11[%parallel_loop3A_530, %parallel_loop3A_531] {strides = array<i32>} : memref<80x640xf32, #tpu.memory_space<vmem>>, vector<16xf32>,
      %parallel_loop3A_533 = arith.mulf %parallel_loop3A_532, %parallel_loop3A_325 : vector<16xf32>
      %parallel_loop3A_534 = arith.addf %parallel_loop3A_529, %parallel_loop3A_533 : vector<16xf32>
      %parallel_loop3A_535 = arith.index_cast %parallel_loop3A_310 : i32 to index
      %parallel_loop3A_536 = arith.constant 592 : index
      %parallel_loop3A_537 = tpu.vector_load %arg11[%parallel_loop3A_535, %parallel_loop3A_536] {strides = array<i32>} : memref<80x640xf32, #tpu.memory_space<vmem>>, vector<16xf32>,
      %parallel_loop3A_538 = arith.mulf %parallel_loop3A_537, %parallel_loop3A_328 : vector<16xf32>
      %parallel_loop3A_539 = arith.addf %parallel_loop3A_534, %parallel_loop3A_538 : vector<16xf32>
      %parallel_loop3A_540 = arith.index_cast %parallel_loop3A_310 : i32 to index
      %parallel_loop3A_541 = arith.constant 608 : index
      %parallel_loop3A_542 = tpu.vector_load %arg11[%parallel_loop3A_540, %parallel_loop3A_541] {strides = array<i32>} : memref<80x640xf32, #tpu.memory_space<vmem>>, vector<16xf32>,
      %parallel_loop3A_543 = arith.mulf %parallel_loop3A_542, %parallel_loop3A_331 : vector<16xf32>
      %parallel_loop3A_544 = arith.addf %parallel_loop3A_539, %parallel_loop3A_543 : vector<16xf32>
      %parallel_loop3A_545 = arith.index_cast %parallel_loop3A_310 : i32 to index
      %parallel_loop3A_546 = arith.constant 624 : index
      %parallel_loop3A_547 = tpu.vector_load %arg11[%parallel_loop3A_545, %parallel_loop3A_546] {strides = array<i32>} : memref<80x640xf32, #tpu.memory_space<vmem>>, vector<16xf32>,
      %parallel_loop3A_548 = arith.mulf %parallel_loop3A_547, %parallel_loop3A_334 : vector<16xf32>
      %parallel_loop3A_549 = arith.addf %parallel_loop3A_544, %parallel_loop3A_548 : vector<16xf32>
      %parallel_loop3A_550 = arith.constant true
      %parallel_loop3A_551 = vector.broadcast %parallel_loop3A_550 : i1 to vector<16xi1>
      %parallel_loop3A_552 = tpu.scan <sum>, %parallel_loop3A_549 masked %parallel_loop3A_551 : vector<16xf32>, vector<16xi1> -> vector<16xf32>
      %parallel_loop3A_553 = vector.broadcast %parallel_loop3A_310 : i32 to vector<16xi32>
      %parallel_loop3A_554 = arith.addi %add3A_19, %parallel_loop3A_553 : vector<16xi32>
      tpu.vector_store_idx %arg15[%parallel_loop3A_554], %parallel_loop3A_552 masked %eq3A_4 : memref<400xf32, #tpu.memory_space<vmem>>[vector<16xi32>], vector<16xf32>, vector<16xi1>
    } {sc.loop_unroll_factor = 1 : i64, sc.parallel_access}
    %get3A = arith.constant 0 : index
    %get3A_69 = tpu.vector_load %arg15[%get3A] {strides = array<i32>} : memref<400xf32, #tpu.memory_space<vmem>>, vector<16xf32>,
    %get3A_70 = arith.constant 80 : index
    %get3A_71 = tpu.vector_load %arg15[%get3A_70] {strides = array<i32>} : memref<400xf32, #tpu.memory_space<vmem>>, vector<16xf32>,
    %get3A_72 = arith.constant 160 : index
    %get3A_73 = tpu.vector_load %arg15[%get3A_72] {strides = array<i32>} : memref<400xf32, #tpu.memory_space<vmem>>, vector<16xf32>,
    %get3A_74 = arith.constant 240 : index
    %get3A_75 = tpu.vector_load %arg15[%get3A_74] {strides = array<i32>} : memref<400xf32, #tpu.memory_space<vmem>>, vector<16xf32>,
    %get3A_76 = arith.constant 320 : index
    %get3A_77 = tpu.vector_load %arg15[%get3A_76] {strides = array<i32>} : memref<400xf32, #tpu.memory_space<vmem>>, vector<16xf32>,
    %max3A = arith.maximumf %get3A_69, %get3A_71 : vector<16xf32>
    %max3A_78 = arith.maximumf %max3A, %get3A_73 : vector<16xf32>
    %max3A_79 = arith.maximumf %max3A_78, %get3A_75 : vector<16xf32>
    %max3A_80 = arith.maximumf %max3A_79, %get3A_77 : vector<16xf32>
    %sub3A = arith.subf %get3A_69, %max3A_80 : vector<16xf32>
    %exp3A = math.exp %sub3A : vector<16xf32>
    %sub3A_81 = arith.subf %get3A_71, %max3A_80 : vector<16xf32>
    %exp3A_82 = math.exp %sub3A_81 : vector<16xf32>
    %sub3A_83 = arith.subf %get3A_73, %max3A_80 : vector<16xf32>
    %exp3A_84 = math.exp %sub3A_83 : vector<16xf32>
    %sub3A_85 = arith.subf %get3A_75, %max3A_80 : vector<16xf32>
    %exp3A_86 = math.exp %sub3A_85 : vector<16xf32>
    %sub3A_87 = arith.subf %get3A_77, %max3A_80 : vector<16xf32>
    %exp3A_88 = math.exp %sub3A_87 : vector<16xf32>
    %add3A_89 = arith.addf %exp3A, %exp3A_82 : vector<16xf32>
    %mul3A_90 = arith.constant 2.000000e+00 : f32
    %mul3A_91 = vector.broadcast %mul3A_90 : f32 to vector<16xf32>
    %mul3A_92 = arith.mulf %exp3A_82, %mul3A_91 : vector<16xf32>
    %add3A_93 = arith.addf %exp3A, %mul3A_92 : vector<16xf32>
    %add3A_94 = arith.addf %add3A_89, %exp3A_84 : vector<16xf32>
    %mul3A_95 = arith.constant 3.000000e+00 : f32
    %mul3A_96 = vector.broadcast %mul3A_95 : f32 to vector<16xf32>
    %mul3A_97 = arith.mulf %exp3A_84, %mul3A_96 : vector<16xf32>
    %add3A_98 = arith.addf %add3A_93, %mul3A_97 : vector<16xf32>
    %add3A_99 = arith.addf %add3A_94, %exp3A_86 : vector<16xf32>
    %mul3A_100 = arith.constant 4.000000e+00 : f32
    %mul3A_101 = vector.broadcast %mul3A_100 : f32 to vector<16xf32>
    %mul3A_102 = arith.mulf %exp3A_86, %mul3A_101 : vector<16xf32>
    %add3A_103 = arith.addf %add3A_98, %mul3A_102 : vector<16xf32>
    %add3A_104 = arith.addf %add3A_99, %exp3A_88 : vector<16xf32>
    %mul3A_105 = arith.constant 5.000000e+00 : f32
    %mul3A_106 = vector.broadcast %mul3A_105 : f32 to vector<16xf32>
    %mul3A_107 = arith.mulf %exp3A_88, %mul3A_106 : vector<16xf32>
    %add3A_108 = arith.addf %add3A_103, %mul3A_107 : vector<16xf32>
    %div3A = arith.divf %add3A_108, %add3A_104 : vector<16xf32>
    %swap3A = arith.constant 0 : index
    %swap3A_109 = tpu.vector_load %arg16[%swap3A] {strides = array<i32>} : memref<80xf32, #tpu.memory_space<vmem>>, vector<16xf32>,
    tpu.vector_store %arg16[%swap3A], %div3A {strides = array<i32>} : memref<80xf32, #tpu.memory_space<vmem>>, vector<16xf32>,
    %get3A_110 = arith.constant 16 : index
    %get3A_111 = tpu.vector_load %arg15[%get3A_110] {strides = array<i32>} : memref<400xf32, #tpu.memory_space<vmem>>, vector<16xf32>,
    %get3A_112 = arith.constant 96 : index
    %get3A_113 = tpu.vector_load %arg15[%get3A_112] {strides = array<i32>} : memref<400xf32, #tpu.memory_space<vmem>>, vector<16xf32>,
    %get3A_114 = arith.constant 176 : index
    %get3A_115 = tpu.vector_load %arg15[%get3A_114] {strides = array<i32>} : memref<400xf32, #tpu.memory_space<vmem>>, vector<16xf32>,
    %get3A_116 = arith.constant 256 : index
    %get3A_117 = tpu.vector_load %arg15[%get3A_116] {strides = array<i32>} : memref<400xf32, #tpu.memory_space<vmem>>, vector<16xf32>,
    %get3A_118 = arith.constant 336 : index
    %get3A_119 = tpu.vector_load %arg15[%get3A_118] {strides = array<i32>} : memref<400xf32, #tpu.memory_space<vmem>>, vector<16xf32>,
    %max3A_120 = arith.maximumf %get3A_111, %get3A_113 : vector<16xf32>
    %max3A_121 = arith.maximumf %max3A_120, %get3A_115 : vector<16xf32>
    %max3A_122 = arith.maximumf %max3A_121, %get3A_117 : vector<16xf32>
    %max3A_123 = arith.maximumf %max3A_122, %get3A_119 : vector<16xf32>
    %sub3A_124 = arith.subf %get3A_111, %max3A_123 : vector<16xf32>
    %exp3A_125 = math.exp %sub3A_124 : vector<16xf32>
    %sub3A_126 = arith.subf %get3A_113, %max3A_123 : vector<16xf32>
    %exp3A_127 = math.exp %sub3A_126 : vector<16xf32>
    %sub3A_128 = arith.subf %get3A_115, %max3A_123 : vector<16xf32>
    %exp3A_129 = math.exp %sub3A_128 : vector<16xf32>
    %sub3A_130 = arith.subf %get3A_117, %max3A_123 : vector<16xf32>
    %exp3A_131 = math.exp %sub3A_130 : vector<16xf32>
    %sub3A_132 = arith.subf %get3A_119, %max3A_123 : vector<16xf32>
    %exp3A_133 = math.exp %sub3A_132 : vector<16xf32>
    %add3A_134 = arith.addf %exp3A_125, %exp3A_127 : vector<16xf32>
    %mul3A_135 = arith.constant 2.000000e+00 : f32
    %mul3A_136 = vector.broadcast %mul3A_135 : f32 to vector<16xf32>
    %mul3A_137 = arith.mulf %exp3A_127, %mul3A_136 : vector<16xf32>
    %add3A_138 = arith.addf %exp3A_125, %mul3A_137 : vector<16xf32>
    %add3A_139 = arith.addf %add3A_134, %exp3A_129 : vector<16xf32>
    %mul3A_140 = arith.constant 3.000000e+00 : f32
    %mul3A_141 = vector.broadcast %mul3A_140 : f32 to vector<16xf32>
    %mul3A_142 = arith.mulf %exp3A_129, %mul3A_141 : vector<16xf32>
    %add3A_143 = arith.addf %add3A_138, %mul3A_142 : vector<16xf32>
    %add3A_144 = arith.addf %add3A_139, %exp3A_131 : vector<16xf32>
    %mul3A_145 = arith.constant 4.000000e+00 : f32
    %mul3A_146 = vector.broadcast %mul3A_145 : f32 to vector<16xf32>
    %mul3A_147 = arith.mulf %exp3A_131, %mul3A_146 : vector<16xf32>
    %add3A_148 = arith.addf %add3A_143, %mul3A_147 : vector<16xf32>
    %add3A_149 = arith.addf %add3A_144, %exp3A_133 : vector<16xf32>
    %mul3A_150 = arith.constant 5.000000e+00 : f32
    %mul3A_151 = vector.broadcast %mul3A_150 : f32 to vector<16xf32>
    %mul3A_152 = arith.mulf %exp3A_133, %mul3A_151 : vector<16xf32>
    %add3A_153 = arith.addf %add3A_148, %mul3A_152 : vector<16xf32>
    %div3A_154 = arith.divf %add3A_153, %add3A_149 : vector<16xf32>
    %swap3A_155 = arith.constant 16 : index
    %swap3A_156 = tpu.vector_load %arg16[%swap3A_155] {strides = array<i32>} : memref<80xf32, #tpu.memory_space<vmem>>, vector<16xf32>,
    tpu.vector_store %arg16[%swap3A_155], %div3A_154 {strides = array<i32>} : memref<80xf32, #tpu.memory_space<vmem>>, vector<16xf32>,
    %get3A_157 = arith.constant 32 : index
    %get3A_158 = tpu.vector_load %arg15[%get3A_157] {strides = array<i32>} : memref<400xf32, #tpu.memory_space<vmem>>, vector<16xf32>,
    %get3A_159 = arith.constant 112 : index
    %get3A_160 = tpu.vector_load %arg15[%get3A_159] {strides = array<i32>} : memref<400xf32, #tpu.memory_space<vmem>>, vector<16xf32>,
    %get3A_161 = arith.constant 192 : index
    %get3A_162 = tpu.vector_load %arg15[%get3A_161] {strides = array<i32>} : memref<400xf32, #tpu.memory_space<vmem>>, vector<16xf32>,
    %get3A_163 = arith.constant 272 : index
    %get3A_164 = tpu.vector_load %arg15[%get3A_163] {strides = array<i32>} : memref<400xf32, #tpu.memory_space<vmem>>, vector<16xf32>,
    %get3A_165 = arith.constant 352 : index
    %get3A_166 = tpu.vector_load %arg15[%get3A_165] {strides = array<i32>} : memref<400xf32, #tpu.memory_space<vmem>>, vector<16xf32>,
    %max3A_167 = arith.maximumf %get3A_158, %get3A_160 : vector<16xf32>
    %max3A_168 = arith.maximumf %max3A_167, %get3A_162 : vector<16xf32>
    %max3A_169 = arith.maximumf %max3A_168, %get3A_164 : vector<16xf32>
    %max3A_170 = arith.maximumf %max3A_169, %get3A_166 : vector<16xf32>
    %sub3A_171 = arith.subf %get3A_158, %max3A_170 : vector<16xf32>
    %exp3A_172 = math.exp %sub3A_171 : vector<16xf32>
    %sub3A_173 = arith.subf %get3A_160, %max3A_170 : vector<16xf32>
    %exp3A_174 = math.exp %sub3A_173 : vector<16xf32>
    %sub3A_175 = arith.subf %get3A_162, %max3A_170 : vector<16xf32>
    %exp3A_176 = math.exp %sub3A_175 : vector<16xf32>
    %sub3A_177 = arith.subf %get3A_164, %max3A_170 : vector<16xf32>
    %exp3A_178 = math.exp %sub3A_177 : vector<16xf32>
    %sub3A_179 = arith.subf %get3A_166, %max3A_170 : vector<16xf32>
    %exp3A_180 = math.exp %sub3A_179 : vector<16xf32>
    %add3A_181 = arith.addf %exp3A_172, %exp3A_174 : vector<16xf32>
    %mul3A_182 = arith.constant 2.000000e+00 : f32
    %mul3A_183 = vector.broadcast %mul3A_182 : f32 to vector<16xf32>
    %mul3A_184 = arith.mulf %exp3A_174, %mul3A_183 : vector<16xf32>
    %add3A_185 = arith.addf %exp3A_172, %mul3A_184 : vector<16xf32>
    %add3A_186 = arith.addf %add3A_181, %exp3A_176 : vector<16xf32>
    %mul3A_187 = arith.constant 3.000000e+00 : f32
    %mul3A_188 = vector.broadcast %mul3A_187 : f32 to vector<16xf32>
    %mul3A_189 = arith.mulf %exp3A_176, %mul3A_188 : vector<16xf32>
    %add3A_190 = arith.addf %add3A_185, %mul3A_189 : vector<16xf32>
    %add3A_191 = arith.addf %add3A_186, %exp3A_178 : vector<16xf32>
    %mul3A_192 = arith.constant 4.000000e+00 : f32
    %mul3A_193 = vector.broadcast %mul3A_192 : f32 to vector<16xf32>
    %mul3A_194 = arith.mulf %exp3A_178, %mul3A_193 : vector<16xf32>
    %add3A_195 = arith.addf %add3A_190, %mul3A_194 : vector<16xf32>
    %add3A_196 = arith.addf %add3A_191, %exp3A_180 : vector<16xf32>
    %mul3A_197 = arith.constant 5.000000e+00 : f32
    %mul3A_198 = vector.broadcast %mul3A_197 : f32 to vector<16xf32>
    %mul3A_199 = arith.mulf %exp3A_180, %mul3A_198 : vector<16xf32>
    %add3A_200 = arith.addf %add3A_195, %mul3A_199 : vector<16xf32>
    %div3A_201 = arith.divf %add3A_200, %add3A_196 : vector<16xf32>
    %swap3A_202 = arith.constant 32 : index
    %swap3A_203 = tpu.vector_load %arg16[%swap3A_202] {strides = array<i32>} : memref<80xf32, #tpu.memory_space<vmem>>, vector<16xf32>,
    tpu.vector_store %arg16[%swap3A_202], %div3A_201 {strides = array<i32>} : memref<80xf32, #tpu.memory_space<vmem>>, vector<16xf32>,
    %get3A_204 = arith.constant 48 : index
    %get3A_205 = tpu.vector_load %arg15[%get3A_204] {strides = array<i32>} : memref<400xf32, #tpu.memory_space<vmem>>, vector<16xf32>,
    %get3A_206 = arith.constant 128 : index
    %get3A_207 = tpu.vector_load %arg15[%get3A_206] {strides = array<i32>} : memref<400xf32, #tpu.memory_space<vmem>>, vector<16xf32>,
    %get3A_208 = arith.constant 208 : index
    %get3A_209 = tpu.vector_load %arg15[%get3A_208] {strides = array<i32>} : memref<400xf32, #tpu.memory_space<vmem>>, vector<16xf32>,
    %get3A_210 = arith.constant 288 : index
    %get3A_211 = tpu.vector_load %arg15[%get3A_210] {strides = array<i32>} : memref<400xf32, #tpu.memory_space<vmem>>, vector<16xf32>,
    %get3A_212 = arith.constant 368 : index
    %get3A_213 = tpu.vector_load %arg15[%get3A_212] {strides = array<i32>} : memref<400xf32, #tpu.memory_space<vmem>>, vector<16xf32>,
    %max3A_214 = arith.maximumf %get3A_205, %get3A_207 : vector<16xf32>
    %max3A_215 = arith.maximumf %max3A_214, %get3A_209 : vector<16xf32>
    %max3A_216 = arith.maximumf %max3A_215, %get3A_211 : vector<16xf32>
    %max3A_217 = arith.maximumf %max3A_216, %get3A_213 : vector<16xf32>
    %sub3A_218 = arith.subf %get3A_205, %max3A_217 : vector<16xf32>
    %exp3A_219 = math.exp %sub3A_218 : vector<16xf32>
    %sub3A_220 = arith.subf %get3A_207, %max3A_217 : vector<16xf32>
    %exp3A_221 = math.exp %sub3A_220 : vector<16xf32>
    %sub3A_222 = arith.subf %get3A_209, %max3A_217 : vector<16xf32>
    %exp3A_223 = math.exp %sub3A_222 : vector<16xf32>
    %sub3A_224 = arith.subf %get3A_211, %max3A_217 : vector<16xf32>
    %exp3A_225 = math.exp %sub3A_224 : vector<16xf32>
    %sub3A_226 = arith.subf %get3A_213, %max3A_217 : vector<16xf32>
    %exp3A_227 = math.exp %sub3A_226 : vector<16xf32>
    %add3A_228 = arith.addf %exp3A_219, %exp3A_221 : vector<16xf32>
    %mul3A_229 = arith.constant 2.000000e+00 : f32
    %mul3A_230 = vector.broadcast %mul3A_229 : f32 to vector<16xf32>
    %mul3A_231 = arith.mulf %exp3A_221, %mul3A_230 : vector<16xf32>
    %add3A_232 = arith.addf %exp3A_219, %mul3A_231 : vector<16xf32>
    %add3A_233 = arith.addf %add3A_228, %exp3A_223 : vector<16xf32>
    %mul3A_234 = arith.constant 3.000000e+00 : f32
    %mul3A_235 = vector.broadcast %mul3A_234 : f32 to vector<16xf32>
    %mul3A_236 = arith.mulf %exp3A_223, %mul3A_235 : vector<16xf32>
    %add3A_237 = arith.addf %add3A_232, %mul3A_236 : vector<16xf32>
    %add3A_238 = arith.addf %add3A_233, %exp3A_225 : vector<16xf32>
    %mul3A_239 = arith.constant 4.000000e+00 : f32
    %mul3A_240 = vector.broadcast %mul3A_239 : f32 to vector<16xf32>
    %mul3A_241 = arith.mulf %exp3A_225, %mul3A_240 : vector<16xf32>
    %add3A_242 = arith.addf %add3A_237, %mul3A_241 : vector<16xf32>
    %add3A_243 = arith.addf %add3A_238, %exp3A_227 : vector<16xf32>
    %mul3A_244 = arith.constant 5.000000e+00 : f32
    %mul3A_245 = vector.broadcast %mul3A_244 : f32 to vector<16xf32>
    %mul3A_246 = arith.mulf %exp3A_227, %mul3A_245 : vector<16xf32>
    %add3A_247 = arith.addf %add3A_242, %mul3A_246 : vector<16xf32>
    %div3A_248 = arith.divf %add3A_247, %add3A_243 : vector<16xf32>
    %swap3A_249 = arith.constant 48 : index
    %swap3A_250 = tpu.vector_load %arg16[%swap3A_249] {strides = array<i32>} : memref<80xf32, #tpu.memory_space<vmem>>, vector<16xf32>,
    tpu.vector_store %arg16[%swap3A_249], %div3A_248 {strides = array<i32>} : memref<80xf32, #tpu.memory_space<vmem>>, vector<16xf32>,
    %get3A_251 = arith.constant 64 : index
    %get3A_252 = tpu.vector_load %arg15[%get3A_251] {strides = array<i32>} : memref<400xf32, #tpu.memory_space<vmem>>, vector<16xf32>,
    %get3A_253 = arith.constant 144 : index
    %get3A_254 = tpu.vector_load %arg15[%get3A_253] {strides = array<i32>} : memref<400xf32, #tpu.memory_space<vmem>>, vector<16xf32>,
    %get3A_255 = arith.constant 224 : index
    %get3A_256 = tpu.vector_load %arg15[%get3A_255] {strides = array<i32>} : memref<400xf32, #tpu.memory_space<vmem>>, vector<16xf32>,
    %get3A_257 = arith.constant 304 : index
    %get3A_258 = tpu.vector_load %arg15[%get3A_257] {strides = array<i32>} : memref<400xf32, #tpu.memory_space<vmem>>, vector<16xf32>,
    %get3A_259 = arith.constant 384 : index
    %get3A_260 = tpu.vector_load %arg15[%get3A_259] {strides = array<i32>} : memref<400xf32, #tpu.memory_space<vmem>>, vector<16xf32>,
    %max3A_261 = arith.maximumf %get3A_252, %get3A_254 : vector<16xf32>
    %max3A_262 = arith.maximumf %max3A_261, %get3A_256 : vector<16xf32>
    %max3A_263 = arith.maximumf %max3A_262, %get3A_258 : vector<16xf32>
    %max3A_264 = arith.maximumf %max3A_263, %get3A_260 : vector<16xf32>
    %sub3A_265 = arith.subf %get3A_252, %max3A_264 : vector<16xf32>
    %exp3A_266 = math.exp %sub3A_265 : vector<16xf32>
    %sub3A_267 = arith.subf %get3A_254, %max3A_264 : vector<16xf32>
    %exp3A_268 = math.exp %sub3A_267 : vector<16xf32>
    %sub3A_269 = arith.subf %get3A_256, %max3A_264 : vector<16xf32>
    %exp3A_270 = math.exp %sub3A_269 : vector<16xf32>
    %sub3A_271 = arith.subf %get3A_258, %max3A_264 : vector<16xf32>
    %exp3A_272 = math.exp %sub3A_271 : vector<16xf32>
    %sub3A_273 = arith.subf %get3A_260, %max3A_264 : vector<16xf32>
    %exp3A_274 = math.exp %sub3A_273 : vector<16xf32>
    %add3A_275 = arith.addf %exp3A_266, %exp3A_268 : vector<16xf32>
    %mul3A_276 = arith.constant 2.000000e+00 : f32
    %mul3A_277 = vector.broadcast %mul3A_276 : f32 to vector<16xf32>
    %mul3A_278 = arith.mulf %exp3A_268, %mul3A_277 : vector<16xf32>
    %add3A_279 = arith.addf %exp3A_266, %mul3A_278 : vector<16xf32>
    %add3A_280 = arith.addf %add3A_275, %exp3A_270 : vector<16xf32>
    %mul3A_281 = arith.constant 3.000000e+00 : f32
    %mul3A_282 = vector.broadcast %mul3A_281 : f32 to vector<16xf32>
    %mul3A_283 = arith.mulf %exp3A_270, %mul3A_282 : vector<16xf32>
    %add3A_284 = arith.addf %add3A_279, %mul3A_283 : vector<16xf32>
    %add3A_285 = arith.addf %add3A_280, %exp3A_272 : vector<16xf32>
    %mul3A_286 = arith.constant 4.000000e+00 : f32
    %mul3A_287 = vector.broadcast %mul3A_286 : f32 to vector<16xf32>
    %mul3A_288 = arith.mulf %exp3A_272, %mul3A_287 : vector<16xf32>
    %add3A_289 = arith.addf %add3A_284, %mul3A_288 : vector<16xf32>
    %add3A_290 = arith.addf %add3A_285, %exp3A_274 : vector<16xf32>
    %mul3A_291 = arith.constant 5.000000e+00 : f32
    %mul3A_292 = vector.broadcast %mul3A_291 : f32 to vector<16xf32>
    %mul3A_293 = arith.mulf %exp3A_274, %mul3A_292 : vector<16xf32>
    %add3A_294 = arith.addf %add3A_289, %mul3A_293 : vector<16xf32>
    %div3A_295 = arith.divf %add3A_294, %add3A_290 : vector<16xf32>
    %swap3A_296 = arith.constant 64 : index
    %swap3A_297 = tpu.vector_load %arg16[%swap3A_296] {strides = array<i32>} : memref<80xf32, #tpu.memory_space<vmem>>, vector<16xf32>,
    tpu.vector_store %arg16[%swap3A_296], %div3A_295 {strides = array<i32>} : memref<80xf32, #tpu.memory_space<vmem>>, vector<16xf32>,
    %add3A_298 = arith.constant 9920 : i32
    %add3A_299 = arith.addi %mul3A_2, %add3A_298 : i32
    %dma_start3A_300 = tpu.memref_slice %arg6[%add3A_299] : memref<320000xf32, #tpu.memory_space<hbm>> -> memref<80xf32, #tpu.memory_space<hbm>>
    %dma_start3A_301 = tpu.memref_slice %arg6[%add3A_299] : memref<320000xf32, #tpu.memory_space<hbm>> -> memref<80xf32, #tpu.memory_space<hbm>>
    tpu.enqueue_dma source(%arg16 : memref<80xf32, #tpu.memory_space<vmem>>) target(%dma_start3A_301 : memref<80xf32, #tpu.memory_space<hbm>>) target_semaphore(%arg22 : memref<!tpu.dma_semaphore, #tpu.memory_space<semaphore_mem>>)
    %dma_wait3A_302 = arith.constant 0 : i32
    %dma_wait3A_303 = tpu.memref_slice %arg6[%dma_wait3A_302] : memref<320000xf32, #tpu.memory_space<hbm>> -> memref<80xf32, #tpu.memory_space<hbm>>
    %dma_wait3A_304 = arith.constant 0 : i32
    %dma_wait3A_305 = tpu.memref_slice %arg6[%dma_wait3A_304] : memref<320000xf32, #tpu.memory_space<hbm>> -> memref<80xf32, #tpu.memory_space<hbm>>
    tpu.wait_dma2 semaphore(%arg23 : memref<!tpu.dma_semaphore, #tpu.memory_space<semaphore_mem>>) src(%arg17 : memref<80xf32, #tpu.memory_space<vmem>>) dst(%dma_wait3A_305 : memref<80xf32, #tpu.memory_space<hbm>>)
    %dma_wait3A_306 = arith.constant 0 : i32
    %dma_wait3A_307 = tpu.memref_slice %arg6[%dma_wait3A_306] : memref<320000xf32, #tpu.memory_space<hbm>> -> memref<80xf32, #tpu.memory_space<hbm>>
    %dma_wait3A_308 = arith.constant 0 : i32
    %dma_wait3A_309 = tpu.memref_slice %arg6[%dma_wait3A_308] : memref<320000xf32, #tpu.memory_space<hbm>> -> memref<80xf32, #tpu.memory_space<hbm>>
    tpu.wait_dma2 semaphore(%arg22 : memref<!tpu.dma_semaphore, #tpu.memory_space<semaphore_mem>>) src(%arg16 : memref<80xf32, #tpu.memory_space<vmem>>) dst(%dma_wait3A_309 : memref<80xf32, #tpu.memory_space<hbm>>)
    return
  }
}

module attributes {stable_mosaic.version = 14 : i64} {
  func.func @_matmul_body(%arg0: i32, %arg1: memref<1000x128xf32, #tpu.memory_space<vmem>>, %arg2: memref<128x640xf32, #tpu.memory_space<vmem>>, %arg3: memref<1000x640xf32, #tpu.memory_space<vmem>>) attributes {dimension_semantics = [#tpu.dimension_semantics<arbitrary>], iteration_bounds = array<i64: 10>, scalar_prefetch = 0 : i64, scratch_operands = 0 : i64, tpu.core_type = #tpu.core_type<tc>, window_params = [{transform_indices = @transform_0, window_bounds = array<i64: 1000, 128>}, {pipeline_mode = #tpu.pipeline_mode<synchronous>, transform_indices = @transform_1, window_bounds = array<i64: 128, 640>}, {transform_indices = @transform_2, window_bounds = array<i64: 1000, 640>}]} {
    %get3A = arith.constant 0 : index
    %get3A_0 = arith.constant 0 : index
    %get3A_1 = vector.load %arg1[%get3A, %get3A_0] : memref<1000x128xf32, #tpu.memory_space<vmem>>, vector<1000x128xf32>
    %get3A_2 = arith.constant 0 : index
    %get3A_3 = arith.constant 0 : index
    %get3A_4 = vector.load %arg2[%get3A_2, %get3A_3] : memref<128x640xf32, #tpu.memory_space<vmem>>, vector<128x640xf32>
    %dot_general3A = arith.constant dense<0.000000e+00> : vector<1000x640xf32>
    %dot_general3A_5 = tpu.matmul %get3A_1, %get3A_4, %dot_general3A {dimension_numbers = #tpu.dot_dimension_numbers<[1], [0], [0], [1], [0, 0, 1, 1], [], []>, transpose_lhs_hint = false} : vector<1000x128xf32>, vector<128x640xf32>, vector<1000x640xf32> -> vector<1000x640xf32>
    %swap3A = arith.constant 0 : index
    %swap3A_6 = arith.constant 0 : index
    %swap3A_7 = vector.load %arg3[%swap3A, %swap3A_6] : memref<1000x640xf32, #tpu.memory_space<vmem>>, vector<1000x640xf32>
    tpu.vector_store %arg3[%swap3A, %swap3A_6], %dot_general3A_5 {strides = array<i32>} : memref<1000x640xf32, #tpu.memory_space<vmem>>, vector<1000x640xf32>,
    return
  }
  func.func @transform_0(%arg0: i32) -> (i32, i32) {
    %c0_i32 = arith.constant 0 : i32
    %c0_i32_0 = arith.constant 0 : i32
    return %arg0, %c0_i32 : i32, i32
  }
  func.func @transform_1(%arg0: i32) -> (i32, i32) {
    %c0_i32 = arith.constant 0 : i32
    %c0_i32_0 = arith.constant 0 : i32
    %c0_i32_1 = arith.constant 0 : i32
    return %c0_i32, %c0_i32_0 : i32, i32
  }
  func.func @transform_2(%arg0: i32) -> (i32, i32) {
    %c0_i32 = arith.constant 0 : i32
    %c0_i32_0 = arith.constant 0 : i32
    return %arg0, %c0_i32 : i32, i32
  }
}

</mosaic_0001>

<sc_bundles>
// kernel: kernel.4.cloned.1.call-start
scs
__scs_entry_jumppad:
0x0: {  	(pc) =	sbr.rel $0x88, $3  }
0x1: {  	(tag) =	ssettag $0x0;
	lr =	simm.s32 $0x1  }
0x2: {  	[smem:$0x3F9D] =	sst lr;
	_ =	strace $0xD0000000  }
0x3: {  	_ = 	snop  }
0x4: {  	_ = 	snop  }
0x5: {  	_ = 	snop  }
0x6: {  	_ = 	snop  }
0x7: {  	_ = 	snop  }
__scs_overlays_trampoline_lowered:
0x8: {  	[smem:$0x3FAC] =	sst s0  }
0x9: {  	[smem:$0x3FAD] =	sst s1  }
0xa: {  	[smem:$0x3FAE] =	sst s2  }
0xb: {  	[smem:$0x3FAF] =	sst s3  }
0xc: {  	[smem:$0x3FB0] =	sst s4  }
0xd: {  	[smem:$0x3FB1] =	sst s5  }
0xe: {  	[smem:$0x3FB2] =	sst s6  }
0xf: {  	[smem:$0x3FB3] =	sst s7  }
0x10: {  	[smem:$0x3FB4] =	sst s8  }
0x11: {  	[smem:$0x3FB5] =	sst s9;
	s0 =	simm.s32 @!p0 $0x0  }
0x12: {  	s1 =	sld [smem:$0x3F9B];
	s0 =	simm.s32 @p0 $0x1  }
0x13: {  	[smem:$0x3FB6] =	sst s0;
	s0 =	simm.s32 @!p1 $0x0  }
0x14: {  	s2 =	sld [smem:$0x3F9A];
	s0 =	simm.s32 @p1 $0x1  }
0x15: {  	[smem:$0x3FB7] =	sst s0;
	s0 =	simm.s32 @!p2 $0x0  }
0x16: {  	s3 =	sld [smem:$0x3FDB];
	s0 =	simm.s32 @p2 $0x1  }
0x17: {  	s4 =	simm.s32 $0x1BF5;
	[smem:$0x3FB9] =	sst s0  }
0x18: {  	s0 =	sld [smem:$0x3F9C];
	_ =	swait.ge [sflag:s4], $0x0  }
0x19: {  	s7 =	sld [smem:$0x3F9D]  }
0x1a: {  	s8 =	sadd.s32 $0xFFFFE003, lr  }
0x1b: {  	s9 =	sadd.s32 $0xFFFFFEF7, lr;
	s5 =	simm.s32 $0xFFFFFFFF;
	p2 =	slt.u32 s8, $0xFFFFF086  }
0x1c: {  	p1 =	slt.u32 s9, $0xF7A;
	s5 =	simm.s32 @!p2 $0x0  }
0x1d: {  	s5 =	simm.s32 @p1 $0x1;
	p0 =	seq.s32 s7, s2  }
0x1e: {  	s7 =	smul.u32 @!p0 $0xF7A, s2;
	p2 =	seq.s32 @!p0 s5, $0x0  }
0x1f: {  	s9 =	smul.u32 $0xF7A, s1;
	s8 =	simm.s32 @!p0 $0x1BF5;
	p2 =	por !p2, p0  }
0x20: {  	[sflag:s8] =	ssyncset.s32 @!p0 $0xFFFFF086;
	s6 =	sadd.s32 @!p0 s3, s7;
	s7 =	simm.s32 @!p0 $0x108  }
0x21: {  	s3 =	sadd.s32 s3, s9;
	s6 =	sadd.s32 @!p0 $0x88, s6;
	s7 =	simm.s32 @p2 $0x1082  }
0x22: {  	[simem:s7], [sflag:s8] =	dma.local @!p0 [hbm:s6], $0xF7A  }
0x23: {  	s9 =	sor.u32 $0xD0000000, s2;
	s6 =	simm.s32 $0x108;
	_ =	swait.ge @!p0 [sflag:s8], $0x0  }
0x24: {  	s3 =	sadd.s32 $0x88, s3;
	s6 =	simm.s32 @!p1 $0x1082;
	[sflag:s4] =	ssyncset.s32 $0xFFFFF086  }
0x25: {  	[simem:s6], [sflag:s4] =	dma.local [hbm:s3], $0xF7A  }
0x26: {  	[smem:$0x3F9D] =	sst s1;
	(tag) =	ssettag s2;
	_ =	strace s9  }
0x27: {  	s1 =	sld [smem:$0x3FAD]  }
0x28: {  	s2 =	sld [smem:$0x3FAE]  }
0x29: {  	s4 =	sld [smem:$0x3FB0]  }
0x2a: {  	p0 =	seq.s32 s5, $0x0;
	s5 =	sld [smem:$0x3FB1]  }
0x2b: {  	s6 =	sld [smem:$0x3FB2]  }
0x2c: {  	s7 =	sld [smem:$0x3FB3]  }
0x2d: {  	s3 =	simm.s32 $0x108;
	s8 =	sld [smem:$0x3FB4]  }
0x2e: {  	s3 =	simm.s32 @!p0 $0x1082;
	s9 =	sld [smem:$0x3FB5]  }
0x2f: {  	lr =	sadd.s32 s0, s3;
	s0 =	sld [smem:$0x3FAC]  }
0x30: {  	s3 =	sld [smem:$0x3FAF]  }
0x31: {  	[smem:$0x3FB8] =	sst s10  }
0x32: {  	s10 =	sld [smem:$0x3FB6];
	_ =	sdelay $0x3  }
0x33: {  	p0 =	seq.s32 s10, $0x1;
	s10 =	sld [smem:$0x3FB8];
	_ =	sdelay $0x3  }
0x34: {  	[smem:$0x3FB8] =	sst s10  }
0x35: {  	s10 =	sld [smem:$0x3FB7];
	_ =	sdelay $0x3  }
0x36: {  	p1 =	seq.s32 s10, $0x1;
	s10 =	sld [smem:$0x3FB8];
	_ =	sdelay $0x3  }
0x37: {  	[smem:$0x3FB8] =	sst s10  }
0x38: {  	s10 =	sld [smem:$0x3FB9]  }
0x39: {  	_ = 	snop;
	(pc) =	sbr.ind lr, $3  }
0x3a: {  	_ = 	snop  }
0x3b: {  	_ = 	snop  }
0x3c: {  	p2 =	seq.s32 s10, $0x1;
	s10 =	sld [smem:$0x3FB8]  }
0x3d: {  	_ =	shalt  }
0x3e: {  	_ =	shalt  }
0x3f: {  	_ =	shalt  }
0x40: {  	_ =	shalt  }
0x41: {  	_ =	shalt  }
0x42: {  	_ =	shalt  }
0x43: {  	_ =	shalt  }
0x44: {  	_ =	shalt  }
0x45: {  	_ =	shalt  }
0x46: {  	_ =	shalt  }
0x47: {  	_ =	shalt  }
0x48: {  	_ =	shalt  }
0x49: {  	_ =	shalt  }
0x4a: {  	_ =	shalt  }
0x4b: {  	_ =	shalt  }
0x4c: {  	_ =	shalt  }
0x4d: {  	_ =	shalt  }
0x4e: {  	_ =	shalt  }
0x4f: {  	_ =	shalt  }
0x50: {  	_ =	shalt  }
0x51: {  	_ =	shalt  }
0x52: {  	_ =	shalt  }
0x53: {  	_ =	shalt  }
0x54: {  	_ =	shalt  }
0x55: {  	_ =	shalt  }
0x56: {  	_ =	shalt  }
0x57: {  	_ =	shalt  }
0x58: {  	_ =	shalt  }
0x59: {  	_ =	shalt  }
0x5a: {  	_ =	shalt  }
0x5b: {  	_ =	shalt  }
0x5c: {  	_ =	shalt  }
0x5d: {  	_ =	shalt  }
0x5e: {  	_ =	shalt  }
0x5f: {  	_ =	shalt  }
0x60: {  	_ =	shalt  }
0x61: {  	_ =	shalt  }
0x62: {  	_ =	shalt  }
0x63: {  	_ =	shalt  }
0x64: {  	_ =	shalt  }
0x65: {  	_ =	shalt  }
0x66: {  	_ =	shalt  }
0x67: {  	_ =	shalt  }
0x68: {  	_ =	shalt  }
0x69: {  	_ =	shalt  }
0x6a: {  	_ =	shalt  }
0x6b: {  	_ =	shalt  }
0x6c: {  	_ =	shalt  }
0x6d: {  	_ =	shalt  }
0x6e: {  	_ =	shalt  }
0x6f: {  	_ =	shalt  }
0x70: {  	_ =	shalt  }
0x71: {  	_ =	shalt  }
0x72: {  	_ =	shalt  }
0x73: {  	_ =	shalt  }
0x74: {  	_ =	shalt  }
0x75: {  	_ =	shalt  }
0x76: {  	_ =	shalt  }
0x77: {  	_ =	shalt  }
0x78: {  	_ =	shalt  }
0x79: {  	_ =	shalt  }
0x7a: {  	_ =	shalt  }
0x7b: {  	_ =	shalt  }
0x7c: {  	_ =	shalt  }
0x7d: {  	_ =	shalt  }
0x7e: {  	_ =	shalt  }
0x7f: {  	_ =	shalt  }
0x80: {  	_ =	shalt  }
0x81: {  	_ =	shalt  }
0x82: {  	_ =	shalt  }
0x83: {  	_ =	shalt  }
0x84: {  	_ =	shalt  }
0x85: {  	_ =	shalt  }
0x86: {  	_ =	shalt  }
0x87: {  	_ =	shalt  }
.Lfunc_end0:
.L_simem_size_0:
called_computation_lowered:
.L_overlay_start_0:
0x88: {  	s2 =	sld [smem:$0x3FD9]  }
0x89: {  	s3 =	sld [smem:$0x3FFE];
	_ =	sdelay $0x1  }
0x8a: {  	s1 =	srdreg.scid  }
0x8b: {  	s0 =	sand.u32 $0x1, s1  }
0x8c: {  	s17 =	sshll.u32 s0, $0xA;
	s2 =	sadd.s32 s3, s2  }
0x8d: {  	s2 =	sadd.s32 s2, s17  }
0x8e: {  	[smem:$0x3FC4] =	sst s2  }
0x8f: {  	_ = 	snop  }
0x90: {  	s2 =	sld [smem:$0x3FC8]  }
0x91: {  	s18 =	sld [smem:$0x3FD0];
	(tm) =	ssettm $0x1  }
0x92: {  	s4 =	sld [smem:$0x3FFB];
	_ =	sdelay $0x3  }
0x93: {  	_ =	strace s4  }
0x94: {  	s4 =	sld [smem:$0x3FFC];
	_ =	sdelay $0x3  }
0x95: {  	_ =	strace s4  }
0x96: {  	s4 =	sld [smem:$0x3FFD];
	_ =	sdelay $0x3  }
0x97: {  	_ =	strace s4  }
0x98: {  	_ =	strace $0x8FFFFFFF  }
0x99: {  	s19 =	sld [smem:$0x3FDB];
	_ =	sdelay $0x1  }
0x9a: {  	s5 =	simm.s32 $_scs_section_size  }
0x9b: {  	s6 =	simm.s32 $_size__tile_overlayer_lowered;
	s7 =	simm.s32 $_tile_overlayer_lowered  }
0x9c: {  	s22 =	simm.s32 $0x1BFF;
	s21 =	sshll.u32 s7, $0x1;
	s4 =	sadd.s32 s5, s19  }
0x9d: {  	s8 =	simm.s32 $0x0;
	s20 =	sshll.u32 s6, $0x1;
	s6 =	sadd.s32 s21, s4  }
0x9e: {  	[timem:s8], [sflag:s22] =	dma.local [hbm:s6], s20  }
0x9f: {  	_ =	swait.ge [sflag:s22], s20  }
0xa0: {  	s5 =	ssub.s32 $0x0, s20;
	[sflag:s22] =	ssyncset.done $0x0  }
0xa1: {  	[sflag:s22] =	ssyncadd.s32 s5;
	_ =	sdelay $0x1  }
0xa2: {  	s23 =	simm.s32 $0x1B8B  }
0xa3: {  	_ =	swait.ge [sflag:s23], $0x1  }
0xa4: {  	[sflag:s23] =	ssyncset.done $0x0  }
0xa5: {  	s25 =	simm.s32 $0x1B8E;
	s24 =	sld [smem:$0x3FFE];
	[sflag:s23] =	ssyncadd.s32 $0xFFFFFFFF  }
0xa6: {  	s26 =	simm.s32 $execute0_lowered;
	[smem:$0x3FD2] =	sst s25  }
0xa7: {  	s6 =	sshll.u32 s26, $0x1;
	_ =	strace $0x80000046;
	[dreg:$0x1] =	wrdreg $0xFFFFFFFF  }
0xa8: {  	s28 =	simm.s32 $_size_execute0_lowered;
	s4 =	sadd.s32 s4, s6;
	[dreg:$0x0] =	wrdreg $0x0  }
0xa9: {  	s6 =	sshll.u32 s28, $0x1;
	[dreg:$0x2] =	wrdreg s4  }
0xaa: {  	[dreg:$0x3] =	wrdreg s6  }
0xab: {  	[dreg:$0x4] =	wrdreg $0xC0  }
0xac: {  	_ =	task [dreg:s8], $0x5FFFF  }
0xad: {  	[dreg:$0x1] =	wrdreg $0xFFFFFFFF  }
0xae: {  	[dreg:$0x0] =	wrdreg $0x60  }
0xaf: {  	[dreg:$0x2] =	wrdreg s24  }
0xb0: {  	[dreg:$0x3] =	wrdreg s2  }
0xb1: {  	[dreg:$0x4] =	wrdreg s18  }
0xb2: {  	[dreg:$0x5] =	wrdreg $0x9  }
0xb3: {  	_ =	task.clear_ibuf [dreg:s8], $0x6FFFF;
	_ =	strace $0x90000046  }
0xb4: {  	s29 =	simm.s32 $0x9;
	_ =	strace $0x80000048  }
0xb5: {  	_ =	swait.ge [sflag:s29], $0x1  }
0xb6: {  	[sflag:s29] =	ssyncadd.s32 $0xFFFFFFFF  }
0xb7: {  	_ =	strace $0x90000048  }
0xb8: {  	_ =	sfence  }
0xb9: {  	s30 =	sld [smem:$0x0];
	_ =	sdelay $0x2  }
0xba: {  	s31 =	sshll.u32 s1, $0xD;
	s1 =	sshrl.u32 s1, $0x2  }
0xbb: {  	s3 =	sand.u32 $0x4000, s31;
	s1 =	sadd.s32 s1, s30  }
0xbc: {  	s0 =	sor.u32 s3, s0;
	s1 =	sshll.u32 s1, $0x11  }
0xbd: {  	s0 =	sor.u32 s1, s0  }
0xbe: {  	s0 =	sadd.s32 $0x8F2B, s0  }
0xbf: {  	[sflag:s0] =	ssyncadd.remote.s32 $0x1  }
0xc0: {  	_ =	sfence.sel $0xFFFF  }
0xc1: {  	[dreg:$0x0] =	wrdreg $0xFFFFFFFF;
	(pc) =	sbr.abs _section_cstart, $3  }
0xc2: {  	[dreg:$0x1] =	wrdreg $0xFFFFFFFF  }
0xc3: {  	_ =	task.clear_ibuf [dreg:s8], $0x2FFFF;
	_ =	strace $0x9FFFFFFF  }
0xc4: {  	(tm) =	ssettm $0x7FFFFFFF  }
0xc5: {  	_ =	shalt  }
tec
execute0_lowered:
.L_overlay_start_1:
0x0: {  	(tag) =	ssettag $0x1  }
0x1: {  	s6 =	rddreg [dreg:$0x0];
	s0 =	srdreg.scid  }
0x2: {  	s1 =	stileid.u32;
	s4 =	rddreg [dreg:$0x2]  }
0x3: {  	s5 =	simm.s32 $0x0;
	s19 =	simm.s32 $0x50;
	s28 =	simm.s32 $0x5  }
0x4: {  	s29 =	simm.s32 $0x1E200;
	s30 =	simm.s32 $0x2;
	s31 =	simm.s32 $0x6  }
0x5: {  	s0 =	sand.u32 $0x1, s0;
	s1 =	sshll.u32 s1, $0x1;
	[smem:$0x7FF] =	sst s5  }
0x6: {  	s7 =	sadd.s32 $0x13C00, s6;
	s8 =	sadd.s32 $0x9E00, s6;
	s1 =	sor.u32 s0, s1  }
0x7: {  	s12 =	sadd.s32 $0x13D00, s6;
	s0 =	ssub.s32 $0x2, s0;
	s9 =	smul.u32 $0x2710, s1  }
0x8: {  	s13 =	sadd.s32 $0x13E00, s6;
	s17 =	smov.u32 s6;
	s20 =	sshrl.u32 s0, $0x1  }
0x9: {  	_ =	strace $0x80000047;
	s0 =	ssub.s32 s0, s20;
	s22 =	sadd.s32 $0x50, s9  }
0xa: {  	s20 =	simm.s32 $0x80;
	s24 =	sadd.s32 $0xA0, s9;
	[dreg:$0x5] =	wrdreg s22  }
0xb: {  	s2 =	sshrl.u32 s9, $0x3;
	s25 =	sadd.s32 $0xF0, s9;
	[dreg:$0x9] =	wrdreg s24  }
0xc: {  	s0 =	smax.u32 s0, $0x1;
	s21 =	sadd.s32 s8, s2;
	[dreg:$0xa] =	wrdreg s25  }
0xd: {  	s3 =	sadd.s32 s6, s2;
	s1 =	sshrl.u32 s22, $0x3;
	[dreg:$0xc] =	wrdreg s0  }
0xe: {  	v7 =	vlaneseq.u32;
	s26 =	sadd.s32 s4, s2;
	s25 =	simm.s32 $0x4;
	[dreg:$0x4] =	wrdreg s21  }
0xf: {  	vm0 =	vmmov $0xffff;
	vm1 =	vmmov $0xff;
	vm2 =	vcmask $0x3F3C;
	s2 =	simm.s32 $0x0;
	[dreg:$0x6] =	wrdreg s3;
	s23 =	sadd.s32 s8, s1  }
0x10: {  	v1 =	vshrl.u32 v7, $0x3;
	v0 =	vand.u32 $0x7, v7;
	v2 =	vor.u32 $0x8, v7;
	s1 =	sadd.s32 s6, s1;
	s3 =	smov.u32 s9;
	[dreg:$0x7] =	wrdreg s23  }
0x11: {  	v3 =	vadd.s32 $0xFFFFFFF1, v7;
	v4 =	vadd.s32 $0x41, v7;
	v5 =	vadd.s32 $0x91, v7;
	[dreg:$0x8] =	wrdreg s1;
	s1 =	sadd.s32 $0x4D8, s26;
	s23 =	simm.s32 $0x3  }
0x12: {  	v6 =	vadd.s32 $0xE1, v7;
	v7 =	vadd.s32 $0x131, v7;
	v1 =	vmul.u32 $0x8, v1;
	s26 =	simm.s32 $0x1;
	[dreg:$0xb] =	wrdreg s1;
	s1 =	simm.s32 $0x1E400  }
.LBB2_1:
0x13: {  	[dreg:$0xd] =	wrdreg s2  }
0x14: {  	s0 =	rddreg [dreg:$0x4]  }
0x15: {  	[tilespmem:s5], [sflag:$0x3] =	stream.linear.gather [hbm4b:s0+s5], $0x50, $0x38;
	[tilespmem:$0x1E500] =	vst v63  }
0x16: {  	s2 =	rddreg [dreg:$0x6]  }
0x17: {  	[tilespmem:s20], [sflag:$0x3] =	stream.linear.gather [hbm4b:s2+s5], $0x50, $0x38;
	[tilespmem:$0x1E500] =	vst v63  }
0x18: {  	_ = 	snop  }
0x19: {  	[tilespmem:s1], [sflag:$0x5] =	stream.linear.gather [hbm4b:s4+s5], $0x50, $0x38;
	[tilespmem:$0x1E500] =	vst v63  }
0x1a: {  	s6 =	simm.s32 $0x1E480  }
0x1b: {  	[tilespmem:s6], [sflag:$0x6] =	stream.linear.gather [hbm4b:s4+s5], $0x50, $0x38;
	[tilespmem:$0x1E500] =	vst v63  }
0x1c: {  	_ =	swait.ge [sflag:s23], $0x50  }
0x1d: {  	[sflag:s23] =	ssyncset.done $0x0  }
0x1e: {  	[sflag:s23] =	ssyncadd.s32 $0xFFFFFFB0  }
0x1f: {  	_ =	swait.ge [sflag:s23], $0x50  }
0x20: {  	[sflag:s23] =	ssyncset.done $0x0  }
0x21: {  	[sflag:s23] =	ssyncadd.s32 $0xFFFFFFB0  }
0x22: {  	v8 =	vld [tilespmem:$0x0];
	_ =	sdelay $0x4  }
0x23: {  	v9 =	vshrl.u32 v8, $0x3  }
0x24: {  	v9 =	vmul.u32 $0x28, v9  }
0x25: {  	v8 =	vand.u32 $0x7, v8  }
0x26: {  	v8 =	vor.u32 v8, v9  }
0x27: {  	v9 =	vperm.xlane v8, v0;
	_ =	sdelay $0x1  }
0x28: {  	v9 =	vadd.s32 v1, v9;
	_ =	sdelay $0x3  }
0x29: {  	s9 =	simm.s32 $0x200;
	v8 =	vperm.xlane v8, v2  }
0x2a: {  	[tilespmem:s9], [sflag:$0x1] =	stream.indirect_vreg.gather [hbm4b:s7+s5], $0x80, v9, vm0, $0xb8;
	[tilespmem:$0x1E500] =	vst v63  }
0x2b: {  	s10 =	simm.s32 $0xA00;
	v8 =	vadd.s32 v1, v8  }
0x2c: {  	[tilespmem:s10], [sflag:$0x1] =	stream.indirect_vreg.gather [hbm4b:s12+s5], $0x80, v9, vm0, $0xb8;
	[tilespmem:$0x1E500] =	vst v63  }
0x2d: {  	s11 =	simm.s32 $0x1200  }
0x2e: {  	[tilespmem:s11], [sflag:$0x1] =	stream.indirect_vreg.gather [hbm4b:s13+s5], $0x80, v9, vm1, $0xb8;
	[tilespmem:$0x1E500] =	vst v63  }
0x2f: {  	s14 =	simm.s32 $0x1600  }
0x30: {  	[tilespmem:s14], [sflag:$0x1] =	stream.indirect_vreg.gather [hbm4b:s7+s5], $0x80, v8, vm0, $0xb8;
	[tilespmem:$0x1E500] =	vst v63  }
0x31: {  	s15 =	simm.s32 $0x1E00  }
0x32: {  	[tilespmem:s15], [sflag:$0x1] =	stream.indirect_vreg.gather [hbm4b:s12+s5], $0x80, v8, vm0, $0xb8;
	[tilespmem:$0x1E500] =	vst v63  }
0x33: {  	s16 =	simm.s32 $0x2600  }
0x34: {  	[tilespmem:s16], [sflag:$0x1] =	stream.indirect_vreg.gather [hbm4b:s13+s5], $0x80, v8, vm1, $0xb8;
	[tilespmem:$0x1E500] =	vst v63  }
0x35: {  	v8 =	vld [tilespmem:$0x10];
	_ =	sdelay $0x4  }
0x36: {  	v60 =	vshrl.u32 v8, $0x3  }
0x37: {  	v9 =	vmul.u32 $0x28, v60  }
0x38: {  	v8 =	vand.u32 $0x7, v8  }
0x39: {  	v8 =	vor.u32 v8, v9  }
0x3a: {  	v9 =	vperm.xlane v8, v0;
	_ =	sdelay $0x1  }
0x3b: {  	v9 =	vadd.s32 v1, v9;
	_ =	sdelay $0x3  }
0x3c: {  	s18 =	simm.s32 $0x2A00;
	v8 =	vperm.xlane v8, v2  }
0x3d: {  	[tilespmem:s18], [sflag:$0x1] =	stream.indirect_vreg.gather [hbm4b:s7+s5], $0x80, v9, vm0, $0xb8;
	[tilespmem:$0x1E500] =	vst v63  }
0x3e: {  	s21 =	simm.s32 $0x3200;
	v8 =	vadd.s32 v1, v8  }
0x3f: {  	[tilespmem:s21], [sflag:$0x1] =	stream.indirect_vreg.gather [hbm4b:s12+s5], $0x80, v9, vm0, $0xb8;
	[tilespmem:$0x1E500] =	vst v63  }
0x40: {  	s22 =	simm.s32 $0x3A00  }
0x41: {  	[tilespmem:s22], [sflag:$0x1] =	stream.indirect_vreg.gather [hbm4b:s13+s5], $0x80, v9, vm1, $0xb8;
	[tilespmem:$0x1E500] =	vst v63  }
0x42: {  	s24 =	simm.s32 $0x3E00  }
0x43: {  	[tilespmem:s24], [sflag:$0x1] =	stream.indirect_vreg.gather [hbm4b:s7+s5], $0x80, v8, vm0, $0xb8;
	[tilespmem:$0x1E500] =	vst v63  }
0x44: {  	s1 =	simm.s32 $0x4600  }
0x45: {  	[tilespmem:s1], [sflag:$0x1] =	stream.indirect_vreg.gather [hbm4b:s12+s5], $0x80, v8, vm0, $0xb8;
	[tilespmem:$0x1E500] =	vst v63  }
0x46: {  	s2 =	simm.s32 $0x4E00  }
0x47: {  	[tilespmem:s2], [sflag:$0x1] =	stream.indirect_vreg.gather [hbm4b:s13+s5], $0x80, v8, vm1, $0xb8;
	[tilespmem:$0x1E500] =	vst v63  }
0x48: {  	v8 =	vld [tilespmem:$0x20];
	_ =	sdelay $0x4  }
0x49: {  	v61 =	vshrl.u32 v8, $0x3  }
0x4a: {  	v9 =	vmul.u32 $0x28, v61  }
0x4b: {  	v8 =	vand.u32 $0x7, v8  }
0x4c: {  	v8 =	vor.u32 v8, v9  }
0x4d: {  	v9 =	vperm.xlane v8, v0;
	_ =	sdelay $0x1  }
0x4e: {  	v9 =	vadd.s32 v1, v9;
	_ =	sdelay $0x3  }
0x4f: {  	s6 =	simm.s32 $0x5200;
	v8 =	vperm.xlane v8, v2  }
0x50: {  	[tilespmem:s6], [sflag:$0x1] =	stream.indirect_vreg.gather [hbm4b:s7+s5], $0x80, v9, vm0, $0xb8;
	[tilespmem:$0x1E500] =	vst v63  }
0x51: {  	s9 =	simm.s32 $0x5A00;
	v8 =	vadd.s32 v1, v8  }
0x52: {  	[tilespmem:s9], [sflag:$0x1] =	stream.indirect_vreg.gather [hbm4b:s12+s5], $0x80, v9, vm0, $0xb8;
	[tilespmem:$0x1E500] =	vst v63  }
0x53: {  	s10 =	simm.s32 $0x6200  }
0x54: {  	[tilespmem:s10], [sflag:$0x1] =	stream.indirect_vreg.gather [hbm4b:s13+s5], $0x80, v9, vm1, $0xb8;
	[tilespmem:$0x1E500] =	vst v63  }
0x55: {  	s11 =	simm.s32 $0x6600  }
0x56: {  	[tilespmem:s11], [sflag:$0x1] =	stream.indirect_vreg.gather [hbm4b:s7+s5], $0x80, v8, vm0, $0xb8;
	[tilespmem:$0x1E500] =	vst v63  }
0x57: {  	s14 =	simm.s32 $0x6E00  }
0x58: {  	[tilespmem:s14], [sflag:$0x1] =	stream.indirect_vreg.gather [hbm4b:s12+s5], $0x80, v8, vm0, $0xb8;
	[tilespmem:$0x1E500] =	vst v63  }
0x59: {  	s15 =	simm.s32 $0x7600  }
0x5a: {  	[tilespmem:s15], [sflag:$0x1] =	stream.indirect_vreg.gather [hbm4b:s13+s5], $0x80, v8, vm1, $0xb8;
	[tilespmem:$0x1E500] =	vst v63  }
0x5b: {  	v8 =	vld [tilespmem:$0x30];
	_ =	sdelay $0x4  }
0x5c: {  	v62 =	vshrl.u32 v8, $0x3  }
0x5d: {  	v9 =	vmul.u32 $0x28, v62  }
0x5e: {  	v8 =	vand.u32 $0x7, v8  }
0x5f: {  	v8 =	vor.u32 v8, v9  }
0x60: {  	v9 =	vperm.xlane v8, v0;
	_ =	sdelay $0x1  }
0x61: {  	v9 =	vadd.s32 v1, v9;
	_ =	sdelay $0x3  }
0x62: {  	s16 =	simm.s32 $0x7A00;
	v8 =	vperm.xlane v8, v2  }
0x63: {  	[tilespmem:s16], [sflag:$0x1] =	stream.indirect_vreg.gather [hbm4b:s7+s5], $0x80, v9, vm0, $0xb8;
	[tilespmem:$0x1E500] =	vst v63  }
0x64: {  	s18 =	simm.s32 $0x8200;
	v8 =	vadd.s32 v1, v8  }
0x65: {  	[tilespmem:s18], [sflag:$0x1] =	stream.indirect_vreg.gather [hbm4b:s12+s5], $0x80, v9, vm0, $0xb8;
	[tilespmem:$0x1E500] =	vst v63  }
0x66: {  	s21 =	simm.s32 $0x8A00  }
0x67: {  	[tilespmem:s21], [sflag:$0x1] =	stream.indirect_vreg.gather [hbm4b:s13+s5], $0x80, v9, vm1, $0xb8;
	[tilespmem:$0x1E500] =	vst v63  }
0x68: {  	s22 =	simm.s32 $0x8E00  }
0x69: {  	[tilespmem:s22], [sflag:$0x1] =	stream.indirect_vreg.gather [hbm4b:s7+s5], $0x80, v8, vm0, $0xb8;
	[tilespmem:$0x1E500] =	vst v63  }
0x6a: {  	s24 =	simm.s32 $0x9600  }
0x6b: {  	[tilespmem:s24], [sflag:$0x1] =	stream.indirect_vreg.gather [hbm4b:s12+s5], $0x80, v8, vm0, $0xb8;
	[tilespmem:$0x1E500] =	vst v63  }
0x6c: {  	s1 =	simm.s32 $0x9E00  }
0x6d: {  	[tilespmem:s1], [sflag:$0x1] =	stream.indirect_vreg.gather [hbm4b:s13+s5], $0x80, v8, vm1, $0xb8;
	[tilespmem:$0x1E500] =	vst v63  }
0x6e: {  	v8 =	vld [tilespmem:$0x40];
	_ =	sdelay $0x4  }
0x6f: {  	v63 =	vshrl.u32 v8, $0x3  }
0x70: {  	v9 =	vmul.u32 $0x28, v63  }
0x71: {  	v8 =	vand.u32 $0x7, v8  }
0x72: {  	v8 =	vor.u32 v8, v9  }
0x73: {  	v9 =	vperm.xlane v8, v0;
	_ =	sdelay $0x1  }
0x74: {  	v9 =	vadd.s32 v1, v9;
	_ =	sdelay $0x3  }
0x75: {  	s2 =	simm.s32 $0xA200;
	v8 =	vperm.xlane v8, v2  }
0x76: {  	[tilespmem:s2], [sflag:$0x1] =	stream.indirect_vreg.gather [hbm4b:s7+s5], $0x80, v9, vm0, $0xb8;
	[tilespmem:$0x1E500] =	vst v63  }
0x77: {  	s6 =	simm.s32 $0xAA00;
	v8 =	vadd.s32 v1, v8  }
0x78: {  	[tilespmem:s6], [sflag:$0x1] =	stream.indirect_vreg.gather [hbm4b:s12+s5], $0x80, v9, vm0, $0xb8;
	[tilespmem:$0x1E500] =	vst v63  }
0x79: {  	s9 =	simm.s32 $0xB200  }
0x7a: {  	[tilespmem:s9], [sflag:$0x1] =	stream.indirect_vreg.gather [hbm4b:s13+s5], $0x80, v9, vm1, $0xb8;
	[tilespmem:$0x1E500] =	vst v63  }
0x7b: {  	s10 =	simm.s32 $0xB600  }
0x7c: {  	[tilespmem:s10], [sflag:$0x1] =	stream.indirect_vreg.gather [hbm4b:s7+s5], $0x80, v8, vm0, $0xb8;
	[tilespmem:$0x1E500] =	vst v63  }
0x7d: {  	s11 =	simm.s32 $0xBE00  }
0x7e: {  	[tilespmem:s11], [sflag:$0x1] =	stream.indirect_vreg.gather [hbm4b:s12+s5], $0x80, v8, vm0, $0xb8;
	[tilespmem:$0x1E500] =	vst v63  }
0x7f: {  	s14 =	simm.s32 $0xC600  }
0x80: {  	[tilespmem:s14], [sflag:$0x1] =	stream.indirect_vreg.gather [hbm4b:s13+s5], $0x80, v8, vm1, $0xb8;
	[tilespmem:$0x1E500] =	vst v63  }
0x81: {  	s15 =	rddreg [dreg:$0x1];
	s16 =	simm.s32 $0x19200  }
0x82: {  	[tilespmem:s16], [sflag:$0x1] =	stream.indirect.gather [hbm4b:s15+s19], $0x80, s20, s19, $0xb8;
	[tilespmem:$0x1E500] =	vst v63  }
0x83: {  	s18 =	rddreg [dreg:$0x7];
	s21 =	simm.s32 $0x100  }
0x84: {  	[tilespmem:s21], [sflag:$0x4] =	stream.linear.gather [hbm4b:s18+s5], $0x50, $0x38;
	[tilespmem:$0x1E500] =	vst v63  }
0x85: {  	s22 =	rddreg [dreg:$0x8];
	s24 =	simm.s32 $0x180;
	s2 =	simm.s32 $0x0  }
0x86: {  	[tilespmem:s24], [sflag:$0x4] =	stream.linear.gather [hbm4b:s22+s5], $0x50, $0x38;
	[tilespmem:$0x1E500] =	vst v63  }
.LBB2_2:
0x87: {  	_ =	swait.ge [sflag:s25], $0x50  }
0x88: {  	[sflag:s25] =	ssyncset.done $0x0  }
0x89: {  	[sflag:s25] =	ssyncadd.s32 $0xFFFFFFB0  }
0x8a: {  	_ =	swait.ge [sflag:s25], $0x50  }
0x8b: {  	[sflag:s25] =	ssyncset.done $0x0  }
0x8c: {  	[sflag:s25] =	ssyncadd.s32 $0xFFFFFFB0  }
0x8d: {  	v8 =	vld [tilespmem:$0x100];
	_ =	sdelay $0x4  }
0x8e: {  	v9 =	vshrl.u32 v8, $0x3  }
0x8f: {  	v9 =	vmul.u32 $0x28, v9  }
0x90: {  	v8 =	vand.u32 $0x7, v8  }
0x91: {  	v8 =	vor.u32 v8, v9  }
0x92: {  	v9 =	vperm.xlane v8, v0;
	_ =	sdelay $0x1  }
0x93: {  	v9 =	vadd.s32 v1, v9;
	_ =	sdelay $0x3  }
0x94: {  	s9 =	simm.s32 $0x0;
	s0 =	simm.s32 $0xCA00;
	v8 =	vperm.xlane v8, v2  }
0x95: {  	[tilespmem:s0], [sflag:$0x2] =	stream.indirect_vreg.gather [hbm4b:s7+s9], $0x80, v9, vm0, $0xb8;
	[tilespmem:$0x1E500] =	vst v63  }
0x96: {  	s24 =	simm.s32 $0xD200;
	v8 =	vadd.s32 v1, v8  }
0x97: {  	[tilespmem:s24], [sflag:$0x2] =	stream.indirect_vreg.gather [hbm4b:s12+s9], $0x80, v9, vm0, $0xb8;
	[tilespmem:$0x1E500] =	vst v63  }
0x98: {  	s1 =	simm.s32 $0xDA00  }
0x99: {  	[tilespmem:s1], [sflag:$0x2] =	stream.indirect_vreg.gather [hbm4b:s13+s9], $0x80, v9, vm1, $0xb8;
	[tilespmem:$0x1E500] =	vst v63  }
0x9a: {  	s6 =	simm.s32 $0xDE00  }
0x9b: {  	[tilespmem:s6], [sflag:$0x2] =	stream.indirect_vreg.gather [hbm4b:s7+s9], $0x80, v8, vm0, $0xb8;
	[tilespmem:$0x1E500] =	vst v63  }
0x9c: {  	s10 =	simm.s32 $0xE600  }
0x9d: {  	[tilespmem:s10], [sflag:$0x2] =	stream.indirect_vreg.gather [hbm4b:s12+s9], $0x80, v8, vm0, $0xb8;
	[tilespmem:$0x1E500] =	vst v63  }
0x9e: {  	s11 =	simm.s32 $0xEE00  }
0x9f: {  	[tilespmem:s11], [sflag:$0x2] =	stream.indirect_vreg.gather [hbm4b:s13+s9], $0x80, v8, vm1, $0xb8;
	[tilespmem:$0x1E500] =	vst v63  }
0xa0: {  	v8 =	vld [tilespmem:$0x110];
	_ =	sdelay $0x4  }
0xa1: {  	v9 =	vshrl.u32 v8, $0x3  }
0xa2: {  	v9 =	vmul.u32 $0x28, v9  }
0xa3: {  	v8 =	vand.u32 $0x7, v8  }
0xa4: {  	v8 =	vor.u32 v8, v9  }
0xa5: {  	v9 =	vperm.xlane v8, v0;
	_ =	sdelay $0x1  }
0xa6: {  	v9 =	vadd.s32 v1, v9;
	_ =	sdelay $0x3  }
0xa7: {  	s14 =	simm.s32 $0xF200;
	v8 =	vperm.xlane v8, v2  }
0xa8: {  	[tilespmem:s14], [sflag:$0x2] =	stream.indirect_vreg.gather [hbm4b:s7+s9], $0x80, v9, vm0, $0xb8;
	[tilespmem:$0x1E500] =	vst v63  }
0xa9: {  	s15 =	simm.s32 $0xFA00;
	v8 =	vadd.s32 v1, v8  }
0xaa: {  	[tilespmem:s15], [sflag:$0x2] =	stream.indirect_vreg.gather [hbm4b:s12+s9], $0x80, v9, vm0, $0xb8;
	[tilespmem:$0x1E500] =	vst v63  }
0xab: {  	s16 =	simm.s32 $0x10200  }
0xac: {  	[tilespmem:s16], [sflag:$0x2] =	stream.indirect_vreg.gather [hbm4b:s13+s9], $0x80, v9, vm1, $0xb8;
	[tilespmem:$0x1E500] =	vst v63  }
0xad: {  	s18 =	simm.s32 $0x10600  }
0xae: {  	[tilespmem:s18], [sflag:$0x2] =	stream.indirect_vreg.gather [hbm4b:s7+s9], $0x80, v8, vm0, $0xb8;
	[tilespmem:$0x1E500] =	vst v63  }
0xaf: {  	s21 =	simm.s32 $0x10E00  }
0xb0: {  	[tilespmem:s21], [sflag:$0x2] =	stream.indirect_vreg.gather [hbm4b:s12+s9], $0x80, v8, vm0, $0xb8;
	[tilespmem:$0x1E500] =	vst v63  }
0xb1: {  	s22 =	simm.s32 $0x11600  }
0xb2: {  	[tilespmem:s22], [sflag:$0x2] =	stream.indirect_vreg.gather [hbm4b:s13+s9], $0x80, v8, vm1, $0xb8;
	[tilespmem:$0x1E500] =	vst v63  }
0xb3: {  	v8 =	vld [tilespmem:$0x120];
	_ =	sdelay $0x4  }
0xb4: {  	v9 =	vshrl.u32 v8, $0x3  }
0xb5: {  	v9 =	vmul.u32 $0x28, v9  }
0xb6: {  	v8 =	vand.u32 $0x7, v8  }
0xb7: {  	v8 =	vor.u32 v8, v9  }
0xb8: {  	v9 =	vperm.xlane v8, v0;
	_ =	sdelay $0x1  }
0xb9: {  	v9 =	vadd.s32 v1, v9;
	_ =	sdelay $0x3  }
0xba: {  	s24 =	simm.s32 $0x11A00;
	v8 =	vperm.xlane v8, v2  }
0xbb: {  	[tilespmem:s24], [sflag:$0x2] =	stream.indirect_vreg.gather [hbm4b:s7+s9], $0x80, v9, vm0, $0xb8;
	[tilespmem:$0x1E500] =	vst v63  }
0xbc: {  	s1 =	simm.s32 $0x12200;
	v8 =	vadd.s32 v1, v8  }
0xbd: {  	[tilespmem:s1], [sflag:$0x2] =	stream.indirect_vreg.gather [hbm4b:s12+s9], $0x80, v9, vm0, $0xb8;
	[tilespmem:$0x1E500] =	vst v63  }
0xbe: {  	s6 =	simm.s32 $0x12A00  }
0xbf: {  	[tilespmem:s6], [sflag:$0x2] =	stream.indirect_vreg.gather [hbm4b:s13+s9], $0x80, v9, vm1, $0xb8;
	[tilespmem:$0x1E500] =	vst v63  }
0xc0: {  	s10 =	simm.s32 $0x12E00  }
0xc1: {  	[tilespmem:s10], [sflag:$0x2] =	stream.indirect_vreg.gather [hbm4b:s7+s9], $0x80, v8, vm0, $0xb8;
	[tilespmem:$0x1E500] =	vst v63  }
0xc2: {  	s11 =	simm.s32 $0x13600  }
0xc3: {  	[tilespmem:s11], [sflag:$0x2] =	stream.indirect_vreg.gather [hbm4b:s12+s9], $0x80, v8, vm0, $0xb8;
	[tilespmem:$0x1E500] =	vst v63  }
0xc4: {  	s14 =	simm.s32 $0x13E00  }
0xc5: {  	[tilespmem:s14], [sflag:$0x2] =	stream.indirect_vreg.gather [hbm4b:s13+s9], $0x80, v8, vm1, $0xb8;
	[tilespmem:$0x1E500] =	vst v63  }
0xc6: {  	v8 =	vld [tilespmem:$0x130];
	_ =	sdelay $0x4  }
0xc7: {  	v9 =	vshrl.u32 v8, $0x3  }
0xc8: {  	v9 =	vmul.u32 $0x28, v9  }
0xc9: {  	v8 =	vand.u32 $0x7, v8  }
0xca: {  	v8 =	vor.u32 v8, v9  }
0xcb: {  	v9 =	vperm.xlane v8, v0;
	_ =	sdelay $0x1  }
0xcc: {  	v9 =	vadd.s32 v1, v9;
	_ =	sdelay $0x3  }
0xcd: {  	s15 =	simm.s32 $0x14200;
	v8 =	vperm.xlane v8, v2  }
0xce: {  	[tilespmem:s15], [sflag:$0x2] =	stream.indirect_vreg.gather [hbm4b:s7+s9], $0x80, v9, vm0, $0xb8;
	[tilespmem:$0x1E500] =	vst v63  }
0xcf: {  	s16 =	simm.s32 $0x14A00;
	v8 =	vadd.s32 v1, v8  }
0xd0: {  	[tilespmem:s16], [sflag:$0x2] =	stream.indirect_vreg.gather [hbm4b:s12+s9], $0x80, v9, vm0, $0xb8;
	[tilespmem:$0x1E500] =	vst v63  }
0xd1: {  	s18 =	simm.s32 $0x15200  }
0xd2: {  	[tilespmem:s18], [sflag:$0x2] =	stream.indirect_vreg.gather [hbm4b:s13+s9], $0x80, v9, vm1, $0xb8;
	[tilespmem:$0x1E500] =	vst v63  }
0xd3: {  	s21 =	simm.s32 $0x15600  }
0xd4: {  	[tilespmem:s21], [sflag:$0x2] =	stream.indirect_vreg.gather [hbm4b:s7+s9], $0x80, v8, vm0, $0xb8;
	[tilespmem:$0x1E500] =	vst v63  }
0xd5: {  	s22 =	simm.s32 $0x15E00  }
0xd6: {  	[tilespmem:s22], [sflag:$0x2] =	stream.indirect_vreg.gather [hbm4b:s12+s9], $0x80, v8, vm0, $0xb8;
	[tilespmem:$0x1E500] =	vst v63  }
0xd7: {  	s24 =	simm.s32 $0x16600  }
0xd8: {  	[tilespmem:s24], [sflag:$0x2] =	stream.indirect_vreg.gather [hbm4b:s13+s9], $0x80, v8, vm1, $0xb8;
	[tilespmem:$0x1E500] =	vst v63  }
0xd9: {  	v8 =	vld [tilespmem:$0x140];
	_ =	sdelay $0x4  }
0xda: {  	v9 =	vshrl.u32 v8, $0x3  }
0xdb: {  	v9 =	vmul.u32 $0x28, v9  }
0xdc: {  	v8 =	vand.u32 $0x7, v8  }
0xdd: {  	v8 =	vor.u32 v8, v9  }
0xde: {  	v9 =	vperm.xlane v8, v0;
	_ =	sdelay $0x1  }
0xdf: {  	v9 =	vadd.s32 v1, v9;
	_ =	sdelay $0x3  }
0xe0: {  	s1 =	simm.s32 $0x16A00;
	v8 =	vperm.xlane v8, v2  }
0xe1: {  	[tilespmem:s1], [sflag:$0x2] =	stream.indirect_vreg.gather [hbm4b:s7+s9], $0x80, v9, vm0, $0xb8;
	[tilespmem:$0x1E500] =	vst v63  }
0xe2: {  	s6 =	simm.s32 $0x17200;
	v8 =	vadd.s32 v1, v8  }
0xe3: {  	[tilespmem:s6], [sflag:$0x2] =	stream.indirect_vreg.gather [hbm4b:s12+s9], $0x80, v9, vm0, $0xb8;
	[tilespmem:$0x1E500] =	vst v63  }
0xe4: {  	s10 =	simm.s32 $0x17A00  }
0xe5: {  	[tilespmem:s10], [sflag:$0x2] =	stream.indirect_vreg.gather [hbm4b:s13+s9], $0x80, v9, vm1, $0xb8;
	[tilespmem:$0x1E500] =	vst v63  }
0xe6: {  	s11 =	simm.s32 $0x17E00  }
0xe7: {  	[tilespmem:s11], [sflag:$0x2] =	stream.indirect_vreg.gather [hbm4b:s7+s9], $0x80, v8, vm0, $0xb8;
	[tilespmem:$0x1E500] =	vst v63  }
0xe8: {  	s14 =	simm.s32 $0x18600  }
0xe9: {  	[tilespmem:s14], [sflag:$0x2] =	stream.indirect_vreg.gather [hbm4b:s12+s9], $0x80, v8, vm0, $0xb8;
	[tilespmem:$0x1E500] =	vst v63  }
0xea: {  	s15 =	simm.s32 $0x18E00  }
0xeb: {  	[tilespmem:s15], [sflag:$0x2] =	stream.indirect_vreg.gather [hbm4b:s13+s9], $0x80, v8, vm1, $0xb8;
	[tilespmem:$0x1E500] =	vst v63  }
0xec: {  	s16 =	rddreg [dreg:$0x1];
	s1 =	simm.s32 $0x180;
	s6 =	simm.s32 $0x1BA00  }
0xed: {  	[tilespmem:s6], [sflag:$0x2] =	stream.indirect.gather [hbm4b:s16+s19], $0x80, s1, s19, $0xb8;
	[tilespmem:$0x1E500] =	vst v63  }
0xee: {  	_ =	swait.ge [sflag:s26], $0xC800  }
0xef: {  	[sflag:s26] =	ssyncset.done $0x0  }
0xf0: {  	[sflag:s26] =	ssyncadd.s32 $0xFFFF3800  }
0xf1: {  	s0 =	smul.u32 $0xA0, s2;
	_ =	swait.ge [sflag:s26], $0x2800  }
0xf2: {  	s18 =	rddreg [dreg:$0x9]  }
0xf3: {  	s1 =	sadd.s32 s0, s18  }
0xf4: {  	[sflag:s26] =	ssyncset.done $0x0;
	s1 =	sshrl.u32 s1, $0x3  }
0xf5: {  	[sflag:s26] =	ssyncadd.s32 $0xFFFFD800;
	s21 =	sadd.s32 s8, s1  }
0xf6: {  	[tilespmem:s9], [sflag:$0x3] =	stream.linear.gather [hbm4b:s21+s9], $0x50, $0x38;
	[tilespmem:$0x1E500] =	vst v63  }
0xf7: {  	s1 =	sadd.s32 s17, s1  }
0xf8: {  	[tilespmem:s20], [sflag:$0x3] =	stream.linear.gather [hbm4b:s1+s9], $0x50, $0x38;
	[tilespmem:$0x1E500] =	vst v63  }
0xf9: {  	s22 =	simm.s32 $0x0;
	_ =	swait.ge [sflag:s28], $0x50  }
0xfa: {  	s1 =	smul.u32 $0x5000, s22;
	[sflag:s28] =	ssyncset.done $0x0  }
0xfb: {  	s24 =	simm.s32 $0x19240;
	[sflag:s28] =	ssyncadd.s32 $0xFFFFFFB0  }
0xfc: {  	s10 =	sand.u32 $0x380, s9;
	s1 =	sshra.s32 s1, $0x2;
	v38 =	vld [tilespmem:s24+$0xFFFFFFC0]  }
0xfd: {  	s22 =	sor.u32 s10, s1;
	v39 =	vld [tilespmem:s24+$0xFFFFFFD0]  }
0xfe: {  	v8 =	vld [tilespmem:s22+$0x200]  }
0xff: {  	v9 =	vld [tilespmem:s22+$0x210]  }
0x100: {  	v37 =	vld [tilespmem:s24+$0xFFFFFFE0]  }
0x101: {  	v10 =	vld [tilespmem:s22+$0x220]  }
0x102: {  	v31 =	vld [tilespmem:s24+$0xFFFFFFF0]  }
0x103: {  	v11 =	vld [tilespmem:s22+$0x230]  }
0x104: {  	v32 =	vld [tilespmem:s24+$0x0];
	v8 =	vmul.f32 v8, v38;
	v9 =	vmul.f32 v9, v39  }
0x105: {  	v12 =	vld [tilespmem:s22+$0x240]  }
0x106: {  	v30 =	vld [tilespmem:s24+$0x10];
	v8 =	vadd.f32 v9, v8;
	v9 =	vmul.f32 v10, v37  }
0x107: {  	v10 =	vld [tilespmem:s22+$0x250]  }
0x108: {  	v29 =	vld [tilespmem:s24+$0x20];
	v8 =	vadd.f32 v9, v8;
	v9 =	vmul.f32 v11, v31  }
0x109: {  	v11 =	vld [tilespmem:s22+$0x260]  }
0x10a: {  	v28 =	vld [tilespmem:s24+$0x30];
	v8 =	vadd.f32 v9, v8;
	v9 =	vmul.f32 v12, v32  }
0x10b: {  	v12 =	vld [tilespmem:s22+$0x270]  }
0x10c: {  	v10 =	vmul.f32 v10, v30;
	v8 =	vadd.f32 v9, v8;
	_ =	sdelay $0x1  }
0x10d: {  	v9 =	vmul.f32 v11, v29;
	v8 =	vadd.f32 v10, v8;
	_ =	sdelay $0x1  }
0x10e: {  	v10 =	vmul.f32 v12, v28;
	v8 =	vadd.f32 v9, v8;
	_ =	sdelay $0x1  }
0x10f: {  	v8 =	vadd.f32 v10, v8;
	_ =	sdelay $0x1  }
0x110: {  	(xrf2) =	vadd.scan.msk.f32 $0xffff, v8;
	_ =	sdelay $0x5  }
0x111: {  	v8 =	vadd.s32 s9, v3;
	_ =	sdelay $0x3  }
0x112: {  	v9, _, _ =	vpop (xrf2)  }
0x113: {  	[tilespmem:v8+s29+$0x0] =	vst.idx.msk vm2, v9  }
0x114: {  	v8 =	vld [tilespmem:s22+$0x600]  }
0x115: {  	v9 =	vld [tilespmem:s22+$0x610];
	_ =	sdelay $0x1  }
0x116: {  	v10 =	vld [tilespmem:s22+$0x620];
	_ =	sdelay $0x1  }
0x117: {  	s11 =	simm.s32 $0x192C0;
	v11 =	vld [tilespmem:s22+$0x630]  }
0x118: {  	v13 =	vld [tilespmem:s11+$0xFFFFFFC0];
	v8 =	vmul.f32 v8, v38;
	v9 =	vmul.f32 v9, v39  }
0x119: {  	v12 =	vld [tilespmem:s22+$0x640]  }
0x11a: {  	v17 =	vld [tilespmem:s11+$0xFFFFFFD0];
	v8 =	vadd.f32 v9, v8;
	v9 =	vmul.f32 v10, v37  }
0x11b: {  	s14 =	simm.s32 $0x0;
	v10 =	vld [tilespmem:s22+$0x650]  }
0x11c: {  	s6 =	smul.u32 $0x5000, s14;
	v18 =	vld [tilespmem:s11+$0xFFFFFFE0];
	v8 =	vadd.f32 v9, v8;
	v9 =	vmul.f32 v11, v31  }
0x11d: {  	s15 =	simm.s32 $0x80;
	v11 =	vld [tilespmem:s22+$0x660]  }
0x11e: {  	s6 =	sshra.s32 s6, $0x2;
	s10 =	sand.u32 $0x380, s15;
	v19 =	vld [tilespmem:s11+$0xFFFFFFF0];
	v12 =	vmul.f32 v12, v32;
	v8 =	vadd.f32 v9, v8  }
0x11f: {  	s15 =	sor.u32 s10, s6;
	v9 =	vld [tilespmem:s22+$0x670]  }
0x120: {  	v14 =	vld [tilespmem:s15+$0x200];
	v10 =	vmul.f32 v10, v30;
	v8 =	vadd.f32 v12, v8  }
0x121: {  	v12 =	vld [tilespmem:s15+$0x210]  }
0x122: {  	v20 =	vld [tilespmem:s11+$0x0];
	v11 =	vmul.f32 v11, v29;
	v8 =	vadd.f32 v10, v8  }
0x123: {  	v10 =	vld [tilespmem:s15+$0x220]  }
0x124: {  	v16 =	vld [tilespmem:s15+$0x260];
	v9 =	vmul.f32 v9, v28;
	v8 =	vadd.f32 v11, v8  }
0x125: {  	v11 =	vld [tilespmem:s15+$0x230]  }
0x126: {  	v15 =	vmul.f32 v14, v13;
	v14 =	vld [tilespmem:s11+$0x10];
	v12 =	vmul.f32 v12, v17;
	v8 =	vadd.f32 v9, v8  }
0x127: {  	v9 =	vld [tilespmem:s15+$0x240]  }
0x128: {  	v15 =	vadd.f32 v12, v15;
	v10 =	vmul.f32 v10, v18;
	v12 =	vld [tilespmem:s11+$0x20];
	(xrf2) =	vadd.scan.msk.f32 $0xffff, v8  }
0x129: {  	v8 =	vld [tilespmem:s15+$0x250]  }
0x12a: {  	v10 =	vadd.f32 v10, v15;
	v15 =	vmul.f32 v11, v19;
	_ =	sdelay $0x1  }
0x12b: {  	v11 =	vld [tilespmem:s11+$0x30];
	v10 =	vadd.f32 v15, v10;
	v9 =	vmul.f32 v9, v20  }
0x12c: {  	v21 =	vadd.s32 s9, v4;
	v15 =	vld [tilespmem:s15+$0x270]  }
0x12d: {  	v8 =	vmul.f32 v8, v14;
	v9 =	vadd.f32 v9, v10;
	v10 =	vmul.f32 v16, v12;
	_ =	sdelay $0x1  }
0x12e: {  	v8 =	vadd.f32 v8, v9;
	_ =	sdelay $0x1  }
0x12f: {  	v9 =	vmul.f32 v15, v11;
	v8 =	vadd.f32 v10, v8;
	v10, _, _ =	vpop (xrf2)  }
0x130: {  	[tilespmem:v21+s29+$0x0] =	vst.idx.msk vm2, v10  }
0x131: {  	v8 =	vadd.f32 v9, v8;
	v9 =	vld [tilespmem:s22+$0xA00]  }
0x132: {  	v10 =	vld [tilespmem:s22+$0xA10]  }
0x133: {  	(xrf2) =	vadd.scan.msk.f32 $0xffff, v8  }
0x134: {  	v8 =	vld [tilespmem:s22+$0xA20];
	_ =	sdelay $0x1  }
0x135: {  	v15 =	vld [tilespmem:s22+$0xA30]  }
0x136: {  	v9 =	vmul.f32 v9, v38;
	v10 =	vmul.f32 v10, v39  }
0x137: {  	s18 =	simm.s32 $0x0;
	s11 =	simm.s32 $0x1;
	v16 =	vld [tilespmem:s22+$0xA40]  }
0x138: {  	s6 =	smul.u32 $0x5000, s18;
	v21 =	vadd.s32 s11, v3;
	v8 =	vmul.f32 v8, v37;
	v9 =	vadd.f32 v10, v9  }
0x139: {  	s21 =	simm.s32 $0x100;
	v10 =	vld [tilespmem:s22+$0xA50]  }
0x13a: {  	s10 =	sand.u32 $0x380, s21;
	s6 =	sshra.s32 s6, $0x2;
	v15 =	vmul.f32 v15, v31;
	v9 =	vadd.f32 v8, v9  }
0x13b: {  	s14 =	sor.u32 s10, s6;
	v22 =	vld [tilespmem:s22+$0xA60]  }
0x13c: {  	v33 =	vld [tilespmem:s14+$0x200];
	v23, _, _ =	vpop (xrf2);
	v9 =	vadd.f32 v15, v9;
	v15 =	vmul.f32 v16, v32  }
0x13d: {  	v16 =	vld [tilespmem:s22+$0xA70];
	[tilespmem:v21+s29+$0x0] =	vst.idx.msk vm2, v23  }
0x13e: {  	v10 =	vmul.f32 v10, v30;
	v21 =	vld [tilespmem:s15+$0x600];
	v15 =	vadd.f32 v15, v9  }
0x13f: {  	v23 =	vld [tilespmem:s15+$0x610]  }
0x140: {  	v60 =	vld [tilespmem:s14+$0x220];
	v22 =	vmul.f32 v22, v29;
	v15 =	vadd.f32 v10, v15  }
0x141: {  	v24 =	vld [tilespmem:s15+$0x620]  }
0x142: {  	v36 =	vld [tilespmem:s14+$0x240];
	v15 =	vadd.f32 v22, v15;
	v22 =	vmul.f32 v16, v28  }
0x143: {  	v25 =	vld [tilespmem:s15+$0x630]  }
0x144: {  	v40 =	vld [tilespmem:s14+$0x230];
	v21 =	vmul.f32 v21, v13;
	v23 =	vmul.f32 v23, v17;
	v22 =	vadd.f32 v22, v15  }
0x145: {  	v26 =	vld [tilespmem:s15+$0x640]  }
0x146: {  	v27 =	vld [tilespmem:s15+$0x660];
	v21 =	vadd.f32 v23, v21;
	v23 =	vmul.f32 v24, v18;
	(xrf2) =	vadd.scan.msk.f32 $0xffff, v22  }
0x147: {  	v24 =	vld [tilespmem:s15+$0x650]  }
0x148: {  	v62 =	vld [tilespmem:s14+$0x250];
	v25 =	vmul.f32 v25, v19;
	v21 =	vadd.f32 v23, v21  }
0x149: {  	s16 =	simm.s32 $0x19340;
	v41 =	vld [tilespmem:s14+$0x270]  }
0x14a: {  	v26 =	vmul.f32 v26, v20;
	v22 =	vld [tilespmem:s16+$0xFFFFFFC0];
	v21 =	vadd.f32 v25, v21  }
0x14b: {  	v35 =	vadd.s32 s9, v5;
	v25 =	vld [tilespmem:s15+$0x670]  }
0x14c: {  	v27 =	vmul.f32 v27, v12;
	v23 =	vld [tilespmem:s16+$0xFFFFFFD0];
	v34 =	vmul.f32 v24, v14;
	v21 =	vadd.f32 v26, v21  }
0x14d: {  	v26 =	vld [tilespmem:s14+$0x210]  }
0x14e: {  	v9 =	vld [tilespmem:s16+$0x20];
	v21 =	vadd.f32 v34, v21  }
0x14f: {  	v24 =	vld [tilespmem:s16+$0xFFFFFFE0]  }
0x150: {  	v16 =	vld [tilespmem:s16+$0x0];
	v25 =	vmul.f32 v25, v11;
	v21 =	vadd.f32 v27, v21;
	v27, _, _ =	vpop (xrf2)  }
0x151: {  	v15 =	vld [tilespmem:s16+$0xFFFFFFF0];
	[tilespmem:v35+s29+$0x0] =	vst.idx.msk vm2, v27  }
0x152: {  	v26 =	vmul.f32 v26, v23;
	v27 =	vmul.f32 v33, v22;
	v21 =	vadd.f32 v25, v21;
	v25 =	vld [tilespmem:s22+$0xE00]  }
0x153: {  	v61 =	vld [tilespmem:s22+$0xE10]  }
0x154: {  	v10 =	vld [tilespmem:s16+$0x10];
	v26 =	vadd.f32 v26, v27;
	v27 =	vmul.f32 v60, v24;
	(xrf2) =	vadd.scan.msk.f32 $0xffff, v21  }
0x155: {  	v35 =	vld [tilespmem:s22+$0xE20]  }
0x156: {  	v63 =	vld [tilespmem:s22+$0xE30];
	v21 =	vadd.f32 v27, v26;
	v26 =	vmul.f32 v40, v15  }
0x157: {  	v36 =	vmul.f32 v36, v16;
	v27 =	vld [tilespmem:s14+$0x260]  }
0x158: {  	s24 =	simm.s32 $0x0;
	v8 =	vld [tilespmem:s16+$0x30];
	v26 =	vadd.f32 v26, v21;
	v25 =	vmul.f32 v25, v38;
	v33 =	vmul.f32 v61, v39  }
0x159: {  	s6 =	smul.u32 $0x5000, s24;
	v42 =	vadd.s32 s11, v4;
	v34 =	vmul.f32 v62, v10;
	v43 =	vld [tilespmem:s22+$0xE40]  }
0x15a: {  	s10 =	simm.s32 $0x180;
	v44 =	vld [tilespmem:s22+$0xE50];
	v35 =	vmul.f32 v35, v37;
	v26 =	vadd.f32 v36, v26;
	v33 =	vadd.f32 v33, v25  }
0x15b: {  	s21 =	sand.u32 $0x380, s10;
	s6 =	sshra.s32 s6, $0x2;
	v51 =	vld [tilespmem:s22+$0xE60];
	v49 =	vmul.f32 v63, v31  }
0x15c: {  	s21 =	sor.u32 s21, s6;
	v54 =	vld [tilespmem:s22+$0xE70];
	v48 =	vmul.f32 v27, v9;
	v26 =	vadd.f32 v34, v26;
	v33 =	vadd.f32 v35, v33  }
0x15d: {  	s1 =	simm.s32 $0x193C0;
	v50 =	vmul.f32 v41, v8;
	v40 =	vld [tilespmem:s21+$0x240]  }
0x15e: {  	v21 =	vld [tilespmem:s1+$0x30];
	v53 =	vmul.f32 v43, v32;
	v26 =	vadd.f32 v48, v26;
	v52, _, _ =	vpop (xrf2);
	v33 =	vadd.f32 v49, v33  }
0x15f: {  	v25 =	vld [tilespmem:s1+$0x20];
	[tilespmem:v42+s29+$0x0] =	vst.idx.msk vm2, v52  }
0x160: {  	v56 =	vmul.f32 v44, v30;
	v26 =	vadd.f32 v50, v26;
	v55 =	vld [tilespmem:s15+$0xA00];
	v34 =	vadd.f32 v53, v33  }
0x161: {  	v42 =	vld [tilespmem:s15+$0xA10]  }
0x162: {  	v57 =	vmul.f32 v51, v29;
	v27 =	vld [tilespmem:s1+$0x10];
	(xrf2) =	vadd.scan.msk.f32 $0xffff, v26;
	v26 =	vadd.f32 v56, v34  }
0x163: {  	v58 =	vld [tilespmem:s15+$0xA20]  }
0x164: {  	v36 =	vmul.f32 v54, v28;
	v35 =	vld [tilespmem:s1+$0xFFFFFFE0];
	v26 =	vadd.f32 v57, v26  }
0x165: {  	v59 =	vld [tilespmem:s15+$0xA30]  }
0x166: {  	v33 =	vld [tilespmem:s1+$0x0];
	v41 =	vmul.f32 v55, v13;
	v42 =	vmul.f32 v42, v17;
	v36 =	vadd.f32 v36, v26  }
0x167: {  	s18 =	simm.s32 $0x2;
	v45 =	vld [tilespmem:s15+$0xA40]  }
0x168: {  	v46 =	vadd.s32 s18, v3;
	v47 =	vld [tilespmem:s15+$0xA50];
	v60 =	vmul.f32 v58, v18;
	v41 =	vadd.f32 v42, v41;
	(xrf2) =	vadd.scan.msk.f32 $0xffff, v36  }
0x169: {  	v48 =	vld [tilespmem:s15+$0xA60]  }
0x16a: {  	v43 =	vld [tilespmem:s15+$0xA70];
	v44 =	vmul.f32 v59, v19;
	v42 =	vadd.f32 v60, v41  }
0x16b: {  	v34 =	vld [tilespmem:s1+$0xFFFFFFF0]  }
0x16c: {  	v62 =	vmul.f32 v45, v20;
	v26 =	vld [tilespmem:s1+$0xFFFFFFC0];
	v42 =	vadd.f32 v44, v42;
	v49, _, _ =	vpop (xrf2)  }
0x16d: {  	v36 =	vld [tilespmem:s1+$0xFFFFFFD0];
	[tilespmem:v46+s29+$0x0] =	vst.idx.msk vm2, v49  }
0x16e: {  	v61 =	vadd.s32 s9, v6;
	v55 =	vmul.f32 v47, v14;
	v42 =	vadd.f32 v62, v42;
	v46 =	vld [tilespmem:s14+$0x600]  }
0x16f: {  	v50 =	vld [tilespmem:s14+$0x610]  }
0x170: {  	v59 =	vmul.f32 v48, v12;
	v41 =	vld [tilespmem:s21+$0x200];
	v42 =	vadd.f32 v55, v42  }
0x171: {  	v63 =	vld [tilespmem:s14+$0x620]  }
0x172: {  	v62 =	vmul.f32 v43, v11;
	v51 =	vld [tilespmem:s14+$0x640];
	v42 =	vadd.f32 v59, v42;
	v52, _, _ =	vpop (xrf2)  }
0x173: {  	v56 =	vld [tilespmem:s14+$0x630];
	[tilespmem:v61+s29+$0x0] =	vst.idx.msk vm2, v52  }
0x174: {  	v46 =	vmul.f32 v46, v22;
	v57 =	vmul.f32 v50, v23;
	v53 =	vadd.f32 v62, v42;
	v58 =	vld [tilespmem:s22+$0x1200]  }
0x175: {  	v60 =	vld [tilespmem:s22+$0x1210]  }
0x176: {  	v45 =	vmul.f32 v63, v24;
	v61 =	vld [tilespmem:s14+$0x650];
	v46 =	vadd.f32 v57, v46;
	(xrf2) =	vadd.scan.msk.f32 $0xffff, v53  }
0x177: {  	v52 =	vld [tilespmem:s22+$0x1220]  }
0x178: {  	v43 =	vld [tilespmem:s14+$0x660];
	v47 =	vmul.f32 v56, v15;
	v46 =	vadd.f32 v45, v46  }
0x179: {  	v51 =	vmul.f32 v51, v16;
	v45 =	vld [tilespmem:s22+$0x1230]  }
0x17a: {  	v42 =	vld [tilespmem:s14+$0x670];
	v54 =	vadd.f32 v47, v46;
	v38 =	vmul.f32 v58, v38;
	v63 =	vmul.f32 v60, v39  }
0x17b: {  	v44 =	vld [tilespmem:s22+$0x1240];
	v46 =	vmul.f32 v61, v10;
	v39 =	vadd.s32 s11, v5  }
0x17c: {  	s24 =	simm.s32 $0x3;
	s6 =	simm.s32 $0x4;
	v47 =	vld [tilespmem:s21+$0x210];
	v50 =	vmul.f32 v52, v37;
	v48 =	vadd.f32 v51, v54;
	v49 =	vadd.f32 v63, v38  }
.LBB2_3:
0x17d: {  	p0 =	sne.s32 s6, $0x4F;
	v52 =	vmul.f32 v43, v9;
	v51 =	vld [tilespmem:s22+$0x1250];
	v37 =	vmovc v24;
	v24 =	vmovc v35;
	v38 =	vmov v23;
	v23 =	vmov v36  }
0x17e: {  	v35 =	vld [tilespmem:s21+$0x220];
	v36 =	vadd.f32 v46, v48;
	v46 =	vadd.f32 v50, v49;
	v45 =	vmul.f32 v45, v31;
	v31 =	vmovc v19  }
0x17f: {  	v19 =	vmov v15;
	v15 =	vmov v34;
	v42 =	vmul.f32 v42, v8;
	v48 =	vld [tilespmem:s22+$0x1260]  }
0x180: {  	v34 =	vld [tilespmem:s21+$0x230];
	v36 =	vadd.f32 v52, v36;
	v43, _, _ =	vpop (xrf2);
	v45 =	vadd.f32 v45, v46;
	v44 =	vmul.f32 v44, v32  }
0x181: {  	v41 =	vmul.f32 v41, v26;
	v32 =	vmov v20;
	v46 =	vmul.f32 v47, v23;
	[tilespmem:v39+s29+$0x0] =	vst.idx.msk vm2, v43;
	v39 =	vld [tilespmem:s22+$0x1270];
	s22 =	smov.u32 s15;
	s15 =	smov.u32 s14;
	s14 =	smov.u32 s21  }
0x182: {  	v36 =	vadd.f32 v42, v36;
	v42 =	vld [tilespmem:s22+$0xE00];
	v43 =	vadd.f32 v44, v45;
	v44 =	vmul.f32 v51, v30;
	v30 =	vmovc v14  }
0x183: {  	v20 =	vmovc v16;
	v14 =	vmovc v10;
	v10 =	vmov v27;
	v41 =	vadd.f32 v46, v41;
	v35 =	vmul.f32 v35, v24;
	v45 =	vld [tilespmem:s22+$0xE10]  }
0x184: {  	v27 =	vld [tilespmem:s14+$0x250];
	(xrf2) =	vadd.scan.msk.f32 $0xffff, v36;
	v36 =	vadd.f32 v44, v43;
	v43 =	vmul.f32 v48, v29;
	v29 =	vmovc v12;
	v12 =	vmov v9  }
0x185: {  	v16 =	vmovc v33;
	v9 =	vmov v25;
	v35 =	vadd.f32 v35, v41;
	v34 =	vmul.f32 v34, v15;
	v41 =	vld [tilespmem:s22+$0xE20]  }
0x186: {  	v25 =	vld [tilespmem:s14+$0x260];
	v33 =	vadd.f32 v43, v36;
	v36 =	vmul.f32 v39, v28;
	v28 =	vmovc v11;
	v11 =	vmovc v8;
	v8 =	vmov v21  }
0x187: {  	v34 =	vadd.f32 v34, v35;
	v35 =	vmul.f32 v40, v16;
	v39 =	vld [tilespmem:s22+$0xE30]  }
0x188: {  	v42 =	vmul.f32 v42, v13;
	v40 =	vld [tilespmem:s14+$0x270];
	v43 =	vmul.f32 v45, v17;
	v33 =	vadd.f32 v36, v33  }
0x189: {  	s1 =	sadd.s32 $0x80, s1;
	v36 =	vadd.s32 s18, v4;
	v27 =	vmul.f32 v27, v10;
	v44 =	vld [tilespmem:s22+$0xE40]  }
0x18a: {  	v34 =	vadd.f32 v35, v34;
	v21 =	vld [tilespmem:s1+$0x30];
	v35 =	vadd.f32 v43, v42;
	v41 =	vmul.f32 v41, v18;
	(xrf2) =	vadd.scan.msk.f32 $0xffff, v33  }
0x18b: {  	v33 =	vmul.f32 v25, v9;
	v42 =	vld [tilespmem:s22+$0xE50]  }
0x18c: {  	v43 =	vadd.f32 v27, v34;
	v25 =	vld [tilespmem:s1+$0x20];
	v35 =	vadd.f32 v41, v35;
	v39 =	vmul.f32 v39, v31  }
0x18d: {  	v40 =	vmul.f32 v40, v8;
	v41 =	vld [tilespmem:s22+$0xE60]  }
0x18e: {  	v33 =	vadd.f32 v33, v43;
	v27 =	vld [tilespmem:s1+$0x10];
	v34, _, _ =	vpop (xrf2);
	v35 =	vadd.f32 v39, v35;
	v39 =	vmul.f32 v44, v32  }
0x18f: {  	v43 =	vadd.s32 s9, v7;
	s9 =	smov.u32 s11;
	s11 =	smov.u32 s18;
	s18 =	smov.u32 s24;
	[tilespmem:v36+s29+$0x0] =	vst.idx.msk vm2, v34;
	v36 =	vld [tilespmem:s22+$0xE70]  }
0x190: {  	s24 =	smov.u32 s6;
	v34 =	vadd.f32 v40, v33;
	v40 =	vld [tilespmem:s15+$0xA00];
	v35 =	vadd.f32 v39, v35;
	v39 =	vmul.f32 v42, v30  }
0x191: {  	v42 =	vld [tilespmem:s15+$0xA10]  }
0x192: {  	v33 =	vld [tilespmem:s1+$0x0];
	(xrf2) =	vadd.scan.msk.f32 $0xffff, v34;
	v44 =	vadd.f32 v39, v35;
	v39 =	vmul.f32 v41, v29  }
0x193: {  	v41 =	vld [tilespmem:s15+$0xA20]  }
0x194: {  	v34 =	vld [tilespmem:s1+$0xFFFFFFF0];
	v39 =	vadd.f32 v39, v44;
	v36 =	vmul.f32 v36, v28;
	v35, _, _ =	vpop (xrf2)  }
0x195: {  	v44 =	vld [tilespmem:s15+$0xA30];
	[tilespmem:v43+s29+$0x0] =	vst.idx.msk vm2, v35  }
0x196: {  	v40 =	vmul.f32 v40, v22;
	v35 =	vld [tilespmem:s1+$0xFFFFFFE0];
	v42 =	vmul.f32 v42, v38;
	v36 =	vadd.f32 v36, v39  }
0x197: {  	s21 =	sshrl.u32 s6, $0x3;
	v39 =	vld [tilespmem:s15+$0xA40]  }
0x198: {  	s21 =	smul.u32 $0x5000, s21;
	v43 =	vadd.s32 s18, v3;
	v47 =	vld [tilespmem:s1+$0xFFFFFFC0];
	v40 =	vadd.f32 v42, v40;
	v41 =	vmul.f32 v41, v37;
	(xrf2) =	vadd.scan.msk.f32 $0xffff, v36  }
0x199: {  	s10 =	sadd.s32 $0x80, s10;
	v42 =	vld [tilespmem:s15+$0xA50]  }
0x19a: {  	s16 =	sand.u32 $0x380, s10;
	s21 =	sshra.s32 s21, $0x2;
	v36 =	vld [tilespmem:s1+$0xFFFFFFD0];
	v41 =	vadd.f32 v41, v40;
	v44 =	vmul.f32 v44, v19  }
0x19b: {  	s21 =	sor.u32 s16, s21;
	v45 =	vld [tilespmem:s15+$0xA60]  }
0x19c: {  	v40 =	vld [tilespmem:s21+$0x240];
	v46, _, _ =	vpop (xrf2);
	v41 =	vadd.f32 v44, v41;
	v39 =	vmul.f32 v39, v20  }
0x19d: {  	[tilespmem:v43+s29+$0x0] =	vst.idx.msk vm2, v46;
	v43 =	vld [tilespmem:s15+$0xA70]  }
0x19e: {  	v46 =	vadd.s32 s9, v6;
	v44 =	vld [tilespmem:s14+$0x600];
	v39 =	vadd.f32 v39, v41;
	v42 =	vmul.f32 v42, v14  }
0x19f: {  	v48 =	vld [tilespmem:s14+$0x610]  }
0x1a0: {  	v41 =	vld [tilespmem:s21+$0x200];
	v39 =	vadd.f32 v42, v39;
	v42 =	vmul.f32 v45, v12  }
0x1a1: {  	v45 =	vld [tilespmem:s14+$0x620]  }
0x1a2: {  	v49 =	vld [tilespmem:s14+$0x640];
	v39 =	vadd.f32 v42, v39;
	v42 =	vmul.f32 v43, v11;
	v43, _, _ =	vpop (xrf2)  }
0x1a3: {  	v50 =	vld [tilespmem:s14+$0x630];
	[tilespmem:v46+s29+$0x0] =	vst.idx.msk vm2, v43  }
0x1a4: {  	v43 =	vmul.f32 v44, v26;
	v44 =	vmul.f32 v48, v23;
	v39 =	vadd.f32 v42, v39;
	v46 =	vld [tilespmem:s22+$0x1200]  }
0x1a5: {  	v48 =	vld [tilespmem:s22+$0x1210]  }
0x1a6: {  	v42 =	vadd.f32 v44, v43;
	v43 =	vmul.f32 v45, v24;
	v44 =	vld [tilespmem:s14+$0x650];
	(xrf2) =	vadd.scan.msk.f32 $0xffff, v39  }
0x1a7: {  	v51 =	vld [tilespmem:s22+$0x1220]  }
.Ltmp0:
0x1a8: {  	v39 =	vadd.f32 v43, v42;
	v42 =	vmul.f32 v50, v15;
	v43 =	vld [tilespmem:s14+$0x660];
	(pc) =	sbr.rel @p0 .LBB2_3-.Ltmp0, $4  }
0x1a9: {  	v49 =	vmul.f32 v49, v16;
	v45 =	vld [tilespmem:s22+$0x1230]  }
0x1aa: {  	v52 =	vmul.f32 v46, v13;
	v13 =	vmovc v22;
	v50 =	vadd.f32 v42, v39;
	v42 =	vld [tilespmem:s14+$0x670];
	v53 =	vmul.f32 v48, v17  }
0x1ab: {  	v22 =	vmovc v26;
	v26 =	vmovc v47;
	v39 =	vadd.s32 s11, v5;
	v17 =	vmov v38;
	v46 =	vmul.f32 v44, v10;
	v44 =	vld [tilespmem:s22+$0x1240]  }
0x1ac: {  	s6 =	sadd.s32 $0x1, s6;
	v47 =	vld [tilespmem:s21+$0x210];
	v48 =	vadd.f32 v49, v50;
	v49 =	vadd.f32 v53, v52;
	v50 =	vmul.f32 v51, v18;
	v18 =	vmovc v37  }
0x1ad: {  	_ = 	snop  }
0x1ae: {  	v37 =	vld [tilespmem:s21+$0x220];
	_ =	sdelay $0x1  }
0x1af: {  	v38 =	vld [tilespmem:s21+$0x230]  }
0x1b0: {  	v41 =	vmul.f32 v41, v26;
	v47 =	vmul.f32 v47, v36  }
0x1b1: {  	v51 =	vld [tilespmem:s22+$0x1250];
	v56 =	vadd.f32 v50, v49;
	v31 =	vmul.f32 v45, v31  }
0x1b2: {  	v57 =	vld [tilespmem:s21+$0x250];
	v37 =	vmul.f32 v37, v35;
	v41 =	vadd.f32 v47, v41  }
0x1b3: {  	v58 =	vld [tilespmem:s22+$0x1260];
	v31 =	vadd.f32 v31, v56  }
0x1b4: {  	v32 =	vmul.f32 v44, v32;
	v38 =	vmul.f32 v38, v34;
	v37 =	vadd.f32 v37, v41  }
0x1b5: {  	v59 =	vld [tilespmem:s21+$0x260];
	v61 =	vmul.f32 v40, v33  }
0x1b6: {  	v60 =	vld [tilespmem:s22+$0x1270];
	v31 =	vadd.f32 v32, v31;
	v30 =	vmul.f32 v51, v30;
	v37 =	vadd.f32 v38, v37  }
0x1b7: {  	v43 =	vmul.f32 v43, v9;
	v63 =	vld [tilespmem:s21+$0x270];
	v62 =	vadd.f32 v46, v48;
	v45 =	vmul.f32 v57, v27  }
0x1b8: {  	v29 =	vmul.f32 v58, v29;
	v30 =	vadd.f32 v30, v31;
	v37 =	vadd.f32 v61, v37  }
0x1b9: {  	v42 =	vmul.f32 v42, v8;
	v43 =	vadd.f32 v43, v62  }
0x1ba: {  	v31 =	vmul.f32 v59, v25;
	v29 =	vadd.f32 v29, v30;
	v37 =	vadd.f32 v45, v37  }
0x1bb: {  	v28 =	vmul.f32 v60, v28;
	v38 =	vadd.f32 v42, v43  }
0x1bc: {  	v30 =	vmul.f32 v63, v21;
	v31 =	vadd.f32 v31, v37  }
0x1bd: {  	v28 =	vadd.f32 v28, v29;
	(xrf2) =	vadd.scan.msk.f32 $0xffff, v38  }
0x1be: {  	v29, _, _ =	vpop (xrf2);
	v30 =	vadd.f32 v30, v31  }
0x1bf: {  	(xrf2) =	vadd.scan.msk.f32 $0xffff, v28;
	[tilespmem:v39+s29+$0x0] =	vst.idx.msk vm2, v29  }
0x1c0: {  	v28 =	vld [tilespmem:s15+$0xE00];
	(xrf2) =	vadd.scan.msk.f32 $0xffff, v30  }
0x1c1: {  	v29 =	vld [tilespmem:s15+$0xE10];
	_ =	sdelay $0x1  }
0x1c2: {  	v31 =	vadd.s32 s18, v4;
	v30 =	vld [tilespmem:s15+$0xE20]  }
0x1c3: {  	v44 =	vld [tilespmem:s15+$0xE30]  }
0x1c4: {  	v45 =	vld [tilespmem:s15+$0xE40];
	v28 =	vmul.f32 v28, v13  }
0x1c5: {  	v47 =	vadd.s32 s24, v3;
	v46 =	vld [tilespmem:s15+$0xE50];
	v29 =	vmul.f32 v29, v17  }
0x1c6: {  	v48 =	vld [tilespmem:s15+$0xE60];
	v49, _, _ =	vpop (xrf2)  }
0x1c7: {  	v29 =	vadd.f32 v29, v28;
	[tilespmem:v31+s29+$0x0] =	vst.idx.msk vm2, v49;
	v31 =	vld [tilespmem:s15+$0xE70];
	v30 =	vmul.f32 v30, v18  }
0x1c8: {  	v41 =	vld [tilespmem:s14+$0xA00];
	v28, _, _ =	vpop (xrf2)  }
0x1c9: {  	v50 =	vld [tilespmem:s14+$0xA10];
	v29 =	vadd.f32 v30, v29;
	v30 =	vmul.f32 v44, v19;
	v51, _, _ =	vpop (xrf2)  }
0x1ca: {  	v52 =	vld [tilespmem:s14+$0xA20];
	[tilespmem:v47+s29+$0x0] =	vst.idx.msk vm2, v51  }
0x1cb: {  	v29 =	vadd.f32 v30, v29;
	v30 =	vmul.f32 v45, v20;
	v53 =	vld [tilespmem:s21+$0x600]  }
0x1cc: {  	v39 =	vld [tilespmem:s21+$0x610]  }
0x1cd: {  	v54 =	vld [tilespmem:s14+$0xA30];
	v29 =	vadd.f32 v30, v29;
	v30 =	vmul.f32 v46, v14  }
0x1ce: {  	v41 =	vmul.f32 v41, v22;
	v32 =	vmul.f32 v50, v23;
	v42 =	vld [tilespmem:s21+$0x620]  }
0x1cf: {  	v55 =	vld [tilespmem:s14+$0xA40];
	v29 =	vadd.f32 v30, v29;
	v30 =	vmul.f32 v48, v12  }
0x1d0: {  	v56 =	vmul.f32 v52, v24;
	v32 =	vadd.f32 v32, v41;
	v57 =	vld [tilespmem:s21+$0x630]  }
0x1d1: {  	v29 =	vadd.f32 v30, v29;
	v30 =	vld [tilespmem:s14+$0xA50];
	v37 =	vmul.f32 v53, v26;
	v39 =	vmul.f32 v39, v36  }
0x1d2: {  	v31 =	vmul.f32 v31, v11;
	v38 =	vmul.f32 v54, v15;
	v58 =	vld [tilespmem:s21+$0x640];
	v32 =	vadd.f32 v56, v32  }
0x1d3: {  	v59 =	vld [tilespmem:s14+$0xA60];
	v60 =	vmul.f32 v42, v35;
	v37 =	vadd.f32 v39, v37  }
0x1d4: {  	v61 =	vmul.f32 v55, v16;
	v62 =	vld [tilespmem:s21+$0x650];
	v29 =	vadd.f32 v31, v29;
	v31 =	vadd.f32 v38, v32  }
0x1d5: {  	v63 =	vld [tilespmem:s14+$0xA70];
	v43 =	vmul.f32 v57, v34;
	v37 =	vadd.f32 v60, v37  }
0x1d6: {  	(xrf2) =	vadd.scan.msk.f32 $0xffff, v29;
	v29 =	vadd.f32 v61, v31;
	v31 =	vld [tilespmem:s21+$0x660];
	v30 =	vmul.f32 v30, v10  }
0x1d7: {  	v46 =	vld [tilespmem:s21+$0x670];
	v45 =	vmul.f32 v58, v33;
	v37 =	vadd.f32 v43, v37  }
0x1d8: {  	v29 =	vadd.f32 v30, v29;
	v30 =	vmul.f32 v59, v9  }
0x1d9: {  	v38 =	vmul.f32 v62, v27;
	v32 =	vadd.f32 v45, v37  }
0x1da: {  	v29 =	vadd.f32 v30, v29;
	v30 =	vmul.f32 v63, v8  }
0x1db: {  	v31 =	vmul.f32 v31, v25;
	v32 =	vadd.f32 v38, v32  }
0x1dc: {  	v47 =	vadd.s32 s11, v6;
	v29 =	vadd.f32 v30, v29;
	v30 =	vmul.f32 v46, v21  }
0x1dd: {  	v31 =	vadd.f32 v31, v32  }
0x1de: {  	(xrf2) =	vadd.scan.msk.f32 $0xffff, v29  }
0x1df: {  	v29 =	vadd.f32 v30, v31  }
0x1e0: {  	v30, _, _ =	vpop (xrf2)  }
0x1e1: {  	[tilespmem:v47+s29+$0x0] =	vst.idx.msk vm2, v30;
	(xrf2) =	vadd.scan.msk.f32 $0xffff, v29  }
0x1e2: {  	v29 =	vld [tilespmem:s15+$0x1200]  }
0x1e3: {  	v30 =	vld [tilespmem:s15+$0x1210]  }
0x1e4: {  	v48 =	vadd.s32 s18, v5;
	v31 =	vld [tilespmem:s15+$0x1220]  }
0x1e5: {  	v37 =	vld [tilespmem:s15+$0x1230]  }
0x1e6: {  	v49 =	vld [tilespmem:s15+$0x1240]  }
0x1e7: {  	v51 =	vadd.s32 s24, v4;
	v50 =	vld [tilespmem:s15+$0x1250]  }
0x1e8: {  	v52 =	vld [tilespmem:s15+$0x1260];
	v53, _, _ =	vpop (xrf2)  }
0x1e9: {  	v54 =	vld [tilespmem:s15+$0x1270];
	[tilespmem:v48+s29+$0x0] =	vst.idx.msk vm2, v53  }
0x1ea: {  	v42 =	vld [tilespmem:s14+$0xE00]  }
0x1eb: {  	v55 =	vld [tilespmem:s14+$0xE10];
	v56, _, _ =	vpop (xrf2)  }
0x1ec: {  	v57 =	vld [tilespmem:s14+$0xE20];
	[tilespmem:v51+s29+$0x0] =	vst.idx.msk vm2, v56  }
0x1ed: {  	v13 =	vmul.f32 v29, v13;
	v17 =	vmul.f32 v30, v17;
	v29 =	vld [tilespmem:s21+$0xA00]  }
0x1ee: {  	v30 =	vld [tilespmem:s21+$0xA10]  }
0x1ef: {  	v13 =	vadd.f32 v17, v13;
	v17 =	vmul.f32 v31, v18;
	v18 =	vld [tilespmem:s14+$0xE30]  }
0x1f0: {  	v31 =	vmul.f32 v42, v22;
	v58 =	vmul.f32 v55, v23;
	v59 =	vld [tilespmem:s21+$0xA20]  }
0x1f1: {  	v13 =	vadd.f32 v17, v13;
	v17 =	vmul.f32 v37, v19;
	v19 =	vld [tilespmem:s14+$0xE40]  }
0x1f2: {  	v60 =	vmul.f32 v57, v24;
	v61 =	vld [tilespmem:s21+$0xA30];
	v31 =	vadd.f32 v58, v31  }
0x1f3: {  	v13 =	vadd.f32 v17, v13;
	v17 =	vld [tilespmem:s14+$0xE50];
	v29 =	vmul.f32 v29, v26;
	v30 =	vmul.f32 v30, v36  }
0x1f4: {  	v20 =	vmul.f32 v49, v20;
	v18 =	vmul.f32 v18, v15;
	v62 =	vld [tilespmem:s21+$0xA40];
	v31 =	vadd.f32 v60, v31  }
0x1f5: {  	v63 =	vld [tilespmem:s14+$0xE60];
	v29 =	vadd.f32 v30, v29;
	v30 =	vmul.f32 v59, v35  }
0x1f6: {  	v13 =	vadd.f32 v20, v13;
	v20 =	vld [tilespmem:s21+$0xA50];
	v19 =	vmul.f32 v19, v16;
	v18 =	vadd.f32 v18, v31  }
0x1f7: {  	v14 =	vmul.f32 v50, v14;
	v31 =	vld [tilespmem:s14+$0xE70];
	v29 =	vadd.f32 v30, v29;
	v30 =	vmul.f32 v61, v34  }
0x1f8: {  	v17 =	vmul.f32 v17, v10;
	v18 =	vadd.f32 v19, v18;
	v19 =	vld [tilespmem:s21+$0xA60]  }
0x1f9: {  	v13 =	vadd.f32 v14, v13;
	v14 =	vadd.f32 v30, v29;
	v29 =	vmul.f32 v62, v33  }
0x1fa: {  	v12 =	vmul.f32 v52, v12;
	v17 =	vadd.f32 v17, v18;
	v18 =	vmul.f32 v63, v9;
	v30 =	vld [tilespmem:s21+$0xA70]  }
0x1fb: {  	v20 =	vmul.f32 v20, v27;
	v14 =	vadd.f32 v29, v14  }
0x1fc: {  	v11 =	vmul.f32 v54, v11;
	v12 =	vadd.f32 v12, v13;
	v13 =	vadd.f32 v18, v17  }
0x1fd: {  	v17 =	vmul.f32 v31, v8;
	v18 =	vmul.f32 v19, v25;
	v14 =	vadd.f32 v20, v14  }
0x1fe: {  	v11 =	vadd.f32 v11, v12  }
0x1ff: {  	v12 =	vadd.f32 v17, v13;
	v13 =	vadd.f32 v18, v14;
	v14 =	vmul.f32 v30, v21  }
0x200: {  	(xrf2) =	vadd.scan.msk.f32 $0xffff, v11  }
0x201: {  	(xrf2) =	vadd.scan.msk.f32 $0xffff, v12;
	v11 =	vadd.f32 v14, v13;
	_ =	sdelay $0x1  }
0x202: {  	(xrf2) =	vadd.scan.msk.f32 $0xffff, v11;
	_ =	sdelay $0x3  }
0x203: {  	v11 =	vadd.s32 s18, v6;
	_ =	sdelay $0x1  }
0x204: {  	v12 =	vadd.s32 s24, v5  }
0x205: {  	v13, _, _ =	vpop (xrf2)  }
0x206: {  	v14, _, _ =	vpop (xrf2)  }
0x207: {  	[tilespmem:v11+s29+$0x0] =	vst.idx.msk vm2, v14  }
0x208: {  	v11 =	vld [tilespmem:s14+$0x1200];
	v14, _, _ =	vpop (xrf2)  }
0x209: {  	v17 =	vld [tilespmem:s14+$0x1210];
	[tilespmem:v12+s29+$0x0] =	vst.idx.msk vm2, v14  }
0x20a: {  	v12 =	vld [tilespmem:s21+$0xE00]  }
0x20b: {  	v14 =	vld [tilespmem:s21+$0xE10]  }
0x20c: {  	v18 =	vld [tilespmem:s14+$0x1220]  }
0x20d: {  	v19 =	vld [tilespmem:s21+$0xE20]  }
0x20e: {  	v20 =	vld [tilespmem:s14+$0x1230]  }
0x20f: {  	v11 =	vmul.f32 v11, v22;
	v17 =	vmul.f32 v17, v23;
	v22 =	vld [tilespmem:s21+$0xE30]  }
0x210: {  	v23 =	vld [tilespmem:s14+$0x1240];
	v12 =	vmul.f32 v12, v26;
	v14 =	vmul.f32 v14, v36  }
0x211: {  	v11 =	vadd.f32 v17, v11;
	v17 =	vmul.f32 v18, v24;
	v18 =	vld [tilespmem:s21+$0xE40]  }
0x212: {  	v24 =	vld [tilespmem:s14+$0x1250];
	v12 =	vadd.f32 v14, v12;
	v14 =	vmul.f32 v19, v35  }
0x213: {  	v15 =	vmul.f32 v20, v15;
	v11 =	vadd.f32 v17, v11;
	v17 =	vld [tilespmem:s21+$0xE50]  }
0x214: {  	v19 =	vld [tilespmem:s14+$0x1260];
	v12 =	vadd.f32 v14, v12;
	v14 =	vmul.f32 v22, v34  }
0x215: {  	v11 =	vadd.f32 v15, v11;
	v15 =	vmul.f32 v23, v16;
	v16 =	vld [tilespmem:s21+$0xE60]  }
0x216: {  	v20 =	vld [tilespmem:s14+$0x1270];
	v12 =	vadd.f32 v14, v12;
	v14 =	vmul.f32 v18, v33  }
0x217: {  	v10 =	vmul.f32 v24, v10;
	v11 =	vadd.f32 v15, v11;
	v15 =	vld [tilespmem:s21+$0xE70]  }
0x218: {  	v12 =	vadd.f32 v14, v12;
	v14 =	vmul.f32 v17, v27  }
0x219: {  	v10 =	vadd.f32 v10, v11;
	v9 =	vmul.f32 v19, v9  }
0x21a: {  	v11 =	vadd.f32 v14, v12;
	v12 =	vmul.f32 v16, v25  }
0x21b: {  	v8 =	vmul.f32 v20, v8;
	v9 =	vadd.f32 v9, v10  }
0x21c: {  	v10 =	vadd.f32 v12, v11;
	v11 =	vmul.f32 v15, v21  }
0x21d: {  	v8 =	vadd.f32 v8, v9  }
0x21e: {  	v9 =	vadd.f32 v11, v10  }
0x21f: {  	(xrf2) =	vadd.scan.msk.f32 $0xffff, v8  }
0x220: {  	(xrf2) =	vadd.scan.msk.f32 $0xffff, v9;
	_ =	sdelay $0x5  }
0x221: {  	v8 =	vadd.s32 s24, v6;
	_ =	sdelay $0x2  }
0x222: {  	v9, _, _ =	vpop (xrf2)  }
0x223: {  	v10, _, _ =	vpop (xrf2)  }
0x224: {  	[tilespmem:v8+s29+$0x0] =	vst.idx.msk vm2, v10  }
0x225: {  	v8 =	vld [tilespmem:s21+$0x1200]  }
0x226: {  	v10 =	vld [tilespmem:s21+$0x1210];
	_ =	sdelay $0x1  }
0x227: {  	v11 =	vld [tilespmem:s21+$0x1220];
	_ =	sdelay $0x1  }
0x228: {  	v12 =	vld [tilespmem:s21+$0x1230]  }
0x229: {  	v8 =	vmul.f32 v8, v26;
	v10 =	vmul.f32 v10, v36  }
0x22a: {  	v14 =	vld [tilespmem:s21+$0x1240]  }
0x22b: {  	v8 =	vadd.f32 v10, v8;
	v10 =	vmul.f32 v11, v35  }
0x22c: {  	v11 =	vld [tilespmem:s21+$0x1250]  }
0x22d: {  	v8 =	vadd.f32 v10, v8;
	v10 =	vmul.f32 v12, v34  }
0x22e: {  	v12 =	vld [tilespmem:s21+$0x1260]  }
0x22f: {  	v8 =	vadd.f32 v10, v8;
	v10 =	vmul.f32 v14, v33  }
0x230: {  	v14 =	vld [tilespmem:s21+$0x1270]  }
0x231: {  	v8 =	vadd.f32 v10, v8;
	v10 =	vmul.f32 v11, v27;
	_ =	sdelay $0x1  }
0x232: {  	v8 =	vadd.f32 v10, v8;
	v10 =	vmul.f32 v12, v25;
	_ =	sdelay $0x1  }
0x233: {  	v8 =	vadd.f32 v10, v8;
	v10 =	vmul.f32 v14, v21;
	_ =	sdelay $0x1  }
0x234: {  	v8 =	vadd.f32 v10, v8;
	_ =	sdelay $0x1  }
0x235: {  	(xrf2) =	vadd.scan.msk.f32 $0xffff, v8;
	_ =	sdelay $0x2  }
0x236: {  	v11 =	vadd.s32 s18, v7  }
0x237: {  	v10 =	vadd.s32 s11, v7  }
0x238: {  	v8 =	vadd.s32 s9, v7  }
0x239: {  	v12 =	vadd.s32 s24, v7;
	_ =	sdelay $0x1  }
0x23a: {  	[tilespmem:v11+s29+$0x0] =	vst.idx.msk vm2, v9  }
0x23b: {  	[tilespmem:v10+s29+$0x0] =	vst.idx.msk vm2, v13  }
0x23c: {  	[tilespmem:v8+s29+$0x0] =	vst.idx.msk vm2, v28;
	v8, _, _ =	vpop (xrf2)  }
0x23d: {  	[tilespmem:v12+s29+$0x0] =	vst.idx.msk vm2, v8  }
0x23e: {  	v8 =	vld [tilespmem:$0x1E200]  }
0x23f: {  	v9 =	vld [tilespmem:$0x1E250]  }
0x240: {  	v10 =	vld [tilespmem:$0x1E2A0]  }
0x241: {  	v11 =	vld [tilespmem:$0x1E2F0]  }
0x242: {  	v12 =	vld [tilespmem:$0x1E340];
	_ =	sdelay $0x1  }
0x243: {  	v13 =	vmax.f32 v8, v9  }
0x244: {  	v13 =	vmax.f32 v13, v10  }
0x245: {  	v13 =	vmax.f32 v13, v11  }
0x246: {  	v13 =	vmax.f32 v13, v12  }
0x247: {  	v8 =	vsub.f32 v8, v13  }
0x248: {  	v9 =	vsub.f32 v9, v13  }
0x249: {  	v8 =	vmul.f32 $1.442695020e+00, v8  }
0x24a: {  	v10 =	vsub.f32 v10, v13;
	v9 =	vmul.f32 $1.442695020e+00, v9  }
0x24b: {  	(erf) = vpow2.f32 v8  }
0x24c: {  	v8 =	vmul.f32 $1.442695020e+00, v10;
	(erf) = vpow2.f32 v9;
	v9 =	vsub.f32 v11, v13;
	_ =	sdelay $0x1  }
0x24d: {  	(erf) = vpow2.f32 v8;
	v8 =	vmul.f32 $1.442695020e+00, v9;
	v9 =	vsub.f32 v12, v13;
	_ =	sdelay $0x1  }
0x24e: {  	(erf) = vpow2.f32 v8;
	v8 =	vmul.f32 $1.442695020e+00, v9  }
0x24f: {  	v14 =	vld [tilespmem:$0x1E260]  }
0x250: {  	v13 =	vld [tilespmem:$0x1E210]  }
0x251: {  	(erf) = vpow2.f32 v8  }
0x252: {  	v15 =	vld [tilespmem:$0x1E2B0];
	v8 =	vpop (erf)  }
0x253: {  	v16 =	vld [tilespmem:$0x1E300];
	v12 =	vpop (erf)  }
0x254: {  	v17 =	vld [tilespmem:$0x1E350];
	v9 =	vadd.f32 v12, v8  }
0x255: {  	v11 =	vmax.f32 v13, v14;
	v10 =	vpop (erf)  }
0x256: {  	v9 =	vadd.f32 v9, v10  }
0x257: {  	v18 =	vmax.f32 v11, v15  }
0x258: {  	v18 =	vmax.f32 v18, v16;
	v11 =	vpop (erf)  }
0x259: {  	v18 =	vmax.f32 v18, v17;
	v19 =	vadd.f32 v9, v11  }
0x25a: {  	v13 =	vsub.f32 v13, v18;
	v9 =	vpop (erf)  }
0x25b: {  	v14 =	vsub.f32 v14, v18;
	v19 =	vadd.f32 v19, v9  }
0x25c: {  	v13 =	vmul.f32 $1.442695020e+00, v13  }
0x25d: {  	v15 =	vsub.f32 v15, v18;
	v14 =	vmul.f32 $1.442695020e+00, v14;
	(erf) = vrcp.f32 v19  }
0x25e: {  	(erf) = vpow2.f32 v13  }
0x25f: {  	v13 =	vmul.f32 $1.442695020e+00, v15;
	(erf) = vpow2.f32 v14;
	v14 =	vsub.f32 v16, v18;
	_ =	sdelay $0x1  }
0x260: {  	(erf) = vpow2.f32 v13;
	v13 =	vmul.f32 $1.442695020e+00, v14;
	v14 =	vsub.f32 v17, v18;
	_ =	sdelay $0x1  }
0x261: {  	(erf) = vpow2.f32 v13;
	v13 =	vmul.f32 $1.442695020e+00, v14;
	_ =	sdelay $0x1  }
0x262: {  	v15 =	vld [tilespmem:$0x1E270]  }
0x263: {  	v14 =	vld [tilespmem:$0x1E220];
	(erf) = vpow2.f32 v13  }
0x264: {  	v16 =	vld [tilespmem:$0x1E2C0];
	v13 =	vpop (erf)  }
0x265: {  	v18 =	vld [tilespmem:$0x1E310];
	v17 =	vpop (erf)  }
0x266: {  	v20 =	vld [tilespmem:$0x1E360];
	v19 =	vpop (erf)  }
0x267: {  	v21 =	vadd.f32 v19, v17  }
0x268: {  	v23 =	vmax.f32 v14, v15;
	v22 =	vpop (erf)  }
0x269: {  	v23 =	vmax.f32 v23, v16;
	v21 =	vadd.f32 v21, v22  }
0x26a: {  	v23 =	vmax.f32 v23, v18;
	v24 =	vpop (erf)  }
0x26b: {  	v23 =	vmax.f32 v23, v20;
	v21 =	vadd.f32 v21, v24  }
0x26c: {  	v14 =	vsub.f32 v14, v23;
	v25 =	vpop (erf)  }
0x26d: {  	v15 =	vsub.f32 v15, v23;
	v21 =	vadd.f32 v21, v25  }
0x26e: {  	v14 =	vmul.f32 $1.442695020e+00, v14  }
0x26f: {  	v16 =	vsub.f32 v16, v23;
	v15 =	vmul.f32 $1.442695020e+00, v15;
	(erf) = vrcp.f32 v21  }
0x270: {  	(erf) = vpow2.f32 v14  }
0x271: {  	v14 =	vmul.f32 $1.442695020e+00, v16;
	(erf) = vpow2.f32 v15;
	v15 =	vsub.f32 v18, v23;
	_ =	sdelay $0x1  }
0x272: {  	(erf) = vpow2.f32 v14;
	v14 =	vmul.f32 $1.442695020e+00, v15;
	v15 =	vsub.f32 v20, v23;
	_ =	sdelay $0x1  }
0x273: {  	(erf) = vpow2.f32 v14;
	v14 =	vmul.f32 $1.442695020e+00, v15  }
0x274: {  	v15 =	vld [tilespmem:$0x1E230]  }
0x275: {  	(erf) = vpow2.f32 v14;
	v14 =	vld [tilespmem:$0x1E280]  }
0x276: {  	v18 =	vld [tilespmem:$0x1E2D0];
	v16 =	vpop (erf)  }
0x277: {  	v21 =	vld [tilespmem:$0x1E320];
	v20 =	vpop (erf)  }
0x278: {  	v26 =	vld [tilespmem:$0x1E370];
	v23 =	vpop (erf)  }
0x279: {  	v27 =	vadd.f32 v23, v20  }
0x27a: {  	v28 =	vpop (erf);
	v29 =	vmax.f32 v15, v14  }
0x27b: {  	v27 =	vadd.f32 v27, v28;
	v29 =	vmax.f32 v29, v18  }
0x27c: {  	v30 =	vpop (erf);
	v29 =	vmax.f32 v29, v21  }
0x27d: {  	v27 =	vadd.f32 v27, v30;
	v29 =	vmax.f32 v29, v26  }
0x27e: {  	v31 =	vpop (erf);
	v15 =	vsub.f32 v15, v29  }
0x27f: {  	v14 =	vsub.f32 v14, v29;
	v27 =	vadd.f32 v27, v31  }
0x280: {  	v15 =	vmul.f32 $1.442695020e+00, v15  }
0x281: {  	v18 =	vsub.f32 v18, v29;
	v14 =	vmul.f32 $1.442695020e+00, v14;
	(erf) = vrcp.f32 v27  }
0x282: {  	(erf) = vpow2.f32 v15  }
0x283: {  	v15 =	vsub.f32 v21, v29;
	(erf) = vpow2.f32 v14;
	v14 =	vmul.f32 $1.442695020e+00, v18;
	_ =	sdelay $0x1  }
0x284: {  	(erf) = vpow2.f32 v14;
	v14 =	vmul.f32 $1.442695020e+00, v15;
	v15 =	vsub.f32 v26, v29;
	_ =	sdelay $0x1  }
0x285: {  	(erf) = vpow2.f32 v14;
	v14 =	vmul.f32 $1.442695020e+00, v15  }
0x286: {  	v15 =	vld [tilespmem:$0x1E240]  }
0x287: {  	(erf) = vpow2.f32 v14;
	v14 =	vld [tilespmem:$0x1E290]  }
0x288: {  	v21 =	vld [tilespmem:$0x1E2E0];
	v18 =	vpop (erf)  }
0x289: {  	v27 =	vld [tilespmem:$0x1E330];
	v26 =	vpop (erf)  }
0x28a: {  	v42 =	vld [tilespmem:$0x1E380];
	v29 =	vpop (erf)  }
0x28b: {  	v43 =	vadd.f32 v29, v26  }
0x28c: {  	v44 =	vpop (erf);
	v45 =	vmax.f32 v15, v14  }
0x28d: {  	v33 =	vadd.f32 v43, v44;
	v35 =	vmax.f32 v45, v21  }
0x28e: {  	v46 =	vpop (erf);
	v35 =	vmax.f32 v35, v27  }
0x28f: {  	v33 =	vadd.f32 v33, v46;
	v35 =	vmax.f32 v35, v42  }
0x290: {  	v47 =	vpop (erf);
	v15 =	vsub.f32 v15, v35  }
0x291: {  	v14 =	vsub.f32 v14, v35;
	v33 =	vadd.f32 v33, v47  }
0x292: {  	v15 =	vmul.f32 $1.442695020e+00, v15  }
0x293: {  	v21 =	vsub.f32 v21, v35;
	v14 =	vmul.f32 $1.442695020e+00, v14;
	(erf) = vrcp.f32 v33  }
0x294: {  	(erf) = vpow2.f32 v15  }
0x295: {  	v15 =	vsub.f32 v27, v35;
	(erf) = vpow2.f32 v14;
	v14 =	vmul.f32 $1.442695020e+00, v21;
	_ =	sdelay $0x1  }
0x296: {  	(erf) = vpow2.f32 v14;
	v14 =	vmul.f32 $1.442695020e+00, v15;
	v15 =	vsub.f32 v42, v35;
	_ =	sdelay $0x1  }
0x297: {  	(erf) = vpow2.f32 v14;
	v14 =	vmul.f32 $1.442695020e+00, v15  }
0x298: {  	v12 =	vadd.f32 v12, v12;
	_ =	sdelay $0x1  }
0x299: {  	v8 =	vadd.f32 v12, v8;
	v10 =	vmul.f32 $3.000000000e+00, v10  }
0x29a: {  	(erf) = vpow2.f32 v14;
	v14 =	vpop (erf)  }
0x29b: {  	v8 =	vadd.f32 v8, v10;
	v10 =	vmul.f32 $4.000000000e+00, v11;
	v15 =	vpop (erf)  }
0x29c: {  	v19 =	vadd.f32 v19, v19;
	v12 =	vpop (erf)  }
0x29d: {  	v8 =	vadd.f32 v8, v10;
	v9 =	vmul.f32 $5.000000000e+00, v9;
	v11 =	vadd.f32 v12, v15  }
0x29e: {  	v17 =	vadd.f32 v19, v17;
	v19 =	vmul.f32 $3.000000000e+00, v22  }
0x29f: {  	v8 =	vadd.f32 v8, v9;
	v21 =	vpop (erf)  }
0x2a0: {  	v9 =	vadd.f32 v17, v19;
	v17 =	vmul.f32 $4.000000000e+00, v24;
	v10 =	vadd.f32 v11, v21  }
0x2a1: {  	v22 =	vadd.f32 v23, v23;
	v11 =	vpop (erf)  }
0x2a2: {  	v8 =	vmul.f32 v13, v8;
	v9 =	vadd.f32 v9, v17;
	v10 =	vadd.f32 v10, v11  }
0x2a3: {  	v20 =	vadd.f32 v22, v20;
	v22 =	vmul.f32 $3.000000000e+00, v28;
	v13 =	vadd.f32 v29, v29;
	v19 =	vpop (erf)  }
0x2a4: {  	v12 =	vadd.f32 v12, v12;
	v10 =	vadd.f32 v10, v19  }
0x2a5: {  	v17 =	vadd.f32 v20, v22;
	v13 =	vadd.f32 v13, v26;
	v20 =	vmul.f32 $3.000000000e+00, v44  }
0x2a6: {  	v12 =	vadd.f32 v12, v15;
	v15 =	vmul.f32 $3.000000000e+00, v21;
	(erf) = vrcp.f32 v10  }
0x2a7: {  	v10 =	vmul.f32 $4.000000000e+00, v30  }
0x2a8: {  	v22 =	vmul.f32 $5.000000000e+00, v25;
	v13 =	vadd.f32 v13, v20;
	v12 =	vadd.f32 v12, v15  }
0x2a9: {  	v11 =	vmul.f32 $4.000000000e+00, v11;
	v10 =	vadd.f32 v17, v10;
	v17 =	vmul.f32 $4.000000000e+00, v46  }
0x2aa: {  	v9 =	vadd.f32 v9, v22;
	v20 =	vmul.f32 $5.000000000e+00, v31  }
0x2ab: {  	v15 =	vmul.f32 $5.000000000e+00, v47;
	v11 =	vadd.f32 v12, v11;
	v13 =	vadd.f32 v13, v17  }
0x2ac: {  	v12 =	vmul.f32 $5.000000000e+00, v19;
	v10 =	vadd.f32 v10, v20  }
0x2ad: {  	v9 =	vmul.f32 v16, v9;
	v13 =	vadd.f32 v13, v15  }
0x2ae: {  	[tilespmem:$0x1E400] =	vst v8;
	v8 =	vmul.f32 v18, v10;
	v10 =	vadd.f32 v11, v12  }
0x2af: {  	[tilespmem:$0x1E410] =	vst v9;
	v9 =	vmul.f32 v14, v13;
	v11 =	vpop (erf)  }
0x2b0: {  	s1 =	sadd.s32 s3, s0;
	[tilespmem:$0x1E420] =	vst v8;
	v8 =	vmul.f32 v11, v10  }
0x2b1: {  	s1 =	sshrl.u32 s1, $0x3;
	[tilespmem:$0x1E430] =	vst v9  }
0x2b2: {  	s6 =	simm.s32 $0x1E400;
	s1 =	sadd.s32 s4, s1;
	[tilespmem:$0x1E440] =	vst v8  }
0x2b3: {  	[hbm4b:s1+s5] =	stream.linear.scatter [tilespmem:s6], [sflag:$0x5], $0x50, $0x38;
	[tilespmem:$0x1E500] =	vst v63  }
0x2b4: {  	_ =	swait.ge [sflag:s23], $0x50  }
0x2b5: {  	[sflag:s23] =	ssyncset.done $0x0  }
0x2b6: {  	[sflag:s23] =	ssyncadd.s32 $0xFFFFFFB0  }
0x2b7: {  	_ =	swait.ge [sflag:s23], $0x50  }
0x2b8: {  	[sflag:s23] =	ssyncset.done $0x0  }
0x2b9: {  	[sflag:s23] =	ssyncadd.s32 $0xFFFFFFB0  }
0x2ba: {  	v8 =	vld [tilespmem:$0x0];
	_ =	sdelay $0x4  }
0x2bb: {  	v9 =	vshrl.u32 v8, $0x3  }
0x2bc: {  	v9 =	vmul.u32 $0x28, v9  }
0x2bd: {  	v8 =	vand.u32 $0x7, v8  }
0x2be: {  	v8 =	vor.u32 v8, v9  }
0x2bf: {  	v9 =	vperm.xlane v8, v0;
	_ =	sdelay $0x1  }
0x2c0: {  	v9 =	vadd.s32 v1, v9;
	_ =	sdelay $0x3  }
0x2c1: {  	s21 =	simm.s32 $0x200;
	v8 =	vperm.xlane v8, v2  }
0x2c2: {  	[tilespmem:s21], [sflag:$0x1] =	stream.indirect_vreg.gather [hbm4b:s7+s5], $0x80, v9, vm0, $0xb8;
	[tilespmem:$0x1E500] =	vst v63  }
0x2c3: {  	s22 =	simm.s32 $0xA00;
	v8 =	vadd.s32 v1, v8  }
0x2c4: {  	[tilespmem:s22], [sflag:$0x1] =	stream.indirect_vreg.gather [hbm4b:s12+s5], $0x80, v9, vm0, $0xb8;
	[tilespmem:$0x1E500] =	vst v63  }
0x2c5: {  	s24 =	simm.s32 $0x1200  }
0x2c6: {  	[tilespmem:s24], [sflag:$0x1] =	stream.indirect_vreg.gather [hbm4b:s13+s5], $0x80, v9, vm1, $0xb8;
	[tilespmem:$0x1E500] =	vst v63  }
0x2c7: {  	s6 =	simm.s32 $0x1600  }
0x2c8: {  	[tilespmem:s6], [sflag:$0x1] =	stream.indirect_vreg.gather [hbm4b:s7+s5], $0x80, v8, vm0, $0xb8;
	[tilespmem:$0x1E500] =	vst v63  }
0x2c9: {  	s9 =	simm.s32 $0x1E00  }
0x2ca: {  	[tilespmem:s9], [sflag:$0x1] =	stream.indirect_vreg.gather [hbm4b:s12+s5], $0x80, v8, vm0, $0xb8;
	[tilespmem:$0x1E500] =	vst v63  }
0x2cb: {  	s10 =	simm.s32 $0x2600  }
0x2cc: {  	[tilespmem:s10], [sflag:$0x1] =	stream.indirect_vreg.gather [hbm4b:s13+s5], $0x80, v8, vm1, $0xb8;
	[tilespmem:$0x1E500] =	vst v63  }
0x2cd: {  	v8 =	vld [tilespmem:$0x10];
	_ =	sdelay $0x4  }
0x2ce: {  	v9 =	vshrl.u32 v8, $0x3  }
0x2cf: {  	v9 =	vmul.u32 $0x28, v9  }
0x2d0: {  	v8 =	vand.u32 $0x7, v8  }
0x2d1: {  	v8 =	vor.u32 v8, v9  }
0x2d2: {  	v9 =	vperm.xlane v8, v0;
	_ =	sdelay $0x1  }
0x2d3: {  	v9 =	vadd.s32 v1, v9;
	_ =	sdelay $0x3  }
0x2d4: {  	s11 =	simm.s32 $0x2A00;
	v8 =	vperm.xlane v8, v2  }
0x2d5: {  	[tilespmem:s11], [sflag:$0x1] =	stream.indirect_vreg.gather [hbm4b:s7+s5], $0x80, v9, vm0, $0xb8;
	[tilespmem:$0x1E500] =	vst v63  }
0x2d6: {  	s14 =	simm.s32 $0x3200;
	v8 =	vadd.s32 v1, v8  }
0x2d7: {  	[tilespmem:s14], [sflag:$0x1] =	stream.indirect_vreg.gather [hbm4b:s12+s5], $0x80, v9, vm0, $0xb8;
	[tilespmem:$0x1E500] =	vst v63  }
0x2d8: {  	s15 =	simm.s32 $0x3A00  }
0x2d9: {  	[tilespmem:s15], [sflag:$0x1] =	stream.indirect_vreg.gather [hbm4b:s13+s5], $0x80, v9, vm1, $0xb8;
	[tilespmem:$0x1E500] =	vst v63  }
0x2da: {  	s16 =	simm.s32 $0x3E00  }
0x2db: {  	[tilespmem:s16], [sflag:$0x1] =	stream.indirect_vreg.gather [hbm4b:s7+s5], $0x80, v8, vm0, $0xb8;
	[tilespmem:$0x1E500] =	vst v63  }
0x2dc: {  	s18 =	simm.s32 $0x4600  }
0x2dd: {  	[tilespmem:s18], [sflag:$0x1] =	stream.indirect_vreg.gather [hbm4b:s12+s5], $0x80, v8, vm0, $0xb8;
	[tilespmem:$0x1E500] =	vst v63  }
0x2de: {  	s21 =	simm.s32 $0x4E00  }
0x2df: {  	[tilespmem:s21], [sflag:$0x1] =	stream.indirect_vreg.gather [hbm4b:s13+s5], $0x80, v8, vm1, $0xb8;
	[tilespmem:$0x1E500] =	vst v63  }
0x2e0: {  	v8 =	vld [tilespmem:$0x20];
	_ =	sdelay $0x4  }
0x2e1: {  	v9 =	vshrl.u32 v8, $0x3  }
0x2e2: {  	v9 =	vmul.u32 $0x28, v9  }
0x2e3: {  	v8 =	vand.u32 $0x7, v8  }
0x2e4: {  	v8 =	vor.u32 v8, v9  }
0x2e5: {  	v9 =	vperm.xlane v8, v0;
	_ =	sdelay $0x1  }
0x2e6: {  	v9 =	vadd.s32 v1, v9;
	_ =	sdelay $0x3  }
0x2e7: {  	s22 =	simm.s32 $0x5200;
	v8 =	vperm.xlane v8, v2  }
0x2e8: {  	[tilespmem:s22], [sflag:$0x1] =	stream.indirect_vreg.gather [hbm4b:s7+s5], $0x80, v9, vm0, $0xb8;
	[tilespmem:$0x1E500] =	vst v63  }
0x2e9: {  	s24 =	simm.s32 $0x5A00;
	v8 =	vadd.s32 v1, v8  }
0x2ea: {  	[tilespmem:s24], [sflag:$0x1] =	stream.indirect_vreg.gather [hbm4b:s12+s5], $0x80, v9, vm0, $0xb8;
	[tilespmem:$0x1E500] =	vst v63  }
0x2eb: {  	s6 =	simm.s32 $0x6200  }
0x2ec: {  	[tilespmem:s6], [sflag:$0x1] =	stream.indirect_vreg.gather [hbm4b:s13+s5], $0x80, v9, vm1, $0xb8;
	[tilespmem:$0x1E500] =	vst v63  }
0x2ed: {  	s9 =	simm.s32 $0x6600  }
0x2ee: {  	[tilespmem:s9], [sflag:$0x1] =	stream.indirect_vreg.gather [hbm4b:s7+s5], $0x80, v8, vm0, $0xb8;
	[tilespmem:$0x1E500] =	vst v63  }
0x2ef: {  	s10 =	simm.s32 $0x6E00  }
0x2f0: {  	[tilespmem:s10], [sflag:$0x1] =	stream.indirect_vreg.gather [hbm4b:s12+s5], $0x80, v8, vm0, $0xb8;
	[tilespmem:$0x1E500] =	vst v63  }
0x2f1: {  	s11 =	simm.s32 $0x7600  }
0x2f2: {  	[tilespmem:s11], [sflag:$0x1] =	stream.indirect_vreg.gather [hbm4b:s13+s5], $0x80, v8, vm1, $0xb8;
	[tilespmem:$0x1E500] =	vst v63  }
0x2f3: {  	v8 =	vld [tilespmem:$0x30];
	_ =	sdelay $0x4  }
0x2f4: {  	v9 =	vshrl.u32 v8, $0x3  }
0x2f5: {  	v9 =	vmul.u32 $0x28, v9  }
0x2f6: {  	v8 =	vand.u32 $0x7, v8  }
0x2f7: {  	v8 =	vor.u32 v8, v9  }
0x2f8: {  	v9 =	vperm.xlane v8, v0;
	_ =	sdelay $0x1  }
0x2f9: {  	v9 =	vadd.s32 v1, v9;
	_ =	sdelay $0x3  }
0x2fa: {  	s14 =	simm.s32 $0x7A00;
	v8 =	vperm.xlane v8, v2  }
0x2fb: {  	[tilespmem:s14], [sflag:$0x1] =	stream.indirect_vreg.gather [hbm4b:s7+s5], $0x80, v9, vm0, $0xb8;
	[tilespmem:$0x1E500] =	vst v63  }
0x2fc: {  	s15 =	simm.s32 $0x8200;
	v8 =	vadd.s32 v1, v8  }
0x2fd: {  	[tilespmem:s15], [sflag:$0x1] =	stream.indirect_vreg.gather [hbm4b:s12+s5], $0x80, v9, vm0, $0xb8;
	[tilespmem:$0x1E500] =	vst v63  }
0x2fe: {  	s16 =	simm.s32 $0x8A00  }
0x2ff: {  	[tilespmem:s16], [sflag:$0x1] =	stream.indirect_vreg.gather [hbm4b:s13+s5], $0x80, v9, vm1, $0xb8;
	[tilespmem:$0x1E500] =	vst v63  }
0x300: {  	s18 =	simm.s32 $0x8E00  }
0x301: {  	[tilespmem:s18], [sflag:$0x1] =	stream.indirect_vreg.gather [hbm4b:s7+s5], $0x80, v8, vm0, $0xb8;
	[tilespmem:$0x1E500] =	vst v63  }
0x302: {  	s21 =	simm.s32 $0x9600  }
0x303: {  	[tilespmem:s21], [sflag:$0x1] =	stream.indirect_vreg.gather [hbm4b:s12+s5], $0x80, v8, vm0, $0xb8;
	[tilespmem:$0x1E500] =	vst v63  }
0x304: {  	s22 =	simm.s32 $0x9E00  }
0x305: {  	[tilespmem:s22], [sflag:$0x1] =	stream.indirect_vreg.gather [hbm4b:s13+s5], $0x80, v8, vm1, $0xb8;
	[tilespmem:$0x1E500] =	vst v63  }
0x306: {  	v8 =	vld [tilespmem:$0x40];
	_ =	sdelay $0x4  }
0x307: {  	v9 =	vshrl.u32 v8, $0x3  }
0x308: {  	v9 =	vmul.u32 $0x28, v9  }
0x309: {  	v8 =	vand.u32 $0x7, v8  }
0x30a: {  	v8 =	vor.u32 v8, v9  }
0x30b: {  	v9 =	vperm.xlane v8, v0;
	_ =	sdelay $0x1  }
0x30c: {  	v9 =	vadd.s32 v1, v9;
	_ =	sdelay $0x3  }
0x30d: {  	s24 =	simm.s32 $0xA200;
	v8 =	vperm.xlane v8, v2  }
0x30e: {  	[tilespmem:s24], [sflag:$0x1] =	stream.indirect_vreg.gather [hbm4b:s7+s5], $0x80, v9, vm0, $0xb8;
	[tilespmem:$0x1E500] =	vst v63  }
0x30f: {  	s6 =	simm.s32 $0xAA00;
	v8 =	vadd.s32 v1, v8  }
0x310: {  	[tilespmem:s6], [sflag:$0x1] =	stream.indirect_vreg.gather [hbm4b:s12+s5], $0x80, v9, vm0, $0xb8;
	[tilespmem:$0x1E500] =	vst v63  }
0x311: {  	s9 =	simm.s32 $0xB200  }
0x312: {  	[tilespmem:s9], [sflag:$0x1] =	stream.indirect_vreg.gather [hbm4b:s13+s5], $0x80, v9, vm1, $0xb8;
	[tilespmem:$0x1E500] =	vst v63  }
0x313: {  	s10 =	simm.s32 $0xB600  }
0x314: {  	[tilespmem:s10], [sflag:$0x1] =	stream.indirect_vreg.gather [hbm4b:s7+s5], $0x80, v8, vm0, $0xb8;
	[tilespmem:$0x1E500] =	vst v63  }
0x315: {  	s11 =	simm.s32 $0xBE00  }
0x316: {  	[tilespmem:s11], [sflag:$0x1] =	stream.indirect_vreg.gather [hbm4b:s12+s5], $0x80, v8, vm0, $0xb8;
	[tilespmem:$0x1E500] =	vst v63  }
0x317: {  	s14 =	simm.s32 $0xC600  }
0x318: {  	[tilespmem:s14], [sflag:$0x1] =	stream.indirect_vreg.gather [hbm4b:s13+s5], $0x80, v8, vm1, $0xb8;
	[tilespmem:$0x1E500] =	vst v63  }
0x319: {  	s15 =	rddreg [dreg:$0x1];
	s16 =	simm.s32 $0x19200  }
0x31a: {  	[tilespmem:s16], [sflag:$0x1] =	stream.indirect.gather [hbm4b:s15+s19], $0x80, s20, s19, $0xb8;
	[tilespmem:$0x1E500] =	vst v63  }
0x31b: {  	_ =	swait.ge [sflag:s30], $0xC800  }
0x31c: {  	[sflag:s30] =	ssyncset.done $0x0  }
0x31d: {  	[sflag:s30] =	ssyncadd.s32 $0xFFFF3800  }
0x31e: {  	_ =	swait.ge [sflag:s30], $0x2800  }
0x31f: {  	p0 =	seq.s32 s2, $0x3D;
	s1 =	rddreg [dreg:$0xa]  }
0x320: {  	s1 =	sadd.s32 @!p0 s0, s1  }
0x321: {  	s9 =	simm.s32 @!p0 $0x0;
	[sflag:s30] =	ssyncset.done $0x0;
	s1 =	sshrl.u32 @!p0 s1, $0x3  }
0x322: {  	s10 =	simm.s32 @!p0 $0x100;
	[sflag:s30] =	ssyncadd.s32 $0xFFFFD800;
	s6 =	sadd.s32 @!p0 s8, s1  }
0x323: {  	[tilespmem:s10], [sflag:$0x4] =	stream.linear.gather @!p0 [hbm4b:s6+s9], $0x50, $0x38;
	[tilespmem:$0x1E500] =	vst v63  }
0x324: {  	s1 =	sadd.s32 @!p0 s17, s1;
	s6 =	simm.s32 @!p0 $0x180  }
0x325: {  	[tilespmem:s6], [sflag:$0x4] =	stream.linear.gather @!p0 [hbm4b:s1+s9], $0x50, $0x38;
	[tilespmem:$0x1E500] =	vst v63  }
0x326: {  	s18 =	simm.s32 $0x0;
	_ =	swait.ge [sflag:s31], $0x50  }
0x327: {  	s1 =	smul.u32 $0x5000, s18;
	[sflag:s31] =	ssyncset.done $0x0  }
0x328: {  	s21 =	simm.s32 $0x1BA40;
	s9 =	simm.s32 $0x0;
	[sflag:s31] =	ssyncadd.s32 $0xFFFFFFB0  }
0x329: {  	s24 =	sand.u32 $0x380, s9;
	s1 =	sshra.s32 s1, $0x2;
	v38 =	vld [tilespmem:s21+$0xFFFFFFC0]  }
0x32a: {  	s22 =	sor.u32 s24, s1;
	v39 =	vld [tilespmem:s21+$0xFFFFFFD0]  }
0x32b: {  	v8 =	vld [tilespmem:s22+$0xCA00]  }
0x32c: {  	v9 =	vld [tilespmem:s22+$0xCA10]  }
0x32d: {  	v37 =	vld [tilespmem:s21+$0xFFFFFFE0]  }
0x32e: {  	v10 =	vld [tilespmem:s22+$0xCA20]  }
0x32f: {  	v31 =	vld [tilespmem:s21+$0xFFFFFFF0]  }
0x330: {  	v11 =	vld [tilespmem:s22+$0xCA30]  }
0x331: {  	v32 =	vld [tilespmem:s21+$0x0];
	v8 =	vmul.f32 v8, v38;
	v9 =	vmul.f32 v9, v39  }
0x332: {  	v12 =	vld [tilespmem:s22+$0xCA40]  }
0x333: {  	v30 =	vld [tilespmem:s21+$0x10];
	v8 =	vadd.f32 v9, v8;
	v9 =	vmul.f32 v10, v37  }
0x334: {  	v10 =	vld [tilespmem:s22+$0xCA50]  }
0x335: {  	v29 =	vld [tilespmem:s21+$0x20];
	v8 =	vadd.f32 v9, v8;
	v9 =	vmul.f32 v11, v31  }
0x336: {  	v11 =	vld [tilespmem:s22+$0xCA60]  }
0x337: {  	v28 =	vld [tilespmem:s21+$0x30];
	v8 =	vadd.f32 v9, v8;
	v9 =	vmul.f32 v12, v32  }
0x338: {  	v12 =	vld [tilespmem:s22+$0xCA70]  }
0x339: {  	v10 =	vmul.f32 v10, v30;
	v8 =	vadd.f32 v9, v8;
	_ =	sdelay $0x1  }
0x33a: {  	v9 =	vmul.f32 v11, v29;
	v8 =	vadd.f32 v10, v8;
	_ =	sdelay $0x1  }
0x33b: {  	v10 =	vmul.f32 v12, v28;
	v8 =	vadd.f32 v9, v8;
	_ =	sdelay $0x1  }
0x33c: {  	v8 =	vadd.f32 v10, v8;
	_ =	sdelay $0x1  }
0x33d: {  	(xrf2) =	vadd.scan.msk.f32 $0xffff, v8;
	_ =	sdelay $0x5  }
0x33e: {  	v8 =	vadd.s32 s9, v3;
	_ =	sdelay $0x3  }
0x33f: {  	v9, _, _ =	vpop (xrf2)  }
0x340: {  	[tilespmem:v8+s29+$0x0] =	vst.idx.msk vm2, v9  }
0x341: {  	v8 =	vld [tilespmem:s22+$0xCE00]  }
0x342: {  	v9 =	vld [tilespmem:s22+$0xCE10];
	_ =	sdelay $0x1  }
0x343: {  	v10 =	vld [tilespmem:s22+$0xCE20];
	_ =	sdelay $0x1  }
0x344: {  	s11 =	simm.s32 $0x1BAC0;
	s14 =	simm.s32 $0x0;
	v11 =	vld [tilespmem:s22+$0xCE30]  }
0x345: {  	s6 =	smul.u32 $0x5000, s14;
	v13 =	vld [tilespmem:s11+$0xFFFFFFC0];
	v8 =	vmul.f32 v8, v38;
	v9 =	vmul.f32 v9, v39  }
0x346: {  	s15 =	simm.s32 $0x80;
	v12 =	vld [tilespmem:s22+$0xCE40]  }
0x347: {  	s10 =	sand.u32 $0x380, s15;
	s6 =	sshra.s32 s6, $0x2;
	v17 =	vld [tilespmem:s11+$0xFFFFFFD0];
	v8 =	vadd.f32 v9, v8;
	v9 =	vmul.f32 v10, v37  }
0x348: {  	s15 =	sor.u32 s10, s6;
	v10 =	vld [tilespmem:s22+$0xCE50]  }
0x349: {  	v14 =	vld [tilespmem:s15+$0xCA00];
	v8 =	vadd.f32 v9, v8;
	v9 =	vmul.f32 v11, v31  }
0x34a: {  	v11 =	vld [tilespmem:s22+$0xCE60]  }
0x34b: {  	v18 =	vld [tilespmem:s11+$0xFFFFFFE0];
	v12 =	vmul.f32 v12, v32;
	v8 =	vadd.f32 v9, v8  }
0x34c: {  	v9 =	vld [tilespmem:s22+$0xCE70]  }
0x34d: {  	v19 =	vld [tilespmem:s11+$0xFFFFFFF0];
	v10 =	vmul.f32 v10, v30;
	v8 =	vadd.f32 v12, v8  }
0x34e: {  	v12 =	vld [tilespmem:s15+$0xCA10]  }
0x34f: {  	v20 =	vld [tilespmem:s11+$0x0];
	v11 =	vmul.f32 v11, v29;
	v8 =	vadd.f32 v10, v8  }
0x350: {  	v10 =	vld [tilespmem:s15+$0xCA20]  }
0x351: {  	v16 =	vld [tilespmem:s15+$0xCA60];
	v9 =	vmul.f32 v9, v28;
	v8 =	vadd.f32 v11, v8  }
0x352: {  	v11 =	vld [tilespmem:s15+$0xCA30]  }
0x353: {  	v15 =	vmul.f32 v14, v13;
	v14 =	vld [tilespmem:s11+$0x10];
	v12 =	vmul.f32 v12, v17;
	v8 =	vadd.f32 v9, v8  }
0x354: {  	v9 =	vld [tilespmem:s15+$0xCA40]  }
0x355: {  	v15 =	vadd.f32 v12, v15;
	v10 =	vmul.f32 v10, v18;
	v12 =	vld [tilespmem:s11+$0x20];
	(xrf2) =	vadd.scan.msk.f32 $0xffff, v8  }
0x356: {  	v8 =	vld [tilespmem:s15+$0xCA50]  }
0x357: {  	v10 =	vadd.f32 v10, v15;
	v15 =	vmul.f32 v11, v19;
	_ =	sdelay $0x1  }
0x358: {  	v11 =	vld [tilespmem:s11+$0x30];
	v10 =	vadd.f32 v15, v10;
	v9 =	vmul.f32 v9, v20  }
0x359: {  	v21 =	vadd.s32 s9, v4;
	v15 =	vld [tilespmem:s15+$0xCA70]  }
0x35a: {  	v8 =	vmul.f32 v8, v14;
	v9 =	vadd.f32 v9, v10;
	v10 =	vmul.f32 v16, v12;
	_ =	sdelay $0x1  }
0x35b: {  	v8 =	vadd.f32 v8, v9;
	_ =	sdelay $0x1  }
0x35c: {  	v9 =	vmul.f32 v15, v11;
	v8 =	vadd.f32 v10, v8;
	v10, _, _ =	vpop (xrf2)  }
0x35d: {  	[tilespmem:v21+s29+$0x0] =	vst.idx.msk vm2, v10  }
0x35e: {  	v8 =	vadd.f32 v9, v8;
	v9 =	vld [tilespmem:s22+$0xD200]  }
0x35f: {  	v10 =	vld [tilespmem:s22+$0xD210]  }
0x360: {  	(xrf2) =	vadd.scan.msk.f32 $0xffff, v8  }
0x361: {  	v8 =	vld [tilespmem:s22+$0xD220];
	_ =	sdelay $0x1  }
0x362: {  	v15 =	vld [tilespmem:s22+$0xD230]  }
0x363: {  	v9 =	vmul.f32 v9, v38;
	v10 =	vmul.f32 v10, v39  }
0x364: {  	s18 =	simm.s32 $0x0;
	s11 =	simm.s32 $0x1;
	v16 =	vld [tilespmem:s22+$0xD240]  }
0x365: {  	s6 =	smul.u32 $0x5000, s18;
	v21 =	vadd.s32 s11, v3;
	v8 =	vmul.f32 v8, v37;
	v9 =	vadd.f32 v10, v9  }
0x366: {  	s21 =	simm.s32 $0x100;
	v10 =	vld [tilespmem:s22+$0xD250]  }
0x367: {  	s10 =	sand.u32 $0x380, s21;
	s6 =	sshra.s32 s6, $0x2;
	v15 =	vmul.f32 v15, v31;
	v9 =	vadd.f32 v8, v9  }
0x368: {  	s14 =	sor.u32 s10, s6;
	v22 =	vld [tilespmem:s22+$0xD260]  }
0x369: {  	v48 =	vld [tilespmem:s14+$0xCA00];
	v23, _, _ =	vpop (xrf2);
	v9 =	vadd.f32 v15, v9;
	v15 =	vmul.f32 v16, v32  }
0x36a: {  	v16 =	vld [tilespmem:s22+$0xD270];
	[tilespmem:v21+s29+$0x0] =	vst.idx.msk vm2, v23  }
0x36b: {  	v10 =	vmul.f32 v10, v30;
	v21 =	vld [tilespmem:s15+$0xCE00];
	v15 =	vadd.f32 v15, v9  }
0x36c: {  	v23 =	vld [tilespmem:s15+$0xCE10]  }
0x36d: {  	v51 =	vld [tilespmem:s14+$0xCA20];
	v22 =	vmul.f32 v22, v29;
	v15 =	vadd.f32 v10, v15  }
0x36e: {  	v24 =	vld [tilespmem:s15+$0xCE20]  }
0x36f: {  	v52 =	vld [tilespmem:s14+$0xCA40];
	v15 =	vadd.f32 v22, v15;
	v22 =	vmul.f32 v16, v28  }
0x370: {  	v25 =	vld [tilespmem:s15+$0xCE30]  }
0x371: {  	v53 =	vld [tilespmem:s14+$0xCA30];
	v21 =	vmul.f32 v21, v13;
	v23 =	vmul.f32 v23, v17;
	v22 =	vadd.f32 v22, v15  }
0x372: {  	v26 =	vld [tilespmem:s15+$0xCE40]  }
0x373: {  	v27 =	vld [tilespmem:s15+$0xCE60];
	v21 =	vadd.f32 v23, v21;
	v23 =	vmul.f32 v24, v18;
	(xrf2) =	vadd.scan.msk.f32 $0xffff, v22  }
0x374: {  	v24 =	vld [tilespmem:s15+$0xCE50]  }
0x375: {  	v55 =	vld [tilespmem:s14+$0xCA50];
	v25 =	vmul.f32 v25, v19;
	v21 =	vadd.f32 v23, v21  }
0x376: {  	s16 =	simm.s32 $0x1BB40;
	v57 =	vld [tilespmem:s14+$0xCA70]  }
0x377: {  	v26 =	vmul.f32 v26, v20;
	v22 =	vld [tilespmem:s16+$0xFFFFFFC0];
	v21 =	vadd.f32 v25, v21  }
0x378: {  	v50 =	vadd.s32 s9, v5;
	v25 =	vld [tilespmem:s15+$0xCE70]  }
0x379: {  	v27 =	vmul.f32 v27, v12;
	v23 =	vld [tilespmem:s16+$0xFFFFFFD0];
	v49 =	vmul.f32 v24, v14;
	v21 =	vadd.f32 v26, v21  }
0x37a: {  	v26 =	vld [tilespmem:s14+$0xCA10]  }
0x37b: {  	v9 =	vld [tilespmem:s16+$0x20];
	v21 =	vadd.f32 v49, v21  }
0x37c: {  	v24 =	vld [tilespmem:s16+$0xFFFFFFE0]  }
0x37d: {  	v16 =	vld [tilespmem:s16+$0x0];
	v25 =	vmul.f32 v25, v11;
	v21 =	vadd.f32 v27, v21;
	v27, _, _ =	vpop (xrf2)  }
0x37e: {  	v15 =	vld [tilespmem:s16+$0xFFFFFFF0];
	[tilespmem:v50+s29+$0x0] =	vst.idx.msk vm2, v27  }
0x37f: {  	v26 =	vmul.f32 v26, v23;
	v27 =	vmul.f32 v48, v22;
	v21 =	vadd.f32 v25, v21;
	v25 =	vld [tilespmem:s22+$0xD600]  }
0x380: {  	v54 =	vld [tilespmem:s22+$0xD610]  }
0x381: {  	v10 =	vld [tilespmem:s16+$0x10];
	v26 =	vadd.f32 v26, v27;
	v27 =	vmul.f32 v51, v24  }
0x382: {  	v35 =	vld [tilespmem:s22+$0xD620]  }
0x383: {  	v56 =	vld [tilespmem:s22+$0xD630];
	(xrf2) =	vadd.scan.msk.f32 $0xffff, v21;
	v21 =	vadd.f32 v27, v26;
	v26 =	vmul.f32 v53, v15  }
0x384: {  	v36 =	vmul.f32 v52, v16;
	v27 =	vld [tilespmem:s14+$0xCA60]  }
0x385: {  	v8 =	vld [tilespmem:s16+$0x30];
	v26 =	vadd.f32 v26, v21;
	v25 =	vmul.f32 v25, v38;
	v33 =	vmul.f32 v54, v39  }
0x386: {  	v34 =	vmul.f32 v55, v10;
	v59 =	vld [tilespmem:s22+$0xD640]  }
0x387: {  	v35 =	vmul.f32 v35, v37;
	v26 =	vadd.f32 v36, v26;
	v33 =	vadd.f32 v33, v25  }
0x388: {  	s24 =	simm.s32 $0x0;
	v61 =	vld [tilespmem:s22+$0xD650];
	v62 =	vmul.f32 v56, v31  }
0x389: {  	s6 =	smul.u32 $0x5000, s24;
	v60 =	vmul.f32 v27, v9;
	v26 =	vadd.f32 v34, v26;
	v33 =	vadd.f32 v35, v33  }
0x38a: {  	s10 =	simm.s32 $0x180;
	v58 =	vadd.s32 s11, v4;
	v63 =	vmul.f32 v57, v8;
	v45 =	vld [tilespmem:s22+$0xD660]  }
0x38b: {  	s6 =	sshra.s32 s6, $0x2;
	s16 =	sand.u32 $0x380, s10;
	v47 =	vmul.f32 v59, v32;
	v26 =	vadd.f32 v60, v26;
	v33 =	vadd.f32 v62, v33  }
0x38c: {  	s21 =	sor.u32 s16, s6;
	v48 =	vld [tilespmem:s22+$0xD670]  }
0x38d: {  	s1 =	simm.s32 $0x1BBC0;
	v40 =	vld [tilespmem:s21+$0xCA40];
	v50 =	vmul.f32 v61, v30;
	v26 =	vadd.f32 v63, v26;
	v34 =	vadd.f32 v47, v33  }
0x38e: {  	v21 =	vld [tilespmem:s1+$0x30];
	v46, _, _ =	vpop (xrf2)  }
0x38f: {  	v51 =	vmul.f32 v45, v29;
	v25 =	vld [tilespmem:s1+$0x20];
	[tilespmem:v58+s29+$0x0] =	vst.idx.msk vm2, v46;
	(xrf2) =	vadd.scan.msk.f32 $0xffff, v26;
	v26 =	vadd.f32 v50, v34  }
0x390: {  	v49 =	vld [tilespmem:s15+$0xD200]  }
0x391: {  	v36 =	vmul.f32 v48, v28;
	v42 =	vld [tilespmem:s15+$0xD210];
	v26 =	vadd.f32 v51, v26  }
0x392: {  	v27 =	vld [tilespmem:s1+$0x10]  }
0x393: {  	v52 =	vld [tilespmem:s15+$0xD220];
	v36 =	vadd.f32 v36, v26  }
0x394: {  	v35 =	vld [tilespmem:s1+$0xFFFFFFE0]  }
0x395: {  	v53 =	vld [tilespmem:s15+$0xD230];
	(xrf2) =	vadd.scan.msk.f32 $0xffff, v36  }
0x396: {  	s18 =	simm.s32 $0x2;
	v33 =	vld [tilespmem:s1+$0x0];
	v41 =	vmul.f32 v49, v13;
	v42 =	vmul.f32 v42, v17  }
0x397: {  	v55 =	vadd.s32 s18, v3;
	v54 =	vld [tilespmem:s15+$0xD240]  }
0x398: {  	v56 =	vld [tilespmem:s15+$0xD250];
	v58 =	vmul.f32 v52, v18;
	v41 =	vadd.f32 v42, v41  }
0x399: {  	v48 =	vld [tilespmem:s15+$0xD260]  }
0x39a: {  	v43 =	vld [tilespmem:s15+$0xD270];
	v44 =	vmul.f32 v53, v19;
	v42 =	vadd.f32 v58, v41  }
0x39b: {  	v59 =	vadd.s32 s9, v6;
	v34 =	vld [tilespmem:s1+$0xFFFFFFF0];
	v57, _, _ =	vpop (xrf2)  }
0x39c: {  	v61 =	vmul.f32 v54, v20;
	v26 =	vld [tilespmem:s1+$0xFFFFFFC0];
	v42 =	vadd.f32 v44, v42;
	[tilespmem:v55+s29+$0x0] =	vst.idx.msk vm2, v57  }
0x39d: {  	v62 =	vld [tilespmem:s14+$0xCE20]  }
0x39e: {  	v42 =	vadd.f32 v61, v42;
	v55 =	vmul.f32 v56, v14;
	v46 =	vld [tilespmem:s14+$0xCE00]  }
0x39f: {  	v60 =	vld [tilespmem:s14+$0xCE10];
	v52, _, _ =	vpop (xrf2)  }
0x3a0: {  	v36 =	vld [tilespmem:s1+$0xFFFFFFD0];
	v42 =	vadd.f32 v55, v42;
	[tilespmem:v59+s29+$0x0] =	vst.idx.msk vm2, v52;
	v59 =	vmul.f32 v48, v12  }
0x3a1: {  	v41 =	vld [tilespmem:s21+$0xCA00]  }
0x3a2: {  	v63 =	vld [tilespmem:s14+$0xCE40];
	v45 =	vmul.f32 v62, v24;
	v62 =	vmul.f32 v43, v11;
	v42 =	vadd.f32 v59, v42  }
0x3a3: {  	v56 =	vld [tilespmem:s14+$0xCE30]  }
0x3a4: {  	v46 =	vmul.f32 v46, v22;
	v57 =	vmul.f32 v60, v23;
	v58 =	vld [tilespmem:s22+$0xDA00];
	v53 =	vadd.f32 v62, v42  }
0x3a5: {  	v60 =	vld [tilespmem:s22+$0xDA10]  }
0x3a6: {  	v61 =	vld [tilespmem:s14+$0xCE50];
	v46 =	vadd.f32 v57, v46;
	(xrf2) =	vadd.scan.msk.f32 $0xffff, v53  }
0x3a7: {  	v52 =	vld [tilespmem:s22+$0xDA20]  }
0x3a8: {  	v47 =	vmul.f32 v56, v15;
	v43 =	vld [tilespmem:s14+$0xCE60];
	v46 =	vadd.f32 v45, v46  }
0x3a9: {  	v51 =	vmul.f32 v63, v16;
	v45 =	vld [tilespmem:s22+$0xDA30]  }
0x3aa: {  	v42 =	vld [tilespmem:s14+$0xCE70];
	v54 =	vadd.f32 v47, v46;
	v38 =	vmul.f32 v58, v38;
	v63 =	vmul.f32 v60, v39  }
0x3ab: {  	v44 =	vld [tilespmem:s22+$0xDA40];
	v46 =	vmul.f32 v61, v10;
	v39 =	vadd.s32 s11, v5  }
0x3ac: {  	s24 =	simm.s32 $0x3;
	s6 =	simm.s32 $0x4;
	v47 =	vld [tilespmem:s21+$0xCA10];
	v50 =	vmul.f32 v52, v37;
	v48 =	vadd.f32 v51, v54;
	v49 =	vadd.f32 v63, v38  }
.LBB2_5:
0x3ad: {  	p0 =	sne.s32 s6, $0x4F;
	v52 =	vmul.f32 v43, v9;
	v51 =	vld [tilespmem:s22+$0xDA50];
	v37 =	vmovc v24;
	v24 =	vmovc v35;
	v38 =	vmov v23;
	v23 =	vmov v36  }
0x3ae: {  	v35 =	vld [tilespmem:s21+$0xCA20];
	v36 =	vadd.f32 v46, v48;
	v46 =	vadd.f32 v50, v49;
	v45 =	vmul.f32 v45, v31;
	v31 =	vmovc v19  }
0x3af: {  	v19 =	vmov v15;
	v15 =	vmov v34;
	v42 =	vmul.f32 v42, v8;
	v48 =	vld [tilespmem:s22+$0xDA60]  }
0x3b0: {  	v34 =	vld [tilespmem:s21+$0xCA30];
	v36 =	vadd.f32 v52, v36;
	v43, _, _ =	vpop (xrf2);
	v45 =	vadd.f32 v45, v46;
	v44 =	vmul.f32 v44, v32  }
0x3b1: {  	v41 =	vmul.f32 v41, v26;
	v32 =	vmov v20;
	v46 =	vmul.f32 v47, v23;
	[tilespmem:v39+s29+$0x0] =	vst.idx.msk vm2, v43;
	v39 =	vld [tilespmem:s22+$0xDA70];
	s22 =	smov.u32 s15;
	s15 =	smov.u32 s14;
	s14 =	smov.u32 s21  }
0x3b2: {  	v36 =	vadd.f32 v42, v36;
	v42 =	vld [tilespmem:s22+$0xD600];
	v43 =	vadd.f32 v44, v45;
	v44 =	vmul.f32 v51, v30;
	v30 =	vmovc v14  }
0x3b3: {  	v20 =	vmovc v16;
	v14 =	vmovc v10;
	v10 =	vmov v27;
	v41 =	vadd.f32 v46, v41;
	v35 =	vmul.f32 v35, v24;
	v45 =	vld [tilespmem:s22+$0xD610]  }
0x3b4: {  	v27 =	vld [tilespmem:s14+$0xCA50];
	(xrf2) =	vadd.scan.msk.f32 $0xffff, v36;
	v36 =	vadd.f32 v44, v43;
	v43 =	vmul.f32 v48, v29;
	v29 =	vmovc v12;
	v12 =	vmov v9  }
0x3b5: {  	v16 =	vmovc v33;
	v9 =	vmov v25;
	v35 =	vadd.f32 v35, v41;
	v34 =	vmul.f32 v34, v15;
	v41 =	vld [tilespmem:s22+$0xD620]  }
0x3b6: {  	v25 =	vld [tilespmem:s14+$0xCA60];
	v33 =	vadd.f32 v43, v36;
	v36 =	vmul.f32 v39, v28;
	v28 =	vmovc v11;
	v11 =	vmovc v8;
	v8 =	vmov v21  }
0x3b7: {  	v34 =	vadd.f32 v34, v35;
	v35 =	vmul.f32 v40, v16;
	v39 =	vld [tilespmem:s22+$0xD630]  }
0x3b8: {  	v42 =	vmul.f32 v42, v13;
	v40 =	vld [tilespmem:s14+$0xCA70];
	v43 =	vmul.f32 v45, v17;
	v33 =	vadd.f32 v36, v33  }
0x3b9: {  	s1 =	sadd.s32 $0x80, s1;
	v36 =	vadd.s32 s18, v4;
	v27 =	vmul.f32 v27, v10;
	v44 =	vld [tilespmem:s22+$0xD640]  }
0x3ba: {  	v34 =	vadd.f32 v35, v34;
	v21 =	vld [tilespmem:s1+$0x30];
	v35 =	vadd.f32 v43, v42;
	v41 =	vmul.f32 v41, v18;
	(xrf2) =	vadd.scan.msk.f32 $0xffff, v33  }
0x3bb: {  	v33 =	vmul.f32 v25, v9;
	v42 =	vld [tilespmem:s22+$0xD650]  }
0x3bc: {  	v43 =	vadd.f32 v27, v34;
	v25 =	vld [tilespmem:s1+$0x20];
	v35 =	vadd.f32 v41, v35;
	v39 =	vmul.f32 v39, v31  }
0x3bd: {  	v40 =	vmul.f32 v40, v8;
	v41 =	vld [tilespmem:s22+$0xD660]  }
0x3be: {  	v33 =	vadd.f32 v33, v43;
	v27 =	vld [tilespmem:s1+$0x10];
	v34, _, _ =	vpop (xrf2);
	v35 =	vadd.f32 v39, v35;
	v39 =	vmul.f32 v44, v32  }
0x3bf: {  	v43 =	vadd.s32 s9, v7;
	s9 =	smov.u32 s11;
	s11 =	smov.u32 s18;
	s18 =	smov.u32 s24;
	[tilespmem:v36+s29+$0x0] =	vst.idx.msk vm2, v34;
	v36 =	vld [tilespmem:s22+$0xD670]  }
0x3c0: {  	s24 =	smov.u32 s6;
	v34 =	vadd.f32 v40, v33;
	v40 =	vld [tilespmem:s15+$0xD200];
	v35 =	vadd.f32 v39, v35;
	v39 =	vmul.f32 v42, v30  }
0x3c1: {  	v42 =	vld [tilespmem:s15+$0xD210]  }
0x3c2: {  	v33 =	vld [tilespmem:s1+$0x0];
	(xrf2) =	vadd.scan.msk.f32 $0xffff, v34;
	v44 =	vadd.f32 v39, v35;
	v39 =	vmul.f32 v41, v29  }
0x3c3: {  	v41 =	vld [tilespmem:s15+$0xD220]  }
0x3c4: {  	v34 =	vld [tilespmem:s1+$0xFFFFFFF0];
	v39 =	vadd.f32 v39, v44;
	v36 =	vmul.f32 v36, v28;
	v35, _, _ =	vpop (xrf2)  }
0x3c5: {  	v44 =	vld [tilespmem:s15+$0xD230];
	[tilespmem:v43+s29+$0x0] =	vst.idx.msk vm2, v35  }
0x3c6: {  	v40 =	vmul.f32 v40, v22;
	v35 =	vld [tilespmem:s1+$0xFFFFFFE0];
	v42 =	vmul.f32 v42, v38;
	v36 =	vadd.f32 v36, v39  }
0x3c7: {  	s16 =	sshrl.u32 s6, $0x3;
	v39 =	vld [tilespmem:s15+$0xD240]  }
0x3c8: {  	s16 =	smul.u32 $0x5000, s16;
	v43 =	vadd.s32 s18, v3;
	v47 =	vld [tilespmem:s1+$0xFFFFFFC0];
	v40 =	vadd.f32 v42, v40;
	v41 =	vmul.f32 v41, v37;
	(xrf2) =	vadd.scan.msk.f32 $0xffff, v36  }
0x3c9: {  	s10 =	sadd.s32 $0x80, s10;
	v42 =	vld [tilespmem:s15+$0xD250]  }
0x3ca: {  	s16 =	sshra.s32 s16, $0x2;
	s21 =	sand.u32 $0x380, s10;
	v36 =	vld [tilespmem:s1+$0xFFFFFFD0];
	v41 =	vadd.f32 v41, v40;
	v44 =	vmul.f32 v44, v19  }
0x3cb: {  	s21 =	sor.u32 s21, s16;
	v45 =	vld [tilespmem:s15+$0xD260]  }
0x3cc: {  	v40 =	vld [tilespmem:s21+$0xCA40];
	v46, _, _ =	vpop (xrf2);
	v41 =	vadd.f32 v44, v41;
	v39 =	vmul.f32 v39, v20  }
0x3cd: {  	[tilespmem:v43+s29+$0x0] =	vst.idx.msk vm2, v46;
	v43 =	vld [tilespmem:s15+$0xD270]  }
0x3ce: {  	v46 =	vadd.s32 s9, v6;
	v44 =	vld [tilespmem:s14+$0xCE00];
	v39 =	vadd.f32 v39, v41;
	v42 =	vmul.f32 v42, v14  }
0x3cf: {  	v48 =	vld [tilespmem:s14+$0xCE10]  }
0x3d0: {  	v41 =	vld [tilespmem:s21+$0xCA00];
	v39 =	vadd.f32 v42, v39;
	v42 =	vmul.f32 v45, v12  }
0x3d1: {  	v45 =	vld [tilespmem:s14+$0xCE20]  }
0x3d2: {  	v49 =	vld [tilespmem:s14+$0xCE40];
	v39 =	vadd.f32 v42, v39;
	v42 =	vmul.f32 v43, v11;
	v43, _, _ =	vpop (xrf2)  }
0x3d3: {  	v50 =	vld [tilespmem:s14+$0xCE30];
	[tilespmem:v46+s29+$0x0] =	vst.idx.msk vm2, v43  }
0x3d4: {  	v43 =	vmul.f32 v44, v26;
	v44 =	vmul.f32 v48, v23;
	v39 =	vadd.f32 v42, v39;
	v46 =	vld [tilespmem:s22+$0xDA00]  }
0x3d5: {  	v48 =	vld [tilespmem:s22+$0xDA10]  }
0x3d6: {  	v42 =	vadd.f32 v44, v43;
	v43 =	vmul.f32 v45, v24;
	v44 =	vld [tilespmem:s14+$0xCE50];
	(xrf2) =	vadd.scan.msk.f32 $0xffff, v39  }
0x3d7: {  	v51 =	vld [tilespmem:s22+$0xDA20]  }
.Ltmp1:
0x3d8: {  	v39 =	vadd.f32 v43, v42;
	v42 =	vmul.f32 v50, v15;
	v43 =	vld [tilespmem:s14+$0xCE60];
	(pc) =	sbr.rel @p0 .LBB2_5-.Ltmp1, $4  }
0x3d9: {  	v49 =	vmul.f32 v49, v16;
	v45 =	vld [tilespmem:s22+$0xDA30]  }
0x3da: {  	v52 =	vmul.f32 v46, v13;
	v13 =	vmovc v22;
	v50 =	vadd.f32 v42, v39;
	v42 =	vld [tilespmem:s14+$0xCE70];
	v53 =	vmul.f32 v48, v17  }
0x3db: {  	v22 =	vmovc v26;
	v26 =	vmovc v47;
	v39 =	vadd.s32 s11, v5;
	v17 =	vmov v38;
	v46 =	vmul.f32 v44, v10;
	v44 =	vld [tilespmem:s22+$0xDA40]  }
0x3dc: {  	s6 =	sadd.s32 $0x1, s6;
	v47 =	vld [tilespmem:s21+$0xCA10];
	v48 =	vadd.f32 v49, v50;
	v49 =	vadd.f32 v53, v52;
	v50 =	vmul.f32 v51, v18;
	v18 =	vmovc v37  }
0x3dd: {  	_ = 	snop  }
0x3de: {  	v37 =	vld [tilespmem:s21+$0xCA20];
	_ =	sdelay $0x1  }
0x3df: {  	v38 =	vld [tilespmem:s21+$0xCA30]  }
0x3e0: {  	v41 =	vmul.f32 v41, v26;
	v47 =	vmul.f32 v47, v36;
	_ =	sdelay $0x1  }
0x3e1: {  	v59 =	vld [tilespmem:s22+$0xDA50];
	v37 =	vmul.f32 v37, v35;
	v41 =	vadd.f32 v47, v41  }
0x3e2: {  	v60 =	vld [tilespmem:s21+$0xCA50];
	v49 =	vadd.f32 v50, v49;
	v31 =	vmul.f32 v45, v31  }
0x3e3: {  	v61 =	vld [tilespmem:s22+$0xDA60];
	v38 =	vmul.f32 v38, v34;
	v37 =	vadd.f32 v37, v41  }
0x3e4: {  	v62 =	vld [tilespmem:s21+$0xCA60];
	v31 =	vadd.f32 v31, v49;
	v32 =	vmul.f32 v44, v32  }
0x3e5: {  	v43 =	vmul.f32 v43, v9;
	v63 =	vld [tilespmem:s22+$0xDA70];
	v49 =	vmul.f32 v40, v33;
	v37 =	vadd.f32 v38, v37  }
0x3e6: {  	v52 =	vld [tilespmem:s21+$0xCA70];
	v51 =	vadd.f32 v46, v48;
	v31 =	vadd.f32 v32, v31;
	v30 =	vmul.f32 v59, v30  }
0x3e7: {  	v42 =	vmul.f32 v42, v8;
	v45 =	vmul.f32 v60, v27;
	v37 =	vadd.f32 v49, v37  }
0x3e8: {  	v53 =	vadd.f32 v43, v51;
	v29 =	vmul.f32 v61, v29;
	v30 =	vadd.f32 v30, v31  }
0x3e9: {  	v54 =	vmul.f32 v62, v25;
	v37 =	vadd.f32 v45, v37  }
0x3ea: {  	v28 =	vmul.f32 v63, v28;
	v29 =	vadd.f32 v29, v30;
	v38 =	vadd.f32 v42, v53  }
0x3eb: {  	v55 =	vmul.f32 v52, v21;
	v31 =	vadd.f32 v54, v37  }
0x3ec: {  	v28 =	vadd.f32 v28, v29;
	(xrf2) =	vadd.scan.msk.f32 $0xffff, v38  }
0x3ed: {  	v56, _, _ =	vpop (xrf2);
	v30 =	vadd.f32 v55, v31  }
0x3ee: {  	[tilespmem:v39+s29+$0x0] =	vst.idx.msk vm2, v56;
	(xrf2) =	vadd.scan.msk.f32 $0xffff, v28  }
0x3ef: {  	v57 =	vld [tilespmem:s15+$0xD600];
	(xrf2) =	vadd.scan.msk.f32 $0xffff, v30;
	_ =	sdelay $0x1  }
0x3f0: {  	v29 =	vld [tilespmem:s15+$0xD610]  }
0x3f1: {  	v58 =	vld [tilespmem:s15+$0xD620];
	v59 =	vadd.s32 s18, v4  }
0x3f2: {  	v60 =	vld [tilespmem:s15+$0xD630]  }
0x3f3: {  	v61 =	vld [tilespmem:s15+$0xD640];
	v28 =	vmul.f32 v57, v13  }
0x3f4: {  	v62 =	vld [tilespmem:s15+$0xD650];
	v63 =	vadd.s32 s24, v3  }
0x3f5: {  	v47 =	vld [tilespmem:s15+$0xD670];
	v29 =	vmul.f32 v29, v17;
	v46, _, _ =	vpop (xrf2)  }
0x3f6: {  	v45 =	vld [tilespmem:s15+$0xD660];
	[tilespmem:v59+s29+$0x0] =	vst.idx.msk vm2, v46  }
0x3f7: {  	v29 =	vadd.f32 v29, v28;
	v30 =	vmul.f32 v58, v18;
	v28, _, _ =	vpop (xrf2);
	v41 =	vld [tilespmem:s14+$0xD200]  }
0x3f8: {  	v49 =	vld [tilespmem:s14+$0xD210];
	v50, _, _ =	vpop (xrf2)  }
0x3f9: {  	v48 =	vmul.f32 v60, v19;
	v29 =	vadd.f32 v30, v29;
	v51 =	vld [tilespmem:s14+$0xD220];
	[tilespmem:v63+s29+$0x0] =	vst.idx.msk vm2, v50  }
0x3fa: {  	v53 =	vld [tilespmem:s21+$0xCE00]  }
0x3fb: {  	v52 =	vmul.f32 v61, v20;
	v29 =	vadd.f32 v48, v29;
	v39 =	vld [tilespmem:s21+$0xCE10]  }
0x3fc: {  	v54 =	vmul.f32 v62, v14;
	v55 =	vld [tilespmem:s14+$0xD230]  }
0x3fd: {  	v29 =	vadd.f32 v52, v29;
	v41 =	vmul.f32 v41, v22;
	v32 =	vmul.f32 v49, v23;
	v42 =	vld [tilespmem:s21+$0xCE20]  }
0x3fe: {  	v31 =	vmul.f32 v47, v11;
	v56 =	vmul.f32 v45, v12;
	v57 =	vld [tilespmem:s14+$0xD240]  }
0x3ff: {  	v29 =	vadd.f32 v54, v29;
	v58 =	vmul.f32 v51, v24;
	v32 =	vadd.f32 v32, v41;
	v59 =	vld [tilespmem:s21+$0xCE30]  }
0x400: {  	v60 =	vld [tilespmem:s14+$0xD250];
	v37 =	vmul.f32 v53, v26;
	v39 =	vmul.f32 v39, v36  }
0x401: {  	v38 =	vmul.f32 v55, v15;
	v29 =	vadd.f32 v56, v29;
	v61 =	vld [tilespmem:s21+$0xCE40];
	v32 =	vadd.f32 v58, v32  }
0x402: {  	v62 =	vld [tilespmem:s14+$0xD260];
	v63 =	vmul.f32 v42, v35;
	v37 =	vadd.f32 v39, v37  }
0x403: {  	v46 =	vmul.f32 v57, v16;
	v29 =	vadd.f32 v31, v29;
	v47 =	vld [tilespmem:s21+$0xCE50];
	v45 =	vadd.f32 v38, v32  }
0x404: {  	v48 =	vld [tilespmem:s14+$0xD270];
	v49 =	vmul.f32 v59, v34;
	v37 =	vadd.f32 v63, v37  }
0x405: {  	v30 =	vmul.f32 v60, v10;
	v51 =	vld [tilespmem:s21+$0xCE60];
	(xrf2) =	vadd.scan.msk.f32 $0xffff, v29;
	v50 =	vadd.f32 v46, v45  }
0x406: {  	v52 =	vmul.f32 v61, v33;
	v37 =	vadd.f32 v49, v37  }
0x407: {  	v54 =	vld [tilespmem:s21+$0xCE70];
	v53 =	vmul.f32 v62, v9;
	v29 =	vadd.f32 v30, v50  }
0x408: {  	v38 =	vmul.f32 v47, v27;
	v32 =	vadd.f32 v52, v37  }
0x409: {  	v55 =	vmul.f32 v48, v8;
	v29 =	vadd.f32 v53, v29  }
0x40a: {  	v31 =	vmul.f32 v51, v25;
	v32 =	vadd.f32 v38, v32  }
0x40b: {  	v56 =	vadd.s32 s11, v6;
	v29 =	vadd.f32 v55, v29  }
0x40c: {  	v57 =	vmul.f32 v54, v21;
	v31 =	vadd.f32 v31, v32  }
0x40d: {  	(xrf2) =	vadd.scan.msk.f32 $0xffff, v29  }
0x40e: {  	v58 =	vadd.f32 v57, v31  }
0x40f: {  	v59, _, _ =	vpop (xrf2)  }
0x410: {  	[tilespmem:v56+s29+$0x0] =	vst.idx.msk vm2, v59;
	(xrf2) =	vadd.scan.msk.f32 $0xffff, v58  }
0x411: {  	v60 =	vld [tilespmem:s15+$0xDA00]  }
0x412: {  	v30 =	vld [tilespmem:s15+$0xDA10]  }
0x413: {  	v62 =	vadd.s32 s18, v5;
	v61 =	vld [tilespmem:s15+$0xDA20]  }
0x414: {  	v37 =	vld [tilespmem:s15+$0xDA30]  }
0x415: {  	v39 =	vld [tilespmem:s15+$0xDA50]  }
0x416: {  	v63 =	vadd.s32 s24, v4;
	v41 =	vld [tilespmem:s15+$0xDA60]  }
0x417: {  	v38 =	vld [tilespmem:s15+$0xDA40];
	v48, _, _ =	vpop (xrf2)  }
0x418: {  	v32 =	vld [tilespmem:s15+$0xDA70];
	[tilespmem:v62+s29+$0x0] =	vst.idx.msk vm2, v48  }
0x419: {  	v42 =	vld [tilespmem:s14+$0xD600]  }
0x41a: {  	v49 =	vld [tilespmem:s14+$0xD610];
	v50, _, _ =	vpop (xrf2)  }
0x41b: {  	v51 =	vld [tilespmem:s14+$0xD620];
	[tilespmem:v63+s29+$0x0] =	vst.idx.msk vm2, v50  }
0x41c: {  	v54 =	vld [tilespmem:s21+$0xD200]  }
0x41d: {  	v55 =	vld [tilespmem:s21+$0xD210]  }
0x41e: {  	v57 =	vld [tilespmem:s14+$0xD630]  }
0x41f: {  	v52 =	vmul.f32 v60, v13;
	v53 =	vmul.f32 v30, v17;
	v60 =	vld [tilespmem:s21+$0xD220]  }
0x420: {  	v62 =	vld [tilespmem:s14+$0xD640];
	v58 =	vmul.f32 v42, v22;
	v59 =	vmul.f32 v49, v23  }
0x421: {  	v56 =	vmul.f32 v61, v18;
	v13 =	vadd.f32 v53, v52;
	v63 =	vmul.f32 v51, v24;
	v44 =	vld [tilespmem:s21+$0xD230]  }
0x422: {  	v45 =	vld [tilespmem:s14+$0xD650];
	v31 =	vadd.f32 v59, v58;
	v29 =	vmul.f32 v54, v26;
	v30 =	vmul.f32 v55, v36  }
0x423: {  	v61 =	vmul.f32 v37, v19;
	v13 =	vadd.f32 v56, v13;
	v18 =	vmul.f32 v57, v15;
	v47 =	vld [tilespmem:s21+$0xD240]  }
0x424: {  	v48 =	vld [tilespmem:s14+$0xD660];
	v31 =	vadd.f32 v63, v31;
	v49 =	vmul.f32 v60, v35;
	v29 =	vadd.f32 v30, v29  }
0x425: {  	v46 =	vmul.f32 v38, v20;
	v13 =	vadd.f32 v61, v13;
	v19 =	vmul.f32 v62, v16;
	v50 =	vld [tilespmem:s21+$0xD250]  }
0x426: {  	v52 =	vld [tilespmem:s14+$0xD670];
	v18 =	vadd.f32 v18, v31;
	v53 =	vmul.f32 v44, v34;
	v29 =	vadd.f32 v49, v29  }
0x427: {  	v13 =	vadd.f32 v46, v13;
	v17 =	vmul.f32 v45, v10;
	v51 =	vmul.f32 v39, v14;
	v54 =	vld [tilespmem:s21+$0xD260]  }
0x428: {  	v18 =	vadd.f32 v19, v18;
	v56 =	vmul.f32 v47, v33;
	v55 =	vadd.f32 v53, v29  }
0x429: {  	v57 =	vmul.f32 v41, v12;
	v58 =	vmul.f32 v48, v9;
	v59 =	vld [tilespmem:s21+$0xD270];
	v13 =	vadd.f32 v51, v13  }
0x42a: {  	v20 =	vmul.f32 v50, v27;
	v17 =	vadd.f32 v17, v18;
	v14 =	vadd.f32 v56, v55  }
0x42b: {  	v62 =	vmul.f32 v52, v8;
	v12 =	vadd.f32 v57, v13;
	v60 =	vmul.f32 v32, v11  }
0x42c: {  	v61 =	vadd.f32 v58, v17;
	v63 =	vmul.f32 v54, v25;
	v14 =	vadd.f32 v20, v14  }
0x42d: {  	v11 =	vadd.f32 v60, v12  }
0x42e: {  	v32 =	vmul.f32 v59, v21;
	v29 =	vadd.f32 v62, v61;
	v31 =	vadd.f32 v63, v14  }
0x42f: {  	(xrf2) =	vadd.scan.msk.f32 $0xffff, v11  }
0x430: {  	(xrf2) =	vadd.scan.msk.f32 $0xffff, v29;
	v37 =	vadd.f32 v32, v31;
	_ =	sdelay $0x1  }
0x431: {  	(xrf2) =	vadd.scan.msk.f32 $0xffff, v37;
	_ =	sdelay $0x3  }
0x432: {  	v38 =	vadd.s32 s18, v6;
	_ =	sdelay $0x1  }
0x433: {  	v39 =	vadd.s32 s24, v5  }
0x434: {  	v13, _, _ =	vpop (xrf2)  }
0x435: {  	v40, _, _ =	vpop (xrf2)  }
0x436: {  	[tilespmem:v38+s29+$0x0] =	vst.idx.msk vm2, v40  }
0x437: {  	v11 =	vld [tilespmem:s14+$0xDA00];
	v41, _, _ =	vpop (xrf2)  }
0x438: {  	v42 =	vld [tilespmem:s14+$0xDA10];
	[tilespmem:v39+s29+$0x0] =	vst.idx.msk vm2, v41  }
0x439: {  	v12 =	vld [tilespmem:s21+$0xD600]  }
0x43a: {  	v14 =	vld [tilespmem:s21+$0xD610]  }
0x43b: {  	v43 =	vld [tilespmem:s14+$0xDA20]  }
0x43c: {  	v44 =	vld [tilespmem:s21+$0xD620]  }
0x43d: {  	v45 =	vld [tilespmem:s14+$0xDA30]  }
0x43e: {  	v11 =	vmul.f32 v11, v22;
	v17 =	vmul.f32 v42, v23;
	v46 =	vld [tilespmem:s21+$0xD630]  }
0x43f: {  	v47 =	vld [tilespmem:s14+$0xDA40];
	v12 =	vmul.f32 v12, v26;
	v14 =	vmul.f32 v14, v36  }
0x440: {  	v48 =	vmul.f32 v43, v24;
	v11 =	vadd.f32 v17, v11;
	v49 =	vld [tilespmem:s21+$0xD640]  }
0x441: {  	v50 =	vld [tilespmem:s14+$0xDA50];
	v51 =	vmul.f32 v44, v35;
	v12 =	vadd.f32 v14, v12  }
0x442: {  	v52 =	vmul.f32 v45, v15;
	v53 =	vld [tilespmem:s21+$0xD650];
	v11 =	vadd.f32 v48, v11  }
0x443: {  	v54 =	vld [tilespmem:s14+$0xDA60];
	v55 =	vmul.f32 v46, v34;
	v12 =	vadd.f32 v51, v12  }
0x444: {  	v56 =	vmul.f32 v47, v16;
	v57 =	vld [tilespmem:s21+$0xD660];
	v11 =	vadd.f32 v52, v11  }
0x445: {  	v58 =	vld [tilespmem:s14+$0xDA70];
	v59 =	vmul.f32 v49, v33;
	v12 =	vadd.f32 v55, v12  }
0x446: {  	v60 =	vmul.f32 v50, v10;
	v61 =	vld [tilespmem:s21+$0xD670];
	v11 =	vadd.f32 v56, v11  }
0x447: {  	v62 =	vmul.f32 v53, v27;
	v12 =	vadd.f32 v59, v12  }
0x448: {  	v63 =	vmul.f32 v54, v9;
	v10 =	vadd.f32 v60, v11  }
0x449: {  	v18 =	vmul.f32 v57, v25;
	v17 =	vadd.f32 v62, v12  }
0x44a: {  	v8 =	vmul.f32 v58, v8;
	v9 =	vadd.f32 v63, v10  }
0x44b: {  	v20 =	vmul.f32 v61, v21;
	v19 =	vadd.f32 v18, v17  }
0x44c: {  	v8 =	vadd.f32 v8, v9  }
0x44d: {  	v22 =	vadd.f32 v20, v19  }
0x44e: {  	(xrf2) =	vadd.scan.msk.f32 $0xffff, v8  }
0x44f: {  	(xrf2) =	vadd.scan.msk.f32 $0xffff, v22;
	_ =	sdelay $0x5  }
0x450: {  	v8 =	vadd.s32 s24, v6;
	_ =	sdelay $0x2  }
0x451: {  	v23, _, _ =	vpop (xrf2)  }
0x452: {  	v24, _, _ =	vpop (xrf2)  }
0x453: {  	[tilespmem:v8+s29+$0x0] =	vst.idx.msk vm2, v24  }
0x454: {  	v8 =	vld [tilespmem:s21+$0xDA00]  }
0x455: {  	v10 =	vld [tilespmem:s21+$0xDA10];
	_ =	sdelay $0x1  }
0x456: {  	v29 =	vld [tilespmem:s21+$0xDA20];
	_ =	sdelay $0x1  }
0x457: {  	v30 =	vld [tilespmem:s21+$0xDA30]  }
0x458: {  	v8 =	vmul.f32 v8, v26;
	v10 =	vmul.f32 v10, v36  }
0x459: {  	v31 =	vld [tilespmem:s21+$0xDA40]  }
0x45a: {  	v32 =	vmul.f32 v29, v35;
	v8 =	vadd.f32 v10, v8  }
0x45b: {  	v35 =	vld [tilespmem:s21+$0xDA50]  }
0x45c: {  	v36 =	vmul.f32 v30, v34;
	v8 =	vadd.f32 v32, v8  }
0x45d: {  	v37 =	vld [tilespmem:s21+$0xDA60]  }
0x45e: {  	v38 =	vmul.f32 v31, v33;
	v8 =	vadd.f32 v36, v8  }
0x45f: {  	v39 =	vld [tilespmem:s21+$0xDA70]  }
0x460: {  	v40 =	vmul.f32 v35, v27;
	v8 =	vadd.f32 v38, v8;
	_ =	sdelay $0x1  }
0x461: {  	v41 =	vmul.f32 v37, v25;
	v8 =	vadd.f32 v40, v8;
	_ =	sdelay $0x1  }
0x462: {  	v42 =	vmul.f32 v39, v21;
	v8 =	vadd.f32 v41, v8;
	_ =	sdelay $0x1  }
0x463: {  	v8 =	vadd.f32 v42, v8;
	_ =	sdelay $0x1  }
0x464: {  	(xrf2) =	vadd.scan.msk.f32 $0xffff, v8;
	_ =	sdelay $0x2  }
0x465: {  	v43 =	vadd.s32 s11, v7  }
0x466: {  	v44 =	vadd.s32 s18, v7  }
0x467: {  	v8 =	vadd.s32 s9, v7  }
0x468: {  	v45 =	vadd.s32 s24, v7;
	_ =	sdelay $0x1  }
0x469: {  	[tilespmem:v43+s29+$0x0] =	vst.idx.msk vm2, v13  }
0x46a: {  	[tilespmem:v44+s29+$0x0] =	vst.idx.msk vm2, v23  }
0x46b: {  	[tilespmem:v8+s29+$0x0] =	vst.idx.msk vm2, v28;
	v8, _, _ =	vpop (xrf2)  }
0x46c: {  	[tilespmem:v45+s29+$0x0] =	vst.idx.msk vm2, v8  }
0x46d: {  	v8 =	vld [tilespmem:$0x1E200]  }
0x46e: {  	v9 =	vld [tilespmem:$0x1E250]  }
0x46f: {  	v10 =	vld [tilespmem:$0x1E2A0]  }
0x470: {  	v11 =	vld [tilespmem:$0x1E2F0]  }
0x471: {  	v12 =	vld [tilespmem:$0x1E340];
	_ =	sdelay $0x1  }
0x472: {  	v46 =	vmax.f32 v8, v9  }
0x473: {  	v13 =	vmax.f32 v46, v10  }
0x474: {  	v13 =	vmax.f32 v13, v11  }
0x475: {  	v13 =	vmax.f32 v13, v12  }
0x476: {  	v8 =	vsub.f32 v8, v13  }
0x477: {  	v9 =	vsub.f32 v9, v13  }
0x478: {  	v8 =	vmul.f32 $1.442695020e+00, v8  }
0x479: {  	v10 =	vsub.f32 v10, v13;
	v9 =	vmul.f32 $1.442695020e+00, v9  }
0x47a: {  	(erf) = vpow2.f32 v8  }
0x47b: {  	v47 =	vsub.f32 v11, v13;
	v8 =	vmul.f32 $1.442695020e+00, v10;
	(erf) = vpow2.f32 v9;
	_ =	sdelay $0x1  }
0x47c: {  	v48 =	vsub.f32 v12, v13;
	(erf) = vpow2.f32 v8;
	v8 =	vmul.f32 $1.442695020e+00, v47;
	_ =	sdelay $0x1  }
0x47d: {  	(erf) = vpow2.f32 v8;
	v8 =	vmul.f32 $1.442695020e+00, v48;
	_ =	sdelay $0x1  }
0x47e: {  	v49 =	vld [tilespmem:$0x1E210]  }
0x47f: {  	v50 =	vld [tilespmem:$0x1E260];
	(erf) = vpow2.f32 v8  }
0x480: {  	v51 =	vld [tilespmem:$0x1E2B0];
	v8 =	vpop (erf)  }
0x481: {  	v52 =	vld [tilespmem:$0x1E300];
	v12 =	vpop (erf)  }
0x482: {  	v53 =	vld [tilespmem:$0x1E350];
	v54 =	vadd.f32 v12, v8  }
0x483: {  	v10 =	vpop (erf)  }
0x484: {  	v55 =	vmax.f32 v49, v50;
	v9 =	vadd.f32 v54, v10  }
0x485: {  	v56 =	vmax.f32 v55, v51  }
0x486: {  	v18 =	vmax.f32 v56, v52;
	v11 =	vpop (erf)  }
0x487: {  	v18 =	vmax.f32 v18, v53;
	v57 =	vadd.f32 v9, v11  }
0x488: {  	v13 =	vsub.f32 v49, v18;
	v9 =	vpop (erf)  }
0x489: {  	v14 =	vsub.f32 v50, v18;
	v19 =	vadd.f32 v57, v9  }
0x48a: {  	v13 =	vmul.f32 $1.442695020e+00, v13  }
0x48b: {  	v15 =	vsub.f32 v51, v18;
	v14 =	vmul.f32 $1.442695020e+00, v14;
	(erf) = vrcp.f32 v19  }
0x48c: {  	(erf) = vpow2.f32 v13  }
0x48d: {  	v59 =	vsub.f32 v52, v18;
	v58 =	vmul.f32 $1.442695020e+00, v15;
	(erf) = vpow2.f32 v14;
	_ =	sdelay $0x1  }
0x48e: {  	v61 =	vsub.f32 v53, v18;
	v60 =	vmul.f32 $1.442695020e+00, v59;
	(erf) = vpow2.f32 v58;
	_ =	sdelay $0x1  }
0x48f: {  	v62 =	vmul.f32 $1.442695020e+00, v61;
	(erf) = vpow2.f32 v60  }
0x490: {  	v63 =	vld [tilespmem:$0x1E220]  }
0x491: {  	v28 =	vld [tilespmem:$0x1E270];
	(erf) = vpow2.f32 v62  }
0x492: {  	v29 =	vld [tilespmem:$0x1E2C0];
	v13 =	vpop (erf)  }
0x493: {  	v30 =	vld [tilespmem:$0x1E310];
	v17 =	vpop (erf)  }
0x494: {  	v31 =	vld [tilespmem:$0x1E360];
	v19 =	vpop (erf)  }
0x495: {  	v32 =	vadd.f32 v19, v17  }
0x496: {  	v33 =	vmax.f32 v63, v28;
	v22 =	vpop (erf)  }
0x497: {  	v23 =	vmax.f32 v33, v29;
	v21 =	vadd.f32 v32, v22  }
0x498: {  	v23 =	vmax.f32 v23, v30;
	v24 =	vpop (erf)  }
0x499: {  	v23 =	vmax.f32 v23, v31;
	v21 =	vadd.f32 v21, v24  }
0x49a: {  	v14 =	vsub.f32 v63, v23;
	v25 =	vpop (erf)  }
0x49b: {  	v15 =	vsub.f32 v28, v23;
	v21 =	vadd.f32 v21, v25  }
0x49c: {  	v14 =	vmul.f32 $1.442695020e+00, v14  }
0x49d: {  	v16 =	vsub.f32 v29, v23;
	v15 =	vmul.f32 $1.442695020e+00, v15;
	(erf) = vrcp.f32 v21  }
0x49e: {  	(erf) = vpow2.f32 v14  }
0x49f: {  	v35 =	vsub.f32 v30, v23;
	v34 =	vmul.f32 $1.442695020e+00, v16;
	(erf) = vpow2.f32 v15;
	_ =	sdelay $0x1  }
0x4a0: {  	v37 =	vsub.f32 v31, v23;
	v36 =	vmul.f32 $1.442695020e+00, v35;
	(erf) = vpow2.f32 v34;
	_ =	sdelay $0x1  }
0x4a1: {  	v38 =	vmul.f32 $1.442695020e+00, v37;
	(erf) = vpow2.f32 v36  }
0x4a2: {  	v39 =	vld [tilespmem:$0x1E230]  }
0x4a3: {  	v40 =	vld [tilespmem:$0x1E280];
	(erf) = vpow2.f32 v38  }
0x4a4: {  	v41 =	vld [tilespmem:$0x1E2D0];
	v16 =	vpop (erf)  }
0x4a5: {  	v42 =	vld [tilespmem:$0x1E320];
	v20 =	vpop (erf)  }
0x4a6: {  	v43 =	vld [tilespmem:$0x1E370];
	v23 =	vpop (erf)  }
0x4a7: {  	v44 =	vadd.f32 v23, v20  }
0x4a8: {  	v45 =	vmax.f32 v39, v40;
	v28 =	vpop (erf)  }
0x4a9: {  	v29 =	vmax.f32 v45, v41;
	v27 =	vadd.f32 v44, v28  }
0x4aa: {  	v29 =	vmax.f32 v29, v42;
	v30 =	vpop (erf)  }
0x4ab: {  	v29 =	vmax.f32 v29, v43;
	v27 =	vadd.f32 v27, v30  }
0x4ac: {  	v15 =	vsub.f32 v39, v29;
	v31 =	vpop (erf)  }
0x4ad: {  	v14 =	vsub.f32 v40, v29;
	v27 =	vadd.f32 v27, v31  }
0x4ae: {  	v15 =	vmul.f32 $1.442695020e+00, v15  }
0x4af: {  	v18 =	vsub.f32 v41, v29;
	v14 =	vmul.f32 $1.442695020e+00, v14;
	(erf) = vrcp.f32 v27  }
0x4b0: {  	(erf) = vpow2.f32 v15  }
0x4b1: {  	v46 =	vmul.f32 $1.442695020e+00, v18;
	v47 =	vsub.f32 v42, v29;
	(erf) = vpow2.f32 v14;
	_ =	sdelay $0x1  }
0x4b2: {  	v49 =	vsub.f32 v43, v29;
	v48 =	vmul.f32 $1.442695020e+00, v47;
	(erf) = vpow2.f32 v46;
	_ =	sdelay $0x1  }
0x4b3: {  	v50 =	vmul.f32 $1.442695020e+00, v49;
	(erf) = vpow2.f32 v48  }
0x4b4: {  	v51 =	vld [tilespmem:$0x1E240]  }
0x4b5: {  	v52 =	vld [tilespmem:$0x1E290];
	(erf) = vpow2.f32 v50  }
0x4b6: {  	v53 =	vld [tilespmem:$0x1E2E0];
	v18 =	vpop (erf)  }
0x4b7: {  	v55 =	vld [tilespmem:$0x1E330];
	v54 =	vpop (erf)  }
0x4b8: {  	v57 =	vld [tilespmem:$0x1E380];
	v56 =	vpop (erf)  }
0x4b9: {  	v58 =	vadd.f32 v56, v54  }
0x4ba: {  	v60 =	vmax.f32 v51, v52;
	v59 =	vpop (erf)  }
0x4bb: {  	v35 =	vmax.f32 v60, v53;
	v33 =	vadd.f32 v58, v59  }
0x4bc: {  	v35 =	vmax.f32 v35, v55;
	v61 =	vpop (erf)  }
0x4bd: {  	v35 =	vmax.f32 v35, v57;
	v33 =	vadd.f32 v33, v61  }
0x4be: {  	v15 =	vsub.f32 v51, v35;
	v62 =	vpop (erf)  }
0x4bf: {  	v14 =	vsub.f32 v52, v35;
	v33 =	vadd.f32 v33, v62  }
0x4c0: {  	v15 =	vmul.f32 $1.442695020e+00, v15  }
0x4c1: {  	v21 =	vsub.f32 v53, v35;
	v14 =	vmul.f32 $1.442695020e+00, v14;
	(erf) = vrcp.f32 v33  }
0x4c2: {  	(erf) = vpow2.f32 v15  }
0x4c3: {  	v63 =	vmul.f32 $1.442695020e+00, v21;
	v21 =	vsub.f32 v55, v35;
	(erf) = vpow2.f32 v14;
	_ =	sdelay $0x1  }
0x4c4: {  	v32 =	vsub.f32 v57, v35;
	v27 =	vmul.f32 $1.442695020e+00, v21;
	(erf) = vpow2.f32 v63;
	_ =	sdelay $0x1  }
0x4c5: {  	v33 =	vmul.f32 $1.442695020e+00, v32;
	(erf) = vpow2.f32 v27;
	_ =	sdelay $0x1  }
0x4c6: {  	v12 =	vadd.f32 v12, v12;
	(erf) = vpow2.f32 v33  }
0x4c7: {  	v35 =	vpop (erf)  }
0x4c8: {  	v8 =	vadd.f32 v12, v8;
	v10 =	vmul.f32 $3.000000000e+00, v10;
	v38 =	vpop (erf)  }
0x4c9: {  	v39 =	vpop (erf)  }
0x4ca: {  	v8 =	vadd.f32 v8, v10;
	v40 =	vmul.f32 $4.000000000e+00, v11;
	v41 =	vadd.f32 v39, v38  }
0x4cb: {  	v19 =	vadd.f32 v19, v19;
	v42 =	vpop (erf)  }
0x4cc: {  	v9 =	vmul.f32 $5.000000000e+00, v9;
	v8 =	vadd.f32 v8, v40;
	v43 =	vadd.f32 v41, v42  }
0x4cd: {  	v45 =	vmul.f32 $3.000000000e+00, v22;
	v17 =	vadd.f32 v19, v17;
	v44 =	vpop (erf)  }
0x4ce: {  	v8 =	vadd.f32 v8, v9;
	v10 =	vadd.f32 v43, v44  }
0x4cf: {  	v47 =	vadd.f32 v17, v45;
	v55 =	vmul.f32 $5.000000000e+00, v25;
	v46 =	vadd.f32 v23, v23;
	v49 =	vpop (erf)  }
0x4d0: {  	v8 =	vmul.f32 v13, v8;
	v53 =	vmul.f32 $4.000000000e+00, v30;
	v10 =	vadd.f32 v10, v49  }
0x4d1: {  	v48 =	vmul.f32 $4.000000000e+00, v24;
	v20 =	vadd.f32 v46, v20;
	v51 =	vadd.f32 v56, v56  }
0x4d2: {  	v50 =	vmul.f32 $3.000000000e+00, v28;
	v12 =	vadd.f32 v39, v39;
	(erf) = vrcp.f32 v10  }
0x4d3: {  	v9 =	vadd.f32 v47, v48;
	v13 =	vadd.f32 v51, v54;
	v54 =	vmul.f32 $3.000000000e+00, v59  }
0x4d4: {  	v52 =	vadd.f32 v20, v50;
	v56 =	vmul.f32 $3.000000000e+00, v42;
	v12 =	vadd.f32 v12, v38  }
0x4d5: {  	v57 =	vmul.f32 $4.000000000e+00, v61;
	v58 =	vmul.f32 $5.000000000e+00, v31;
	v13 =	vadd.f32 v13, v54  }
0x4d6: {  	v11 =	vmul.f32 $4.000000000e+00, v44;
	v12 =	vadd.f32 v12, v56;
	v10 =	vadd.f32 v52, v53  }
0x4d7: {  	v9 =	vadd.f32 v9, v55;
	v59 =	vmul.f32 $5.000000000e+00, v62;
	v13 =	vadd.f32 v13, v57  }
0x4d8: {  	v60 =	vmul.f32 $5.000000000e+00, v49;
	v11 =	vadd.f32 v12, v11;
	v10 =	vadd.f32 v10, v58  }
0x4d9: {  	s2 =	sadd.s32 $0x1, s2;
	v9 =	vmul.f32 v16, v9;
	v13 =	vadd.f32 v13, v59  }
0x4da: {  	p0 =	sne.s32 s2, $0x3E;
	[tilespmem:$0x1E480] =	vst v8;
	v61 =	vadd.f32 v11, v60;
	v8 =	vmul.f32 v18, v10  }
.Ltmp2:
0x4db: {  	s1 =	rddreg [dreg:$0x5];
	[tilespmem:$0x1E490] =	vst v9;
	v62 =	vmul.f32 v35, v13;
	v63 =	vpop (erf);
	(pc) =	sbr.rel @p0 .LBB2_2-.Ltmp2, $4  }
0x4dc: {  	s0 =	sadd.s32 s0, s1;
	[tilespmem:$0x1E4A0] =	vst v8;
	v8 =	vmul.f32 v63, v61  }
0x4dd: {  	s0 =	sshrl.u32 s0, $0x3;
	[tilespmem:$0x1E4B0] =	vst v62  }
0x4de: {  	s24 =	simm.s32 $0x1E480;
	s0 =	sadd.s32 s4, s0;
	[tilespmem:$0x1E4C0] =	vst v8  }
0x4df: {  	[hbm4b:s0+s5] =	stream.linear.scatter [tilespmem:s24], [sflag:$0x6], $0x50, $0x38;
	[tilespmem:$0x1E500] =	vst v63  }
0x4e0: {  	_ =	swait.ge [sflag:s26], $0xC800  }
0x4e1: {  	[sflag:s26] =	ssyncset.done $0x0  }
0x4e2: {  	[sflag:s26] =	ssyncadd.s32 $0xFFFF3800  }
0x4e3: {  	_ =	swait.ge [sflag:s26], $0x2800  }
0x4e4: {  	[sflag:s26] =	ssyncset.done $0x0  }
0x4e5: {  	[sflag:s26] =	ssyncadd.s32 $0xFFFFD800  }
0x4e6: {  	s0 =	simm.s32 $0x0;
	_ =	swait.ge [sflag:s28], $0x50  }
0x4e7: {  	s1 =	smul.u32 $0x5000, s0;
	[sflag:s28] =	ssyncset.done $0x0  }
0x4e8: {  	s2 =	simm.s32 $0x19240;
	s0 =	simm.s32 $0x0;
	[sflag:s28] =	ssyncadd.s32 $0xFFFFFFB0  }
0x4e9: {  	s6 =	sand.u32 $0x380, s0;
	s1 =	sshra.s32 s1, $0x2;
	v38 =	vld [tilespmem:s2+$0xFFFFFFC0]  }
0x4ea: {  	s15 =	sor.u32 s6, s1;
	v39 =	vld [tilespmem:s2+$0xFFFFFFD0]  }
0x4eb: {  	v8 =	vld [tilespmem:s15+$0x200]  }
0x4ec: {  	v9 =	vld [tilespmem:s15+$0x210]  }
0x4ed: {  	v37 =	vld [tilespmem:s2+$0xFFFFFFE0]  }
0x4ee: {  	v10 =	vld [tilespmem:s15+$0x220]  }
0x4ef: {  	v31 =	vld [tilespmem:s2+$0xFFFFFFF0]  }
0x4f0: {  	v11 =	vld [tilespmem:s15+$0x230]  }
0x4f1: {  	v32 =	vld [tilespmem:s2+$0x0];
	v8 =	vmul.f32 v8, v38;
	v9 =	vmul.f32 v9, v39  }
0x4f2: {  	v12 =	vld [tilespmem:s15+$0x240]  }
0x4f3: {  	v30 =	vld [tilespmem:s2+$0x10];
	v8 =	vadd.f32 v9, v8;
	v9 =	vmul.f32 v10, v37  }
0x4f4: {  	v10 =	vld [tilespmem:s15+$0x250]  }
0x4f5: {  	v29 =	vld [tilespmem:s2+$0x20];
	v8 =	vadd.f32 v9, v8;
	v9 =	vmul.f32 v11, v31  }
0x4f6: {  	v11 =	vld [tilespmem:s15+$0x260]  }
0x4f7: {  	v28 =	vld [tilespmem:s2+$0x30];
	v8 =	vadd.f32 v9, v8;
	v9 =	vmul.f32 v12, v32  }
0x4f8: {  	v12 =	vld [tilespmem:s15+$0x270]  }
0x4f9: {  	v10 =	vmul.f32 v10, v30;
	v8 =	vadd.f32 v9, v8;
	_ =	sdelay $0x1  }
0x4fa: {  	v9 =	vmul.f32 v11, v29;
	v8 =	vadd.f32 v10, v8;
	_ =	sdelay $0x1  }
0x4fb: {  	v10 =	vmul.f32 v12, v28;
	v8 =	vadd.f32 v9, v8;
	_ =	sdelay $0x1  }
0x4fc: {  	v8 =	vadd.f32 v10, v8;
	_ =	sdelay $0x1  }
0x4fd: {  	(xrf2) =	vadd.scan.msk.f32 $0xffff, v8;
	_ =	sdelay $0x5  }
0x4fe: {  	v8 =	vadd.s32 s0, v3;
	_ =	sdelay $0x3  }
0x4ff: {  	v9, _, _ =	vpop (xrf2)  }
0x500: {  	[tilespmem:v8+s29+$0x0] =	vst.idx.msk vm2, v9  }
0x501: {  	v8 =	vld [tilespmem:s15+$0x600]  }
0x502: {  	v9 =	vld [tilespmem:s15+$0x610];
	_ =	sdelay $0x1  }
0x503: {  	v10 =	vld [tilespmem:s15+$0x620];
	_ =	sdelay $0x1  }
0x504: {  	s14 =	simm.s32 $0x192C0;
	v11 =	vld [tilespmem:s15+$0x630]  }
0x505: {  	v13 =	vld [tilespmem:s14+$0xFFFFFFC0];
	v8 =	vmul.f32 v8, v38;
	v9 =	vmul.f32 v9, v39  }
0x506: {  	v12 =	vld [tilespmem:s15+$0x640]  }
0x507: {  	v17 =	vld [tilespmem:s14+$0xFFFFFFD0];
	v8 =	vadd.f32 v9, v8;
	v9 =	vmul.f32 v10, v37  }
0x508: {  	s16 =	simm.s32 $0x0;
	v10 =	vld [tilespmem:s15+$0x650]  }
0x509: {  	s2 =	smul.u32 $0x5000, s16;
	v18 =	vld [tilespmem:s14+$0xFFFFFFE0];
	v8 =	vadd.f32 v9, v8;
	v9 =	vmul.f32 v11, v31  }
0x50a: {  	s18 =	simm.s32 $0x80;
	v11 =	vld [tilespmem:s15+$0x660]  }
0x50b: {  	s6 =	sand.u32 $0x380, s18;
	v19 =	vld [tilespmem:s14+$0xFFFFFFF0];
	s2 =	sshra.s32 s2, $0x2;
	v12 =	vmul.f32 v12, v32;
	v8 =	vadd.f32 v9, v8  }
0x50c: {  	s11 =	sor.u32 s6, s2;
	v9 =	vld [tilespmem:s15+$0x670]  }
0x50d: {  	v14 =	vld [tilespmem:s11+$0x200];
	v10 =	vmul.f32 v10, v30;
	v8 =	vadd.f32 v12, v8  }
0x50e: {  	v12 =	vld [tilespmem:s11+$0x210]  }
0x50f: {  	v20 =	vld [tilespmem:s14+$0x0];
	v11 =	vmul.f32 v11, v29;
	v8 =	vadd.f32 v10, v8  }
0x510: {  	v10 =	vld [tilespmem:s11+$0x220]  }
0x511: {  	v16 =	vld [tilespmem:s11+$0x260];
	v9 =	vmul.f32 v9, v28;
	v8 =	vadd.f32 v11, v8  }
0x512: {  	v11 =	vld [tilespmem:s11+$0x230]  }
0x513: {  	v15 =	vmul.f32 v14, v13;
	v14 =	vld [tilespmem:s14+$0x10];
	v12 =	vmul.f32 v12, v17;
	v8 =	vadd.f32 v9, v8  }
0x514: {  	v9 =	vld [tilespmem:s11+$0x240]  }
0x515: {  	v15 =	vadd.f32 v12, v15;
	v10 =	vmul.f32 v10, v18;
	v12 =	vld [tilespmem:s14+$0x20];
	(xrf2) =	vadd.scan.msk.f32 $0xffff, v8  }
0x516: {  	v8 =	vld [tilespmem:s11+$0x250]  }
0x517: {  	v10 =	vadd.f32 v10, v15;
	v15 =	vmul.f32 v11, v19;
	_ =	sdelay $0x1  }
0x518: {  	v11 =	vld [tilespmem:s14+$0x30];
	v10 =	vadd.f32 v15, v10;
	v9 =	vmul.f32 v9, v20  }
0x519: {  	v21 =	vadd.s32 s0, v4;
	v15 =	vld [tilespmem:s11+$0x270]  }
0x51a: {  	v8 =	vmul.f32 v8, v14;
	v9 =	vadd.f32 v9, v10;
	v10 =	vmul.f32 v16, v12;
	_ =	sdelay $0x1  }
0x51b: {  	v8 =	vadd.f32 v8, v9;
	_ =	sdelay $0x1  }
0x51c: {  	v9 =	vmul.f32 v15, v11;
	v8 =	vadd.f32 v10, v8;
	v10, _, _ =	vpop (xrf2)  }
0x51d: {  	[tilespmem:v21+s29+$0x0] =	vst.idx.msk vm2, v10  }
0x51e: {  	v8 =	vadd.f32 v9, v8;
	v9 =	vld [tilespmem:s15+$0xA00]  }
0x51f: {  	v10 =	vld [tilespmem:s15+$0xA10]  }
0x520: {  	(xrf2) =	vadd.scan.msk.f32 $0xffff, v8  }
0x521: {  	v8 =	vld [tilespmem:s15+$0xA20];
	_ =	sdelay $0x1  }
0x522: {  	v15 =	vld [tilespmem:s15+$0xA30]  }
0x523: {  	v9 =	vmul.f32 v9, v38;
	v10 =	vmul.f32 v10, v39  }
0x524: {  	s22 =	simm.s32 $0x0;
	s2 =	simm.s32 $0x1;
	v16 =	vld [tilespmem:s15+$0xA40]  }
0x525: {  	s6 =	smul.u32 $0x5000, s22;
	v21 =	vadd.s32 s2, v3;
	v8 =	vmul.f32 v8, v37;
	v9 =	vadd.f32 v10, v9  }
0x526: {  	s9 =	simm.s32 $0x100;
	v10 =	vld [tilespmem:s15+$0xA50]  }
0x527: {  	s9 =	sand.u32 $0x380, s9;
	s6 =	sshra.s32 s6, $0x2;
	v15 =	vmul.f32 v15, v31;
	v9 =	vadd.f32 v8, v9  }
0x528: {  	s9 =	sor.u32 s9, s6;
	v22 =	vld [tilespmem:s15+$0xA60]  }
0x529: {  	v33 =	vld [tilespmem:s9+$0x200];
	v23, _, _ =	vpop (xrf2);
	v9 =	vadd.f32 v15, v9;
	v15 =	vmul.f32 v16, v32  }
0x52a: {  	v16 =	vld [tilespmem:s15+$0xA70];
	[tilespmem:v21+s29+$0x0] =	vst.idx.msk vm2, v23  }
0x52b: {  	v10 =	vmul.f32 v10, v30;
	v21 =	vld [tilespmem:s11+$0x600];
	v15 =	vadd.f32 v15, v9  }
0x52c: {  	v23 =	vld [tilespmem:s11+$0x610]  }
0x52d: {  	v60 =	vld [tilespmem:s9+$0x220];
	v22 =	vmul.f32 v22, v29;
	v15 =	vadd.f32 v10, v15  }
0x52e: {  	v24 =	vld [tilespmem:s11+$0x620]  }
0x52f: {  	v36 =	vld [tilespmem:s9+$0x240];
	v15 =	vadd.f32 v22, v15;
	v22 =	vmul.f32 v16, v28  }
0x530: {  	v25 =	vld [tilespmem:s11+$0x630]  }
0x531: {  	v40 =	vld [tilespmem:s9+$0x230];
	v21 =	vmul.f32 v21, v13;
	v23 =	vmul.f32 v23, v17;
	v22 =	vadd.f32 v22, v15  }
0x532: {  	v26 =	vld [tilespmem:s11+$0x640]  }
0x533: {  	v27 =	vld [tilespmem:s11+$0x660];
	v21 =	vadd.f32 v23, v21;
	v23 =	vmul.f32 v24, v18;
	(xrf2) =	vadd.scan.msk.f32 $0xffff, v22  }
0x534: {  	v24 =	vld [tilespmem:s11+$0x650]  }
0x535: {  	v62 =	vld [tilespmem:s9+$0x250];
	v25 =	vmul.f32 v25, v19;
	v21 =	vadd.f32 v23, v21  }
0x536: {  	s21 =	simm.s32 $0x19340;
	v41 =	vld [tilespmem:s9+$0x270]  }
0x537: {  	v26 =	vmul.f32 v26, v20;
	v22 =	vld [tilespmem:s21+$0xFFFFFFC0];
	v21 =	vadd.f32 v25, v21  }
0x538: {  	v35 =	vadd.s32 s0, v5;
	v25 =	vld [tilespmem:s11+$0x670]  }
0x539: {  	v27 =	vmul.f32 v27, v12;
	v23 =	vld [tilespmem:s21+$0xFFFFFFD0];
	v34 =	vmul.f32 v24, v14;
	v21 =	vadd.f32 v26, v21  }
0x53a: {  	v26 =	vld [tilespmem:s9+$0x210]  }
0x53b: {  	v9 =	vld [tilespmem:s21+$0x20];
	v21 =	vadd.f32 v34, v21  }
0x53c: {  	v24 =	vld [tilespmem:s21+$0xFFFFFFE0]  }
0x53d: {  	v16 =	vld [tilespmem:s21+$0x0];
	v25 =	vmul.f32 v25, v11;
	v21 =	vadd.f32 v27, v21;
	v27, _, _ =	vpop (xrf2)  }
0x53e: {  	v15 =	vld [tilespmem:s21+$0xFFFFFFF0];
	[tilespmem:v35+s29+$0x0] =	vst.idx.msk vm2, v27  }
0x53f: {  	v26 =	vmul.f32 v26, v23;
	v27 =	vmul.f32 v33, v22;
	v21 =	vadd.f32 v25, v21;
	v25 =	vld [tilespmem:s15+$0xE00]  }
0x540: {  	v61 =	vld [tilespmem:s15+$0xE10]  }
0x541: {  	v10 =	vld [tilespmem:s21+$0x10];
	v26 =	vadd.f32 v26, v27;
	v27 =	vmul.f32 v60, v24;
	(xrf2) =	vadd.scan.msk.f32 $0xffff, v21  }
0x542: {  	v35 =	vld [tilespmem:s15+$0xE20]  }
0x543: {  	v63 =	vld [tilespmem:s15+$0xE30];
	v21 =	vadd.f32 v27, v26;
	v26 =	vmul.f32 v40, v15  }
0x544: {  	v36 =	vmul.f32 v36, v16;
	v27 =	vld [tilespmem:s9+$0x260]  }
0x545: {  	s24 =	simm.s32 $0x0;
	v8 =	vld [tilespmem:s21+$0x30];
	v26 =	vadd.f32 v26, v21;
	v25 =	vmul.f32 v25, v38;
	v33 =	vmul.f32 v61, v39  }
0x546: {  	v42 =	vadd.s32 s2, v4;
	s6 =	smul.u32 $0x5000, s24;
	v34 =	vmul.f32 v62, v10;
	v43 =	vld [tilespmem:s15+$0xE40]  }
0x547: {  	s10 =	simm.s32 $0x180;
	v44 =	vld [tilespmem:s15+$0xE50];
	v35 =	vmul.f32 v35, v37;
	v26 =	vadd.f32 v36, v26;
	v33 =	vadd.f32 v33, v25  }
0x548: {  	s16 =	sand.u32 $0x380, s10;
	s6 =	sshra.s32 s6, $0x2;
	v51 =	vld [tilespmem:s15+$0xE60];
	v49 =	vmul.f32 v63, v31  }
0x549: {  	s21 =	sor.u32 s16, s6;
	v54 =	vld [tilespmem:s15+$0xE70];
	v48 =	vmul.f32 v27, v9;
	v26 =	vadd.f32 v34, v26;
	v33 =	vadd.f32 v35, v33  }
0x54a: {  	s1 =	simm.s32 $0x193C0;
	v50 =	vmul.f32 v41, v8;
	v40 =	vld [tilespmem:s21+$0x240]  }
0x54b: {  	v21 =	vld [tilespmem:s1+$0x30];
	v53 =	vmul.f32 v43, v32;
	v26 =	vadd.f32 v48, v26;
	v52, _, _ =	vpop (xrf2);
	v33 =	vadd.f32 v49, v33  }
0x54c: {  	v25 =	vld [tilespmem:s1+$0x20];
	[tilespmem:v42+s29+$0x0] =	vst.idx.msk vm2, v52  }
0x54d: {  	v56 =	vmul.f32 v44, v30;
	v26 =	vadd.f32 v50, v26;
	v55 =	vld [tilespmem:s11+$0xA00];
	v34 =	vadd.f32 v53, v33  }
0x54e: {  	v42 =	vld [tilespmem:s11+$0xA10]  }
0x54f: {  	v57 =	vmul.f32 v51, v29;
	v27 =	vld [tilespmem:s1+$0x10];
	(xrf2) =	vadd.scan.msk.f32 $0xffff, v26;
	v26 =	vadd.f32 v56, v34  }
0x550: {  	v58 =	vld [tilespmem:s11+$0xA20]  }
0x551: {  	v36 =	vmul.f32 v54, v28;
	v35 =	vld [tilespmem:s1+$0xFFFFFFE0];
	v26 =	vadd.f32 v57, v26  }
0x552: {  	v59 =	vld [tilespmem:s11+$0xA30]  }
0x553: {  	v33 =	vld [tilespmem:s1+$0x0];
	v41 =	vmul.f32 v55, v13;
	v42 =	vmul.f32 v42, v17;
	v36 =	vadd.f32 v36, v26  }
0x554: {  	s14 =	simm.s32 $0x2;
	v45 =	vld [tilespmem:s11+$0xA40]  }
0x555: {  	v46 =	vadd.s32 s14, v3;
	v47 =	vld [tilespmem:s11+$0xA50];
	v60 =	vmul.f32 v58, v18;
	v41 =	vadd.f32 v42, v41;
	(xrf2) =	vadd.scan.msk.f32 $0xffff, v36  }
0x556: {  	v48 =	vld [tilespmem:s11+$0xA60]  }
0x557: {  	v43 =	vld [tilespmem:s11+$0xA70];
	v44 =	vmul.f32 v59, v19;
	v42 =	vadd.f32 v60, v41  }
0x558: {  	v34 =	vld [tilespmem:s1+$0xFFFFFFF0]  }
0x559: {  	v62 =	vmul.f32 v45, v20;
	v26 =	vld [tilespmem:s1+$0xFFFFFFC0];
	v42 =	vadd.f32 v44, v42;
	v49, _, _ =	vpop (xrf2)  }
0x55a: {  	v36 =	vld [tilespmem:s1+$0xFFFFFFD0];
	[tilespmem:v46+s29+$0x0] =	vst.idx.msk vm2, v49  }
0x55b: {  	v61 =	vadd.s32 s0, v6;
	v55 =	vmul.f32 v47, v14;
	v42 =	vadd.f32 v62, v42;
	v46 =	vld [tilespmem:s9+$0x600]  }
0x55c: {  	v50 =	vld [tilespmem:s9+$0x610]  }
0x55d: {  	v59 =	vmul.f32 v48, v12;
	v41 =	vld [tilespmem:s21+$0x200];
	v42 =	vadd.f32 v55, v42  }
0x55e: {  	v63 =	vld [tilespmem:s9+$0x620]  }
0x55f: {  	v62 =	vmul.f32 v43, v11;
	v51 =	vld [tilespmem:s9+$0x640];
	v42 =	vadd.f32 v59, v42;
	v52, _, _ =	vpop (xrf2)  }
0x560: {  	v56 =	vld [tilespmem:s9+$0x630];
	[tilespmem:v61+s29+$0x0] =	vst.idx.msk vm2, v52  }
0x561: {  	v46 =	vmul.f32 v46, v22;
	v57 =	vmul.f32 v50, v23;
	v53 =	vadd.f32 v62, v42;
	v58 =	vld [tilespmem:s15+$0x1200]  }
0x562: {  	v60 =	vld [tilespmem:s15+$0x1210]  }
0x563: {  	v45 =	vmul.f32 v63, v24;
	v61 =	vld [tilespmem:s9+$0x650];
	v46 =	vadd.f32 v57, v46;
	(xrf2) =	vadd.scan.msk.f32 $0xffff, v53  }
0x564: {  	v52 =	vld [tilespmem:s15+$0x1220]  }
0x565: {  	v43 =	vld [tilespmem:s9+$0x660];
	v47 =	vmul.f32 v56, v15;
	v46 =	vadd.f32 v45, v46  }
0x566: {  	v51 =	vmul.f32 v51, v16;
	v45 =	vld [tilespmem:s15+$0x1230]  }
0x567: {  	v42 =	vld [tilespmem:s9+$0x670];
	v54 =	vadd.f32 v47, v46;
	v38 =	vmul.f32 v58, v38;
	v63 =	vmul.f32 v60, v39  }
0x568: {  	v44 =	vld [tilespmem:s15+$0x1240];
	v46 =	vmul.f32 v61, v10;
	v39 =	vadd.s32 s2, v5  }
0x569: {  	s18 =	simm.s32 $0x3;
	s6 =	simm.s32 $0x4;
	v47 =	vld [tilespmem:s21+$0x210];
	v50 =	vmul.f32 v52, v37;
	v48 =	vadd.f32 v51, v54;
	v49 =	vadd.f32 v63, v38  }
.LBB2_8:
0x56a: {  	p0 =	sne.s32 s6, $0x4F;
	v52 =	vmul.f32 v43, v9;
	v51 =	vld [tilespmem:s15+$0x1250];
	v37 =	vmovc v24;
	v24 =	vmovc v35;
	v38 =	vmov v23;
	v23 =	vmov v36  }
0x56b: {  	v35 =	vld [tilespmem:s21+$0x220];
	v36 =	vadd.f32 v46, v48;
	v46 =	vadd.f32 v50, v49;
	v45 =	vmul.f32 v45, v31;
	v31 =	vmovc v19  }
0x56c: {  	v19 =	vmov v15;
	v15 =	vmov v34;
	v42 =	vmul.f32 v42, v8;
	v48 =	vld [tilespmem:s15+$0x1260]  }
0x56d: {  	v34 =	vld [tilespmem:s21+$0x230];
	v36 =	vadd.f32 v52, v36;
	v43, _, _ =	vpop (xrf2);
	v45 =	vadd.f32 v45, v46;
	v44 =	vmul.f32 v44, v32  }
0x56e: {  	v41 =	vmul.f32 v41, v26;
	v32 =	vmov v20;
	v46 =	vmul.f32 v47, v23;
	[tilespmem:v39+s29+$0x0] =	vst.idx.msk vm2, v43;
	v39 =	vld [tilespmem:s15+$0x1270];
	s15 =	smov.u32 s11;
	s11 =	smov.u32 s9;
	s9 =	smov.u32 s21  }
0x56f: {  	v36 =	vadd.f32 v42, v36;
	v42 =	vld [tilespmem:s15+$0xE00];
	v43 =	vadd.f32 v44, v45;
	v44 =	vmul.f32 v51, v30;
	v30 =	vmovc v14  }
0x570: {  	v20 =	vmovc v16;
	v14 =	vmovc v10;
	v10 =	vmov v27;
	v41 =	vadd.f32 v46, v41;
	v35 =	vmul.f32 v35, v24;
	v45 =	vld [tilespmem:s15+$0xE10]  }
0x571: {  	v27 =	vld [tilespmem:s9+$0x250];
	(xrf2) =	vadd.scan.msk.f32 $0xffff, v36;
	v36 =	vadd.f32 v44, v43;
	v43 =	vmul.f32 v48, v29;
	v29 =	vmovc v12;
	v12 =	vmov v9  }
0x572: {  	v16 =	vmovc v33;
	v9 =	vmov v25;
	v35 =	vadd.f32 v35, v41;
	v34 =	vmul.f32 v34, v15;
	v41 =	vld [tilespmem:s15+$0xE20]  }
0x573: {  	v25 =	vld [tilespmem:s9+$0x260];
	v33 =	vadd.f32 v43, v36;
	v36 =	vmul.f32 v39, v28;
	v28 =	vmovc v11;
	v11 =	vmovc v8;
	v8 =	vmov v21  }
0x574: {  	v34 =	vadd.f32 v34, v35;
	v35 =	vmul.f32 v40, v16;
	v39 =	vld [tilespmem:s15+$0xE30]  }
0x575: {  	v42 =	vmul.f32 v42, v13;
	v40 =	vld [tilespmem:s9+$0x270];
	v43 =	vmul.f32 v45, v17;
	v33 =	vadd.f32 v36, v33  }
0x576: {  	s1 =	sadd.s32 $0x80, s1;
	v36 =	vadd.s32 s14, v4;
	v27 =	vmul.f32 v27, v10;
	v44 =	vld [tilespmem:s15+$0xE40]  }
0x577: {  	v34 =	vadd.f32 v35, v34;
	v21 =	vld [tilespmem:s1+$0x30];
	v35 =	vadd.f32 v43, v42;
	v41 =	vmul.f32 v41, v18;
	(xrf2) =	vadd.scan.msk.f32 $0xffff, v33  }
0x578: {  	v33 =	vmul.f32 v25, v9;
	v42 =	vld [tilespmem:s15+$0xE50]  }
0x579: {  	v43 =	vadd.f32 v27, v34;
	v25 =	vld [tilespmem:s1+$0x20];
	v35 =	vadd.f32 v41, v35;
	v39 =	vmul.f32 v39, v31  }
0x57a: {  	v40 =	vmul.f32 v40, v8;
	v41 =	vld [tilespmem:s15+$0xE60]  }
0x57b: {  	v33 =	vadd.f32 v33, v43;
	v27 =	vld [tilespmem:s1+$0x10];
	v34, _, _ =	vpop (xrf2);
	v35 =	vadd.f32 v39, v35;
	v39 =	vmul.f32 v44, v32  }
0x57c: {  	v43 =	vadd.s32 s0, v7;
	s0 =	smov.u32 s2;
	s2 =	smov.u32 s14;
	s14 =	smov.u32 s18;
	[tilespmem:v36+s29+$0x0] =	vst.idx.msk vm2, v34;
	v36 =	vld [tilespmem:s15+$0xE70]  }
0x57d: {  	s18 =	smov.u32 s6;
	v34 =	vadd.f32 v40, v33;
	v40 =	vld [tilespmem:s11+$0xA00];
	v35 =	vadd.f32 v39, v35;
	v39 =	vmul.f32 v42, v30  }
0x57e: {  	v42 =	vld [tilespmem:s11+$0xA10]  }
0x57f: {  	v33 =	vld [tilespmem:s1+$0x0];
	(xrf2) =	vadd.scan.msk.f32 $0xffff, v34;
	v44 =	vadd.f32 v39, v35;
	v39 =	vmul.f32 v41, v29  }
0x580: {  	v41 =	vld [tilespmem:s11+$0xA20]  }
0x581: {  	v34 =	vld [tilespmem:s1+$0xFFFFFFF0];
	v39 =	vadd.f32 v39, v44;
	v36 =	vmul.f32 v36, v28;
	v35, _, _ =	vpop (xrf2)  }
0x582: {  	v44 =	vld [tilespmem:s11+$0xA30];
	[tilespmem:v43+s29+$0x0] =	vst.idx.msk vm2, v35  }
0x583: {  	v40 =	vmul.f32 v40, v22;
	v35 =	vld [tilespmem:s1+$0xFFFFFFE0];
	v42 =	vmul.f32 v42, v38;
	v36 =	vadd.f32 v36, v39  }
0x584: {  	s16 =	sshrl.u32 s6, $0x3;
	v39 =	vld [tilespmem:s11+$0xA40]  }
0x585: {  	s16 =	smul.u32 $0x5000, s16;
	v43 =	vadd.s32 s14, v3;
	v47 =	vld [tilespmem:s1+$0xFFFFFFC0];
	v40 =	vadd.f32 v42, v40;
	v41 =	vmul.f32 v41, v37;
	(xrf2) =	vadd.scan.msk.f32 $0xffff, v36  }
0x586: {  	s10 =	sadd.s32 $0x80, s10;
	v42 =	vld [tilespmem:s11+$0xA50]  }
0x587: {  	s16 =	sshra.s32 s16, $0x2;
	s21 =	sand.u32 $0x380, s10;
	v36 =	vld [tilespmem:s1+$0xFFFFFFD0];
	v41 =	vadd.f32 v41, v40;
	v44 =	vmul.f32 v44, v19  }
0x588: {  	s21 =	sor.u32 s21, s16;
	v45 =	vld [tilespmem:s11+$0xA60]  }
0x589: {  	v40 =	vld [tilespmem:s21+$0x240];
	v46, _, _ =	vpop (xrf2);
	v41 =	vadd.f32 v44, v41;
	v39 =	vmul.f32 v39, v20  }
0x58a: {  	[tilespmem:v43+s29+$0x0] =	vst.idx.msk vm2, v46;
	v43 =	vld [tilespmem:s11+$0xA70]  }
0x58b: {  	v46 =	vadd.s32 s0, v6;
	v44 =	vld [tilespmem:s9+$0x600];
	v39 =	vadd.f32 v39, v41;
	v42 =	vmul.f32 v42, v14  }
0x58c: {  	v48 =	vld [tilespmem:s9+$0x610]  }
0x58d: {  	v41 =	vld [tilespmem:s21+$0x200];
	v39 =	vadd.f32 v42, v39;
	v42 =	vmul.f32 v45, v12  }
0x58e: {  	v45 =	vld [tilespmem:s9+$0x620]  }
0x58f: {  	v49 =	vld [tilespmem:s9+$0x640];
	v39 =	vadd.f32 v42, v39;
	v42 =	vmul.f32 v43, v11;
	v43, _, _ =	vpop (xrf2)  }
0x590: {  	v50 =	vld [tilespmem:s9+$0x630];
	[tilespmem:v46+s29+$0x0] =	vst.idx.msk vm2, v43  }
0x591: {  	v43 =	vmul.f32 v44, v26;
	v44 =	vmul.f32 v48, v23;
	v39 =	vadd.f32 v42, v39;
	v46 =	vld [tilespmem:s15+$0x1200]  }
0x592: {  	v48 =	vld [tilespmem:s15+$0x1210]  }
0x593: {  	v42 =	vadd.f32 v44, v43;
	v43 =	vmul.f32 v45, v24;
	v44 =	vld [tilespmem:s9+$0x650];
	(xrf2) =	vadd.scan.msk.f32 $0xffff, v39  }
0x594: {  	v51 =	vld [tilespmem:s15+$0x1220]  }
.Ltmp3:
0x595: {  	v39 =	vadd.f32 v43, v42;
	v42 =	vmul.f32 v50, v15;
	v43 =	vld [tilespmem:s9+$0x660];
	(pc) =	sbr.rel @p0 .LBB2_8-.Ltmp3, $4  }
0x596: {  	v49 =	vmul.f32 v49, v16;
	v45 =	vld [tilespmem:s15+$0x1230]  }
0x597: {  	v52 =	vmul.f32 v46, v13;
	v13 =	vmovc v22;
	v50 =	vadd.f32 v42, v39;
	v42 =	vld [tilespmem:s9+$0x670];
	v53 =	vmul.f32 v48, v17  }
0x598: {  	v22 =	vmovc v26;
	v26 =	vmovc v47;
	v39 =	vadd.s32 s2, v5;
	v17 =	vmov v38;
	v46 =	vmul.f32 v44, v10;
	v44 =	vld [tilespmem:s15+$0x1240]  }
0x599: {  	s6 =	sadd.s32 $0x1, s6;
	v47 =	vld [tilespmem:s21+$0x210];
	v48 =	vadd.f32 v49, v50;
	v49 =	vadd.f32 v53, v52;
	v50 =	vmul.f32 v51, v18;
	v18 =	vmovc v37  }
0x59a: {  	_ = 	snop  }
0x59b: {  	v37 =	vld [tilespmem:s21+$0x220];
	_ =	sdelay $0x1  }
0x59c: {  	v38 =	vld [tilespmem:s21+$0x230]  }
0x59d: {  	v41 =	vmul.f32 v41, v26;
	v47 =	vmul.f32 v47, v36;
	_ =	sdelay $0x1  }
0x59e: {  	v59 =	vld [tilespmem:s15+$0x1250];
	v37 =	vmul.f32 v37, v35;
	v41 =	vadd.f32 v47, v41  }
0x59f: {  	v60 =	vld [tilespmem:s21+$0x250];
	v49 =	vadd.f32 v50, v49;
	v31 =	vmul.f32 v45, v31  }
0x5a0: {  	v61 =	vld [tilespmem:s15+$0x1260];
	v38 =	vmul.f32 v38, v34;
	v37 =	vadd.f32 v37, v41  }
0x5a1: {  	v62 =	vld [tilespmem:s21+$0x260];
	v31 =	vadd.f32 v31, v49;
	v32 =	vmul.f32 v44, v32  }
0x5a2: {  	v43 =	vmul.f32 v43, v9;
	v63 =	vld [tilespmem:s15+$0x1270];
	v49 =	vmul.f32 v40, v33;
	v37 =	vadd.f32 v38, v37  }
0x5a3: {  	v52 =	vld [tilespmem:s21+$0x270];
	v51 =	vadd.f32 v46, v48;
	v31 =	vadd.f32 v32, v31;
	v30 =	vmul.f32 v59, v30  }
0x5a4: {  	v42 =	vmul.f32 v42, v8;
	v45 =	vmul.f32 v60, v27;
	v37 =	vadd.f32 v49, v37  }
0x5a5: {  	v53 =	vadd.f32 v43, v51;
	v29 =	vmul.f32 v61, v29;
	v30 =	vadd.f32 v30, v31  }
0x5a6: {  	v54 =	vmul.f32 v62, v25;
	v37 =	vadd.f32 v45, v37  }
0x5a7: {  	v28 =	vmul.f32 v63, v28;
	v29 =	vadd.f32 v29, v30;
	v38 =	vadd.f32 v42, v53  }
0x5a8: {  	v55 =	vmul.f32 v52, v21;
	v31 =	vadd.f32 v54, v37  }
0x5a9: {  	v28 =	vadd.f32 v28, v29;
	(xrf2) =	vadd.scan.msk.f32 $0xffff, v38  }
0x5aa: {  	v56, _, _ =	vpop (xrf2);
	v30 =	vadd.f32 v55, v31  }
0x5ab: {  	[tilespmem:v39+s29+$0x0] =	vst.idx.msk vm2, v56;
	(xrf2) =	vadd.scan.msk.f32 $0xffff, v28  }
0x5ac: {  	v57 =	vld [tilespmem:s11+$0xE00];
	(xrf2) =	vadd.scan.msk.f32 $0xffff, v30;
	_ =	sdelay $0x1  }
0x5ad: {  	v29 =	vld [tilespmem:s11+$0xE10]  }
0x5ae: {  	v58 =	vld [tilespmem:s11+$0xE20];
	v59 =	vadd.s32 s14, v4  }
0x5af: {  	v60 =	vld [tilespmem:s11+$0xE30]  }
0x5b0: {  	v61 =	vld [tilespmem:s11+$0xE40];
	v28 =	vmul.f32 v57, v13  }
0x5b1: {  	v62 =	vld [tilespmem:s11+$0xE50];
	v63 =	vadd.s32 s18, v3  }
0x5b2: {  	v47 =	vld [tilespmem:s11+$0xE70];
	v29 =	vmul.f32 v29, v17;
	v46, _, _ =	vpop (xrf2)  }
0x5b3: {  	v45 =	vld [tilespmem:s11+$0xE60];
	[tilespmem:v59+s29+$0x0] =	vst.idx.msk vm2, v46  }
0x5b4: {  	v29 =	vadd.f32 v29, v28;
	v30 =	vmul.f32 v58, v18;
	v28, _, _ =	vpop (xrf2);
	v41 =	vld [tilespmem:s9+$0xA00]  }
0x5b5: {  	v49 =	vld [tilespmem:s9+$0xA10];
	v50, _, _ =	vpop (xrf2)  }
0x5b6: {  	v48 =	vmul.f32 v60, v19;
	v29 =	vadd.f32 v30, v29;
	v51 =	vld [tilespmem:s9+$0xA20];
	[tilespmem:v63+s29+$0x0] =	vst.idx.msk vm2, v50  }
0x5b7: {  	v53 =	vld [tilespmem:s21+$0x600]  }
0x5b8: {  	v52 =	vmul.f32 v61, v20;
	v29 =	vadd.f32 v48, v29;
	v39 =	vld [tilespmem:s21+$0x610]  }
0x5b9: {  	v54 =	vmul.f32 v62, v14;
	v55 =	vld [tilespmem:s9+$0xA30]  }
0x5ba: {  	v29 =	vadd.f32 v52, v29;
	v41 =	vmul.f32 v41, v22;
	v32 =	vmul.f32 v49, v23;
	v42 =	vld [tilespmem:s21+$0x620]  }
0x5bb: {  	v31 =	vmul.f32 v47, v11;
	v56 =	vmul.f32 v45, v12;
	v57 =	vld [tilespmem:s9+$0xA40]  }
0x5bc: {  	v29 =	vadd.f32 v54, v29;
	v58 =	vmul.f32 v51, v24;
	v32 =	vadd.f32 v32, v41;
	v59 =	vld [tilespmem:s21+$0x630]  }
0x5bd: {  	v60 =	vld [tilespmem:s9+$0xA50];
	v37 =	vmul.f32 v53, v26;
	v39 =	vmul.f32 v39, v36  }
0x5be: {  	v38 =	vmul.f32 v55, v15;
	v29 =	vadd.f32 v56, v29;
	v61 =	vld [tilespmem:s21+$0x640];
	v32 =	vadd.f32 v58, v32  }
0x5bf: {  	v62 =	vld [tilespmem:s9+$0xA60];
	v63 =	vmul.f32 v42, v35;
	v37 =	vadd.f32 v39, v37  }
0x5c0: {  	v46 =	vmul.f32 v57, v16;
	v29 =	vadd.f32 v31, v29;
	v47 =	vld [tilespmem:s21+$0x650];
	v45 =	vadd.f32 v38, v32  }
0x5c1: {  	v48 =	vld [tilespmem:s9+$0xA70];
	v49 =	vmul.f32 v59, v34;
	v37 =	vadd.f32 v63, v37  }
0x5c2: {  	v30 =	vmul.f32 v60, v10;
	v51 =	vld [tilespmem:s21+$0x660];
	(xrf2) =	vadd.scan.msk.f32 $0xffff, v29;
	v50 =	vadd.f32 v46, v45  }
0x5c3: {  	v52 =	vmul.f32 v61, v33;
	v37 =	vadd.f32 v49, v37  }
0x5c4: {  	v54 =	vld [tilespmem:s21+$0x670];
	v53 =	vmul.f32 v62, v9;
	v29 =	vadd.f32 v30, v50  }
0x5c5: {  	v38 =	vmul.f32 v47, v27;
	v32 =	vadd.f32 v52, v37  }
0x5c6: {  	v55 =	vmul.f32 v48, v8;
	v29 =	vadd.f32 v53, v29  }
0x5c7: {  	v31 =	vmul.f32 v51, v25;
	v32 =	vadd.f32 v38, v32  }
0x5c8: {  	v56 =	vadd.s32 s2, v6;
	v29 =	vadd.f32 v55, v29  }
0x5c9: {  	v57 =	vmul.f32 v54, v21;
	v31 =	vadd.f32 v31, v32  }
0x5ca: {  	(xrf2) =	vadd.scan.msk.f32 $0xffff, v29  }
0x5cb: {  	v58 =	vadd.f32 v57, v31  }
0x5cc: {  	v59, _, _ =	vpop (xrf2)  }
0x5cd: {  	[tilespmem:v56+s29+$0x0] =	vst.idx.msk vm2, v59;
	(xrf2) =	vadd.scan.msk.f32 $0xffff, v58  }
0x5ce: {  	v60 =	vld [tilespmem:s11+$0x1200]  }
0x5cf: {  	v30 =	vld [tilespmem:s11+$0x1210]  }
0x5d0: {  	v62 =	vadd.s32 s14, v5;
	v61 =	vld [tilespmem:s11+$0x1220]  }
0x5d1: {  	v37 =	vld [tilespmem:s11+$0x1230]  }
0x5d2: {  	v39 =	vld [tilespmem:s11+$0x1250]  }
0x5d3: {  	v63 =	vadd.s32 s18, v4;
	v41 =	vld [tilespmem:s11+$0x1260]  }
0x5d4: {  	v38 =	vld [tilespmem:s11+$0x1240];
	v48, _, _ =	vpop (xrf2)  }
0x5d5: {  	v32 =	vld [tilespmem:s11+$0x1270];
	[tilespmem:v62+s29+$0x0] =	vst.idx.msk vm2, v48  }
0x5d6: {  	v42 =	vld [tilespmem:s9+$0xE00]  }
0x5d7: {  	v49 =	vld [tilespmem:s9+$0xE10];
	v50, _, _ =	vpop (xrf2)  }
0x5d8: {  	v51 =	vld [tilespmem:s9+$0xE20];
	[tilespmem:v63+s29+$0x0] =	vst.idx.msk vm2, v50  }
0x5d9: {  	v54 =	vld [tilespmem:s21+$0xA00]  }
0x5da: {  	v55 =	vld [tilespmem:s21+$0xA10]  }
0x5db: {  	v57 =	vld [tilespmem:s9+$0xE30]  }
0x5dc: {  	v52 =	vmul.f32 v60, v13;
	v53 =	vmul.f32 v30, v17;
	v60 =	vld [tilespmem:s21+$0xA20]  }
0x5dd: {  	v62 =	vld [tilespmem:s9+$0xE40];
	v58 =	vmul.f32 v42, v22;
	v59 =	vmul.f32 v49, v23  }
0x5de: {  	v56 =	vmul.f32 v61, v18;
	v13 =	vadd.f32 v53, v52;
	v63 =	vmul.f32 v51, v24;
	v44 =	vld [tilespmem:s21+$0xA30]  }
0x5df: {  	v45 =	vld [tilespmem:s9+$0xE50];
	v31 =	vadd.f32 v59, v58;
	v29 =	vmul.f32 v54, v26;
	v30 =	vmul.f32 v55, v36  }
0x5e0: {  	v61 =	vmul.f32 v37, v19;
	v13 =	vadd.f32 v56, v13;
	v18 =	vmul.f32 v57, v15;
	v47 =	vld [tilespmem:s21+$0xA40]  }
0x5e1: {  	v48 =	vld [tilespmem:s9+$0xE60];
	v31 =	vadd.f32 v63, v31;
	v49 =	vmul.f32 v60, v35;
	v29 =	vadd.f32 v30, v29  }
0x5e2: {  	v46 =	vmul.f32 v38, v20;
	v13 =	vadd.f32 v61, v13;
	v19 =	vmul.f32 v62, v16;
	v50 =	vld [tilespmem:s21+$0xA50]  }
0x5e3: {  	v52 =	vld [tilespmem:s9+$0xE70];
	v18 =	vadd.f32 v18, v31;
	v53 =	vmul.f32 v44, v34;
	v29 =	vadd.f32 v49, v29  }
0x5e4: {  	v13 =	vadd.f32 v46, v13;
	v17 =	vmul.f32 v45, v10;
	v51 =	vmul.f32 v39, v14;
	v54 =	vld [tilespmem:s21+$0xA60]  }
0x5e5: {  	v18 =	vadd.f32 v19, v18;
	v56 =	vmul.f32 v47, v33;
	v55 =	vadd.f32 v53, v29  }
0x5e6: {  	v57 =	vmul.f32 v41, v12;
	v58 =	vmul.f32 v48, v9;
	v59 =	vld [tilespmem:s21+$0xA70];
	v13 =	vadd.f32 v51, v13  }
0x5e7: {  	v20 =	vmul.f32 v50, v27;
	v17 =	vadd.f32 v17, v18;
	v14 =	vadd.f32 v56, v55  }
0x5e8: {  	v62 =	vmul.f32 v52, v8;
	v12 =	vadd.f32 v57, v13;
	v60 =	vmul.f32 v32, v11  }
0x5e9: {  	v61 =	vadd.f32 v58, v17;
	v63 =	vmul.f32 v54, v25;
	v14 =	vadd.f32 v20, v14  }
0x5ea: {  	v11 =	vadd.f32 v60, v12  }
0x5eb: {  	v32 =	vmul.f32 v59, v21;
	v29 =	vadd.f32 v62, v61;
	v31 =	vadd.f32 v63, v14  }
0x5ec: {  	(xrf2) =	vadd.scan.msk.f32 $0xffff, v11  }
0x5ed: {  	(xrf2) =	vadd.scan.msk.f32 $0xffff, v29;
	v37 =	vadd.f32 v32, v31;
	_ =	sdelay $0x1  }
0x5ee: {  	(xrf2) =	vadd.scan.msk.f32 $0xffff, v37;
	_ =	sdelay $0x3  }
0x5ef: {  	v38 =	vadd.s32 s14, v6;
	_ =	sdelay $0x1  }
0x5f0: {  	v39 =	vadd.s32 s18, v5  }
0x5f1: {  	v13, _, _ =	vpop (xrf2)  }
0x5f2: {  	v40, _, _ =	vpop (xrf2)  }
0x5f3: {  	[tilespmem:v38+s29+$0x0] =	vst.idx.msk vm2, v40  }
0x5f4: {  	v11 =	vld [tilespmem:s9+$0x1200];
	v41, _, _ =	vpop (xrf2)  }
0x5f5: {  	v42 =	vld [tilespmem:s9+$0x1210];
	[tilespmem:v39+s29+$0x0] =	vst.idx.msk vm2, v41  }
0x5f6: {  	v12 =	vld [tilespmem:s21+$0xE00]  }
0x5f7: {  	v14 =	vld [tilespmem:s21+$0xE10]  }
0x5f8: {  	v43 =	vld [tilespmem:s9+$0x1220]  }
0x5f9: {  	v44 =	vld [tilespmem:s21+$0xE20]  }
0x5fa: {  	v45 =	vld [tilespmem:s9+$0x1230]  }
0x5fb: {  	v11 =	vmul.f32 v11, v22;
	v17 =	vmul.f32 v42, v23;
	v46 =	vld [tilespmem:s21+$0xE30]  }
0x5fc: {  	v47 =	vld [tilespmem:s9+$0x1240];
	v12 =	vmul.f32 v12, v26;
	v14 =	vmul.f32 v14, v36  }
0x5fd: {  	v48 =	vmul.f32 v43, v24;
	v11 =	vadd.f32 v17, v11;
	v49 =	vld [tilespmem:s21+$0xE40]  }
0x5fe: {  	v50 =	vld [tilespmem:s9+$0x1250];
	v51 =	vmul.f32 v44, v35;
	v12 =	vadd.f32 v14, v12  }
0x5ff: {  	v52 =	vmul.f32 v45, v15;
	v53 =	vld [tilespmem:s21+$0xE50];
	v11 =	vadd.f32 v48, v11  }
0x600: {  	v54 =	vld [tilespmem:s9+$0x1260];
	v55 =	vmul.f32 v46, v34;
	v12 =	vadd.f32 v51, v12  }
0x601: {  	v56 =	vmul.f32 v47, v16;
	v57 =	vld [tilespmem:s21+$0xE60];
	v11 =	vadd.f32 v52, v11  }
0x602: {  	v58 =	vld [tilespmem:s9+$0x1270];
	v59 =	vmul.f32 v49, v33;
	v12 =	vadd.f32 v55, v12  }
0x603: {  	v60 =	vmul.f32 v50, v10;
	v61 =	vld [tilespmem:s21+$0xE70];
	v11 =	vadd.f32 v56, v11  }
0x604: {  	v62 =	vmul.f32 v53, v27;
	v12 =	vadd.f32 v59, v12  }
0x605: {  	v63 =	vmul.f32 v54, v9;
	v10 =	vadd.f32 v60, v11  }
0x606: {  	v18 =	vmul.f32 v57, v25;
	v17 =	vadd.f32 v62, v12  }
0x607: {  	v8 =	vmul.f32 v58, v8;
	v9 =	vadd.f32 v63, v10  }
0x608: {  	v20 =	vmul.f32 v61, v21;
	v19 =	vadd.f32 v18, v17  }
0x609: {  	v8 =	vadd.f32 v8, v9  }
0x60a: {  	v22 =	vadd.f32 v20, v19  }
0x60b: {  	(xrf2) =	vadd.scan.msk.f32 $0xffff, v8  }
0x60c: {  	(xrf2) =	vadd.scan.msk.f32 $0xffff, v22;
	_ =	sdelay $0x5  }
0x60d: {  	v8 =	vadd.s32 s18, v6;
	_ =	sdelay $0x2  }
0x60e: {  	v23, _, _ =	vpop (xrf2)  }
0x60f: {  	v24, _, _ =	vpop (xrf2)  }
0x610: {  	[tilespmem:v8+s29+$0x0] =	vst.idx.msk vm2, v24  }
0x611: {  	v8 =	vld [tilespmem:s21+$0x1200]  }
0x612: {  	v10 =	vld [tilespmem:s21+$0x1210];
	_ =	sdelay $0x1  }
0x613: {  	v29 =	vld [tilespmem:s21+$0x1220];
	_ =	sdelay $0x1  }
0x614: {  	v30 =	vld [tilespmem:s21+$0x1230]  }
0x615: {  	v8 =	vmul.f32 v8, v26;
	v10 =	vmul.f32 v10, v36  }
0x616: {  	v31 =	vld [tilespmem:s21+$0x1240]  }
0x617: {  	v32 =	vmul.f32 v29, v35;
	v8 =	vadd.f32 v10, v8  }
0x618: {  	v35 =	vld [tilespmem:s21+$0x1250]  }
0x619: {  	v36 =	vmul.f32 v30, v34;
	v8 =	vadd.f32 v32, v8  }
0x61a: {  	v37 =	vld [tilespmem:s21+$0x1260]  }
0x61b: {  	v38 =	vmul.f32 v31, v33;
	v8 =	vadd.f32 v36, v8  }
0x61c: {  	v39 =	vld [tilespmem:s21+$0x1270]  }
0x61d: {  	v40 =	vmul.f32 v35, v27;
	v8 =	vadd.f32 v38, v8;
	_ =	sdelay $0x1  }
0x61e: {  	v41 =	vmul.f32 v37, v25;
	v8 =	vadd.f32 v40, v8;
	_ =	sdelay $0x1  }
0x61f: {  	v42 =	vmul.f32 v39, v21;
	v8 =	vadd.f32 v41, v8;
	_ =	sdelay $0x1  }
0x620: {  	v8 =	vadd.f32 v42, v8;
	_ =	sdelay $0x1  }
0x621: {  	(xrf2) =	vadd.scan.msk.f32 $0xffff, v8;
	_ =	sdelay $0x2  }
0x622: {  	v43 =	vadd.s32 s2, v7  }
0x623: {  	v44 =	vadd.s32 s14, v7  }
0x624: {  	v8 =	vadd.s32 s0, v7  }
0x625: {  	v45 =	vadd.s32 s18, v7;
	_ =	sdelay $0x1  }
0x626: {  	[tilespmem:v43+s29+$0x0] =	vst.idx.msk vm2, v13  }
0x627: {  	[tilespmem:v44+s29+$0x0] =	vst.idx.msk vm2, v23  }
0x628: {  	[tilespmem:v8+s29+$0x0] =	vst.idx.msk vm2, v28;
	v8, _, _ =	vpop (xrf2)  }
0x629: {  	[tilespmem:v45+s29+$0x0] =	vst.idx.msk vm2, v8  }
0x62a: {  	v8 =	vld [tilespmem:$0x1E200]  }
0x62b: {  	v9 =	vld [tilespmem:$0x1E250]  }
0x62c: {  	v10 =	vld [tilespmem:$0x1E2A0]  }
0x62d: {  	v11 =	vld [tilespmem:$0x1E2F0]  }
0x62e: {  	v12 =	vld [tilespmem:$0x1E340];
	_ =	sdelay $0x1  }
0x62f: {  	v46 =	vmax.f32 v8, v9  }
0x630: {  	v13 =	vmax.f32 v46, v10  }
0x631: {  	v13 =	vmax.f32 v13, v11  }
0x632: {  	v13 =	vmax.f32 v13, v12  }
0x633: {  	v8 =	vsub.f32 v8, v13  }
0x634: {  	v9 =	vsub.f32 v9, v13  }
0x635: {  	v8 =	vmul.f32 $1.442695020e+00, v8  }
0x636: {  	v10 =	vsub.f32 v10, v13;
	v9 =	vmul.f32 $1.442695020e+00, v9  }
0x637: {  	(erf) = vpow2.f32 v8  }
0x638: {  	v47 =	vsub.f32 v11, v13;
	v8 =	vmul.f32 $1.442695020e+00, v10;
	(erf) = vpow2.f32 v9;
	_ =	sdelay $0x1  }
0x639: {  	v48 =	vsub.f32 v12, v13;
	(erf) = vpow2.f32 v8;
	v8 =	vmul.f32 $1.442695020e+00, v47;
	_ =	sdelay $0x1  }
0x63a: {  	(erf) = vpow2.f32 v8;
	v8 =	vmul.f32 $1.442695020e+00, v48;
	_ =	sdelay $0x1  }
0x63b: {  	v49 =	vld [tilespmem:$0x1E210]  }
0x63c: {  	v50 =	vld [tilespmem:$0x1E260];
	(erf) = vpow2.f32 v8  }
0x63d: {  	v51 =	vld [tilespmem:$0x1E2B0];
	v8 =	vpop (erf)  }
0x63e: {  	v52 =	vld [tilespmem:$0x1E300];
	v12 =	vpop (erf)  }
0x63f: {  	v53 =	vld [tilespmem:$0x1E350];
	v54 =	vadd.f32 v12, v8  }
0x640: {  	v10 =	vpop (erf)  }
0x641: {  	v55 =	vmax.f32 v49, v50;
	v9 =	vadd.f32 v54, v10  }
0x642: {  	v56 =	vmax.f32 v55, v51  }
0x643: {  	v18 =	vmax.f32 v56, v52;
	v11 =	vpop (erf)  }
0x644: {  	v18 =	vmax.f32 v18, v53;
	v57 =	vadd.f32 v9, v11  }
0x645: {  	v13 =	vsub.f32 v49, v18;
	v9 =	vpop (erf)  }
0x646: {  	v14 =	vsub.f32 v50, v18;
	v19 =	vadd.f32 v57, v9  }
0x647: {  	v13 =	vmul.f32 $1.442695020e+00, v13  }
0x648: {  	v15 =	vsub.f32 v51, v18;
	v14 =	vmul.f32 $1.442695020e+00, v14;
	(erf) = vrcp.f32 v19  }
0x649: {  	(erf) = vpow2.f32 v13  }
0x64a: {  	v59 =	vsub.f32 v52, v18;
	v58 =	vmul.f32 $1.442695020e+00, v15;
	(erf) = vpow2.f32 v14;
	_ =	sdelay $0x1  }
0x64b: {  	v61 =	vsub.f32 v53, v18;
	v60 =	vmul.f32 $1.442695020e+00, v59;
	(erf) = vpow2.f32 v58;
	_ =	sdelay $0x1  }
0x64c: {  	v62 =	vmul.f32 $1.442695020e+00, v61;
	(erf) = vpow2.f32 v60  }
0x64d: {  	v63 =	vld [tilespmem:$0x1E220]  }
0x64e: {  	v28 =	vld [tilespmem:$0x1E270];
	(erf) = vpow2.f32 v62  }
0x64f: {  	v29 =	vld [tilespmem:$0x1E2C0];
	v13 =	vpop (erf)  }
0x650: {  	v30 =	vld [tilespmem:$0x1E310];
	v17 =	vpop (erf)  }
0x651: {  	v31 =	vld [tilespmem:$0x1E360];
	v19 =	vpop (erf)  }
0x652: {  	v32 =	vadd.f32 v19, v17  }
0x653: {  	v33 =	vmax.f32 v63, v28;
	v22 =	vpop (erf)  }
0x654: {  	v23 =	vmax.f32 v33, v29;
	v21 =	vadd.f32 v32, v22  }
0x655: {  	v23 =	vmax.f32 v23, v30;
	v24 =	vpop (erf)  }
0x656: {  	v23 =	vmax.f32 v23, v31;
	v21 =	vadd.f32 v21, v24  }
0x657: {  	v14 =	vsub.f32 v63, v23;
	v25 =	vpop (erf)  }
0x658: {  	v15 =	vsub.f32 v28, v23;
	v21 =	vadd.f32 v21, v25  }
0x659: {  	v14 =	vmul.f32 $1.442695020e+00, v14  }
0x65a: {  	v16 =	vsub.f32 v29, v23;
	v15 =	vmul.f32 $1.442695020e+00, v15;
	(erf) = vrcp.f32 v21  }
0x65b: {  	(erf) = vpow2.f32 v14  }
0x65c: {  	v35 =	vsub.f32 v30, v23;
	v34 =	vmul.f32 $1.442695020e+00, v16;
	(erf) = vpow2.f32 v15;
	_ =	sdelay $0x1  }
0x65d: {  	v37 =	vsub.f32 v31, v23;
	v36 =	vmul.f32 $1.442695020e+00, v35;
	(erf) = vpow2.f32 v34;
	_ =	sdelay $0x1  }
0x65e: {  	v38 =	vmul.f32 $1.442695020e+00, v37;
	(erf) = vpow2.f32 v36  }
0x65f: {  	v39 =	vld [tilespmem:$0x1E230]  }
0x660: {  	v40 =	vld [tilespmem:$0x1E280];
	(erf) = vpow2.f32 v38  }
0x661: {  	v41 =	vld [tilespmem:$0x1E2D0];
	v16 =	vpop (erf)  }
0x662: {  	v42 =	vld [tilespmem:$0x1E320];
	v20 =	vpop (erf)  }
0x663: {  	v43 =	vld [tilespmem:$0x1E370];
	v23 =	vpop (erf)  }
0x664: {  	v44 =	vadd.f32 v23, v20  }
0x665: {  	v45 =	vmax.f32 v39, v40;
	v28 =	vpop (erf)  }
0x666: {  	v29 =	vmax.f32 v45, v41;
	v27 =	vadd.f32 v44, v28  }
0x667: {  	v29 =	vmax.f32 v29, v42;
	v30 =	vpop (erf)  }
0x668: {  	v29 =	vmax.f32 v29, v43;
	v27 =	vadd.f32 v27, v30  }
0x669: {  	v15 =	vsub.f32 v39, v29;
	v31 =	vpop (erf)  }
0x66a: {  	v14 =	vsub.f32 v40, v29;
	v27 =	vadd.f32 v27, v31  }
0x66b: {  	v15 =	vmul.f32 $1.442695020e+00, v15  }
0x66c: {  	v18 =	vsub.f32 v41, v29;
	v14 =	vmul.f32 $1.442695020e+00, v14;
	(erf) = vrcp.f32 v27  }
0x66d: {  	(erf) = vpow2.f32 v15  }
0x66e: {  	v46 =	vmul.f32 $1.442695020e+00, v18;
	v47 =	vsub.f32 v42, v29;
	(erf) = vpow2.f32 v14;
	_ =	sdelay $0x1  }
0x66f: {  	v49 =	vsub.f32 v43, v29;
	v48 =	vmul.f32 $1.442695020e+00, v47;
	(erf) = vpow2.f32 v46;
	_ =	sdelay $0x1  }
0x670: {  	v50 =	vmul.f32 $1.442695020e+00, v49;
	(erf) = vpow2.f32 v48  }
0x671: {  	v51 =	vld [tilespmem:$0x1E240]  }
0x672: {  	v52 =	vld [tilespmem:$0x1E290];
	(erf) = vpow2.f32 v50  }
0x673: {  	v53 =	vld [tilespmem:$0x1E2E0];
	v18 =	vpop (erf)  }
0x674: {  	v55 =	vld [tilespmem:$0x1E330];
	v54 =	vpop (erf)  }
0x675: {  	v57 =	vld [tilespmem:$0x1E380];
	v56 =	vpop (erf)  }
0x676: {  	v58 =	vadd.f32 v56, v54  }
0x677: {  	v60 =	vmax.f32 v51, v52;
	v59 =	vpop (erf)  }
0x678: {  	v35 =	vmax.f32 v60, v53;
	v33 =	vadd.f32 v58, v59  }
0x679: {  	v35 =	vmax.f32 v35, v55;
	v61 =	vpop (erf)  }
0x67a: {  	v35 =	vmax.f32 v35, v57;
	v33 =	vadd.f32 v33, v61  }
0x67b: {  	v15 =	vsub.f32 v51, v35;
	v62 =	vpop (erf)  }
0x67c: {  	v14 =	vsub.f32 v52, v35;
	v33 =	vadd.f32 v33, v62  }
0x67d: {  	v15 =	vmul.f32 $1.442695020e+00, v15  }
0x67e: {  	v21 =	vsub.f32 v53, v35;
	v14 =	vmul.f32 $1.442695020e+00, v14;
	(erf) = vrcp.f32 v33  }
0x67f: {  	(erf) = vpow2.f32 v15  }
0x680: {  	v63 =	vmul.f32 $1.442695020e+00, v21;
	v21 =	vsub.f32 v55, v35;
	(erf) = vpow2.f32 v14;
	_ =	sdelay $0x1  }
0x681: {  	v32 =	vsub.f32 v57, v35;
	v27 =	vmul.f32 $1.442695020e+00, v21;
	(erf) = vpow2.f32 v63;
	_ =	sdelay $0x1  }
0x682: {  	v33 =	vmul.f32 $1.442695020e+00, v32;
	(erf) = vpow2.f32 v27;
	_ =	sdelay $0x1  }
0x683: {  	v12 =	vadd.f32 v12, v12;
	(erf) = vpow2.f32 v33  }
0x684: {  	v35 =	vpop (erf)  }
0x685: {  	v8 =	vadd.f32 v12, v8;
	v10 =	vmul.f32 $3.000000000e+00, v10;
	v38 =	vpop (erf)  }
0x686: {  	v39 =	vpop (erf)  }
0x687: {  	v8 =	vadd.f32 v8, v10;
	v40 =	vmul.f32 $4.000000000e+00, v11;
	v41 =	vadd.f32 v39, v38  }
0x688: {  	v19 =	vadd.f32 v19, v19;
	v42 =	vpop (erf)  }
0x689: {  	v9 =	vmul.f32 $5.000000000e+00, v9;
	v8 =	vadd.f32 v8, v40;
	v43 =	vadd.f32 v41, v42  }
0x68a: {  	v45 =	vmul.f32 $3.000000000e+00, v22;
	v17 =	vadd.f32 v19, v17;
	v44 =	vpop (erf)  }
0x68b: {  	v8 =	vadd.f32 v8, v9;
	v10 =	vadd.f32 v43, v44  }
0x68c: {  	v47 =	vadd.f32 v17, v45;
	v55 =	vmul.f32 $5.000000000e+00, v25;
	v46 =	vadd.f32 v23, v23;
	v49 =	vpop (erf)  }
0x68d: {  	v8 =	vmul.f32 v13, v8;
	v53 =	vmul.f32 $4.000000000e+00, v30;
	v10 =	vadd.f32 v10, v49  }
0x68e: {  	v48 =	vmul.f32 $4.000000000e+00, v24;
	v20 =	vadd.f32 v46, v20;
	v51 =	vadd.f32 v56, v56  }
0x68f: {  	v50 =	vmul.f32 $3.000000000e+00, v28;
	v12 =	vadd.f32 v39, v39;
	(erf) = vrcp.f32 v10  }
0x690: {  	v9 =	vadd.f32 v47, v48;
	v13 =	vadd.f32 v51, v54;
	v54 =	vmul.f32 $3.000000000e+00, v59  }
0x691: {  	v52 =	vadd.f32 v20, v50;
	v56 =	vmul.f32 $3.000000000e+00, v42;
	v12 =	vadd.f32 v12, v38  }
0x692: {  	v57 =	vmul.f32 $4.000000000e+00, v61;
	v58 =	vmul.f32 $5.000000000e+00, v31;
	v13 =	vadd.f32 v13, v54  }
0x693: {  	v11 =	vmul.f32 $4.000000000e+00, v44;
	v12 =	vadd.f32 v12, v56;
	v10 =	vadd.f32 v52, v53  }
0x694: {  	v9 =	vadd.f32 v9, v55;
	v59 =	vmul.f32 $5.000000000e+00, v62;
	v13 =	vadd.f32 v13, v57  }
0x695: {  	v60 =	vmul.f32 $5.000000000e+00, v49;
	v11 =	vadd.f32 v12, v11;
	v10 =	vadd.f32 v10, v58  }
0x696: {  	v9 =	vmul.f32 v16, v9;
	v13 =	vadd.f32 v13, v59  }
0x697: {  	[tilespmem:$0x1E400] =	vst v8;
	v61 =	vadd.f32 v11, v60;
	v8 =	vmul.f32 v18, v10  }
0x698: {  	[tilespmem:$0x1E410] =	vst v9;
	v62 =	vmul.f32 v35, v13;
	v63 =	vpop (erf)  }
0x699: {  	[tilespmem:$0x1E420] =	vst v8;
	v8 =	vmul.f32 v63, v61  }
0x69a: {  	[tilespmem:$0x1E430] =	vst v62  }
0x69b: {  	s1 =	simm.s32 $0x1E400;
	s21 =	rddreg [dreg:$0xb];
	[tilespmem:$0x1E440] =	vst v8  }
0x69c: {  	[hbm4b:s21+s5] =	stream.linear.scatter [tilespmem:s1], [sflag:$0x5], $0x50, $0x38;
	[tilespmem:$0x1E500] =	vst v63  }
0x69d: {  	_ =	swait.ge [sflag:s31], $0x50  }
0x69e: {  	[sflag:s31] =	ssyncset.done $0x0  }
0x69f: {  	[sflag:s31] =	ssyncadd.s32 $0xFFFFFFB0  }
0x6a0: {  	_ =	swait.ge [sflag:s28], $0x50  }
0x6a1: {  	s22 =	rddreg [dreg:$0xd]  }
0x6a2: {  	s24 =	rddreg [dreg:$0xc];
	s2 =	sadd.s32 $0x1, s22  }
0x6a3: {  	p0 =	sne.s32 s2, s24  }
.Ltmp4:
0x6a4: {  	_ = 	snop;
	(pc) =	sbr.rel @p0 .LBB2_1-.Ltmp4, $3  }
0x6a5: {  	_ =	sdelay $0x1  }
0x6a6: {  	[sflag:s28] =	ssyncset.done $0x0  }
0x6a7: {  	[sflag:s28] =	ssyncadd.s32 $0xFFFFFFB0  }
0x6a8: {  	_ =	sfence.sel $0x180000  }
0x6a9: {  	[bflag:$0x0] =	sbarrier.arrive $0xFFFF  }
0x6aa: {  	_ =	strace $0x90000047  }
0x6ab: {  	s0 =	stileid.u32;
	[bflag:$0x2] =	sbarrier.arrive $0xFFFF  }
0x6ac: {  	p0 =	sne.s32 s0, $0x0;
	s0 =	rddreg [dreg:$0x3]  }
0x6ad: {  	s0 =	sadd.s32 @!p0 $0x100000, s0  }
0x6ae: {  	[sflag:s0] =	ssyncadd.tile.s32 @!p0 $0x1;
	_ =	shalt  }
.Lfunc_end2:
_tile_overlayer_lowered:
.L_overlay_start_2:
0x6af: {  	(tag) =	ssettag $0x2  }
0x6b0: {  	s0 =	rddreg [dreg:$0x0];
	s2 =	stileid.u32  }
0x6b1: {  	s1 =	rddreg [dreg:$0x1];
	p0 =	sne.s32 s2, $0x0  }
0x6b2: {  	s3 =	rddreg [dreg:$0x2];
	[bflag:$0x3] =	sbarrier.arrive $0xFFFF;
	s2 =	simm.s32 @!p0 $0x1C07  }
0x6b3: {  	[timem:s3], [sflag:s2] =	dma.local @!p0 [hbm:s0], s1  }
0x6b4: {  	s0 =	simm.s32 @!p0 $0x7  }
0x6b5: {  	_ =	swait.ge @!p0 [sflag:s0], s1  }
0x6b6: {  	s1 =	ssub.s32 @!p0 $0x0, s1;
	[sflag:s0] =	ssyncset.done @!p0 $0x0  }
0x6b7: {  	[sflag:s0] =	ssyncadd.s32 @!p0 s1  }
0x6b8: {  	[bflag:$0x3] =	sbarrier.arrive $0xFFFF  }
0x6b9: {  	_ =	shalt  }

</sc_bundles>
